<compile_context>
chip_gen: v7x
topology: tpu7x:2x2x1
jax: 0.10.2.dev20260603
libtpu: 0.0.44.dev20260713+nightly
codegen_flags: <defaults>
</compile_context>

<pallas_src>
import functools

import jax
import jax.numpy as jnp
from jax import lax
from jax.experimental import pallas as pl
from jax.experimental.pallas import tpu as pltpu
from jax.experimental.pallas import tpu_sc as plsc

N = 10000
E = 320000
D = 128
NPAD = 10240
NC, NS = 2, 16
NW = NC * NS
CH = 128
_K0 = (E + NW * CH - 1) // (NW * CH)
K = _K0 + (_K0 % 2)
KI = K + 2
EPAD = NW * CH * K
RPT = NPAD // NS
IB = 40
BR = 1024

_sc_mesh = plsc.VectorSubcoreMesh(core_axis_name="c", subcore_axis_name="s")



def _deg_body(dst3, zeros, ones, out, dstv, onesv, tab):
    cid = lax.axis_index("c")
    sid = lax.axis_index("s")
    wid = sid * NC + cid
    sl = pl.ds(sid * RPT, RPT)
    pltpu.sync_copy(zeros.at[sl], tab.at[sl])
    pltpu.sync_copy(ones, onesv)
    pltpu.sync_copy(dst3.at[wid], dstv)
    plsc.subcore_barrier()

    def chunk(c, carry):
        pltpu.sync_copy(onesv, tab.at[dstv.at[c]], add=True)
        return carry

    lax.fori_loop(0, K, chunk, 0)
    plsc.subcore_barrier()
    pltpu.sync_copy(tab.at[sl], out.at[cid, sl])


_deg_kernel = pl.kernel(
    _deg_body,
    out_type=jax.ShapeDtypeStruct((NC, NPAD, D), jnp.float32),
    mesh=_sc_mesh,
    scratch_types=[
        pltpu.VMEM((KI, CH), jnp.int32),
        pltpu.VMEM((CH, D), jnp.float32),
        pltpu.VMEM_SHARED((NPAD, D), jnp.float32),
    ],
)


def _scat_body(g, src3, dst3, zeros, out, srcv, dstv, rows0, rows1, acc,
               gsem0, gsem1):
    cid = lax.axis_index("c")
    sid = lax.axis_index("s")
    wid = sid * NC + cid
    sl = pl.ds(sid * RPT, RPT)
    pltpu.sync_copy(zeros.at[sl], acc.at[sl])
    pltpu.sync_copy(src3.at[wid], srcv)
    plsc.subcore_barrier()

    pltpu.async_copy(g.at[srcv.at[0]], rows0, gsem0)

    def blk(b, carry):
        pltpu.sync_copy(dst3.at[wid, pl.ds(b * IB, IB)], dstv)

        def pair(j, carry2):
            c = b * IB + 2 * j
            pltpu.async_copy(g.at[srcv.at[c + 1]], rows1, gsem1)
            pltpu.make_async_copy(g.at[srcv.at[c]], rows0, gsem0).wait()
            pltpu.sync_copy(rows0, acc.at[dstv.at[2 * j]], add=True)
            pltpu.async_copy(g.at[srcv.at[c + 2]], rows0, gsem0)
            pltpu.make_async_copy(g.at[srcv.at[c + 1]], rows1, gsem1).wait()
            pltpu.sync_copy(rows1, acc.at[dstv.at[2 * j + 1]], add=True)
            return carry2

        lax.fori_loop(0, IB // 2, pair, 0)
        return carry

    lax.fori_loop(0, K // IB, blk, 0)
    pltpu.make_async_copy(g.at[pl.ds(0, CH)], rows0, gsem0).wait()
    plsc.subcore_barrier()
    pltpu.sync_copy(acc.at[sl], out.at[cid, sl])


_scat_kernel = pl.kernel(
    _scat_body,
    out_type=jax.ShapeDtypeStruct((NC, NPAD, D), jnp.float32),
    mesh=_sc_mesh,
    scratch_types=[
        pltpu.VMEM((KI, CH), jnp.int32),
        pltpu.VMEM((IB, CH), jnp.int32),
        pltpu.VMEM((CH, D), jnp.float32),
        pltpu.VMEM((CH, D), jnp.float32),
        pltpu.VMEM_SHARED((NPAD, D), jnp.float32),
        pltpu.SemaphoreType.DMA,
        pltpu.SemaphoreType.DMA,
    ],
)



def _t0_body(x_ref, d0_ref, d1_ref, w_ref, dinv_ref, g_ref):
    deg = d0_ref[...] + d1_ref[...] + 1.0
    dinv = lax.rsqrt(jnp.maximum(deg, 1.0))
    dinv_ref[...] = dinv
    g_ref[...] = jnp.dot(x_ref[...], w_ref[...],
                         preferred_element_type=jnp.float32) * dinv


_row = pl.BlockSpec((BR, D), lambda i: (i, 0))
_col1 = pl.BlockSpec((BR, 1), lambda i: (i, 0))
_full_w = pl.BlockSpec((D, D), lambda i: (0, 0))
_full_b = pl.BlockSpec((1, D), lambda i: (0, 0))

_t0_kernel = pl.pallas_call(
    _t0_body,
    grid=(NPAD // BR,),
    in_specs=[_row, _col1, _col1, _full_w],
    out_specs=[_col1, _row],
    out_shape=[
        jax.ShapeDtypeStruct((NPAD, 1), jnp.float32),
        jax.ShapeDtypeStruct((NPAD, D), jnp.float32),
    ],
)


def _tmid_body(p0_ref, p1_ref, g_ref, dinv_ref, b_ref, w_ref, out_ref):
    dinv = dinv_ref[...]
    t = dinv * (p0_ref[...] + p1_ref[...] + g_ref[...]) + b_ref[...]
    t = jnp.maximum(t, 0.0)
    out_ref[...] = jnp.dot(t, w_ref[...],
                           preferred_element_type=jnp.float32) * dinv


_tmid_kernel = pl.pallas_call(
    _tmid_body,
    grid=(NPAD // BR,),
    in_specs=[_row, _row, _row, _col1, _full_b, _full_w],
    out_specs=_row,
    out_shape=jax.ShapeDtypeStruct((NPAD, D), jnp.float32),
)


def _tfin_body(p0_ref, p1_ref, g_ref, dinv_ref, b_ref, out_ref):
    out_ref[...] = (dinv_ref[...] * (p0_ref[...] + p1_ref[...] + g_ref[...])
                    + b_ref[...])


_tfin_kernel = pl.pallas_call(
    _tfin_body,
    grid=(NPAD // BR,),
    in_specs=[_row, _row, _row, _col1, _full_b],
    out_specs=_row,
    out_shape=jax.ShapeDtypeStruct((NPAD, D), jnp.float32),
)



def kernel(x, edge_index, W0, b0, W1, b1, W2, b2, W3, b3, W4, b4, W5, b5):
    Ws = [W0, W1, W2, W3, W4, W5]
    bs = [b0, b1, b2, b3, b4, b5]

    src = edge_index[0]
    dst = edge_index[1]
    pad = EPAD - E
    src3 = jnp.concatenate(
        [src, jnp.zeros((pad,), jnp.int32)]).reshape(NW, K, CH)
    dst3 = jnp.concatenate(
        [dst, jnp.full((pad,), N, jnp.int32)]).reshape(NW, K, CH)
    src3 = jnp.concatenate([src3, jnp.zeros((NW, 2, CH), jnp.int32)], axis=1)
    dst3 = jnp.concatenate(
        [dst3, jnp.full((NW, 2, CH), N, jnp.int32)], axis=1)

    zeros = jnp.zeros((NPAD, D), jnp.float32)
    ones = jnp.ones((CH, D), jnp.float32)
    x_pad = jnp.concatenate([x, jnp.zeros((NPAD - N, D), jnp.float32)])

    degp = _deg_kernel(dst3, zeros, ones)
    d0 = degp[0, :, 0:1]
    d1 = degp[1, :, 0:1]

    dinv, g = _t0_kernel(x_pad, d0, d1, Ws[0])
    for i in range(1, 6):
        part = _scat_kernel(g, src3, dst3, zeros)
        g = _tmid_kernel(part[0], part[1], g, dinv,
                         bs[i - 1].reshape(1, D), Ws[i])
    part = _scat_kernel(g, src3, dst3, zeros)
    out = _tfin_kernel(part[0], part[1], g, dinv, bs[5].reshape(1, D))
    return out[:N]

# --- scband reference (transcript-rebuilt; emitter-appended) ---
"""Pipeline reference for scband-net-89541478187115 (READ-ONLY COPY).

The authoritative reference and input builder live on the scoring server;
editing this copy changes nothing except your own understanding.
"""

import jax, jax.numpy as jnp
import numpy as np

N = 10000
E = 320000
D = 128
NUM_LAYERS = 6


def setup_inputs(seed: int = 0) -> dict:
    key = jax.random.key(seed)
    ks = jax.random.split(key, 2 + 2 * NUM_LAYERS)
    inp = {}
    inp["x"] = jax.random.normal(ks[0], (N, D), dtype=jnp.float32)
    inp["edge_index"] = jax.random.randint(ks[1], (2, E), 0, N, dtype=jnp.int32)
    for i in range(NUM_LAYERS):
        inp[f"W{i}"] = jax.random.normal(ks[2 + 2 * i], (D, D), dtype=jnp.float32) * (1.0 / np.sqrt(D))
        inp[f"b{i}"] = jnp.zeros((D,), dtype=jnp.float32)
    return inp


def _gcn_layer(x, src, dst, W, b):
    n = x.shape[0]
    h = x @ W
    loop = jnp.arange(n, dtype=src.dtype)
    src2 = jnp.concatenate([src, loop])
    dst2 = jnp.concatenate([dst, loop])
    deg = jnp.zeros((n,), dtype=h.dtype).at[dst2].add(1.0)
    dinv = 1.0 / jnp.sqrt(jnp.clip(deg, 1.0))
    norm = dinv[src2] * dinv[dst2]
    msg = jnp.take(h, src2, axis=0) * norm[:, None]
    out = jnp.zeros_like(h).at[dst2].add(msg)
    return out + b


def reference(x, edge_index, W0, b0, W1, b1, W2, b2, W3, b3, W4, b4, W5, b5):
    # GCN-style Net: conv_first (in_channels->D) + (num_layers-1) conv layers (D->D),
    # ELU/ReLU activations between layers, symmetric-normalized scatter-add aggregation
    # with self-loops (PyG GCNConv semantics). Returns per-node embeddings [N, D].
    src = edge_index[0]
    dst = edge_index[1]
    Ws = [W0, W1, W2, W3, W4, W5]
    bs = [b0, b1, b2, b3, b4, b5]
    h = x
    for i in range(NUM_LAYERS):
        h = _gcn_layer(h, src, dst, Ws[i], bs[i])
        if i < NUM_LAYERS - 1:
            h = jax.nn.relu(h)
    return h

if __name__ == "__main__":
    import jax
    _d = setup_inputs()
    print(jax.jit(kernel)(*tuple(_d.values())))

</pallas_src>

<mosaic_0001>
#map = affine_map<(d0, d1) -> (0, 0)>
#map1 = affine_map<(d0, d1) -> (0, 0, 0)>
module attributes {stable_mosaic.version = 14 : i64} {
  func.func @_scat_body(%arg0: i32, %arg1: i32, %arg2: memref<10240x128xf32, #tpu.memory_space<hbm>>, %arg3: memref<32x82x128xi32, #tpu.memory_space<hbm>>, %arg4: memref<32x82x128xi32, #tpu.memory_space<hbm>>, %arg5: memref<10240x128xf32, #tpu.memory_space<hbm>>, %arg6: memref<2x10240x128xf32, #tpu.memory_space<hbm>>, %arg7: memref<82x128xi32, #tpu.memory_space<vmem>>, %arg8: memref<40x128xi32, #tpu.memory_space<vmem>>, %arg9: memref<128x128xf32, #tpu.memory_space<vmem>>, %arg10: memref<128x128xf32, #tpu.memory_space<vmem>>, %arg11: memref<10240x128xf32, #tpu.memory_space<vmem_shared>>, %arg12: memref<!tpu.dma_semaphore, #tpu.memory_space<semaphore_mem>>, %arg13: memref<!tpu.dma_semaphore, #tpu.memory_space<semaphore_mem>>) attributes {dimension_semantics = [#tpu.dimension_semantics<core_parallel>, #tpu.dimension_semantics<subcore_parallel>], iteration_bounds = array<i64: 2, 16>, scalar_prefetch = 0 : i64, scratch_operands = 7 : i64, tpu.core_type = #tpu.core_type<sc_vector_subcore>, window_params = [{transform_indices = #map}, {transform_indices = #map1}, {transform_indices = #map1}, {transform_indices = #map}, {transform_indices = #map1}]} {
    %mul3A = arith.constant 2 : i32
    %mul3A_0 = arith.muli %arg1, %mul3A : i32
    %add3A = arith.addi %mul3A_0, %arg0 : i32
    %mul3A_1 = arith.constant 640 : i32
    %mul3A_2 = arith.muli %arg1, %mul3A_1 : i32
    "tpu.region"() ({
      %run_scoped3A = tpu.sem_alloc : memref<!tpu.dma_semaphore, #tpu.memory_space<semaphore_mem>>
      %dma_start3A_20 = arith.constant 0 : i32
      %dma_start3A_21 = tpu.memref_slice %arg11[%mul3A_2, %dma_start3A_20] : memref<10240x128xf32, #tpu.memory_space<vmem_shared>> -> memref<640x128xf32, #tpu.memory_space<vmem_shared>>
      %dma_start3A_22 = arith.constant 0 : i32
      %dma_start3A_23 = tpu.memref_slice %arg5[%mul3A_2, %dma_start3A_22] : memref<10240x128xf32, #tpu.memory_space<hbm>> -> memref<640x128xf32, #tpu.memory_space<hbm>>
      tpu.enqueue_dma source(%dma_start3A_23 : memref<640x128xf32, #tpu.memory_space<hbm>>) target(%dma_start3A_21 : memref<640x128xf32, #tpu.memory_space<vmem_shared>>) target_semaphore(%run_scoped3A : memref<!tpu.dma_semaphore, #tpu.memory_space<semaphore_mem>>)
      %dma_wait3A_24 = arith.constant 0 : i32
      %dma_wait3A_25 = tpu.memref_slice %arg11[%mul3A_2, %dma_wait3A_24] : memref<10240x128xf32, #tpu.memory_space<vmem_shared>> -> memref<640x128xf32, #tpu.memory_space<vmem_shared>>
      %dma_wait3A_26 = arith.constant 0 : i32
      %dma_wait3A_27 = tpu.memref_slice %arg5[%mul3A_2, %dma_wait3A_26] : memref<10240x128xf32, #tpu.memory_space<hbm>> -> memref<640x128xf32, #tpu.memory_space<hbm>>
      tpu.wait_dma2 semaphore(%run_scoped3A : memref<!tpu.dma_semaphore, #tpu.memory_space<semaphore_mem>>) src(%dma_wait3A_27 : memref<640x128xf32, #tpu.memory_space<hbm>>) dst(%dma_wait3A_25 : memref<640x128xf32, #tpu.memory_space<vmem_shared>>)
      tpu.yield
    }) : () -> ()
    "tpu.region"() ({
      %run_scoped3A = tpu.sem_alloc : memref<!tpu.dma_semaphore, #tpu.memory_space<semaphore_mem>>
      %dma_start3A_20 = arith.constant 0 : i32
      %dma_start3A_21 = arith.constant 0 : i32
      %dma_start3A_22 = tpu.memref_slice %arg3[%add3A, %dma_start3A_20, %dma_start3A_21] : memref<32x82x128xi32, #tpu.memory_space<hbm>> -> memref<1x82x128xi32, #tpu.memory_space<hbm>>
      %dma_start3A_23 = tpu.memref_squeeze %dma_start3A_22 : memref<1x82x128xi32, #tpu.memory_space<hbm>> -> memref<82x128xi32, #tpu.memory_space<hbm>>
      %dma_start3A_24 = arith.constant 0 : i32
      %dma_start3A_25 = arith.constant 0 : i32
      %dma_start3A_26 = tpu.memref_slice %arg3[%add3A, %dma_start3A_24, %dma_start3A_25] : memref<32x82x128xi32, #tpu.memory_space<hbm>> -> memref<1x82x128xi32, #tpu.memory_space<hbm>>
      %dma_start3A_27 = tpu.memref_squeeze %dma_start3A_26 : memref<1x82x128xi32, #tpu.memory_space<hbm>> -> memref<82x128xi32, #tpu.memory_space<hbm>>
      tpu.enqueue_dma source(%dma_start3A_27 : memref<82x128xi32, #tpu.memory_space<hbm>>) target(%arg7 : memref<82x128xi32, #tpu.memory_space<vmem>>) target_semaphore(%run_scoped3A : memref<!tpu.dma_semaphore, #tpu.memory_space<semaphore_mem>>)
      %dma_wait3A_28 = arith.constant 0 : i32
      %dma_wait3A_29 = arith.constant 0 : i32
      %dma_wait3A_30 = tpu.memref_slice %arg3[%add3A, %dma_wait3A_28, %dma_wait3A_29] : memref<32x82x128xi32, #tpu.memory_space<hbm>> -> memref<1x82x128xi32, #tpu.memory_space<hbm>>
      %dma_wait3A_31 = tpu.memref_squeeze %dma_wait3A_30 : memref<1x82x128xi32, #tpu.memory_space<hbm>> -> memref<82x128xi32, #tpu.memory_space<hbm>>
      %dma_wait3A_32 = arith.constant 0 : i32
      %dma_wait3A_33 = arith.constant 0 : i32
      %dma_wait3A_34 = tpu.memref_slice %arg3[%add3A, %dma_wait3A_32, %dma_wait3A_33] : memref<32x82x128xi32, #tpu.memory_space<hbm>> -> memref<1x82x128xi32, #tpu.memory_space<hbm>>
      %dma_wait3A_35 = tpu.memref_squeeze %dma_wait3A_34 : memref<1x82x128xi32, #tpu.memory_space<hbm>> -> memref<82x128xi32, #tpu.memory_space<hbm>>
      tpu.wait_dma2 semaphore(%run_scoped3A : memref<!tpu.dma_semaphore, #tpu.memory_space<semaphore_mem>>) src(%dma_wait3A_35 : memref<82x128xi32, #tpu.memory_space<hbm>>) dst(%arg7 : memref<82x128xi32, #tpu.memory_space<vmem>>)
      tpu.yield
    }) : () -> ()
    %barrier3A = arith.constant 0 : index
    tpu.barrier barrier_id(%barrier3A)
    %dma_start3A = arith.constant 0 : i32
    %dma_start3A_3 = arith.constant 0 : i32
    %dma_start3A_4 = tpu.memref_slice %arg7[%dma_start3A, %dma_start3A_3] : memref<82x128xi32, #tpu.memory_space<vmem>> -> memref<1x128xi32, #tpu.memory_space<vmem>>
    %dma_start3A_5 = tpu.memref_squeeze %dma_start3A_4 : memref<1x128xi32, #tpu.memory_space<vmem>> -> memref<128xi32, #tpu.memory_space<vmem>>
    %dma_start3A_6 = arith.constant 0 : i32
    %dma_start3A_7 = arith.constant 0 : i32
    %dma_start3A_8 = tpu.memref_slice %arg2[%dma_start3A_6, %dma_start3A_7] : memref<10240x128xf32, #tpu.memory_space<hbm>> -> memref<10240x128xf32, #tpu.memory_space<hbm>>
    tpu.enqueue_indirect_dma source(%dma_start3A_8 : memref<10240x128xf32, #tpu.memory_space<hbm>>) target(%arg9 : memref<128x128xf32, #tpu.memory_space<vmem>>) offsets(%dma_start3A_5 : memref<128xi32, #tpu.memory_space<vmem>>) semaphore(%arg12 : memref<!tpu.dma_semaphore, #tpu.memory_space<semaphore_mem>>)
    %scan3A = arith.constant 0 : i32
    %scan3A_9 = arith.constant 0 : i32
    %scan3A_10 = arith.constant 2 : i32
    %scan3A_11 = arith.addi %scan3A_9, %scan3A_10 : i32
    %scan3A_12 = arith.constant 1 : i32
    scf.for %scan3A_20 = %scan3A_9 to %scan3A_11 step %scan3A_12  : i32 {
      %mul3A_21 = arith.constant 40 : i32
      %mul3A_22 = arith.muli %scan3A_20, %mul3A_21 : i32
      "tpu.region"() ({
        %run_scoped3A = tpu.sem_alloc : memref<!tpu.dma_semaphore, #tpu.memory_space<semaphore_mem>>
        %dma_start3A_29 = arith.constant 0 : i32
        %dma_start3A_30 = tpu.memref_slice %arg4[%add3A, %mul3A_22, %dma_start3A_29] : memref<32x82x128xi32, #tpu.memory_space<hbm>> -> memref<1x40x128xi32, #tpu.memory_space<hbm>>
        %dma_start3A_31 = tpu.memref_squeeze %dma_start3A_30 : memref<1x40x128xi32, #tpu.memory_space<hbm>> -> memref<40x128xi32, #tpu.memory_space<hbm>>
        %dma_start3A_32 = arith.constant 0 : i32
        %dma_start3A_33 = tpu.memref_slice %arg4[%add3A, %mul3A_22, %dma_start3A_32] : memref<32x82x128xi32, #tpu.memory_space<hbm>> -> memref<1x40x128xi32, #tpu.memory_space<hbm>>
        %dma_start3A_34 = tpu.memref_squeeze %dma_start3A_33 : memref<1x40x128xi32, #tpu.memory_space<hbm>> -> memref<40x128xi32, #tpu.memory_space<hbm>>
        tpu.enqueue_dma source(%dma_start3A_34 : memref<40x128xi32, #tpu.memory_space<hbm>>) target(%arg8 : memref<40x128xi32, #tpu.memory_space<vmem>>) target_semaphore(%run_scoped3A : memref<!tpu.dma_semaphore, #tpu.memory_space<semaphore_mem>>)
        %dma_wait3A_35 = arith.constant 0 : i32
        %dma_wait3A_36 = tpu.memref_slice %arg4[%add3A, %mul3A_22, %dma_wait3A_35] : memref<32x82x128xi32, #tpu.memory_space<hbm>> -> memref<1x40x128xi32, #tpu.memory_space<hbm>>
        %dma_wait3A_37 = tpu.memref_squeeze %dma_wait3A_36 : memref<1x40x128xi32, #tpu.memory_space<hbm>> -> memref<40x128xi32, #tpu.memory_space<hbm>>
        %dma_wait3A_38 = arith.constant 0 : i32
        %dma_wait3A_39 = tpu.memref_slice %arg4[%add3A, %mul3A_22, %dma_wait3A_38] : memref<32x82x128xi32, #tpu.memory_space<hbm>> -> memref<1x40x128xi32, #tpu.memory_space<hbm>>
        %dma_wait3A_40 = tpu.memref_squeeze %dma_wait3A_39 : memref<1x40x128xi32, #tpu.memory_space<hbm>> -> memref<40x128xi32, #tpu.memory_space<hbm>>
        tpu.wait_dma2 semaphore(%run_scoped3A : memref<!tpu.dma_semaphore, #tpu.memory_space<semaphore_mem>>) src(%dma_wait3A_40 : memref<40x128xi32, #tpu.memory_space<hbm>>) dst(%arg8 : memref<40x128xi32, #tpu.memory_space<vmem>>)
        tpu.yield
      }) : () -> ()
      %scan3A_23 = arith.constant 0 : i32
      %scan3A_24 = arith.constant 0 : i32
      %scan3A_25 = arith.constant 20 : i32
      %scan3A_26 = arith.addi %scan3A_24, %scan3A_25 : i32
      %scan3A_27 = arith.constant 1 : i32
      scf.for %scan3A_29 = %scan3A_24 to %scan3A_26 step %scan3A_27  : i32 {
        %mul3A_30 = arith.constant 40 : i32
        %mul3A_31 = arith.muli %scan3A_20, %mul3A_30 : i32
        %mul3A_32 = arith.constant 2 : i32
        %mul3A_33 = arith.muli %mul3A_32, %scan3A_29 : i32
        %add3A_34 = arith.addi %mul3A_31, %mul3A_33 : i32
        %add3A_35 = arith.constant 1 : i32
        %add3A_36 = arith.addi %add3A_34, %add3A_35 : i32
        %dma_start3A_37 = arith.constant 0 : i32
        %dma_start3A_38 = tpu.memref_slice %arg7[%add3A_36, %dma_start3A_37] : memref<82x128xi32, #tpu.memory_space<vmem>> -> memref<1x128xi32, #tpu.memory_space<vmem>>
        %dma_start3A_39 = tpu.memref_squeeze %dma_start3A_38 : memref<1x128xi32, #tpu.memory_space<vmem>> -> memref<128xi32, #tpu.memory_space<vmem>>
        %dma_start3A_40 = arith.constant 0 : i32
        %dma_start3A_41 = arith.constant 0 : i32
        %dma_start3A_42 = tpu.memref_slice %arg2[%dma_start3A_40, %dma_start3A_41] : memref<10240x128xf32, #tpu.memory_space<hbm>> -> memref<10240x128xf32, #tpu.memory_space<hbm>>
        tpu.enqueue_indirect_dma source(%dma_start3A_42 : memref<10240x128xf32, #tpu.memory_space<hbm>>) target(%arg10 : memref<128x128xf32, #tpu.memory_space<vmem>>) offsets(%dma_start3A_39 : memref<128xi32, #tpu.memory_space<vmem>>) semaphore(%arg13 : memref<!tpu.dma_semaphore, #tpu.memory_space<semaphore_mem>>)
        %dma_wait3A_43 = arith.constant 0 : i32
        %dma_wait3A_44 = tpu.memref_slice %arg7[%add3A_34, %dma_wait3A_43] : memref<82x128xi32, #tpu.memory_space<vmem>> -> memref<1x128xi32, #tpu.memory_space<vmem>>
        %dma_wait3A_45 = tpu.memref_squeeze %dma_wait3A_44 : memref<1x128xi32, #tpu.memory_space<vmem>> -> memref<128xi32, #tpu.memory_space<vmem>>
        %dma_wait3A_46 = arith.constant 0 : i32
        %dma_wait3A_47 = arith.constant 0 : i32
        %dma_wait3A_48 = tpu.memref_slice %arg2[%dma_wait3A_46, %dma_wait3A_47] : memref<10240x128xf32, #tpu.memory_space<hbm>> -> memref<10240x128xf32, #tpu.memory_space<hbm>>
        tpu.wait_indirect_dma semaphore(%arg12 : memref<!tpu.dma_semaphore, #tpu.memory_space<semaphore_mem>>) src(%dma_wait3A_48 : memref<10240x128xf32, #tpu.memory_space<hbm>>) dst(%arg9 : memref<128x128xf32, #tpu.memory_space<vmem>>)
        %mul3A_49 = arith.constant 2 : i32
        %mul3A_50 = arith.muli %mul3A_49, %scan3A_29 : i32
        "tpu.region"() ({
          %run_scoped3A = tpu.sem_alloc : memref<!tpu.dma_semaphore, #tpu.memory_space<semaphore_mem>>
          %dma_start3A_71 = arith.constant 0 : i32
          %dma_start3A_72 = tpu.memref_slice %arg8[%mul3A_50, %dma_start3A_71] : memref<40x128xi32, #tpu.memory_space<vmem>> -> memref<1x128xi32, #tpu.memory_space<vmem>>
          %dma_start3A_73 = tpu.memref_squeeze %dma_start3A_72 : memref<1x128xi32, #tpu.memory_space<vmem>> -> memref<128xi32, #tpu.memory_space<vmem>>
          %dma_start3A_74 = arith.constant 0 : i32
          %dma_start3A_75 = arith.constant 0 : i32
          %dma_start3A_76 = tpu.memref_slice %arg11[%dma_start3A_74, %dma_start3A_75] : memref<10240x128xf32, #tpu.memory_space<vmem_shared>> -> memref<10240x128xf32, #tpu.memory_space<vmem_shared>>
          tpu.enqueue_indirect_dma source(%arg9 : memref<128x128xf32, #tpu.memory_space<vmem>>) target(%dma_start3A_76 : memref<10240x128xf32, #tpu.memory_space<vmem_shared>>) offsets(%dma_start3A_73 : memref<128xi32, #tpu.memory_space<vmem>>) semaphore(%run_scoped3A : memref<!tpu.dma_semaphore, #tpu.memory_space<semaphore_mem>>) {add = true}
          %dma_wait3A_77 = arith.constant 0 : i32
          %dma_wait3A_78 = tpu.memref_slice %arg8[%mul3A_50, %dma_wait3A_77] : memref<40x128xi32, #tpu.memory_space<vmem>> -> memref<1x128xi32, #tpu.memory_space<vmem>>
          %dma_wait3A_79 = tpu.memref_squeeze %dma_wait3A_78 : memref<1x128xi32, #tpu.memory_space<vmem>> -> memref<128xi32, #tpu.memory_space<vmem>>
          %dma_wait3A_80 = arith.constant 0 : i32
          %dma_wait3A_81 = arith.constant 0 : i32
          %dma_wait3A_82 = tpu.memref_slice %arg11[%dma_wait3A_80, %dma_wait3A_81] : memref<10240x128xf32, #tpu.memory_space<vmem_shared>> -> memref<10240x128xf32, #tpu.memory_space<vmem_shared>>
          tpu.wait_indirect_dma semaphore(%run_scoped3A : memref<!tpu.dma_semaphore, #tpu.memory_space<semaphore_mem>>) src(%arg9 : memref<128x128xf32, #tpu.memory_space<vmem>>) dst(%dma_wait3A_82 : memref<10240x128xf32, #tpu.memory_space<vmem_shared>>)
          tpu.yield
        }) : () -> ()
        %add3A_51 = arith.constant 2 : i32
        %add3A_52 = arith.addi %add3A_34, %add3A_51 : i32
        %dma_start3A_53 = arith.constant 0 : i32
        %dma_start3A_54 = tpu.memref_slice %arg7[%add3A_52, %dma_start3A_53] : memref<82x128xi32, #tpu.memory_space<vmem>> -> memref<1x128xi32, #tpu.memory_space<vmem>>
        %dma_start3A_55 = tpu.memref_squeeze %dma_start3A_54 : memref<1x128xi32, #tpu.memory_space<vmem>> -> memref<128xi32, #tpu.memory_space<vmem>>
        %dma_start3A_56 = arith.constant 0 : i32
        %dma_start3A_57 = arith.constant 0 : i32
        %dma_start3A_58 = tpu.memref_slice %arg2[%dma_start3A_56, %dma_start3A_57] : memref<10240x128xf32, #tpu.memory_space<hbm>> -> memref<10240x128xf32, #tpu.memory_space<hbm>>
        tpu.enqueue_indirect_dma source(%dma_start3A_58 : memref<10240x128xf32, #tpu.memory_space<hbm>>) target(%arg9 : memref<128x128xf32, #tpu.memory_space<vmem>>) offsets(%dma_start3A_55 : memref<128xi32, #tpu.memory_space<vmem>>) semaphore(%arg12 : memref<!tpu.dma_semaphore, #tpu.memory_space<semaphore_mem>>)
        %add3A_59 = arith.constant 1 : i32
        %add3A_60 = arith.addi %add3A_34, %add3A_59 : i32
        %dma_wait3A_61 = arith.constant 0 : i32
        %dma_wait3A_62 = tpu.memref_slice %arg7[%add3A_60, %dma_wait3A_61] : memref<82x128xi32, #tpu.memory_space<vmem>> -> memref<1x128xi32, #tpu.memory_space<vmem>>
        %dma_wait3A_63 = tpu.memref_squeeze %dma_wait3A_62 : memref<1x128xi32, #tpu.memory_space<vmem>> -> memref<128xi32, #tpu.memory_space<vmem>>
        %dma_wait3A_64 = arith.constant 0 : i32
        %dma_wait3A_65 = arith.constant 0 : i32
        %dma_wait3A_66 = tpu.memref_slice %arg2[%dma_wait3A_64, %dma_wait3A_65] : memref<10240x128xf32, #tpu.memory_space<hbm>> -> memref<10240x128xf32, #tpu.memory_space<hbm>>
        tpu.wait_indirect_dma semaphore(%arg13 : memref<!tpu.dma_semaphore, #tpu.memory_space<semaphore_mem>>) src(%dma_wait3A_66 : memref<10240x128xf32, #tpu.memory_space<hbm>>) dst(%arg10 : memref<128x128xf32, #tpu.memory_space<vmem>>)
        %mul3A_67 = arith.constant 2 : i32
        %mul3A_68 = arith.muli %mul3A_67, %scan3A_29 : i32
        %add3A_69 = arith.constant 1 : i32
        %add3A_70 = arith.addi %mul3A_68, %add3A_69 : i32
        "tpu.region"() ({
          %run_scoped3A = tpu.sem_alloc : memref<!tpu.dma_semaphore, #tpu.memory_space<semaphore_mem>>
          %dma_start3A_71 = arith.constant 0 : i32
          %dma_start3A_72 = tpu.memref_slice %arg8[%add3A_70, %dma_start3A_71] : memref<40x128xi32, #tpu.memory_space<vmem>> -> memref<1x128xi32, #tpu.memory_space<vmem>>
          %dma_start3A_73 = tpu.memref_squeeze %dma_start3A_72 : memref<1x128xi32, #tpu.memory_space<vmem>> -> memref<128xi32, #tpu.memory_space<vmem>>
          %dma_start3A_74 = arith.constant 0 : i32
          %dma_start3A_75 = arith.constant 0 : i32
          %dma_start3A_76 = tpu.memref_slice %arg11[%dma_start3A_74, %dma_start3A_75] : memref<10240x128xf32, #tpu.memory_space<vmem_shared>> -> memref<10240x128xf32, #tpu.memory_space<vmem_shared>>
          tpu.enqueue_indirect_dma source(%arg10 : memref<128x128xf32, #tpu.memory_space<vmem>>) target(%dma_start3A_76 : memref<10240x128xf32, #tpu.memory_space<vmem_shared>>) offsets(%dma_start3A_73 : memref<128xi32, #tpu.memory_space<vmem>>) semaphore(%run_scoped3A : memref<!tpu.dma_semaphore, #tpu.memory_space<semaphore_mem>>) {add = true}
          %dma_wait3A_77 = arith.constant 0 : i32
          %dma_wait3A_78 = tpu.memref_slice %arg8[%add3A_70, %dma_wait3A_77] : memref<40x128xi32, #tpu.memory_space<vmem>> -> memref<1x128xi32, #tpu.memory_space<vmem>>
          %dma_wait3A_79 = tpu.memref_squeeze %dma_wait3A_78 : memref<1x128xi32, #tpu.memory_space<vmem>> -> memref<128xi32, #tpu.memory_space<vmem>>
          %dma_wait3A_80 = arith.constant 0 : i32
          %dma_wait3A_81 = arith.constant 0 : i32
          %dma_wait3A_82 = tpu.memref_slice %arg11[%dma_wait3A_80, %dma_wait3A_81] : memref<10240x128xf32, #tpu.memory_space<vmem_shared>> -> memref<10240x128xf32, #tpu.memory_space<vmem_shared>>
          tpu.wait_indirect_dma semaphore(%run_scoped3A : memref<!tpu.dma_semaphore, #tpu.memory_space<semaphore_mem>>) src(%arg10 : memref<128x128xf32, #tpu.memory_space<vmem>>) dst(%dma_wait3A_82 : memref<10240x128xf32, #tpu.memory_space<vmem_shared>>)
          tpu.yield
        }) : () -> ()
      }
      %scan3A_28 = arith.constant 20 : i32
    }
    %scan3A_13 = arith.constant 2 : i32
    %dma_wait3A = arith.constant 0 : i32
    %dma_wait3A_14 = arith.constant 0 : i32
    %dma_wait3A_15 = tpu.memref_slice %arg2[%dma_wait3A, %dma_wait3A_14] : memref<10240x128xf32, #tpu.memory_space<hbm>> -> memref<128x128xf32, #tpu.memory_space<hbm>>
    %dma_wait3A_16 = arith.constant 0 : i32
    %dma_wait3A_17 = arith.constant 0 : i32
    %dma_wait3A_18 = tpu.memref_slice %arg2[%dma_wait3A_16, %dma_wait3A_17] : memref<10240x128xf32, #tpu.memory_space<hbm>> -> memref<128x128xf32, #tpu.memory_space<hbm>>
    tpu.wait_dma2 semaphore(%arg12 : memref<!tpu.dma_semaphore, #tpu.memory_space<semaphore_mem>>) src(%dma_wait3A_18 : memref<128x128xf32, #tpu.memory_space<hbm>>) dst(%arg9 : memref<128x128xf32, #tpu.memory_space<vmem>>)
    %barrier3A_19 = arith.constant 0 : index
    tpu.barrier barrier_id(%barrier3A_19)
    "tpu.region"() ({
      %run_scoped3A = tpu.sem_alloc : memref<!tpu.dma_semaphore, #tpu.memory_space<semaphore_mem>>
      %dma_start3A_20 = arith.constant 0 : i32
      %dma_start3A_21 = tpu.memref_slice %arg6[%arg0, %mul3A_2, %dma_start3A_20] : memref<2x10240x128xf32, #tpu.memory_space<hbm>> -> memref<1x640x128xf32, #tpu.memory_space<hbm>>
      %dma_start3A_22 = tpu.memref_squeeze %dma_start3A_21 : memref<1x640x128xf32, #tpu.memory_space<hbm>> -> memref<640x128xf32, #tpu.memory_space<hbm>>
      %dma_start3A_23 = arith.constant 0 : i32
      %dma_start3A_24 = tpu.memref_slice %arg11[%mul3A_2, %dma_start3A_23] : memref<10240x128xf32, #tpu.memory_space<vmem_shared>> -> memref<640x128xf32, #tpu.memory_space<vmem_shared>>
      tpu.enqueue_dma source(%dma_start3A_24 : memref<640x128xf32, #tpu.memory_space<vmem_shared>>) target(%dma_start3A_22 : memref<640x128xf32, #tpu.memory_space<hbm>>) target_semaphore(%run_scoped3A : memref<!tpu.dma_semaphore, #tpu.memory_space<semaphore_mem>>)
      %dma_wait3A_25 = arith.constant 0 : i32
      %dma_wait3A_26 = tpu.memref_slice %arg6[%arg0, %mul3A_2, %dma_wait3A_25] : memref<2x10240x128xf32, #tpu.memory_space<hbm>> -> memref<1x640x128xf32, #tpu.memory_space<hbm>>
      %dma_wait3A_27 = tpu.memref_squeeze %dma_wait3A_26 : memref<1x640x128xf32, #tpu.memory_space<hbm>> -> memref<640x128xf32, #tpu.memory_space<hbm>>
      %dma_wait3A_28 = arith.constant 0 : i32
      %dma_wait3A_29 = tpu.memref_slice %arg11[%mul3A_2, %dma_wait3A_28] : memref<10240x128xf32, #tpu.memory_space<vmem_shared>> -> memref<640x128xf32, #tpu.memory_space<vmem_shared>>
      tpu.wait_dma2 semaphore(%run_scoped3A : memref<!tpu.dma_semaphore, #tpu.memory_space<semaphore_mem>>) src(%dma_wait3A_29 : memref<640x128xf32, #tpu.memory_space<vmem_shared>>) dst(%dma_wait3A_27 : memref<640x128xf32, #tpu.memory_space<hbm>>)
      tpu.yield
    }) : () -> ()
    return
  }
}

#map = affine_map<(d0, d1) -> (0, 0)>
#map1 = affine_map<(d0, d1) -> (0, 0, 0)>
module attributes {stable_mosaic.version = 14 : i64} {
  func.func @_scat_body(%arg0: i32, %arg1: i32, %arg2: memref<10240x128xf32, #tpu.memory_space<hbm>>, %arg3: memref<32x82x128xi32, #tpu.memory_space<hbm>>, %arg4: memref<32x82x128xi32, #tpu.memory_space<hbm>>, %arg5: memref<10240x128xf32, #tpu.memory_space<hbm>>, %arg6: memref<2x10240x128xf32, #tpu.memory_space<hbm>>, %arg7: memref<82x128xi32, #tpu.memory_space<vmem>>, %arg8: memref<40x128xi32, #tpu.memory_space<vmem>>, %arg9: memref<128x128xf32, #tpu.memory_space<vmem>>, %arg10: memref<128x128xf32, #tpu.memory_space<vmem>>, %arg11: memref<10240x128xf32, #tpu.memory_space<vmem_shared>>, %arg12: memref<!tpu.dma_semaphore, #tpu.memory_space<semaphore_mem>>, %arg13: memref<!tpu.dma_semaphore, #tpu.memory_space<semaphore_mem>>) attributes {dimension_semantics = [#tpu.dimension_semantics<core_parallel>, #tpu.dimension_semantics<subcore_parallel>], iteration_bounds = array<i64: 2, 16>, scalar_prefetch = 0 : i64, scratch_operands = 7 : i64, tpu.core_type = #tpu.core_type<sc_vector_subcore>, window_params = [{transform_indices = #map}, {transform_indices = #map1}, {transform_indices = #map1}, {transform_indices = #map}, {transform_indices = #map1}]} {
    %mul3A = arith.constant 2 : i32
    %mul3A_0 = arith.muli %arg1, %mul3A : i32
    %add3A = arith.addi %mul3A_0, %arg0 : i32
    %mul3A_1 = arith.constant 640 : i32
    %mul3A_2 = arith.muli %arg1, %mul3A_1 : i32
    "tpu.region"() ({
      %run_scoped3A = tpu.sem_alloc : memref<!tpu.dma_semaphore, #tpu.memory_space<semaphore_mem>>
      %dma_start3A_20 = arith.constant 0 : i32
      %dma_start3A_21 = tpu.memref_slice %arg11[%mul3A_2, %dma_start3A_20] : memref<10240x128xf32, #tpu.memory_space<vmem_shared>> -> memref<640x128xf32, #tpu.memory_space<vmem_shared>>
      %dma_start3A_22 = arith.constant 0 : i32
      %dma_start3A_23 = tpu.memref_slice %arg5[%mul3A_2, %dma_start3A_22] : memref<10240x128xf32, #tpu.memory_space<hbm>> -> memref<640x128xf32, #tpu.memory_space<hbm>>
      tpu.enqueue_dma source(%dma_start3A_23 : memref<640x128xf32, #tpu.memory_space<hbm>>) target(%dma_start3A_21 : memref<640x128xf32, #tpu.memory_space<vmem_shared>>) target_semaphore(%run_scoped3A : memref<!tpu.dma_semaphore, #tpu.memory_space<semaphore_mem>>)
      %dma_wait3A_24 = arith.constant 0 : i32
      %dma_wait3A_25 = tpu.memref_slice %arg11[%mul3A_2, %dma_wait3A_24] : memref<10240x128xf32, #tpu.memory_space<vmem_shared>> -> memref<640x128xf32, #tpu.memory_space<vmem_shared>>
      %dma_wait3A_26 = arith.constant 0 : i32
      %dma_wait3A_27 = tpu.memref_slice %arg5[%mul3A_2, %dma_wait3A_26] : memref<10240x128xf32, #tpu.memory_space<hbm>> -> memref<640x128xf32, #tpu.memory_space<hbm>>
      tpu.wait_dma2 semaphore(%run_scoped3A : memref<!tpu.dma_semaphore, #tpu.memory_space<semaphore_mem>>) src(%dma_wait3A_27 : memref<640x128xf32, #tpu.memory_space<hbm>>) dst(%dma_wait3A_25 : memref<640x128xf32, #tpu.memory_space<vmem_shared>>)
      tpu.yield
    }) : () -> ()
    "tpu.region"() ({
      %run_scoped3A = tpu.sem_alloc : memref<!tpu.dma_semaphore, #tpu.memory_space<semaphore_mem>>
      %dma_start3A_20 = arith.constant 0 : i32
      %dma_start3A_21 = arith.constant 0 : i32
      %dma_start3A_22 = tpu.memref_slice %arg3[%add3A, %dma_start3A_20, %dma_start3A_21] : memref<32x82x128xi32, #tpu.memory_space<hbm>> -> memref<1x82x128xi32, #tpu.memory_space<hbm>>
      %dma_start3A_23 = tpu.memref_squeeze %dma_start3A_22 : memref<1x82x128xi32, #tpu.memory_space<hbm>> -> memref<82x128xi32, #tpu.memory_space<hbm>>
      %dma_start3A_24 = arith.constant 0 : i32
      %dma_start3A_25 = arith.constant 0 : i32
      %dma_start3A_26 = tpu.memref_slice %arg3[%add3A, %dma_start3A_24, %dma_start3A_25] : memref<32x82x128xi32, #tpu.memory_space<hbm>> -> memref<1x82x128xi32, #tpu.memory_space<hbm>>
      %dma_start3A_27 = tpu.memref_squeeze %dma_start3A_26 : memref<1x82x128xi32, #tpu.memory_space<hbm>> -> memref<82x128xi32, #tpu.memory_space<hbm>>
      tpu.enqueue_dma source(%dma_start3A_27 : memref<82x128xi32, #tpu.memory_space<hbm>>) target(%arg7 : memref<82x128xi32, #tpu.memory_space<vmem>>) target_semaphore(%run_scoped3A : memref<!tpu.dma_semaphore, #tpu.memory_space<semaphore_mem>>)
      %dma_wait3A_28 = arith.constant 0 : i32
      %dma_wait3A_29 = arith.constant 0 : i32
      %dma_wait3A_30 = tpu.memref_slice %arg3[%add3A, %dma_wait3A_28, %dma_wait3A_29] : memref<32x82x128xi32, #tpu.memory_space<hbm>> -> memref<1x82x128xi32, #tpu.memory_space<hbm>>
      %dma_wait3A_31 = tpu.memref_squeeze %dma_wait3A_30 : memref<1x82x128xi32, #tpu.memory_space<hbm>> -> memref<82x128xi32, #tpu.memory_space<hbm>>
      %dma_wait3A_32 = arith.constant 0 : i32
      %dma_wait3A_33 = arith.constant 0 : i32
      %dma_wait3A_34 = tpu.memref_slice %arg3[%add3A, %dma_wait3A_32, %dma_wait3A_33] : memref<32x82x128xi32, #tpu.memory_space<hbm>> -> memref<1x82x128xi32, #tpu.memory_space<hbm>>
      %dma_wait3A_35 = tpu.memref_squeeze %dma_wait3A_34 : memref<1x82x128xi32, #tpu.memory_space<hbm>> -> memref<82x128xi32, #tpu.memory_space<hbm>>
      tpu.wait_dma2 semaphore(%run_scoped3A : memref<!tpu.dma_semaphore, #tpu.memory_space<semaphore_mem>>) src(%dma_wait3A_35 : memref<82x128xi32, #tpu.memory_space<hbm>>) dst(%arg7 : memref<82x128xi32, #tpu.memory_space<vmem>>)
      tpu.yield
    }) : () -> ()
    %barrier3A = arith.constant 0 : index
    tpu.barrier barrier_id(%barrier3A)
    %dma_start3A = arith.constant 0 : i32
    %dma_start3A_3 = arith.constant 0 : i32
    %dma_start3A_4 = tpu.memref_slice %arg7[%dma_start3A, %dma_start3A_3] : memref<82x128xi32, #tpu.memory_space<vmem>> -> memref<1x128xi32, #tpu.memory_space<vmem>>
    %dma_start3A_5 = tpu.memref_squeeze %dma_start3A_4 : memref<1x128xi32, #tpu.memory_space<vmem>> -> memref<128xi32, #tpu.memory_space<vmem>>
    %dma_start3A_6 = arith.constant 0 : i32
    %dma_start3A_7 = arith.constant 0 : i32
    %dma_start3A_8 = tpu.memref_slice %arg2[%dma_start3A_6, %dma_start3A_7] : memref<10240x128xf32, #tpu.memory_space<hbm>> -> memref<10240x128xf32, #tpu.memory_space<hbm>>
    tpu.enqueue_indirect_dma source(%dma_start3A_8 : memref<10240x128xf32, #tpu.memory_space<hbm>>) target(%arg9 : memref<128x128xf32, #tpu.memory_space<vmem>>) offsets(%dma_start3A_5 : memref<128xi32, #tpu.memory_space<vmem>>) semaphore(%arg12 : memref<!tpu.dma_semaphore, #tpu.memory_space<semaphore_mem>>)
    %scan3A = arith.constant 0 : i32
    %scan3A_9 = arith.constant 0 : i32
    %scan3A_10 = arith.constant 2 : i32
    %scan3A_11 = arith.addi %scan3A_9, %scan3A_10 : i32
    %scan3A_12 = arith.constant 1 : i32
    scf.for %scan3A_20 = %scan3A_9 to %scan3A_11 step %scan3A_12  : i32 {
      %mul3A_21 = arith.constant 40 : i32
      %mul3A_22 = arith.muli %scan3A_20, %mul3A_21 : i32
      "tpu.region"() ({
        %run_scoped3A = tpu.sem_alloc : memref<!tpu.dma_semaphore, #tpu.memory_space<semaphore_mem>>
        %dma_start3A_29 = arith.constant 0 : i32
        %dma_start3A_30 = tpu.memref_slice %arg4[%add3A, %mul3A_22, %dma_start3A_29] : memref<32x82x128xi32, #tpu.memory_space<hbm>> -> memref<1x40x128xi32, #tpu.memory_space<hbm>>
        %dma_start3A_31 = tpu.memref_squeeze %dma_start3A_30 : memref<1x40x128xi32, #tpu.memory_space<hbm>> -> memref<40x128xi32, #tpu.memory_space<hbm>>
        %dma_start3A_32 = arith.constant 0 : i32
        %dma_start3A_33 = tpu.memref_slice %arg4[%add3A, %mul3A_22, %dma_start3A_32] : memref<32x82x128xi32, #tpu.memory_space<hbm>> -> memref<1x40x128xi32, #tpu.memory_space<hbm>>
        %dma_start3A_34 = tpu.memref_squeeze %dma_start3A_33 : memref<1x40x128xi32, #tpu.memory_space<hbm>> -> memref<40x128xi32, #tpu.memory_space<hbm>>
        tpu.enqueue_dma source(%dma_start3A_34 : memref<40x128xi32, #tpu.memory_space<hbm>>) target(%arg8 : memref<40x128xi32, #tpu.memory_space<vmem>>) target_semaphore(%run_scoped3A : memref<!tpu.dma_semaphore, #tpu.memory_space<semaphore_mem>>)
        %dma_wait3A_35 = arith.constant 0 : i32
        %dma_wait3A_36 = tpu.memref_slice %arg4[%add3A, %mul3A_22, %dma_wait3A_35] : memref<32x82x128xi32, #tpu.memory_space<hbm>> -> memref<1x40x128xi32, #tpu.memory_space<hbm>>
        %dma_wait3A_37 = tpu.memref_squeeze %dma_wait3A_36 : memref<1x40x128xi32, #tpu.memory_space<hbm>> -> memref<40x128xi32, #tpu.memory_space<hbm>>
        %dma_wait3A_38 = arith.constant 0 : i32
        %dma_wait3A_39 = tpu.memref_slice %arg4[%add3A, %mul3A_22, %dma_wait3A_38] : memref<32x82x128xi32, #tpu.memory_space<hbm>> -> memref<1x40x128xi32, #tpu.memory_space<hbm>>
        %dma_wait3A_40 = tpu.memref_squeeze %dma_wait3A_39 : memref<1x40x128xi32, #tpu.memory_space<hbm>> -> memref<40x128xi32, #tpu.memory_space<hbm>>
        tpu.wait_dma2 semaphore(%run_scoped3A : memref<!tpu.dma_semaphore, #tpu.memory_space<semaphore_mem>>) src(%dma_wait3A_40 : memref<40x128xi32, #tpu.memory_space<hbm>>) dst(%arg8 : memref<40x128xi32, #tpu.memory_space<vmem>>)
        tpu.yield
      }) : () -> ()
      %scan3A_23 = arith.constant 0 : i32
      %scan3A_24 = arith.constant 0 : i32
      %scan3A_25 = arith.constant 20 : i32
      %scan3A_26 = arith.addi %scan3A_24, %scan3A_25 : i32
      %scan3A_27 = arith.constant 1 : i32
      scf.for %scan3A_29 = %scan3A_24 to %scan3A_26 step %scan3A_27  : i32 {
        %mul3A_30 = arith.constant 40 : i32
        %mul3A_31 = arith.muli %scan3A_20, %mul3A_30 : i32
        %mul3A_32 = arith.constant 2 : i32
        %mul3A_33 = arith.muli %mul3A_32, %scan3A_29 : i32
        %add3A_34 = arith.addi %mul3A_31, %mul3A_33 : i32
        %add3A_35 = arith.constant 1 : i32
        %add3A_36 = arith.addi %add3A_34, %add3A_35 : i32
        %dma_start3A_37 = arith.constant 0 : i32
        %dma_start3A_38 = tpu.memref_slice %arg7[%add3A_36, %dma_start3A_37] : memref<82x128xi32, #tpu.memory_space<vmem>> -> memref<1x128xi32, #tpu.memory_space<vmem>>
        %dma_start3A_39 = tpu.memref_squeeze %dma_start3A_38 : memref<1x128xi32, #tpu.memory_space<vmem>> -> memref<128xi32, #tpu.memory_space<vmem>>
        %dma_start3A_40 = arith.constant 0 : i32
        %dma_start3A_41 = arith.constant 0 : i32
        %dma_start3A_42 = tpu.memref_slice %arg2[%dma_start3A_40, %dma_start3A_41] : memref<10240x128xf32, #tpu.memory_space<hbm>> -> memref<10240x128xf32, #tpu.memory_space<hbm>>
        tpu.enqueue_indirect_dma source(%dma_start3A_42 : memref<10240x128xf32, #tpu.memory_space<hbm>>) target(%arg10 : memref<128x128xf32, #tpu.memory_space<vmem>>) offsets(%dma_start3A_39 : memref<128xi32, #tpu.memory_space<vmem>>) semaphore(%arg13 : memref<!tpu.dma_semaphore, #tpu.memory_space<semaphore_mem>>)
        %dma_wait3A_43 = arith.constant 0 : i32
        %dma_wait3A_44 = tpu.memref_slice %arg7[%add3A_34, %dma_wait3A_43] : memref<82x128xi32, #tpu.memory_space<vmem>> -> memref<1x128xi32, #tpu.memory_space<vmem>>
        %dma_wait3A_45 = tpu.memref_squeeze %dma_wait3A_44 : memref<1x128xi32, #tpu.memory_space<vmem>> -> memref<128xi32, #tpu.memory_space<vmem>>
        %dma_wait3A_46 = arith.constant 0 : i32
        %dma_wait3A_47 = arith.constant 0 : i32
        %dma_wait3A_48 = tpu.memref_slice %arg2[%dma_wait3A_46, %dma_wait3A_47] : memref<10240x128xf32, #tpu.memory_space<hbm>> -> memref<10240x128xf32, #tpu.memory_space<hbm>>
        tpu.wait_indirect_dma semaphore(%arg12 : memref<!tpu.dma_semaphore, #tpu.memory_space<semaphore_mem>>) src(%dma_wait3A_48 : memref<10240x128xf32, #tpu.memory_space<hbm>>) dst(%arg9 : memref<128x128xf32, #tpu.memory_space<vmem>>)
        %mul3A_49 = arith.constant 2 : i32
        %mul3A_50 = arith.muli %mul3A_49, %scan3A_29 : i32
        "tpu.region"() ({
          %run_scoped3A = tpu.sem_alloc : memref<!tpu.dma_semaphore, #tpu.memory_space<semaphore_mem>>
          %dma_start3A_71 = arith.constant 0 : i32
          %dma_start3A_72 = tpu.memref_slice %arg8[%mul3A_50, %dma_start3A_71] : memref<40x128xi32, #tpu.memory_space<vmem>> -> memref<1x128xi32, #tpu.memory_space<vmem>>
          %dma_start3A_73 = tpu.memref_squeeze %dma_start3A_72 : memref<1x128xi32, #tpu.memory_space<vmem>> -> memref<128xi32, #tpu.memory_space<vmem>>
          %dma_start3A_74 = arith.constant 0 : i32
          %dma_start3A_75 = arith.constant 0 : i32
          %dma_start3A_76 = tpu.memref_slice %arg11[%dma_start3A_74, %dma_start3A_75] : memref<10240x128xf32, #tpu.memory_space<vmem_shared>> -> memref<10240x128xf32, #tpu.memory_space<vmem_shared>>
          tpu.enqueue_indirect_dma source(%arg9 : memref<128x128xf32, #tpu.memory_space<vmem>>) target(%dma_start3A_76 : memref<10240x128xf32, #tpu.memory_space<vmem_shared>>) offsets(%dma_start3A_73 : memref<128xi32, #tpu.memory_space<vmem>>) semaphore(%run_scoped3A : memref<!tpu.dma_semaphore, #tpu.memory_space<semaphore_mem>>) {add = true}
          %dma_wait3A_77 = arith.constant 0 : i32
          %dma_wait3A_78 = tpu.memref_slice %arg8[%mul3A_50, %dma_wait3A_77] : memref<40x128xi32, #tpu.memory_space<vmem>> -> memref<1x128xi32, #tpu.memory_space<vmem>>
          %dma_wait3A_79 = tpu.memref_squeeze %dma_wait3A_78 : memref<1x128xi32, #tpu.memory_space<vmem>> -> memref<128xi32, #tpu.memory_space<vmem>>
          %dma_wait3A_80 = arith.constant 0 : i32
          %dma_wait3A_81 = arith.constant 0 : i32
          %dma_wait3A_82 = tpu.memref_slice %arg11[%dma_wait3A_80, %dma_wait3A_81] : memref<10240x128xf32, #tpu.memory_space<vmem_shared>> -> memref<10240x128xf32, #tpu.memory_space<vmem_shared>>
          tpu.wait_indirect_dma semaphore(%run_scoped3A : memref<!tpu.dma_semaphore, #tpu.memory_space<semaphore_mem>>) src(%arg9 : memref<128x128xf32, #tpu.memory_space<vmem>>) dst(%dma_wait3A_82 : memref<10240x128xf32, #tpu.memory_space<vmem_shared>>)
          tpu.yield
        }) : () -> ()
        %add3A_51 = arith.constant 2 : i32
        %add3A_52 = arith.addi %add3A_34, %add3A_51 : i32
        %dma_start3A_53 = arith.constant 0 : i32
        %dma_start3A_54 = tpu.memref_slice %arg7[%add3A_52, %dma_start3A_53] : memref<82x128xi32, #tpu.memory_space<vmem>> -> memref<1x128xi32, #tpu.memory_space<vmem>>
        %dma_start3A_55 = tpu.memref_squeeze %dma_start3A_54 : memref<1x128xi32, #tpu.memory_space<vmem>> -> memref<128xi32, #tpu.memory_space<vmem>>
        %dma_start3A_56 = arith.constant 0 : i32
        %dma_start3A_57 = arith.constant 0 : i32
        %dma_start3A_58 = tpu.memref_slice %arg2[%dma_start3A_56, %dma_start3A_57] : memref<10240x128xf32, #tpu.memory_space<hbm>> -> memref<10240x128xf32, #tpu.memory_space<hbm>>
        tpu.enqueue_indirect_dma source(%dma_start3A_58 : memref<10240x128xf32, #tpu.memory_space<hbm>>) target(%arg9 : memref<128x128xf32, #tpu.memory_space<vmem>>) offsets(%dma_start3A_55 : memref<128xi32, #tpu.memory_space<vmem>>) semaphore(%arg12 : memref<!tpu.dma_semaphore, #tpu.memory_space<semaphore_mem>>)
        %add3A_59 = arith.constant 1 : i32
        %add3A_60 = arith.addi %add3A_34, %add3A_59 : i32
        %dma_wait3A_61 = arith.constant 0 : i32
        %dma_wait3A_62 = tpu.memref_slice %arg7[%add3A_60, %dma_wait3A_61] : memref<82x128xi32, #tpu.memory_space<vmem>> -> memref<1x128xi32, #tpu.memory_space<vmem>>
        %dma_wait3A_63 = tpu.memref_squeeze %dma_wait3A_62 : memref<1x128xi32, #tpu.memory_space<vmem>> -> memref<128xi32, #tpu.memory_space<vmem>>
        %dma_wait3A_64 = arith.constant 0 : i32
        %dma_wait3A_65 = arith.constant 0 : i32
        %dma_wait3A_66 = tpu.memref_slice %arg2[%dma_wait3A_64, %dma_wait3A_65] : memref<10240x128xf32, #tpu.memory_space<hbm>> -> memref<10240x128xf32, #tpu.memory_space<hbm>>
        tpu.wait_indirect_dma semaphore(%arg13 : memref<!tpu.dma_semaphore, #tpu.memory_space<semaphore_mem>>) src(%dma_wait3A_66 : memref<10240x128xf32, #tpu.memory_space<hbm>>) dst(%arg10 : memref<128x128xf32, #tpu.memory_space<vmem>>)
        %mul3A_67 = arith.constant 2 : i32
        %mul3A_68 = arith.muli %mul3A_67, %scan3A_29 : i32
        %add3A_69 = arith.constant 1 : i32
        %add3A_70 = arith.addi %mul3A_68, %add3A_69 : i32
        "tpu.region"() ({
          %run_scoped3A = tpu.sem_alloc : memref<!tpu.dma_semaphore, #tpu.memory_space<semaphore_mem>>
          %dma_start3A_71 = arith.constant 0 : i32
          %dma_start3A_72 = tpu.memref_slice %arg8[%add3A_70, %dma_start3A_71] : memref<40x128xi32, #tpu.memory_space<vmem>> -> memref<1x128xi32, #tpu.memory_space<vmem>>
          %dma_start3A_73 = tpu.memref_squeeze %dma_start3A_72 : memref<1x128xi32, #tpu.memory_space<vmem>> -> memref<128xi32, #tpu.memory_space<vmem>>
          %dma_start3A_74 = arith.constant 0 : i32
          %dma_start3A_75 = arith.constant 0 : i32
          %dma_start3A_76 = tpu.memref_slice %arg11[%dma_start3A_74, %dma_start3A_75] : memref<10240x128xf32, #tpu.memory_space<vmem_shared>> -> memref<10240x128xf32, #tpu.memory_space<vmem_shared>>
          tpu.enqueue_indirect_dma source(%arg10 : memref<128x128xf32, #tpu.memory_space<vmem>>) target(%dma_start3A_76 : memref<10240x128xf32, #tpu.memory_space<vmem_shared>>) offsets(%dma_start3A_73 : memref<128xi32, #tpu.memory_space<vmem>>) semaphore(%run_scoped3A : memref<!tpu.dma_semaphore, #tpu.memory_space<semaphore_mem>>) {add = true}
          %dma_wait3A_77 = arith.constant 0 : i32
          %dma_wait3A_78 = tpu.memref_slice %arg8[%add3A_70, %dma_wait3A_77] : memref<40x128xi32, #tpu.memory_space<vmem>> -> memref<1x128xi32, #tpu.memory_space<vmem>>
          %dma_wait3A_79 = tpu.memref_squeeze %dma_wait3A_78 : memref<1x128xi32, #tpu.memory_space<vmem>> -> memref<128xi32, #tpu.memory_space<vmem>>
          %dma_wait3A_80 = arith.constant 0 : i32
          %dma_wait3A_81 = arith.constant 0 : i32
          %dma_wait3A_82 = tpu.memref_slice %arg11[%dma_wait3A_80, %dma_wait3A_81] : memref<10240x128xf32, #tpu.memory_space<vmem_shared>> -> memref<10240x128xf32, #tpu.memory_space<vmem_shared>>
          tpu.wait_indirect_dma semaphore(%run_scoped3A : memref<!tpu.dma_semaphore, #tpu.memory_space<semaphore_mem>>) src(%arg10 : memref<128x128xf32, #tpu.memory_space<vmem>>) dst(%dma_wait3A_82 : memref<10240x128xf32, #tpu.memory_space<vmem_shared>>)
          tpu.yield
        }) : () -> ()
      }
      %scan3A_28 = arith.constant 20 : i32
    }
    %scan3A_13 = arith.constant 2 : i32
    %dma_wait3A = arith.constant 0 : i32
    %dma_wait3A_14 = arith.constant 0 : i32
    %dma_wait3A_15 = tpu.memref_slice %arg2[%dma_wait3A, %dma_wait3A_14] : memref<10240x128xf32, #tpu.memory_space<hbm>> -> memref<128x128xf32, #tpu.memory_space<hbm>>
    %dma_wait3A_16 = arith.constant 0 : i32
    %dma_wait3A_17 = arith.constant 0 : i32
    %dma_wait3A_18 = tpu.memref_slice %arg2[%dma_wait3A_16, %dma_wait3A_17] : memref<10240x128xf32, #tpu.memory_space<hbm>> -> memref<128x128xf32, #tpu.memory_space<hbm>>
    tpu.wait_dma2 semaphore(%arg12 : memref<!tpu.dma_semaphore, #tpu.memory_space<semaphore_mem>>) src(%dma_wait3A_18 : memref<128x128xf32, #tpu.memory_space<hbm>>) dst(%arg9 : memref<128x128xf32, #tpu.memory_space<vmem>>)
    %barrier3A_19 = arith.constant 0 : index
    tpu.barrier barrier_id(%barrier3A_19)
    "tpu.region"() ({
      %run_scoped3A = tpu.sem_alloc : memref<!tpu.dma_semaphore, #tpu.memory_space<semaphore_mem>>
      %dma_start3A_20 = arith.constant 0 : i32
      %dma_start3A_21 = tpu.memref_slice %arg6[%arg0, %mul3A_2, %dma_start3A_20] : memref<2x10240x128xf32, #tpu.memory_space<hbm>> -> memref<1x640x128xf32, #tpu.memory_space<hbm>>
      %dma_start3A_22 = tpu.memref_squeeze %dma_start3A_21 : memref<1x640x128xf32, #tpu.memory_space<hbm>> -> memref<640x128xf32, #tpu.memory_space<hbm>>
      %dma_start3A_23 = arith.constant 0 : i32
      %dma_start3A_24 = tpu.memref_slice %arg11[%mul3A_2, %dma_start3A_23] : memref<10240x128xf32, #tpu.memory_space<vmem_shared>> -> memref<640x128xf32, #tpu.memory_space<vmem_shared>>
      tpu.enqueue_dma source(%dma_start3A_24 : memref<640x128xf32, #tpu.memory_space<vmem_shared>>) target(%dma_start3A_22 : memref<640x128xf32, #tpu.memory_space<hbm>>) target_semaphore(%run_scoped3A : memref<!tpu.dma_semaphore, #tpu.memory_space<semaphore_mem>>)
      %dma_wait3A_25 = arith.constant 0 : i32
      %dma_wait3A_26 = tpu.memref_slice %arg6[%arg0, %mul3A_2, %dma_wait3A_25] : memref<2x10240x128xf32, #tpu.memory_space<hbm>> -> memref<1x640x128xf32, #tpu.memory_space<hbm>>
      %dma_wait3A_27 = tpu.memref_squeeze %dma_wait3A_26 : memref<1x640x128xf32, #tpu.memory_space<hbm>> -> memref<640x128xf32, #tpu.memory_space<hbm>>
      %dma_wait3A_28 = arith.constant 0 : i32
      %dma_wait3A_29 = tpu.memref_slice %arg11[%mul3A_2, %dma_wait3A_28] : memref<10240x128xf32, #tpu.memory_space<vmem_shared>> -> memref<640x128xf32, #tpu.memory_space<vmem_shared>>
      tpu.wait_dma2 semaphore(%run_scoped3A : memref<!tpu.dma_semaphore, #tpu.memory_space<semaphore_mem>>) src(%dma_wait3A_29 : memref<640x128xf32, #tpu.memory_space<vmem_shared>>) dst(%dma_wait3A_27 : memref<640x128xf32, #tpu.memory_space<hbm>>)
      tpu.yield
    }) : () -> ()
    return
  }
}

#map = affine_map<(d0, d1) -> (0, 0)>
#map1 = affine_map<(d0, d1) -> (0, 0, 0)>
module attributes {stable_mosaic.version = 14 : i64} {
  func.func @_scat_body(%arg0: i32, %arg1: i32, %arg2: memref<10240x128xf32, #tpu.memory_space<hbm>>, %arg3: memref<32x82x128xi32, #tpu.memory_space<hbm>>, %arg4: memref<32x82x128xi32, #tpu.memory_space<hbm>>, %arg5: memref<10240x128xf32, #tpu.memory_space<hbm>>, %arg6: memref<2x10240x128xf32, #tpu.memory_space<hbm>>, %arg7: memref<82x128xi32, #tpu.memory_space<vmem>>, %arg8: memref<40x128xi32, #tpu.memory_space<vmem>>, %arg9: memref<128x128xf32, #tpu.memory_space<vmem>>, %arg10: memref<128x128xf32, #tpu.memory_space<vmem>>, %arg11: memref<10240x128xf32, #tpu.memory_space<vmem_shared>>, %arg12: memref<!tpu.dma_semaphore, #tpu.memory_space<semaphore_mem>>, %arg13: memref<!tpu.dma_semaphore, #tpu.memory_space<semaphore_mem>>) attributes {dimension_semantics = [#tpu.dimension_semantics<core_parallel>, #tpu.dimension_semantics<subcore_parallel>], iteration_bounds = array<i64: 2, 16>, scalar_prefetch = 0 : i64, scratch_operands = 7 : i64, tpu.core_type = #tpu.core_type<sc_vector_subcore>, window_params = [{transform_indices = #map}, {transform_indices = #map1}, {transform_indices = #map1}, {transform_indices = #map}, {transform_indices = #map1}]} {
    %mul3A = arith.constant 2 : i32
    %mul3A_0 = arith.muli %arg1, %mul3A : i32
    %add3A = arith.addi %mul3A_0, %arg0 : i32
    %mul3A_1 = arith.constant 640 : i32
    %mul3A_2 = arith.muli %arg1, %mul3A_1 : i32
    "tpu.region"() ({
      %run_scoped3A = tpu.sem_alloc : memref<!tpu.dma_semaphore, #tpu.memory_space<semaphore_mem>>
      %dma_start3A_20 = arith.constant 0 : i32
      %dma_start3A_21 = tpu.memref_slice %arg11[%mul3A_2, %dma_start3A_20] : memref<10240x128xf32, #tpu.memory_space<vmem_shared>> -> memref<640x128xf32, #tpu.memory_space<vmem_shared>>
      %dma_start3A_22 = arith.constant 0 : i32
      %dma_start3A_23 = tpu.memref_slice %arg5[%mul3A_2, %dma_start3A_22] : memref<10240x128xf32, #tpu.memory_space<hbm>> -> memref<640x128xf32, #tpu.memory_space<hbm>>
      tpu.enqueue_dma source(%dma_start3A_23 : memref<640x128xf32, #tpu.memory_space<hbm>>) target(%dma_start3A_21 : memref<640x128xf32, #tpu.memory_space<vmem_shared>>) target_semaphore(%run_scoped3A : memref<!tpu.dma_semaphore, #tpu.memory_space<semaphore_mem>>)
      %dma_wait3A_24 = arith.constant 0 : i32
      %dma_wait3A_25 = tpu.memref_slice %arg11[%mul3A_2, %dma_wait3A_24] : memref<10240x128xf32, #tpu.memory_space<vmem_shared>> -> memref<640x128xf32, #tpu.memory_space<vmem_shared>>
      %dma_wait3A_26 = arith.constant 0 : i32
      %dma_wait3A_27 = tpu.memref_slice %arg5[%mul3A_2, %dma_wait3A_26] : memref<10240x128xf32, #tpu.memory_space<hbm>> -> memref<640x128xf32, #tpu.memory_space<hbm>>
      tpu.wait_dma2 semaphore(%run_scoped3A : memref<!tpu.dma_semaphore, #tpu.memory_space<semaphore_mem>>) src(%dma_wait3A_27 : memref<640x128xf32, #tpu.memory_space<hbm>>) dst(%dma_wait3A_25 : memref<640x128xf32, #tpu.memory_space<vmem_shared>>)
      tpu.yield
    }) : () -> ()
    "tpu.region"() ({
      %run_scoped3A = tpu.sem_alloc : memref<!tpu.dma_semaphore, #tpu.memory_space<semaphore_mem>>
      %dma_start3A_20 = arith.constant 0 : i32
      %dma_start3A_21 = arith.constant 0 : i32
      %dma_start3A_22 = tpu.memref_slice %arg3[%add3A, %dma_start3A_20, %dma_start3A_21] : memref<32x82x128xi32, #tpu.memory_space<hbm>> -> memref<1x82x128xi32, #tpu.memory_space<hbm>>
      %dma_start3A_23 = tpu.memref_squeeze %dma_start3A_22 : memref<1x82x128xi32, #tpu.memory_space<hbm>> -> memref<82x128xi32, #tpu.memory_space<hbm>>
      %dma_start3A_24 = arith.constant 0 : i32
      %dma_start3A_25 = arith.constant 0 : i32
      %dma_start3A_26 = tpu.memref_slice %arg3[%add3A, %dma_start3A_24, %dma_start3A_25] : memref<32x82x128xi32, #tpu.memory_space<hbm>> -> memref<1x82x128xi32, #tpu.memory_space<hbm>>
      %dma_start3A_27 = tpu.memref_squeeze %dma_start3A_26 : memref<1x82x128xi32, #tpu.memory_space<hbm>> -> memref<82x128xi32, #tpu.memory_space<hbm>>
      tpu.enqueue_dma source(%dma_start3A_27 : memref<82x128xi32, #tpu.memory_space<hbm>>) target(%arg7 : memref<82x128xi32, #tpu.memory_space<vmem>>) target_semaphore(%run_scoped3A : memref<!tpu.dma_semaphore, #tpu.memory_space<semaphore_mem>>)
      %dma_wait3A_28 = arith.constant 0 : i32
      %dma_wait3A_29 = arith.constant 0 : i32
      %dma_wait3A_30 = tpu.memref_slice %arg3[%add3A, %dma_wait3A_28, %dma_wait3A_29] : memref<32x82x128xi32, #tpu.memory_space<hbm>> -> memref<1x82x128xi32, #tpu.memory_space<hbm>>
      %dma_wait3A_31 = tpu.memref_squeeze %dma_wait3A_30 : memref<1x82x128xi32, #tpu.memory_space<hbm>> -> memref<82x128xi32, #tpu.memory_space<hbm>>
      %dma_wait3A_32 = arith.constant 0 : i32
      %dma_wait3A_33 = arith.constant 0 : i32
      %dma_wait3A_34 = tpu.memref_slice %arg3[%add3A, %dma_wait3A_32, %dma_wait3A_33] : memref<32x82x128xi32, #tpu.memory_space<hbm>> -> memref<1x82x128xi32, #tpu.memory_space<hbm>>
      %dma_wait3A_35 = tpu.memref_squeeze %dma_wait3A_34 : memref<1x82x128xi32, #tpu.memory_space<hbm>> -> memref<82x128xi32, #tpu.memory_space<hbm>>
      tpu.wait_dma2 semaphore(%run_scoped3A : memref<!tpu.dma_semaphore, #tpu.memory_space<semaphore_mem>>) src(%dma_wait3A_35 : memref<82x128xi32, #tpu.memory_space<hbm>>) dst(%arg7 : memref<82x128xi32, #tpu.memory_space<vmem>>)
      tpu.yield
    }) : () -> ()
    %barrier3A = arith.constant 0 : index
    tpu.barrier barrier_id(%barrier3A)
    %dma_start3A = arith.constant 0 : i32
    %dma_start3A_3 = arith.constant 0 : i32
    %dma_start3A_4 = tpu.memref_slice %arg7[%dma_start3A, %dma_start3A_3] : memref<82x128xi32, #tpu.memory_space<vmem>> -> memref<1x128xi32, #tpu.memory_space<vmem>>
    %dma_start3A_5 = tpu.memref_squeeze %dma_start3A_4 : memref<1x128xi32, #tpu.memory_space<vmem>> -> memref<128xi32, #tpu.memory_space<vmem>>
    %dma_start3A_6 = arith.constant 0 : i32
    %dma_start3A_7 = arith.constant 0 : i32
    %dma_start3A_8 = tpu.memref_slice %arg2[%dma_start3A_6, %dma_start3A_7] : memref<10240x128xf32, #tpu.memory_space<hbm>> -> memref<10240x128xf32, #tpu.memory_space<hbm>>
    tpu.enqueue_indirect_dma source(%dma_start3A_8 : memref<10240x128xf32, #tpu.memory_space<hbm>>) target(%arg9 : memref<128x128xf32, #tpu.memory_space<vmem>>) offsets(%dma_start3A_5 : memref<128xi32, #tpu.memory_space<vmem>>) semaphore(%arg12 : memref<!tpu.dma_semaphore, #tpu.memory_space<semaphore_mem>>)
    %scan3A = arith.constant 0 : i32
    %scan3A_9 = arith.constant 0 : i32
    %scan3A_10 = arith.constant 2 : i32
    %scan3A_11 = arith.addi %scan3A_9, %scan3A_10 : i32
    %scan3A_12 = arith.constant 1 : i32
    scf.for %scan3A_20 = %scan3A_9 to %scan3A_11 step %scan3A_12  : i32 {
      %mul3A_21 = arith.constant 40 : i32
      %mul3A_22 = arith.muli %scan3A_20, %mul3A_21 : i32
      "tpu.region"() ({
        %run_scoped3A = tpu.sem_alloc : memref<!tpu.dma_semaphore, #tpu.memory_space<semaphore_mem>>
        %dma_start3A_29 = arith.constant 0 : i32
        %dma_start3A_30 = tpu.memref_slice %arg4[%add3A, %mul3A_22, %dma_start3A_29] : memref<32x82x128xi32, #tpu.memory_space<hbm>> -> memref<1x40x128xi32, #tpu.memory_space<hbm>>
        %dma_start3A_31 = tpu.memref_squeeze %dma_start3A_30 : memref<1x40x128xi32, #tpu.memory_space<hbm>> -> memref<40x128xi32, #tpu.memory_space<hbm>>
        %dma_start3A_32 = arith.constant 0 : i32
        %dma_start3A_33 = tpu.memref_slice %arg4[%add3A, %mul3A_22, %dma_start3A_32] : memref<32x82x128xi32, #tpu.memory_space<hbm>> -> memref<1x40x128xi32, #tpu.memory_space<hbm>>
        %dma_start3A_34 = tpu.memref_squeeze %dma_start3A_33 : memref<1x40x128xi32, #tpu.memory_space<hbm>> -> memref<40x128xi32, #tpu.memory_space<hbm>>
        tpu.enqueue_dma source(%dma_start3A_34 : memref<40x128xi32, #tpu.memory_space<hbm>>) target(%arg8 : memref<40x128xi32, #tpu.memory_space<vmem>>) target_semaphore(%run_scoped3A : memref<!tpu.dma_semaphore, #tpu.memory_space<semaphore_mem>>)
        %dma_wait3A_35 = arith.constant 0 : i32
        %dma_wait3A_36 = tpu.memref_slice %arg4[%add3A, %mul3A_22, %dma_wait3A_35] : memref<32x82x128xi32, #tpu.memory_space<hbm>> -> memref<1x40x128xi32, #tpu.memory_space<hbm>>
        %dma_wait3A_37 = tpu.memref_squeeze %dma_wait3A_36 : memref<1x40x128xi32, #tpu.memory_space<hbm>> -> memref<40x128xi32, #tpu.memory_space<hbm>>
        %dma_wait3A_38 = arith.constant 0 : i32
        %dma_wait3A_39 = tpu.memref_slice %arg4[%add3A, %mul3A_22, %dma_wait3A_38] : memref<32x82x128xi32, #tpu.memory_space<hbm>> -> memref<1x40x128xi32, #tpu.memory_space<hbm>>
        %dma_wait3A_40 = tpu.memref_squeeze %dma_wait3A_39 : memref<1x40x128xi32, #tpu.memory_space<hbm>> -> memref<40x128xi32, #tpu.memory_space<hbm>>
        tpu.wait_dma2 semaphore(%run_scoped3A : memref<!tpu.dma_semaphore, #tpu.memory_space<semaphore_mem>>) src(%dma_wait3A_40 : memref<40x128xi32, #tpu.memory_space<hbm>>) dst(%arg8 : memref<40x128xi32, #tpu.memory_space<vmem>>)
        tpu.yield
      }) : () -> ()
      %scan3A_23 = arith.constant 0 : i32
      %scan3A_24 = arith.constant 0 : i32
      %scan3A_25 = arith.constant 20 : i32
      %scan3A_26 = arith.addi %scan3A_24, %scan3A_25 : i32
      %scan3A_27 = arith.constant 1 : i32
      scf.for %scan3A_29 = %scan3A_24 to %scan3A_26 step %scan3A_27  : i32 {
        %mul3A_30 = arith.constant 40 : i32
        %mul3A_31 = arith.muli %scan3A_20, %mul3A_30 : i32
        %mul3A_32 = arith.constant 2 : i32
        %mul3A_33 = arith.muli %mul3A_32, %scan3A_29 : i32
        %add3A_34 = arith.addi %mul3A_31, %mul3A_33 : i32
        %add3A_35 = arith.constant 1 : i32
        %add3A_36 = arith.addi %add3A_34, %add3A_35 : i32
        %dma_start3A_37 = arith.constant 0 : i32
        %dma_start3A_38 = tpu.memref_slice %arg7[%add3A_36, %dma_start3A_37] : memref<82x128xi32, #tpu.memory_space<vmem>> -> memref<1x128xi32, #tpu.memory_space<vmem>>
        %dma_start3A_39 = tpu.memref_squeeze %dma_start3A_38 : memref<1x128xi32, #tpu.memory_space<vmem>> -> memref<128xi32, #tpu.memory_space<vmem>>
        %dma_start3A_40 = arith.constant 0 : i32
        %dma_start3A_41 = arith.constant 0 : i32
        %dma_start3A_42 = tpu.memref_slice %arg2[%dma_start3A_40, %dma_start3A_41] : memref<10240x128xf32, #tpu.memory_space<hbm>> -> memref<10240x128xf32, #tpu.memory_space<hbm>>
        tpu.enqueue_indirect_dma source(%dma_start3A_42 : memref<10240x128xf32, #tpu.memory_space<hbm>>) target(%arg10 : memref<128x128xf32, #tpu.memory_space<vmem>>) offsets(%dma_start3A_39 : memref<128xi32, #tpu.memory_space<vmem>>) semaphore(%arg13 : memref<!tpu.dma_semaphore, #tpu.memory_space<semaphore_mem>>)
        %dma_wait3A_43 = arith.constant 0 : i32
        %dma_wait3A_44 = tpu.memref_slice %arg7[%add3A_34, %dma_wait3A_43] : memref<82x128xi32, #tpu.memory_space<vmem>> -> memref<1x128xi32, #tpu.memory_space<vmem>>
        %dma_wait3A_45 = tpu.memref_squeeze %dma_wait3A_44 : memref<1x128xi32, #tpu.memory_space<vmem>> -> memref<128xi32, #tpu.memory_space<vmem>>
        %dma_wait3A_46 = arith.constant 0 : i32
        %dma_wait3A_47 = arith.constant 0 : i32
        %dma_wait3A_48 = tpu.memref_slice %arg2[%dma_wait3A_46, %dma_wait3A_47] : memref<10240x128xf32, #tpu.memory_space<hbm>> -> memref<10240x128xf32, #tpu.memory_space<hbm>>
        tpu.wait_indirect_dma semaphore(%arg12 : memref<!tpu.dma_semaphore, #tpu.memory_space<semaphore_mem>>) src(%dma_wait3A_48 : memref<10240x128xf32, #tpu.memory_space<hbm>>) dst(%arg9 : memref<128x128xf32, #tpu.memory_space<vmem>>)
        %mul3A_49 = arith.constant 2 : i32
        %mul3A_50 = arith.muli %mul3A_49, %scan3A_29 : i32
        "tpu.region"() ({
          %run_scoped3A = tpu.sem_alloc : memref<!tpu.dma_semaphore, #tpu.memory_space<semaphore_mem>>
          %dma_start3A_71 = arith.constant 0 : i32
          %dma_start3A_72 = tpu.memref_slice %arg8[%mul3A_50, %dma_start3A_71] : memref<40x128xi32, #tpu.memory_space<vmem>> -> memref<1x128xi32, #tpu.memory_space<vmem>>
          %dma_start3A_73 = tpu.memref_squeeze %dma_start3A_72 : memref<1x128xi32, #tpu.memory_space<vmem>> -> memref<128xi32, #tpu.memory_space<vmem>>
          %dma_start3A_74 = arith.constant 0 : i32
          %dma_start3A_75 = arith.constant 0 : i32
          %dma_start3A_76 = tpu.memref_slice %arg11[%dma_start3A_74, %dma_start3A_75] : memref<10240x128xf32, #tpu.memory_space<vmem_shared>> -> memref<10240x128xf32, #tpu.memory_space<vmem_shared>>
          tpu.enqueue_indirect_dma source(%arg9 : memref<128x128xf32, #tpu.memory_space<vmem>>) target(%dma_start3A_76 : memref<10240x128xf32, #tpu.memory_space<vmem_shared>>) offsets(%dma_start3A_73 : memref<128xi32, #tpu.memory_space<vmem>>) semaphore(%run_scoped3A : memref<!tpu.dma_semaphore, #tpu.memory_space<semaphore_mem>>) {add = true}
          %dma_wait3A_77 = arith.constant 0 : i32
          %dma_wait3A_78 = tpu.memref_slice %arg8[%mul3A_50, %dma_wait3A_77] : memref<40x128xi32, #tpu.memory_space<vmem>> -> memref<1x128xi32, #tpu.memory_space<vmem>>
          %dma_wait3A_79 = tpu.memref_squeeze %dma_wait3A_78 : memref<1x128xi32, #tpu.memory_space<vmem>> -> memref<128xi32, #tpu.memory_space<vmem>>
          %dma_wait3A_80 = arith.constant 0 : i32
          %dma_wait3A_81 = arith.constant 0 : i32
          %dma_wait3A_82 = tpu.memref_slice %arg11[%dma_wait3A_80, %dma_wait3A_81] : memref<10240x128xf32, #tpu.memory_space<vmem_shared>> -> memref<10240x128xf32, #tpu.memory_space<vmem_shared>>
          tpu.wait_indirect_dma semaphore(%run_scoped3A : memref<!tpu.dma_semaphore, #tpu.memory_space<semaphore_mem>>) src(%arg9 : memref<128x128xf32, #tpu.memory_space<vmem>>) dst(%dma_wait3A_82 : memref<10240x128xf32, #tpu.memory_space<vmem_shared>>)
          tpu.yield
        }) : () -> ()
        %add3A_51 = arith.constant 2 : i32
        %add3A_52 = arith.addi %add3A_34, %add3A_51 : i32
        %dma_start3A_53 = arith.constant 0 : i32
        %dma_start3A_54 = tpu.memref_slice %arg7[%add3A_52, %dma_start3A_53] : memref<82x128xi32, #tpu.memory_space<vmem>> -> memref<1x128xi32, #tpu.memory_space<vmem>>
        %dma_start3A_55 = tpu.memref_squeeze %dma_start3A_54 : memref<1x128xi32, #tpu.memory_space<vmem>> -> memref<128xi32, #tpu.memory_space<vmem>>
        %dma_start3A_56 = arith.constant 0 : i32
        %dma_start3A_57 = arith.constant 0 : i32
        %dma_start3A_58 = tpu.memref_slice %arg2[%dma_start3A_56, %dma_start3A_57] : memref<10240x128xf32, #tpu.memory_space<hbm>> -> memref<10240x128xf32, #tpu.memory_space<hbm>>
        tpu.enqueue_indirect_dma source(%dma_start3A_58 : memref<10240x128xf32, #tpu.memory_space<hbm>>) target(%arg9 : memref<128x128xf32, #tpu.memory_space<vmem>>) offsets(%dma_start3A_55 : memref<128xi32, #tpu.memory_space<vmem>>) semaphore(%arg12 : memref<!tpu.dma_semaphore, #tpu.memory_space<semaphore_mem>>)
        %add3A_59 = arith.constant 1 : i32
        %add3A_60 = arith.addi %add3A_34, %add3A_59 : i32
        %dma_wait3A_61 = arith.constant 0 : i32
        %dma_wait3A_62 = tpu.memref_slice %arg7[%add3A_60, %dma_wait3A_61] : memref<82x128xi32, #tpu.memory_space<vmem>> -> memref<1x128xi32, #tpu.memory_space<vmem>>
        %dma_wait3A_63 = tpu.memref_squeeze %dma_wait3A_62 : memref<1x128xi32, #tpu.memory_space<vmem>> -> memref<128xi32, #tpu.memory_space<vmem>>
        %dma_wait3A_64 = arith.constant 0 : i32
        %dma_wait3A_65 = arith.constant 0 : i32
        %dma_wait3A_66 = tpu.memref_slice %arg2[%dma_wait3A_64, %dma_wait3A_65] : memref<10240x128xf32, #tpu.memory_space<hbm>> -> memref<10240x128xf32, #tpu.memory_space<hbm>>
        tpu.wait_indirect_dma semaphore(%arg13 : memref<!tpu.dma_semaphore, #tpu.memory_space<semaphore_mem>>) src(%dma_wait3A_66 : memref<10240x128xf32, #tpu.memory_space<hbm>>) dst(%arg10 : memref<128x128xf32, #tpu.memory_space<vmem>>)
        %mul3A_67 = arith.constant 2 : i32
        %mul3A_68 = arith.muli %mul3A_67, %scan3A_29 : i32
        %add3A_69 = arith.constant 1 : i32
        %add3A_70 = arith.addi %mul3A_68, %add3A_69 : i32
        "tpu.region"() ({
          %run_scoped3A = tpu.sem_alloc : memref<!tpu.dma_semaphore, #tpu.memory_space<semaphore_mem>>
          %dma_start3A_71 = arith.constant 0 : i32
          %dma_start3A_72 = tpu.memref_slice %arg8[%add3A_70, %dma_start3A_71] : memref<40x128xi32, #tpu.memory_space<vmem>> -> memref<1x128xi32, #tpu.memory_space<vmem>>
          %dma_start3A_73 = tpu.memref_squeeze %dma_start3A_72 : memref<1x128xi32, #tpu.memory_space<vmem>> -> memref<128xi32, #tpu.memory_space<vmem>>
          %dma_start3A_74 = arith.constant 0 : i32
          %dma_start3A_75 = arith.constant 0 : i32
          %dma_start3A_76 = tpu.memref_slice %arg11[%dma_start3A_74, %dma_start3A_75] : memref<10240x128xf32, #tpu.memory_space<vmem_shared>> -> memref<10240x128xf32, #tpu.memory_space<vmem_shared>>
          tpu.enqueue_indirect_dma source(%arg10 : memref<128x128xf32, #tpu.memory_space<vmem>>) target(%dma_start3A_76 : memref<10240x128xf32, #tpu.memory_space<vmem_shared>>) offsets(%dma_start3A_73 : memref<128xi32, #tpu.memory_space<vmem>>) semaphore(%run_scoped3A : memref<!tpu.dma_semaphore, #tpu.memory_space<semaphore_mem>>) {add = true}
          %dma_wait3A_77 = arith.constant 0 : i32
          %dma_wait3A_78 = tpu.memref_slice %arg8[%add3A_70, %dma_wait3A_77] : memref<40x128xi32, #tpu.memory_space<vmem>> -> memref<1x128xi32, #tpu.memory_space<vmem>>
          %dma_wait3A_79 = tpu.memref_squeeze %dma_wait3A_78 : memref<1x128xi32, #tpu.memory_space<vmem>> -> memref<128xi32, #tpu.memory_space<vmem>>
          %dma_wait3A_80 = arith.constant 0 : i32
          %dma_wait3A_81 = arith.constant 0 : i32
          %dma_wait3A_82 = tpu.memref_slice %arg11[%dma_wait3A_80, %dma_wait3A_81] : memref<10240x128xf32, #tpu.memory_space<vmem_shared>> -> memref<10240x128xf32, #tpu.memory_space<vmem_shared>>
          tpu.wait_indirect_dma semaphore(%run_scoped3A : memref<!tpu.dma_semaphore, #tpu.memory_space<semaphore_mem>>) src(%arg10 : memref<128x128xf32, #tpu.memory_space<vmem>>) dst(%dma_wait3A_82 : memref<10240x128xf32, #tpu.memory_space<vmem_shared>>)
          tpu.yield
        }) : () -> ()
      }
      %scan3A_28 = arith.constant 20 : i32
    }
    %scan3A_13 = arith.constant 2 : i32
    %dma_wait3A = arith.constant 0 : i32
    %dma_wait3A_14 = arith.constant 0 : i32
    %dma_wait3A_15 = tpu.memref_slice %arg2[%dma_wait3A, %dma_wait3A_14] : memref<10240x128xf32, #tpu.memory_space<hbm>> -> memref<128x128xf32, #tpu.memory_space<hbm>>
    %dma_wait3A_16 = arith.constant 0 : i32
    %dma_wait3A_17 = arith.constant 0 : i32
    %dma_wait3A_18 = tpu.memref_slice %arg2[%dma_wait3A_16, %dma_wait3A_17] : memref<10240x128xf32, #tpu.memory_space<hbm>> -> memref<128x128xf32, #tpu.memory_space<hbm>>
    tpu.wait_dma2 semaphore(%arg12 : memref<!tpu.dma_semaphore, #tpu.memory_space<semaphore_mem>>) src(%dma_wait3A_18 : memref<128x128xf32, #tpu.memory_space<hbm>>) dst(%arg9 : memref<128x128xf32, #tpu.memory_space<vmem>>)
    %barrier3A_19 = arith.constant 0 : index
    tpu.barrier barrier_id(%barrier3A_19)
    "tpu.region"() ({
      %run_scoped3A = tpu.sem_alloc : memref<!tpu.dma_semaphore, #tpu.memory_space<semaphore_mem>>
      %dma_start3A_20 = arith.constant 0 : i32
      %dma_start3A_21 = tpu.memref_slice %arg6[%arg0, %mul3A_2, %dma_start3A_20] : memref<2x10240x128xf32, #tpu.memory_space<hbm>> -> memref<1x640x128xf32, #tpu.memory_space<hbm>>
      %dma_start3A_22 = tpu.memref_squeeze %dma_start3A_21 : memref<1x640x128xf32, #tpu.memory_space<hbm>> -> memref<640x128xf32, #tpu.memory_space<hbm>>
      %dma_start3A_23 = arith.constant 0 : i32
      %dma_start3A_24 = tpu.memref_slice %arg11[%mul3A_2, %dma_start3A_23] : memref<10240x128xf32, #tpu.memory_space<vmem_shared>> -> memref<640x128xf32, #tpu.memory_space<vmem_shared>>
      tpu.enqueue_dma source(%dma_start3A_24 : memref<640x128xf32, #tpu.memory_space<vmem_shared>>) target(%dma_start3A_22 : memref<640x128xf32, #tpu.memory_space<hbm>>) target_semaphore(%run_scoped3A : memref<!tpu.dma_semaphore, #tpu.memory_space<semaphore_mem>>)
      %dma_wait3A_25 = arith.constant 0 : i32
      %dma_wait3A_26 = tpu.memref_slice %arg6[%arg0, %mul3A_2, %dma_wait3A_25] : memref<2x10240x128xf32, #tpu.memory_space<hbm>> -> memref<1x640x128xf32, #tpu.memory_space<hbm>>
      %dma_wait3A_27 = tpu.memref_squeeze %dma_wait3A_26 : memref<1x640x128xf32, #tpu.memory_space<hbm>> -> memref<640x128xf32, #tpu.memory_space<hbm>>
      %dma_wait3A_28 = arith.constant 0 : i32
      %dma_wait3A_29 = tpu.memref_slice %arg11[%mul3A_2, %dma_wait3A_28] : memref<10240x128xf32, #tpu.memory_space<vmem_shared>> -> memref<640x128xf32, #tpu.memory_space<vmem_shared>>
      tpu.wait_dma2 semaphore(%run_scoped3A : memref<!tpu.dma_semaphore, #tpu.memory_space<semaphore_mem>>) src(%dma_wait3A_29 : memref<640x128xf32, #tpu.memory_space<vmem_shared>>) dst(%dma_wait3A_27 : memref<640x128xf32, #tpu.memory_space<hbm>>)
      tpu.yield
    }) : () -> ()
    return
  }
}

#map = affine_map<(d0, d1) -> (0, 0, 0)>
#map1 = affine_map<(d0, d1) -> (0, 0)>
module attributes {stable_mosaic.version = 14 : i64} {
  func.func @_deg_body(%arg0: i32, %arg1: i32, %arg2: memref<32x82x128xi32, #tpu.memory_space<hbm>>, %arg3: memref<10240x128xf32, #tpu.memory_space<hbm>>, %arg4: memref<128x128xf32, #tpu.memory_space<hbm>>, %arg5: memref<2x10240x128xf32, #tpu.memory_space<hbm>>, %arg6: memref<82x128xi32, #tpu.memory_space<vmem>>, %arg7: memref<128x128xf32, #tpu.memory_space<vmem>>, %arg8: memref<10240x128xf32, #tpu.memory_space<vmem_shared>>) attributes {dimension_semantics = [#tpu.dimension_semantics<core_parallel>, #tpu.dimension_semantics<subcore_parallel>], iteration_bounds = array<i64: 2, 16>, scalar_prefetch = 0 : i64, scratch_operands = 3 : i64, tpu.core_type = #tpu.core_type<sc_vector_subcore>, window_params = [{transform_indices = #map}, {transform_indices = #map1}, {transform_indices = #map1}, {transform_indices = #map}]} {
    %mul3A = arith.constant 2 : i32
    %mul3A_0 = arith.muli %arg1, %mul3A : i32
    %add3A = arith.addi %mul3A_0, %arg0 : i32
    %mul3A_1 = arith.constant 640 : i32
    %mul3A_2 = arith.muli %arg1, %mul3A_1 : i32
    "tpu.region"() ({
      %run_scoped3A = tpu.sem_alloc : memref<!tpu.dma_semaphore, #tpu.memory_space<semaphore_mem>>
      %dma_start3A = arith.constant 0 : i32
      %dma_start3A_9 = tpu.memref_slice %arg8[%mul3A_2, %dma_start3A] : memref<10240x128xf32, #tpu.memory_space<vmem_shared>> -> memref<640x128xf32, #tpu.memory_space<vmem_shared>>
      %dma_start3A_10 = arith.constant 0 : i32
      %dma_start3A_11 = tpu.memref_slice %arg3[%mul3A_2, %dma_start3A_10] : memref<10240x128xf32, #tpu.memory_space<hbm>> -> memref<640x128xf32, #tpu.memory_space<hbm>>
      tpu.enqueue_dma source(%dma_start3A_11 : memref<640x128xf32, #tpu.memory_space<hbm>>) target(%dma_start3A_9 : memref<640x128xf32, #tpu.memory_space<vmem_shared>>) target_semaphore(%run_scoped3A : memref<!tpu.dma_semaphore, #tpu.memory_space<semaphore_mem>>)
      %dma_wait3A = arith.constant 0 : i32
      %dma_wait3A_12 = tpu.memref_slice %arg8[%mul3A_2, %dma_wait3A] : memref<10240x128xf32, #tpu.memory_space<vmem_shared>> -> memref<640x128xf32, #tpu.memory_space<vmem_shared>>
      %dma_wait3A_13 = arith.constant 0 : i32
      %dma_wait3A_14 = tpu.memref_slice %arg3[%mul3A_2, %dma_wait3A_13] : memref<10240x128xf32, #tpu.memory_space<hbm>> -> memref<640x128xf32, #tpu.memory_space<hbm>>
      tpu.wait_dma2 semaphore(%run_scoped3A : memref<!tpu.dma_semaphore, #tpu.memory_space<semaphore_mem>>) src(%dma_wait3A_14 : memref<640x128xf32, #tpu.memory_space<hbm>>) dst(%dma_wait3A_12 : memref<640x128xf32, #tpu.memory_space<vmem_shared>>)
      tpu.yield
    }) : () -> ()
    "tpu.region"() ({
      %run_scoped3A = tpu.sem_alloc : memref<!tpu.dma_semaphore, #tpu.memory_space<semaphore_mem>>
      tpu.enqueue_dma source(%arg4 : memref<128x128xf32, #tpu.memory_space<hbm>>) target(%arg7 : memref<128x128xf32, #tpu.memory_space<vmem>>) target_semaphore(%run_scoped3A : memref<!tpu.dma_semaphore, #tpu.memory_space<semaphore_mem>>)
      tpu.wait_dma2 semaphore(%run_scoped3A : memref<!tpu.dma_semaphore, #tpu.memory_space<semaphore_mem>>) src(%arg4 : memref<128x128xf32, #tpu.memory_space<hbm>>) dst(%arg7 : memref<128x128xf32, #tpu.memory_space<vmem>>)
      tpu.yield
    }) : () -> ()
    "tpu.region"() ({
      %run_scoped3A = tpu.sem_alloc : memref<!tpu.dma_semaphore, #tpu.memory_space<semaphore_mem>>
      %dma_start3A = arith.constant 0 : i32
      %dma_start3A_9 = arith.constant 0 : i32
      %dma_start3A_10 = tpu.memref_slice %arg2[%add3A, %dma_start3A, %dma_start3A_9] : memref<32x82x128xi32, #tpu.memory_space<hbm>> -> memref<1x82x128xi32, #tpu.memory_space<hbm>>
      %dma_start3A_11 = tpu.memref_squeeze %dma_start3A_10 : memref<1x82x128xi32, #tpu.memory_space<hbm>> -> memref<82x128xi32, #tpu.memory_space<hbm>>
      %dma_start3A_12 = arith.constant 0 : i32
      %dma_start3A_13 = arith.constant 0 : i32
      %dma_start3A_14 = tpu.memref_slice %arg2[%add3A, %dma_start3A_12, %dma_start3A_13] : memref<32x82x128xi32, #tpu.memory_space<hbm>> -> memref<1x82x128xi32, #tpu.memory_space<hbm>>
      %dma_start3A_15 = tpu.memref_squeeze %dma_start3A_14 : memref<1x82x128xi32, #tpu.memory_space<hbm>> -> memref<82x128xi32, #tpu.memory_space<hbm>>
      tpu.enqueue_dma source(%dma_start3A_15 : memref<82x128xi32, #tpu.memory_space<hbm>>) target(%arg6 : memref<82x128xi32, #tpu.memory_space<vmem>>) target_semaphore(%run_scoped3A : memref<!tpu.dma_semaphore, #tpu.memory_space<semaphore_mem>>)
      %dma_wait3A = arith.constant 0 : i32
      %dma_wait3A_16 = arith.constant 0 : i32
      %dma_wait3A_17 = tpu.memref_slice %arg2[%add3A, %dma_wait3A, %dma_wait3A_16] : memref<32x82x128xi32, #tpu.memory_space<hbm>> -> memref<1x82x128xi32, #tpu.memory_space<hbm>>
      %dma_wait3A_18 = tpu.memref_squeeze %dma_wait3A_17 : memref<1x82x128xi32, #tpu.memory_space<hbm>> -> memref<82x128xi32, #tpu.memory_space<hbm>>
      %dma_wait3A_19 = arith.constant 0 : i32
      %dma_wait3A_20 = arith.constant 0 : i32
      %dma_wait3A_21 = tpu.memref_slice %arg2[%add3A, %dma_wait3A_19, %dma_wait3A_20] : memref<32x82x128xi32, #tpu.memory_space<hbm>> -> memref<1x82x128xi32, #tpu.memory_space<hbm>>
      %dma_wait3A_22 = tpu.memref_squeeze %dma_wait3A_21 : memref<1x82x128xi32, #tpu.memory_space<hbm>> -> memref<82x128xi32, #tpu.memory_space<hbm>>
      tpu.wait_dma2 semaphore(%run_scoped3A : memref<!tpu.dma_semaphore, #tpu.memory_space<semaphore_mem>>) src(%dma_wait3A_22 : memref<82x128xi32, #tpu.memory_space<hbm>>) dst(%arg6 : memref<82x128xi32, #tpu.memory_space<vmem>>)
      tpu.yield
    }) : () -> ()
    %barrier3A = arith.constant 0 : index
    tpu.barrier barrier_id(%barrier3A)
    %scan3A = arith.constant 0 : i32
    %scan3A_3 = arith.constant 0 : i32
    %scan3A_4 = arith.constant 80 : i32
    %scan3A_5 = arith.addi %scan3A_3, %scan3A_4 : i32
    %scan3A_6 = arith.constant 1 : i32
    scf.for %scan3A_9 = %scan3A_3 to %scan3A_5 step %scan3A_6  : i32 {
      "tpu.region"() ({
        %run_scoped3A = tpu.sem_alloc : memref<!tpu.dma_semaphore, #tpu.memory_space<semaphore_mem>>
        %dma_start3A = arith.constant 0 : i32
        %dma_start3A_10 = tpu.memref_slice %arg6[%scan3A_9, %dma_start3A] : memref<82x128xi32, #tpu.memory_space<vmem>> -> memref<1x128xi32, #tpu.memory_space<vmem>>
        %dma_start3A_11 = tpu.memref_squeeze %dma_start3A_10 : memref<1x128xi32, #tpu.memory_space<vmem>> -> memref<128xi32, #tpu.memory_space<vmem>>
        %dma_start3A_12 = arith.constant 0 : i32
        %dma_start3A_13 = arith.constant 0 : i32
        %dma_start3A_14 = tpu.memref_slice %arg8[%dma_start3A_12, %dma_start3A_13] : memref<10240x128xf32, #tpu.memory_space<vmem_shared>> -> memref<10240x128xf32, #tpu.memory_space<vmem_shared>>
        tpu.enqueue_indirect_dma source(%arg7 : memref<128x128xf32, #tpu.memory_space<vmem>>) target(%dma_start3A_14 : memref<10240x128xf32, #tpu.memory_space<vmem_shared>>) offsets(%dma_start3A_11 : memref<128xi32, #tpu.memory_space<vmem>>) semaphore(%run_scoped3A : memref<!tpu.dma_semaphore, #tpu.memory_space<semaphore_mem>>) {add = true}
        %dma_wait3A = arith.constant 0 : i32
        %dma_wait3A_15 = tpu.memref_slice %arg6[%scan3A_9, %dma_wait3A] : memref<82x128xi32, #tpu.memory_space<vmem>> -> memref<1x128xi32, #tpu.memory_space<vmem>>
        %dma_wait3A_16 = tpu.memref_squeeze %dma_wait3A_15 : memref<1x128xi32, #tpu.memory_space<vmem>> -> memref<128xi32, #tpu.memory_space<vmem>>
        %dma_wait3A_17 = arith.constant 0 : i32
        %dma_wait3A_18 = arith.constant 0 : i32
        %dma_wait3A_19 = tpu.memref_slice %arg8[%dma_wait3A_17, %dma_wait3A_18] : memref<10240x128xf32, #tpu.memory_space<vmem_shared>> -> memref<10240x128xf32, #tpu.memory_space<vmem_shared>>
        tpu.wait_indirect_dma semaphore(%run_scoped3A : memref<!tpu.dma_semaphore, #tpu.memory_space<semaphore_mem>>) src(%arg7 : memref<128x128xf32, #tpu.memory_space<vmem>>) dst(%dma_wait3A_19 : memref<10240x128xf32, #tpu.memory_space<vmem_shared>>)
        tpu.yield
      }) : () -> ()
    }
    %scan3A_7 = arith.constant 80 : i32
    %barrier3A_8 = arith.constant 0 : index
    tpu.barrier barrier_id(%barrier3A_8)
    "tpu.region"() ({
      %run_scoped3A = tpu.sem_alloc : memref<!tpu.dma_semaphore, #tpu.memory_space<semaphore_mem>>
      %dma_start3A = arith.constant 0 : i32
      %dma_start3A_9 = tpu.memref_slice %arg5[%arg0, %mul3A_2, %dma_start3A] : memref<2x10240x128xf32, #tpu.memory_space<hbm>> -> memref<1x640x128xf32, #tpu.memory_space<hbm>>
      %dma_start3A_10 = tpu.memref_squeeze %dma_start3A_9 : memref<1x640x128xf32, #tpu.memory_space<hbm>> -> memref<640x128xf32, #tpu.memory_space<hbm>>
      %dma_start3A_11 = arith.constant 0 : i32
      %dma_start3A_12 = tpu.memref_slice %arg8[%mul3A_2, %dma_start3A_11] : memref<10240x128xf32, #tpu.memory_space<vmem_shared>> -> memref<640x128xf32, #tpu.memory_space<vmem_shared>>
      tpu.enqueue_dma source(%dma_start3A_12 : memref<640x128xf32, #tpu.memory_space<vmem_shared>>) target(%dma_start3A_10 : memref<640x128xf32, #tpu.memory_space<hbm>>) target_semaphore(%run_scoped3A : memref<!tpu.dma_semaphore, #tpu.memory_space<semaphore_mem>>)
      %dma_wait3A = arith.constant 0 : i32
      %dma_wait3A_13 = tpu.memref_slice %arg5[%arg0, %mul3A_2, %dma_wait3A] : memref<2x10240x128xf32, #tpu.memory_space<hbm>> -> memref<1x640x128xf32, #tpu.memory_space<hbm>>
      %dma_wait3A_14 = tpu.memref_squeeze %dma_wait3A_13 : memref<1x640x128xf32, #tpu.memory_space<hbm>> -> memref<640x128xf32, #tpu.memory_space<hbm>>
      %dma_wait3A_15 = arith.constant 0 : i32
      %dma_wait3A_16 = tpu.memref_slice %arg8[%mul3A_2, %dma_wait3A_15] : memref<10240x128xf32, #tpu.memory_space<vmem_shared>> -> memref<640x128xf32, #tpu.memory_space<vmem_shared>>
      tpu.wait_dma2 semaphore(%run_scoped3A : memref<!tpu.dma_semaphore, #tpu.memory_space<semaphore_mem>>) src(%dma_wait3A_16 : memref<640x128xf32, #tpu.memory_space<vmem_shared>>) dst(%dma_wait3A_14 : memref<640x128xf32, #tpu.memory_space<hbm>>)
      tpu.yield
    }) : () -> ()
    return
  }
}

#map = affine_map<(d0, d1) -> (0, 0)>
#map1 = affine_map<(d0, d1) -> (0, 0, 0)>
module attributes {stable_mosaic.version = 14 : i64} {
  func.func @_scat_body(%arg0: i32, %arg1: i32, %arg2: memref<10240x128xf32, #tpu.memory_space<hbm>>, %arg3: memref<32x82x128xi32, #tpu.memory_space<hbm>>, %arg4: memref<32x82x128xi32, #tpu.memory_space<hbm>>, %arg5: memref<10240x128xf32, #tpu.memory_space<hbm>>, %arg6: memref<2x10240x128xf32, #tpu.memory_space<hbm>>, %arg7: memref<82x128xi32, #tpu.memory_space<vmem>>, %arg8: memref<40x128xi32, #tpu.memory_space<vmem>>, %arg9: memref<128x128xf32, #tpu.memory_space<vmem>>, %arg10: memref<128x128xf32, #tpu.memory_space<vmem>>, %arg11: memref<10240x128xf32, #tpu.memory_space<vmem_shared>>, %arg12: memref<!tpu.dma_semaphore, #tpu.memory_space<semaphore_mem>>, %arg13: memref<!tpu.dma_semaphore, #tpu.memory_space<semaphore_mem>>) attributes {dimension_semantics = [#tpu.dimension_semantics<core_parallel>, #tpu.dimension_semantics<subcore_parallel>], iteration_bounds = array<i64: 2, 16>, scalar_prefetch = 0 : i64, scratch_operands = 7 : i64, tpu.core_type = #tpu.core_type<sc_vector_subcore>, window_params = [{transform_indices = #map}, {transform_indices = #map1}, {transform_indices = #map1}, {transform_indices = #map}, {transform_indices = #map1}]} {
    %mul3A = arith.constant 2 : i32
    %mul3A_0 = arith.muli %arg1, %mul3A : i32
    %add3A = arith.addi %mul3A_0, %arg0 : i32
    %mul3A_1 = arith.constant 640 : i32
    %mul3A_2 = arith.muli %arg1, %mul3A_1 : i32
    "tpu.region"() ({
      %run_scoped3A = tpu.sem_alloc : memref<!tpu.dma_semaphore, #tpu.memory_space<semaphore_mem>>
      %dma_start3A_20 = arith.constant 0 : i32
      %dma_start3A_21 = tpu.memref_slice %arg11[%mul3A_2, %dma_start3A_20] : memref<10240x128xf32, #tpu.memory_space<vmem_shared>> -> memref<640x128xf32, #tpu.memory_space<vmem_shared>>
      %dma_start3A_22 = arith.constant 0 : i32
      %dma_start3A_23 = tpu.memref_slice %arg5[%mul3A_2, %dma_start3A_22] : memref<10240x128xf32, #tpu.memory_space<hbm>> -> memref<640x128xf32, #tpu.memory_space<hbm>>
      tpu.enqueue_dma source(%dma_start3A_23 : memref<640x128xf32, #tpu.memory_space<hbm>>) target(%dma_start3A_21 : memref<640x128xf32, #tpu.memory_space<vmem_shared>>) target_semaphore(%run_scoped3A : memref<!tpu.dma_semaphore, #tpu.memory_space<semaphore_mem>>)
      %dma_wait3A_24 = arith.constant 0 : i32
      %dma_wait3A_25 = tpu.memref_slice %arg11[%mul3A_2, %dma_wait3A_24] : memref<10240x128xf32, #tpu.memory_space<vmem_shared>> -> memref<640x128xf32, #tpu.memory_space<vmem_shared>>
      %dma_wait3A_26 = arith.constant 0 : i32
      %dma_wait3A_27 = tpu.memref_slice %arg5[%mul3A_2, %dma_wait3A_26] : memref<10240x128xf32, #tpu.memory_space<hbm>> -> memref<640x128xf32, #tpu.memory_space<hbm>>
      tpu.wait_dma2 semaphore(%run_scoped3A : memref<!tpu.dma_semaphore, #tpu.memory_space<semaphore_mem>>) src(%dma_wait3A_27 : memref<640x128xf32, #tpu.memory_space<hbm>>) dst(%dma_wait3A_25 : memref<640x128xf32, #tpu.memory_space<vmem_shared>>)
      tpu.yield
    }) : () -> ()
    "tpu.region"() ({
      %run_scoped3A = tpu.sem_alloc : memref<!tpu.dma_semaphore, #tpu.memory_space<semaphore_mem>>
      %dma_start3A_20 = arith.constant 0 : i32
      %dma_start3A_21 = arith.constant 0 : i32
      %dma_start3A_22 = tpu.memref_slice %arg3[%add3A, %dma_start3A_20, %dma_start3A_21] : memref<32x82x128xi32, #tpu.memory_space<hbm>> -> memref<1x82x128xi32, #tpu.memory_space<hbm>>
      %dma_start3A_23 = tpu.memref_squeeze %dma_start3A_22 : memref<1x82x128xi32, #tpu.memory_space<hbm>> -> memref<82x128xi32, #tpu.memory_space<hbm>>
      %dma_start3A_24 = arith.constant 0 : i32
      %dma_start3A_25 = arith.constant 0 : i32
      %dma_start3A_26 = tpu.memref_slice %arg3[%add3A, %dma_start3A_24, %dma_start3A_25] : memref<32x82x128xi32, #tpu.memory_space<hbm>> -> memref<1x82x128xi32, #tpu.memory_space<hbm>>
      %dma_start3A_27 = tpu.memref_squeeze %dma_start3A_26 : memref<1x82x128xi32, #tpu.memory_space<hbm>> -> memref<82x128xi32, #tpu.memory_space<hbm>>
      tpu.enqueue_dma source(%dma_start3A_27 : memref<82x128xi32, #tpu.memory_space<hbm>>) target(%arg7 : memref<82x128xi32, #tpu.memory_space<vmem>>) target_semaphore(%run_scoped3A : memref<!tpu.dma_semaphore, #tpu.memory_space<semaphore_mem>>)
      %dma_wait3A_28 = arith.constant 0 : i32
      %dma_wait3A_29 = arith.constant 0 : i32
      %dma_wait3A_30 = tpu.memref_slice %arg3[%add3A, %dma_wait3A_28, %dma_wait3A_29] : memref<32x82x128xi32, #tpu.memory_space<hbm>> -> memref<1x82x128xi32, #tpu.memory_space<hbm>>
      %dma_wait3A_31 = tpu.memref_squeeze %dma_wait3A_30 : memref<1x82x128xi32, #tpu.memory_space<hbm>> -> memref<82x128xi32, #tpu.memory_space<hbm>>
      %dma_wait3A_32 = arith.constant 0 : i32
      %dma_wait3A_33 = arith.constant 0 : i32
      %dma_wait3A_34 = tpu.memref_slice %arg3[%add3A, %dma_wait3A_32, %dma_wait3A_33] : memref<32x82x128xi32, #tpu.memory_space<hbm>> -> memref<1x82x128xi32, #tpu.memory_space<hbm>>
      %dma_wait3A_35 = tpu.memref_squeeze %dma_wait3A_34 : memref<1x82x128xi32, #tpu.memory_space<hbm>> -> memref<82x128xi32, #tpu.memory_space<hbm>>
      tpu.wait_dma2 semaphore(%run_scoped3A : memref<!tpu.dma_semaphore, #tpu.memory_space<semaphore_mem>>) src(%dma_wait3A_35 : memref<82x128xi32, #tpu.memory_space<hbm>>) dst(%arg7 : memref<82x128xi32, #tpu.memory_space<vmem>>)
      tpu.yield
    }) : () -> ()
    %barrier3A = arith.constant 0 : index
    tpu.barrier barrier_id(%barrier3A)
    %dma_start3A = arith.constant 0 : i32
    %dma_start3A_3 = arith.constant 0 : i32
    %dma_start3A_4 = tpu.memref_slice %arg7[%dma_start3A, %dma_start3A_3] : memref<82x128xi32, #tpu.memory_space<vmem>> -> memref<1x128xi32, #tpu.memory_space<vmem>>
    %dma_start3A_5 = tpu.memref_squeeze %dma_start3A_4 : memref<1x128xi32, #tpu.memory_space<vmem>> -> memref<128xi32, #tpu.memory_space<vmem>>
    %dma_start3A_6 = arith.constant 0 : i32
    %dma_start3A_7 = arith.constant 0 : i32
    %dma_start3A_8 = tpu.memref_slice %arg2[%dma_start3A_6, %dma_start3A_7] : memref<10240x128xf32, #tpu.memory_space<hbm>> -> memref<10240x128xf32, #tpu.memory_space<hbm>>
    tpu.enqueue_indirect_dma source(%dma_start3A_8 : memref<10240x128xf32, #tpu.memory_space<hbm>>) target(%arg9 : memref<128x128xf32, #tpu.memory_space<vmem>>) offsets(%dma_start3A_5 : memref<128xi32, #tpu.memory_space<vmem>>) semaphore(%arg12 : memref<!tpu.dma_semaphore, #tpu.memory_space<semaphore_mem>>)
    %scan3A = arith.constant 0 : i32
    %scan3A_9 = arith.constant 0 : i32
    %scan3A_10 = arith.constant 2 : i32
    %scan3A_11 = arith.addi %scan3A_9, %scan3A_10 : i32
    %scan3A_12 = arith.constant 1 : i32
    scf.for %scan3A_20 = %scan3A_9 to %scan3A_11 step %scan3A_12  : i32 {
      %mul3A_21 = arith.constant 40 : i32
      %mul3A_22 = arith.muli %scan3A_20, %mul3A_21 : i32
      "tpu.region"() ({
        %run_scoped3A = tpu.sem_alloc : memref<!tpu.dma_semaphore, #tpu.memory_space<semaphore_mem>>
        %dma_start3A_29 = arith.constant 0 : i32
        %dma_start3A_30 = tpu.memref_slice %arg4[%add3A, %mul3A_22, %dma_start3A_29] : memref<32x82x128xi32, #tpu.memory_space<hbm>> -> memref<1x40x128xi32, #tpu.memory_space<hbm>>
        %dma_start3A_31 = tpu.memref_squeeze %dma_start3A_30 : memref<1x40x128xi32, #tpu.memory_space<hbm>> -> memref<40x128xi32, #tpu.memory_space<hbm>>
        %dma_start3A_32 = arith.constant 0 : i32
        %dma_start3A_33 = tpu.memref_slice %arg4[%add3A, %mul3A_22, %dma_start3A_32] : memref<32x82x128xi32, #tpu.memory_space<hbm>> -> memref<1x40x128xi32, #tpu.memory_space<hbm>>
        %dma_start3A_34 = tpu.memref_squeeze %dma_start3A_33 : memref<1x40x128xi32, #tpu.memory_space<hbm>> -> memref<40x128xi32, #tpu.memory_space<hbm>>
        tpu.enqueue_dma source(%dma_start3A_34 : memref<40x128xi32, #tpu.memory_space<hbm>>) target(%arg8 : memref<40x128xi32, #tpu.memory_space<vmem>>) target_semaphore(%run_scoped3A : memref<!tpu.dma_semaphore, #tpu.memory_space<semaphore_mem>>)
        %dma_wait3A_35 = arith.constant 0 : i32
        %dma_wait3A_36 = tpu.memref_slice %arg4[%add3A, %mul3A_22, %dma_wait3A_35] : memref<32x82x128xi32, #tpu.memory_space<hbm>> -> memref<1x40x128xi32, #tpu.memory_space<hbm>>
        %dma_wait3A_37 = tpu.memref_squeeze %dma_wait3A_36 : memref<1x40x128xi32, #tpu.memory_space<hbm>> -> memref<40x128xi32, #tpu.memory_space<hbm>>
        %dma_wait3A_38 = arith.constant 0 : i32
        %dma_wait3A_39 = tpu.memref_slice %arg4[%add3A, %mul3A_22, %dma_wait3A_38] : memref<32x82x128xi32, #tpu.memory_space<hbm>> -> memref<1x40x128xi32, #tpu.memory_space<hbm>>
        %dma_wait3A_40 = tpu.memref_squeeze %dma_wait3A_39 : memref<1x40x128xi32, #tpu.memory_space<hbm>> -> memref<40x128xi32, #tpu.memory_space<hbm>>
        tpu.wait_dma2 semaphore(%run_scoped3A : memref<!tpu.dma_semaphore, #tpu.memory_space<semaphore_mem>>) src(%dma_wait3A_40 : memref<40x128xi32, #tpu.memory_space<hbm>>) dst(%arg8 : memref<40x128xi32, #tpu.memory_space<vmem>>)
        tpu.yield
      }) : () -> ()
      %scan3A_23 = arith.constant 0 : i32
      %scan3A_24 = arith.constant 0 : i32
      %scan3A_25 = arith.constant 20 : i32
      %scan3A_26 = arith.addi %scan3A_24, %scan3A_25 : i32
      %scan3A_27 = arith.constant 1 : i32
      scf.for %scan3A_29 = %scan3A_24 to %scan3A_26 step %scan3A_27  : i32 {
        %mul3A_30 = arith.constant 40 : i32
        %mul3A_31 = arith.muli %scan3A_20, %mul3A_30 : i32
        %mul3A_32 = arith.constant 2 : i32
        %mul3A_33 = arith.muli %mul3A_32, %scan3A_29 : i32
        %add3A_34 = arith.addi %mul3A_31, %mul3A_33 : i32
        %add3A_35 = arith.constant 1 : i32
        %add3A_36 = arith.addi %add3A_34, %add3A_35 : i32
        %dma_start3A_37 = arith.constant 0 : i32
        %dma_start3A_38 = tpu.memref_slice %arg7[%add3A_36, %dma_start3A_37] : memref<82x128xi32, #tpu.memory_space<vmem>> -> memref<1x128xi32, #tpu.memory_space<vmem>>
        %dma_start3A_39 = tpu.memref_squeeze %dma_start3A_38 : memref<1x128xi32, #tpu.memory_space<vmem>> -> memref<128xi32, #tpu.memory_space<vmem>>
        %dma_start3A_40 = arith.constant 0 : i32
        %dma_start3A_41 = arith.constant 0 : i32
        %dma_start3A_42 = tpu.memref_slice %arg2[%dma_start3A_40, %dma_start3A_41] : memref<10240x128xf32, #tpu.memory_space<hbm>> -> memref<10240x128xf32, #tpu.memory_space<hbm>>
        tpu.enqueue_indirect_dma source(%dma_start3A_42 : memref<10240x128xf32, #tpu.memory_space<hbm>>) target(%arg10 : memref<128x128xf32, #tpu.memory_space<vmem>>) offsets(%dma_start3A_39 : memref<128xi32, #tpu.memory_space<vmem>>) semaphore(%arg13 : memref<!tpu.dma_semaphore, #tpu.memory_space<semaphore_mem>>)
        %dma_wait3A_43 = arith.constant 0 : i32
        %dma_wait3A_44 = tpu.memref_slice %arg7[%add3A_34, %dma_wait3A_43] : memref<82x128xi32, #tpu.memory_space<vmem>> -> memref<1x128xi32, #tpu.memory_space<vmem>>
        %dma_wait3A_45 = tpu.memref_squeeze %dma_wait3A_44 : memref<1x128xi32, #tpu.memory_space<vmem>> -> memref<128xi32, #tpu.memory_space<vmem>>
        %dma_wait3A_46 = arith.constant 0 : i32
        %dma_wait3A_47 = arith.constant 0 : i32
        %dma_wait3A_48 = tpu.memref_slice %arg2[%dma_wait3A_46, %dma_wait3A_47] : memref<10240x128xf32, #tpu.memory_space<hbm>> -> memref<10240x128xf32, #tpu.memory_space<hbm>>
        tpu.wait_indirect_dma semaphore(%arg12 : memref<!tpu.dma_semaphore, #tpu.memory_space<semaphore_mem>>) src(%dma_wait3A_48 : memref<10240x128xf32, #tpu.memory_space<hbm>>) dst(%arg9 : memref<128x128xf32, #tpu.memory_space<vmem>>)
        %mul3A_49 = arith.constant 2 : i32
        %mul3A_50 = arith.muli %mul3A_49, %scan3A_29 : i32
        "tpu.region"() ({
          %run_scoped3A = tpu.sem_alloc : memref<!tpu.dma_semaphore, #tpu.memory_space<semaphore_mem>>
          %dma_start3A_71 = arith.constant 0 : i32
          %dma_start3A_72 = tpu.memref_slice %arg8[%mul3A_50, %dma_start3A_71] : memref<40x128xi32, #tpu.memory_space<vmem>> -> memref<1x128xi32, #tpu.memory_space<vmem>>
          %dma_start3A_73 = tpu.memref_squeeze %dma_start3A_72 : memref<1x128xi32, #tpu.memory_space<vmem>> -> memref<128xi32, #tpu.memory_space<vmem>>
          %dma_start3A_74 = arith.constant 0 : i32
          %dma_start3A_75 = arith.constant 0 : i32
          %dma_start3A_76 = tpu.memref_slice %arg11[%dma_start3A_74, %dma_start3A_75] : memref<10240x128xf32, #tpu.memory_space<vmem_shared>> -> memref<10240x128xf32, #tpu.memory_space<vmem_shared>>
          tpu.enqueue_indirect_dma source(%arg9 : memref<128x128xf32, #tpu.memory_space<vmem>>) target(%dma_start3A_76 : memref<10240x128xf32, #tpu.memory_space<vmem_shared>>) offsets(%dma_start3A_73 : memref<128xi32, #tpu.memory_space<vmem>>) semaphore(%run_scoped3A : memref<!tpu.dma_semaphore, #tpu.memory_space<semaphore_mem>>) {add = true}
          %dma_wait3A_77 = arith.constant 0 : i32
          %dma_wait3A_78 = tpu.memref_slice %arg8[%mul3A_50, %dma_wait3A_77] : memref<40x128xi32, #tpu.memory_space<vmem>> -> memref<1x128xi32, #tpu.memory_space<vmem>>
          %dma_wait3A_79 = tpu.memref_squeeze %dma_wait3A_78 : memref<1x128xi32, #tpu.memory_space<vmem>> -> memref<128xi32, #tpu.memory_space<vmem>>
          %dma_wait3A_80 = arith.constant 0 : i32
          %dma_wait3A_81 = arith.constant 0 : i32
          %dma_wait3A_82 = tpu.memref_slice %arg11[%dma_wait3A_80, %dma_wait3A_81] : memref<10240x128xf32, #tpu.memory_space<vmem_shared>> -> memref<10240x128xf32, #tpu.memory_space<vmem_shared>>
          tpu.wait_indirect_dma semaphore(%run_scoped3A : memref<!tpu.dma_semaphore, #tpu.memory_space<semaphore_mem>>) src(%arg9 : memref<128x128xf32, #tpu.memory_space<vmem>>) dst(%dma_wait3A_82 : memref<10240x128xf32, #tpu.memory_space<vmem_shared>>)
          tpu.yield
        }) : () -> ()
        %add3A_51 = arith.constant 2 : i32
        %add3A_52 = arith.addi %add3A_34, %add3A_51 : i32
        %dma_start3A_53 = arith.constant 0 : i32
        %dma_start3A_54 = tpu.memref_slice %arg7[%add3A_52, %dma_start3A_53] : memref<82x128xi32, #tpu.memory_space<vmem>> -> memref<1x128xi32, #tpu.memory_space<vmem>>
        %dma_start3A_55 = tpu.memref_squeeze %dma_start3A_54 : memref<1x128xi32, #tpu.memory_space<vmem>> -> memref<128xi32, #tpu.memory_space<vmem>>
        %dma_start3A_56 = arith.constant 0 : i32
        %dma_start3A_57 = arith.constant 0 : i32
        %dma_start3A_58 = tpu.memref_slice %arg2[%dma_start3A_56, %dma_start3A_57] : memref<10240x128xf32, #tpu.memory_space<hbm>> -> memref<10240x128xf32, #tpu.memory_space<hbm>>
        tpu.enqueue_indirect_dma source(%dma_start3A_58 : memref<10240x128xf32, #tpu.memory_space<hbm>>) target(%arg9 : memref<128x128xf32, #tpu.memory_space<vmem>>) offsets(%dma_start3A_55 : memref<128xi32, #tpu.memory_space<vmem>>) semaphore(%arg12 : memref<!tpu.dma_semaphore, #tpu.memory_space<semaphore_mem>>)
        %add3A_59 = arith.constant 1 : i32
        %add3A_60 = arith.addi %add3A_34, %add3A_59 : i32
        %dma_wait3A_61 = arith.constant 0 : i32
        %dma_wait3A_62 = tpu.memref_slice %arg7[%add3A_60, %dma_wait3A_61] : memref<82x128xi32, #tpu.memory_space<vmem>> -> memref<1x128xi32, #tpu.memory_space<vmem>>
        %dma_wait3A_63 = tpu.memref_squeeze %dma_wait3A_62 : memref<1x128xi32, #tpu.memory_space<vmem>> -> memref<128xi32, #tpu.memory_space<vmem>>
        %dma_wait3A_64 = arith.constant 0 : i32
        %dma_wait3A_65 = arith.constant 0 : i32
        %dma_wait3A_66 = tpu.memref_slice %arg2[%dma_wait3A_64, %dma_wait3A_65] : memref<10240x128xf32, #tpu.memory_space<hbm>> -> memref<10240x128xf32, #tpu.memory_space<hbm>>
        tpu.wait_indirect_dma semaphore(%arg13 : memref<!tpu.dma_semaphore, #tpu.memory_space<semaphore_mem>>) src(%dma_wait3A_66 : memref<10240x128xf32, #tpu.memory_space<hbm>>) dst(%arg10 : memref<128x128xf32, #tpu.memory_space<vmem>>)
        %mul3A_67 = arith.constant 2 : i32
        %mul3A_68 = arith.muli %mul3A_67, %scan3A_29 : i32
        %add3A_69 = arith.constant 1 : i32
        %add3A_70 = arith.addi %mul3A_68, %add3A_69 : i32
        "tpu.region"() ({
          %run_scoped3A = tpu.sem_alloc : memref<!tpu.dma_semaphore, #tpu.memory_space<semaphore_mem>>
          %dma_start3A_71 = arith.constant 0 : i32
          %dma_start3A_72 = tpu.memref_slice %arg8[%add3A_70, %dma_start3A_71] : memref<40x128xi32, #tpu.memory_space<vmem>> -> memref<1x128xi32, #tpu.memory_space<vmem>>
          %dma_start3A_73 = tpu.memref_squeeze %dma_start3A_72 : memref<1x128xi32, #tpu.memory_space<vmem>> -> memref<128xi32, #tpu.memory_space<vmem>>
          %dma_start3A_74 = arith.constant 0 : i32
          %dma_start3A_75 = arith.constant 0 : i32
          %dma_start3A_76 = tpu.memref_slice %arg11[%dma_start3A_74, %dma_start3A_75] : memref<10240x128xf32, #tpu.memory_space<vmem_shared>> -> memref<10240x128xf32, #tpu.memory_space<vmem_shared>>
          tpu.enqueue_indirect_dma source(%arg10 : memref<128x128xf32, #tpu.memory_space<vmem>>) target(%dma_start3A_76 : memref<10240x128xf32, #tpu.memory_space<vmem_shared>>) offsets(%dma_start3A_73 : memref<128xi32, #tpu.memory_space<vmem>>) semaphore(%run_scoped3A : memref<!tpu.dma_semaphore, #tpu.memory_space<semaphore_mem>>) {add = true}
          %dma_wait3A_77 = arith.constant 0 : i32
          %dma_wait3A_78 = tpu.memref_slice %arg8[%add3A_70, %dma_wait3A_77] : memref<40x128xi32, #tpu.memory_space<vmem>> -> memref<1x128xi32, #tpu.memory_space<vmem>>
          %dma_wait3A_79 = tpu.memref_squeeze %dma_wait3A_78 : memref<1x128xi32, #tpu.memory_space<vmem>> -> memref<128xi32, #tpu.memory_space<vmem>>
          %dma_wait3A_80 = arith.constant 0 : i32
          %dma_wait3A_81 = arith.constant 0 : i32
          %dma_wait3A_82 = tpu.memref_slice %arg11[%dma_wait3A_80, %dma_wait3A_81] : memref<10240x128xf32, #tpu.memory_space<vmem_shared>> -> memref<10240x128xf32, #tpu.memory_space<vmem_shared>>
          tpu.wait_indirect_dma semaphore(%run_scoped3A : memref<!tpu.dma_semaphore, #tpu.memory_space<semaphore_mem>>) src(%arg10 : memref<128x128xf32, #tpu.memory_space<vmem>>) dst(%dma_wait3A_82 : memref<10240x128xf32, #tpu.memory_space<vmem_shared>>)
          tpu.yield
        }) : () -> ()
      }
      %scan3A_28 = arith.constant 20 : i32
    }
    %scan3A_13 = arith.constant 2 : i32
    %dma_wait3A = arith.constant 0 : i32
    %dma_wait3A_14 = arith.constant 0 : i32
    %dma_wait3A_15 = tpu.memref_slice %arg2[%dma_wait3A, %dma_wait3A_14] : memref<10240x128xf32, #tpu.memory_space<hbm>> -> memref<128x128xf32, #tpu.memory_space<hbm>>
    %dma_wait3A_16 = arith.constant 0 : i32
    %dma_wait3A_17 = arith.constant 0 : i32
    %dma_wait3A_18 = tpu.memref_slice %arg2[%dma_wait3A_16, %dma_wait3A_17] : memref<10240x128xf32, #tpu.memory_space<hbm>> -> memref<128x128xf32, #tpu.memory_space<hbm>>
    tpu.wait_dma2 semaphore(%arg12 : memref<!tpu.dma_semaphore, #tpu.memory_space<semaphore_mem>>) src(%dma_wait3A_18 : memref<128x128xf32, #tpu.memory_space<hbm>>) dst(%arg9 : memref<128x128xf32, #tpu.memory_space<vmem>>)
    %barrier3A_19 = arith.constant 0 : index
    tpu.barrier barrier_id(%barrier3A_19)
    "tpu.region"() ({
      %run_scoped3A = tpu.sem_alloc : memref<!tpu.dma_semaphore, #tpu.memory_space<semaphore_mem>>
      %dma_start3A_20 = arith.constant 0 : i32
      %dma_start3A_21 = tpu.memref_slice %arg6[%arg0, %mul3A_2, %dma_start3A_20] : memref<2x10240x128xf32, #tpu.memory_space<hbm>> -> memref<1x640x128xf32, #tpu.memory_space<hbm>>
      %dma_start3A_22 = tpu.memref_squeeze %dma_start3A_21 : memref<1x640x128xf32, #tpu.memory_space<hbm>> -> memref<640x128xf32, #tpu.memory_space<hbm>>
      %dma_start3A_23 = arith.constant 0 : i32
      %dma_start3A_24 = tpu.memref_slice %arg11[%mul3A_2, %dma_start3A_23] : memref<10240x128xf32, #tpu.memory_space<vmem_shared>> -> memref<640x128xf32, #tpu.memory_space<vmem_shared>>
      tpu.enqueue_dma source(%dma_start3A_24 : memref<640x128xf32, #tpu.memory_space<vmem_shared>>) target(%dma_start3A_22 : memref<640x128xf32, #tpu.memory_space<hbm>>) target_semaphore(%run_scoped3A : memref<!tpu.dma_semaphore, #tpu.memory_space<semaphore_mem>>)
      %dma_wait3A_25 = arith.constant 0 : i32
      %dma_wait3A_26 = tpu.memref_slice %arg6[%arg0, %mul3A_2, %dma_wait3A_25] : memref<2x10240x128xf32, #tpu.memory_space<hbm>> -> memref<1x640x128xf32, #tpu.memory_space<hbm>>
      %dma_wait3A_27 = tpu.memref_squeeze %dma_wait3A_26 : memref<1x640x128xf32, #tpu.memory_space<hbm>> -> memref<640x128xf32, #tpu.memory_space<hbm>>
      %dma_wait3A_28 = arith.constant 0 : i32
      %dma_wait3A_29 = tpu.memref_slice %arg11[%mul3A_2, %dma_wait3A_28] : memref<10240x128xf32, #tpu.memory_space<vmem_shared>> -> memref<640x128xf32, #tpu.memory_space<vmem_shared>>
      tpu.wait_dma2 semaphore(%run_scoped3A : memref<!tpu.dma_semaphore, #tpu.memory_space<semaphore_mem>>) src(%dma_wait3A_29 : memref<640x128xf32, #tpu.memory_space<vmem_shared>>) dst(%dma_wait3A_27 : memref<640x128xf32, #tpu.memory_space<hbm>>)
      tpu.yield
    }) : () -> ()
    return
  }
}

#map = affine_map<(d0, d1) -> (0, 0)>
#map1 = affine_map<(d0, d1) -> (0, 0, 0)>
module attributes {stable_mosaic.version = 14 : i64} {
  func.func @_scat_body(%arg0: i32, %arg1: i32, %arg2: memref<10240x128xf32, #tpu.memory_space<hbm>>, %arg3: memref<32x82x128xi32, #tpu.memory_space<hbm>>, %arg4: memref<32x82x128xi32, #tpu.memory_space<hbm>>, %arg5: memref<10240x128xf32, #tpu.memory_space<hbm>>, %arg6: memref<2x10240x128xf32, #tpu.memory_space<hbm>>, %arg7: memref<82x128xi32, #tpu.memory_space<vmem>>, %arg8: memref<40x128xi32, #tpu.memory_space<vmem>>, %arg9: memref<128x128xf32, #tpu.memory_space<vmem>>, %arg10: memref<128x128xf32, #tpu.memory_space<vmem>>, %arg11: memref<10240x128xf32, #tpu.memory_space<vmem_shared>>, %arg12: memref<!tpu.dma_semaphore, #tpu.memory_space<semaphore_mem>>, %arg13: memref<!tpu.dma_semaphore, #tpu.memory_space<semaphore_mem>>) attributes {dimension_semantics = [#tpu.dimension_semantics<core_parallel>, #tpu.dimension_semantics<subcore_parallel>], iteration_bounds = array<i64: 2, 16>, scalar_prefetch = 0 : i64, scratch_operands = 7 : i64, tpu.core_type = #tpu.core_type<sc_vector_subcore>, window_params = [{transform_indices = #map}, {transform_indices = #map1}, {transform_indices = #map1}, {transform_indices = #map}, {transform_indices = #map1}]} {
    %mul3A = arith.constant 2 : i32
    %mul3A_0 = arith.muli %arg1, %mul3A : i32
    %add3A = arith.addi %mul3A_0, %arg0 : i32
    %mul3A_1 = arith.constant 640 : i32
    %mul3A_2 = arith.muli %arg1, %mul3A_1 : i32
    "tpu.region"() ({
      %run_scoped3A = tpu.sem_alloc : memref<!tpu.dma_semaphore, #tpu.memory_space<semaphore_mem>>
      %dma_start3A_20 = arith.constant 0 : i32
      %dma_start3A_21 = tpu.memref_slice %arg11[%mul3A_2, %dma_start3A_20] : memref<10240x128xf32, #tpu.memory_space<vmem_shared>> -> memref<640x128xf32, #tpu.memory_space<vmem_shared>>
      %dma_start3A_22 = arith.constant 0 : i32
      %dma_start3A_23 = tpu.memref_slice %arg5[%mul3A_2, %dma_start3A_22] : memref<10240x128xf32, #tpu.memory_space<hbm>> -> memref<640x128xf32, #tpu.memory_space<hbm>>
      tpu.enqueue_dma source(%dma_start3A_23 : memref<640x128xf32, #tpu.memory_space<hbm>>) target(%dma_start3A_21 : memref<640x128xf32, #tpu.memory_space<vmem_shared>>) target_semaphore(%run_scoped3A : memref<!tpu.dma_semaphore, #tpu.memory_space<semaphore_mem>>)
      %dma_wait3A_24 = arith.constant 0 : i32
      %dma_wait3A_25 = tpu.memref_slice %arg11[%mul3A_2, %dma_wait3A_24] : memref<10240x128xf32, #tpu.memory_space<vmem_shared>> -> memref<640x128xf32, #tpu.memory_space<vmem_shared>>
      %dma_wait3A_26 = arith.constant 0 : i32
      %dma_wait3A_27 = tpu.memref_slice %arg5[%mul3A_2, %dma_wait3A_26] : memref<10240x128xf32, #tpu.memory_space<hbm>> -> memref<640x128xf32, #tpu.memory_space<hbm>>
      tpu.wait_dma2 semaphore(%run_scoped3A : memref<!tpu.dma_semaphore, #tpu.memory_space<semaphore_mem>>) src(%dma_wait3A_27 : memref<640x128xf32, #tpu.memory_space<hbm>>) dst(%dma_wait3A_25 : memref<640x128xf32, #tpu.memory_space<vmem_shared>>)
      tpu.yield
    }) : () -> ()
    "tpu.region"() ({
      %run_scoped3A = tpu.sem_alloc : memref<!tpu.dma_semaphore, #tpu.memory_space<semaphore_mem>>
      %dma_start3A_20 = arith.constant 0 : i32
      %dma_start3A_21 = arith.constant 0 : i32
      %dma_start3A_22 = tpu.memref_slice %arg3[%add3A, %dma_start3A_20, %dma_start3A_21] : memref<32x82x128xi32, #tpu.memory_space<hbm>> -> memref<1x82x128xi32, #tpu.memory_space<hbm>>
      %dma_start3A_23 = tpu.memref_squeeze %dma_start3A_22 : memref<1x82x128xi32, #tpu.memory_space<hbm>> -> memref<82x128xi32, #tpu.memory_space<hbm>>
      %dma_start3A_24 = arith.constant 0 : i32
      %dma_start3A_25 = arith.constant 0 : i32
      %dma_start3A_26 = tpu.memref_slice %arg3[%add3A, %dma_start3A_24, %dma_start3A_25] : memref<32x82x128xi32, #tpu.memory_space<hbm>> -> memref<1x82x128xi32, #tpu.memory_space<hbm>>
      %dma_start3A_27 = tpu.memref_squeeze %dma_start3A_26 : memref<1x82x128xi32, #tpu.memory_space<hbm>> -> memref<82x128xi32, #tpu.memory_space<hbm>>
      tpu.enqueue_dma source(%dma_start3A_27 : memref<82x128xi32, #tpu.memory_space<hbm>>) target(%arg7 : memref<82x128xi32, #tpu.memory_space<vmem>>) target_semaphore(%run_scoped3A : memref<!tpu.dma_semaphore, #tpu.memory_space<semaphore_mem>>)
      %dma_wait3A_28 = arith.constant 0 : i32
      %dma_wait3A_29 = arith.constant 0 : i32
      %dma_wait3A_30 = tpu.memref_slice %arg3[%add3A, %dma_wait3A_28, %dma_wait3A_29] : memref<32x82x128xi32, #tpu.memory_space<hbm>> -> memref<1x82x128xi32, #tpu.memory_space<hbm>>
      %dma_wait3A_31 = tpu.memref_squeeze %dma_wait3A_30 : memref<1x82x128xi32, #tpu.memory_space<hbm>> -> memref<82x128xi32, #tpu.memory_space<hbm>>
      %dma_wait3A_32 = arith.constant 0 : i32
      %dma_wait3A_33 = arith.constant 0 : i32
      %dma_wait3A_34 = tpu.memref_slice %arg3[%add3A, %dma_wait3A_32, %dma_wait3A_33] : memref<32x82x128xi32, #tpu.memory_space<hbm>> -> memref<1x82x128xi32, #tpu.memory_space<hbm>>
      %dma_wait3A_35 = tpu.memref_squeeze %dma_wait3A_34 : memref<1x82x128xi32, #tpu.memory_space<hbm>> -> memref<82x128xi32, #tpu.memory_space<hbm>>
      tpu.wait_dma2 semaphore(%run_scoped3A : memref<!tpu.dma_semaphore, #tpu.memory_space<semaphore_mem>>) src(%dma_wait3A_35 : memref<82x128xi32, #tpu.memory_space<hbm>>) dst(%arg7 : memref<82x128xi32, #tpu.memory_space<vmem>>)
      tpu.yield
    }) : () -> ()
    %barrier3A = arith.constant 0 : index
    tpu.barrier barrier_id(%barrier3A)
    %dma_start3A = arith.constant 0 : i32
    %dma_start3A_3 = arith.constant 0 : i32
    %dma_start3A_4 = tpu.memref_slice %arg7[%dma_start3A, %dma_start3A_3] : memref<82x128xi32, #tpu.memory_space<vmem>> -> memref<1x128xi32, #tpu.memory_space<vmem>>
    %dma_start3A_5 = tpu.memref_squeeze %dma_start3A_4 : memref<1x128xi32, #tpu.memory_space<vmem>> -> memref<128xi32, #tpu.memory_space<vmem>>
    %dma_start3A_6 = arith.constant 0 : i32
    %dma_start3A_7 = arith.constant 0 : i32
    %dma_start3A_8 = tpu.memref_slice %arg2[%dma_start3A_6, %dma_start3A_7] : memref<10240x128xf32, #tpu.memory_space<hbm>> -> memref<10240x128xf32, #tpu.memory_space<hbm>>
    tpu.enqueue_indirect_dma source(%dma_start3A_8 : memref<10240x128xf32, #tpu.memory_space<hbm>>) target(%arg9 : memref<128x128xf32, #tpu.memory_space<vmem>>) offsets(%dma_start3A_5 : memref<128xi32, #tpu.memory_space<vmem>>) semaphore(%arg12 : memref<!tpu.dma_semaphore, #tpu.memory_space<semaphore_mem>>)
    %scan3A = arith.constant 0 : i32
    %scan3A_9 = arith.constant 0 : i32
    %scan3A_10 = arith.constant 2 : i32
    %scan3A_11 = arith.addi %scan3A_9, %scan3A_10 : i32
    %scan3A_12 = arith.constant 1 : i32
    scf.for %scan3A_20 = %scan3A_9 to %scan3A_11 step %scan3A_12  : i32 {
      %mul3A_21 = arith.constant 40 : i32
      %mul3A_22 = arith.muli %scan3A_20, %mul3A_21 : i32
      "tpu.region"() ({
        %run_scoped3A = tpu.sem_alloc : memref<!tpu.dma_semaphore, #tpu.memory_space<semaphore_mem>>
        %dma_start3A_29 = arith.constant 0 : i32
        %dma_start3A_30 = tpu.memref_slice %arg4[%add3A, %mul3A_22, %dma_start3A_29] : memref<32x82x128xi32, #tpu.memory_space<hbm>> -> memref<1x40x128xi32, #tpu.memory_space<hbm>>
        %dma_start3A_31 = tpu.memref_squeeze %dma_start3A_30 : memref<1x40x128xi32, #tpu.memory_space<hbm>> -> memref<40x128xi32, #tpu.memory_space<hbm>>
        %dma_start3A_32 = arith.constant 0 : i32
        %dma_start3A_33 = tpu.memref_slice %arg4[%add3A, %mul3A_22, %dma_start3A_32] : memref<32x82x128xi32, #tpu.memory_space<hbm>> -> memref<1x40x128xi32, #tpu.memory_space<hbm>>
        %dma_start3A_34 = tpu.memref_squeeze %dma_start3A_33 : memref<1x40x128xi32, #tpu.memory_space<hbm>> -> memref<40x128xi32, #tpu.memory_space<hbm>>
        tpu.enqueue_dma source(%dma_start3A_34 : memref<40x128xi32, #tpu.memory_space<hbm>>) target(%arg8 : memref<40x128xi32, #tpu.memory_space<vmem>>) target_semaphore(%run_scoped3A : memref<!tpu.dma_semaphore, #tpu.memory_space<semaphore_mem>>)
        %dma_wait3A_35 = arith.constant 0 : i32
        %dma_wait3A_36 = tpu.memref_slice %arg4[%add3A, %mul3A_22, %dma_wait3A_35] : memref<32x82x128xi32, #tpu.memory_space<hbm>> -> memref<1x40x128xi32, #tpu.memory_space<hbm>>
        %dma_wait3A_37 = tpu.memref_squeeze %dma_wait3A_36 : memref<1x40x128xi32, #tpu.memory_space<hbm>> -> memref<40x128xi32, #tpu.memory_space<hbm>>
        %dma_wait3A_38 = arith.constant 0 : i32
        %dma_wait3A_39 = tpu.memref_slice %arg4[%add3A, %mul3A_22, %dma_wait3A_38] : memref<32x82x128xi32, #tpu.memory_space<hbm>> -> memref<1x40x128xi32, #tpu.memory_space<hbm>>
        %dma_wait3A_40 = tpu.memref_squeeze %dma_wait3A_39 : memref<1x40x128xi32, #tpu.memory_space<hbm>> -> memref<40x128xi32, #tpu.memory_space<hbm>>
        tpu.wait_dma2 semaphore(%run_scoped3A : memref<!tpu.dma_semaphore, #tpu.memory_space<semaphore_mem>>) src(%dma_wait3A_40 : memref<40x128xi32, #tpu.memory_space<hbm>>) dst(%arg8 : memref<40x128xi32, #tpu.memory_space<vmem>>)
        tpu.yield
      }) : () -> ()
      %scan3A_23 = arith.constant 0 : i32
      %scan3A_24 = arith.constant 0 : i32
      %scan3A_25 = arith.constant 20 : i32
      %scan3A_26 = arith.addi %scan3A_24, %scan3A_25 : i32
      %scan3A_27 = arith.constant 1 : i32
      scf.for %scan3A_29 = %scan3A_24 to %scan3A_26 step %scan3A_27  : i32 {
        %mul3A_30 = arith.constant 40 : i32
        %mul3A_31 = arith.muli %scan3A_20, %mul3A_30 : i32
        %mul3A_32 = arith.constant 2 : i32
        %mul3A_33 = arith.muli %mul3A_32, %scan3A_29 : i32
        %add3A_34 = arith.addi %mul3A_31, %mul3A_33 : i32
        %add3A_35 = arith.constant 1 : i32
        %add3A_36 = arith.addi %add3A_34, %add3A_35 : i32
        %dma_start3A_37 = arith.constant 0 : i32
        %dma_start3A_38 = tpu.memref_slice %arg7[%add3A_36, %dma_start3A_37] : memref<82x128xi32, #tpu.memory_space<vmem>> -> memref<1x128xi32, #tpu.memory_space<vmem>>
        %dma_start3A_39 = tpu.memref_squeeze %dma_start3A_38 : memref<1x128xi32, #tpu.memory_space<vmem>> -> memref<128xi32, #tpu.memory_space<vmem>>
        %dma_start3A_40 = arith.constant 0 : i32
        %dma_start3A_41 = arith.constant 0 : i32
        %dma_start3A_42 = tpu.memref_slice %arg2[%dma_start3A_40, %dma_start3A_41] : memref<10240x128xf32, #tpu.memory_space<hbm>> -> memref<10240x128xf32, #tpu.memory_space<hbm>>
        tpu.enqueue_indirect_dma source(%dma_start3A_42 : memref<10240x128xf32, #tpu.memory_space<hbm>>) target(%arg10 : memref<128x128xf32, #tpu.memory_space<vmem>>) offsets(%dma_start3A_39 : memref<128xi32, #tpu.memory_space<vmem>>) semaphore(%arg13 : memref<!tpu.dma_semaphore, #tpu.memory_space<semaphore_mem>>)
        %dma_wait3A_43 = arith.constant 0 : i32
        %dma_wait3A_44 = tpu.memref_slice %arg7[%add3A_34, %dma_wait3A_43] : memref<82x128xi32, #tpu.memory_space<vmem>> -> memref<1x128xi32, #tpu.memory_space<vmem>>
        %dma_wait3A_45 = tpu.memref_squeeze %dma_wait3A_44 : memref<1x128xi32, #tpu.memory_space<vmem>> -> memref<128xi32, #tpu.memory_space<vmem>>
        %dma_wait3A_46 = arith.constant 0 : i32
        %dma_wait3A_47 = arith.constant 0 : i32
        %dma_wait3A_48 = tpu.memref_slice %arg2[%dma_wait3A_46, %dma_wait3A_47] : memref<10240x128xf32, #tpu.memory_space<hbm>> -> memref<10240x128xf32, #tpu.memory_space<hbm>>
        tpu.wait_indirect_dma semaphore(%arg12 : memref<!tpu.dma_semaphore, #tpu.memory_space<semaphore_mem>>) src(%dma_wait3A_48 : memref<10240x128xf32, #tpu.memory_space<hbm>>) dst(%arg9 : memref<128x128xf32, #tpu.memory_space<vmem>>)
        %mul3A_49 = arith.constant 2 : i32
        %mul3A_50 = arith.muli %mul3A_49, %scan3A_29 : i32
        "tpu.region"() ({
          %run_scoped3A = tpu.sem_alloc : memref<!tpu.dma_semaphore, #tpu.memory_space<semaphore_mem>>
          %dma_start3A_71 = arith.constant 0 : i32
          %dma_start3A_72 = tpu.memref_slice %arg8[%mul3A_50, %dma_start3A_71] : memref<40x128xi32, #tpu.memory_space<vmem>> -> memref<1x128xi32, #tpu.memory_space<vmem>>
          %dma_start3A_73 = tpu.memref_squeeze %dma_start3A_72 : memref<1x128xi32, #tpu.memory_space<vmem>> -> memref<128xi32, #tpu.memory_space<vmem>>
          %dma_start3A_74 = arith.constant 0 : i32
          %dma_start3A_75 = arith.constant 0 : i32
          %dma_start3A_76 = tpu.memref_slice %arg11[%dma_start3A_74, %dma_start3A_75] : memref<10240x128xf32, #tpu.memory_space<vmem_shared>> -> memref<10240x128xf32, #tpu.memory_space<vmem_shared>>
          tpu.enqueue_indirect_dma source(%arg9 : memref<128x128xf32, #tpu.memory_space<vmem>>) target(%dma_start3A_76 : memref<10240x128xf32, #tpu.memory_space<vmem_shared>>) offsets(%dma_start3A_73 : memref<128xi32, #tpu.memory_space<vmem>>) semaphore(%run_scoped3A : memref<!tpu.dma_semaphore, #tpu.memory_space<semaphore_mem>>) {add = true}
          %dma_wait3A_77 = arith.constant 0 : i32
          %dma_wait3A_78 = tpu.memref_slice %arg8[%mul3A_50, %dma_wait3A_77] : memref<40x128xi32, #tpu.memory_space<vmem>> -> memref<1x128xi32, #tpu.memory_space<vmem>>
          %dma_wait3A_79 = tpu.memref_squeeze %dma_wait3A_78 : memref<1x128xi32, #tpu.memory_space<vmem>> -> memref<128xi32, #tpu.memory_space<vmem>>
          %dma_wait3A_80 = arith.constant 0 : i32
          %dma_wait3A_81 = arith.constant 0 : i32
          %dma_wait3A_82 = tpu.memref_slice %arg11[%dma_wait3A_80, %dma_wait3A_81] : memref<10240x128xf32, #tpu.memory_space<vmem_shared>> -> memref<10240x128xf32, #tpu.memory_space<vmem_shared>>
          tpu.wait_indirect_dma semaphore(%run_scoped3A : memref<!tpu.dma_semaphore, #tpu.memory_space<semaphore_mem>>) src(%arg9 : memref<128x128xf32, #tpu.memory_space<vmem>>) dst(%dma_wait3A_82 : memref<10240x128xf32, #tpu.memory_space<vmem_shared>>)
          tpu.yield
        }) : () -> ()
        %add3A_51 = arith.constant 2 : i32
        %add3A_52 = arith.addi %add3A_34, %add3A_51 : i32
        %dma_start3A_53 = arith.constant 0 : i32
        %dma_start3A_54 = tpu.memref_slice %arg7[%add3A_52, %dma_start3A_53] : memref<82x128xi32, #tpu.memory_space<vmem>> -> memref<1x128xi32, #tpu.memory_space<vmem>>
        %dma_start3A_55 = tpu.memref_squeeze %dma_start3A_54 : memref<1x128xi32, #tpu.memory_space<vmem>> -> memref<128xi32, #tpu.memory_space<vmem>>
        %dma_start3A_56 = arith.constant 0 : i32
        %dma_start3A_57 = arith.constant 0 : i32
        %dma_start3A_58 = tpu.memref_slice %arg2[%dma_start3A_56, %dma_start3A_57] : memref<10240x128xf32, #tpu.memory_space<hbm>> -> memref<10240x128xf32, #tpu.memory_space<hbm>>
        tpu.enqueue_indirect_dma source(%dma_start3A_58 : memref<10240x128xf32, #tpu.memory_space<hbm>>) target(%arg9 : memref<128x128xf32, #tpu.memory_space<vmem>>) offsets(%dma_start3A_55 : memref<128xi32, #tpu.memory_space<vmem>>) semaphore(%arg12 : memref<!tpu.dma_semaphore, #tpu.memory_space<semaphore_mem>>)
        %add3A_59 = arith.constant 1 : i32
        %add3A_60 = arith.addi %add3A_34, %add3A_59 : i32
        %dma_wait3A_61 = arith.constant 0 : i32
        %dma_wait3A_62 = tpu.memref_slice %arg7[%add3A_60, %dma_wait3A_61] : memref<82x128xi32, #tpu.memory_space<vmem>> -> memref<1x128xi32, #tpu.memory_space<vmem>>
        %dma_wait3A_63 = tpu.memref_squeeze %dma_wait3A_62 : memref<1x128xi32, #tpu.memory_space<vmem>> -> memref<128xi32, #tpu.memory_space<vmem>>
        %dma_wait3A_64 = arith.constant 0 : i32
        %dma_wait3A_65 = arith.constant 0 : i32
        %dma_wait3A_66 = tpu.memref_slice %arg2[%dma_wait3A_64, %dma_wait3A_65] : memref<10240x128xf32, #tpu.memory_space<hbm>> -> memref<10240x128xf32, #tpu.memory_space<hbm>>
        tpu.wait_indirect_dma semaphore(%arg13 : memref<!tpu.dma_semaphore, #tpu.memory_space<semaphore_mem>>) src(%dma_wait3A_66 : memref<10240x128xf32, #tpu.memory_space<hbm>>) dst(%arg10 : memref<128x128xf32, #tpu.memory_space<vmem>>)
        %mul3A_67 = arith.constant 2 : i32
        %mul3A_68 = arith.muli %mul3A_67, %scan3A_29 : i32
        %add3A_69 = arith.constant 1 : i32
        %add3A_70 = arith.addi %mul3A_68, %add3A_69 : i32
        "tpu.region"() ({
          %run_scoped3A = tpu.sem_alloc : memref<!tpu.dma_semaphore, #tpu.memory_space<semaphore_mem>>
          %dma_start3A_71 = arith.constant 0 : i32
          %dma_start3A_72 = tpu.memref_slice %arg8[%add3A_70, %dma_start3A_71] : memref<40x128xi32, #tpu.memory_space<vmem>> -> memref<1x128xi32, #tpu.memory_space<vmem>>
          %dma_start3A_73 = tpu.memref_squeeze %dma_start3A_72 : memref<1x128xi32, #tpu.memory_space<vmem>> -> memref<128xi32, #tpu.memory_space<vmem>>
          %dma_start3A_74 = arith.constant 0 : i32
          %dma_start3A_75 = arith.constant 0 : i32
          %dma_start3A_76 = tpu.memref_slice %arg11[%dma_start3A_74, %dma_start3A_75] : memref<10240x128xf32, #tpu.memory_space<vmem_shared>> -> memref<10240x128xf32, #tpu.memory_space<vmem_shared>>
          tpu.enqueue_indirect_dma source(%arg10 : memref<128x128xf32, #tpu.memory_space<vmem>>) target(%dma_start3A_76 : memref<10240x128xf32, #tpu.memory_space<vmem_shared>>) offsets(%dma_start3A_73 : memref<128xi32, #tpu.memory_space<vmem>>) semaphore(%run_scoped3A : memref<!tpu.dma_semaphore, #tpu.memory_space<semaphore_mem>>) {add = true}
          %dma_wait3A_77 = arith.constant 0 : i32
          %dma_wait3A_78 = tpu.memref_slice %arg8[%add3A_70, %dma_wait3A_77] : memref<40x128xi32, #tpu.memory_space<vmem>> -> memref<1x128xi32, #tpu.memory_space<vmem>>
          %dma_wait3A_79 = tpu.memref_squeeze %dma_wait3A_78 : memref<1x128xi32, #tpu.memory_space<vmem>> -> memref<128xi32, #tpu.memory_space<vmem>>
          %dma_wait3A_80 = arith.constant 0 : i32
          %dma_wait3A_81 = arith.constant 0 : i32
          %dma_wait3A_82 = tpu.memref_slice %arg11[%dma_wait3A_80, %dma_wait3A_81] : memref<10240x128xf32, #tpu.memory_space<vmem_shared>> -> memref<10240x128xf32, #tpu.memory_space<vmem_shared>>
          tpu.wait_indirect_dma semaphore(%run_scoped3A : memref<!tpu.dma_semaphore, #tpu.memory_space<semaphore_mem>>) src(%arg10 : memref<128x128xf32, #tpu.memory_space<vmem>>) dst(%dma_wait3A_82 : memref<10240x128xf32, #tpu.memory_space<vmem_shared>>)
          tpu.yield
        }) : () -> ()
      }
      %scan3A_28 = arith.constant 20 : i32
    }
    %scan3A_13 = arith.constant 2 : i32
    %dma_wait3A = arith.constant 0 : i32
    %dma_wait3A_14 = arith.constant 0 : i32
    %dma_wait3A_15 = tpu.memref_slice %arg2[%dma_wait3A, %dma_wait3A_14] : memref<10240x128xf32, #tpu.memory_space<hbm>> -> memref<128x128xf32, #tpu.memory_space<hbm>>
    %dma_wait3A_16 = arith.constant 0 : i32
    %dma_wait3A_17 = arith.constant 0 : i32
    %dma_wait3A_18 = tpu.memref_slice %arg2[%dma_wait3A_16, %dma_wait3A_17] : memref<10240x128xf32, #tpu.memory_space<hbm>> -> memref<128x128xf32, #tpu.memory_space<hbm>>
    tpu.wait_dma2 semaphore(%arg12 : memref<!tpu.dma_semaphore, #tpu.memory_space<semaphore_mem>>) src(%dma_wait3A_18 : memref<128x128xf32, #tpu.memory_space<hbm>>) dst(%arg9 : memref<128x128xf32, #tpu.memory_space<vmem>>)
    %barrier3A_19 = arith.constant 0 : index
    tpu.barrier barrier_id(%barrier3A_19)
    "tpu.region"() ({
      %run_scoped3A = tpu.sem_alloc : memref<!tpu.dma_semaphore, #tpu.memory_space<semaphore_mem>>
      %dma_start3A_20 = arith.constant 0 : i32
      %dma_start3A_21 = tpu.memref_slice %arg6[%arg0, %mul3A_2, %dma_start3A_20] : memref<2x10240x128xf32, #tpu.memory_space<hbm>> -> memref<1x640x128xf32, #tpu.memory_space<hbm>>
      %dma_start3A_22 = tpu.memref_squeeze %dma_start3A_21 : memref<1x640x128xf32, #tpu.memory_space<hbm>> -> memref<640x128xf32, #tpu.memory_space<hbm>>
      %dma_start3A_23 = arith.constant 0 : i32
      %dma_start3A_24 = tpu.memref_slice %arg11[%mul3A_2, %dma_start3A_23] : memref<10240x128xf32, #tpu.memory_space<vmem_shared>> -> memref<640x128xf32, #tpu.memory_space<vmem_shared>>
      tpu.enqueue_dma source(%dma_start3A_24 : memref<640x128xf32, #tpu.memory_space<vmem_shared>>) target(%dma_start3A_22 : memref<640x128xf32, #tpu.memory_space<hbm>>) target_semaphore(%run_scoped3A : memref<!tpu.dma_semaphore, #tpu.memory_space<semaphore_mem>>)
      %dma_wait3A_25 = arith.constant 0 : i32
      %dma_wait3A_26 = tpu.memref_slice %arg6[%arg0, %mul3A_2, %dma_wait3A_25] : memref<2x10240x128xf32, #tpu.memory_space<hbm>> -> memref<1x640x128xf32, #tpu.memory_space<hbm>>
      %dma_wait3A_27 = tpu.memref_squeeze %dma_wait3A_26 : memref<1x640x128xf32, #tpu.memory_space<hbm>> -> memref<640x128xf32, #tpu.memory_space<hbm>>
      %dma_wait3A_28 = arith.constant 0 : i32
      %dma_wait3A_29 = tpu.memref_slice %arg11[%mul3A_2, %dma_wait3A_28] : memref<10240x128xf32, #tpu.memory_space<vmem_shared>> -> memref<640x128xf32, #tpu.memory_space<vmem_shared>>
      tpu.wait_dma2 semaphore(%run_scoped3A : memref<!tpu.dma_semaphore, #tpu.memory_space<semaphore_mem>>) src(%dma_wait3A_29 : memref<640x128xf32, #tpu.memory_space<vmem_shared>>) dst(%dma_wait3A_27 : memref<640x128xf32, #tpu.memory_space<hbm>>)
      tpu.yield
    }) : () -> ()
    return
  }
}

#map = affine_map<(d0, d1) -> (0, 0)>
#map1 = affine_map<(d0, d1) -> (0, 0, 0)>
module attributes {stable_mosaic.version = 14 : i64} {
  func.func @_scat_body(%arg0: i32, %arg1: i32, %arg2: memref<10240x128xf32, #tpu.memory_space<hbm>>, %arg3: memref<32x82x128xi32, #tpu.memory_space<hbm>>, %arg4: memref<32x82x128xi32, #tpu.memory_space<hbm>>, %arg5: memref<10240x128xf32, #tpu.memory_space<hbm>>, %arg6: memref<2x10240x128xf32, #tpu.memory_space<hbm>>, %arg7: memref<82x128xi32, #tpu.memory_space<vmem>>, %arg8: memref<40x128xi32, #tpu.memory_space<vmem>>, %arg9: memref<128x128xf32, #tpu.memory_space<vmem>>, %arg10: memref<128x128xf32, #tpu.memory_space<vmem>>, %arg11: memref<10240x128xf32, #tpu.memory_space<vmem_shared>>, %arg12: memref<!tpu.dma_semaphore, #tpu.memory_space<semaphore_mem>>, %arg13: memref<!tpu.dma_semaphore, #tpu.memory_space<semaphore_mem>>) attributes {dimension_semantics = [#tpu.dimension_semantics<core_parallel>, #tpu.dimension_semantics<subcore_parallel>], iteration_bounds = array<i64: 2, 16>, scalar_prefetch = 0 : i64, scratch_operands = 7 : i64, tpu.core_type = #tpu.core_type<sc_vector_subcore>, window_params = [{transform_indices = #map}, {transform_indices = #map1}, {transform_indices = #map1}, {transform_indices = #map}, {transform_indices = #map1}]} {
    %mul3A = arith.constant 2 : i32
    %mul3A_0 = arith.muli %arg1, %mul3A : i32
    %add3A = arith.addi %mul3A_0, %arg0 : i32
    %mul3A_1 = arith.constant 640 : i32
    %mul3A_2 = arith.muli %arg1, %mul3A_1 : i32
    "tpu.region"() ({
      %run_scoped3A = tpu.sem_alloc : memref<!tpu.dma_semaphore, #tpu.memory_space<semaphore_mem>>
      %dma_start3A_20 = arith.constant 0 : i32
      %dma_start3A_21 = tpu.memref_slice %arg11[%mul3A_2, %dma_start3A_20] : memref<10240x128xf32, #tpu.memory_space<vmem_shared>> -> memref<640x128xf32, #tpu.memory_space<vmem_shared>>
      %dma_start3A_22 = arith.constant 0 : i32
      %dma_start3A_23 = tpu.memref_slice %arg5[%mul3A_2, %dma_start3A_22] : memref<10240x128xf32, #tpu.memory_space<hbm>> -> memref<640x128xf32, #tpu.memory_space<hbm>>
      tpu.enqueue_dma source(%dma_start3A_23 : memref<640x128xf32, #tpu.memory_space<hbm>>) target(%dma_start3A_21 : memref<640x128xf32, #tpu.memory_space<vmem_shared>>) target_semaphore(%run_scoped3A : memref<!tpu.dma_semaphore, #tpu.memory_space<semaphore_mem>>)
      %dma_wait3A_24 = arith.constant 0 : i32
      %dma_wait3A_25 = tpu.memref_slice %arg11[%mul3A_2, %dma_wait3A_24] : memref<10240x128xf32, #tpu.memory_space<vmem_shared>> -> memref<640x128xf32, #tpu.memory_space<vmem_shared>>
      %dma_wait3A_26 = arith.constant 0 : i32
      %dma_wait3A_27 = tpu.memref_slice %arg5[%mul3A_2, %dma_wait3A_26] : memref<10240x128xf32, #tpu.memory_space<hbm>> -> memref<640x128xf32, #tpu.memory_space<hbm>>
      tpu.wait_dma2 semaphore(%run_scoped3A : memref<!tpu.dma_semaphore, #tpu.memory_space<semaphore_mem>>) src(%dma_wait3A_27 : memref<640x128xf32, #tpu.memory_space<hbm>>) dst(%dma_wait3A_25 : memref<640x128xf32, #tpu.memory_space<vmem_shared>>)
      tpu.yield
    }) : () -> ()
    "tpu.region"() ({
      %run_scoped3A = tpu.sem_alloc : memref<!tpu.dma_semaphore, #tpu.memory_space<semaphore_mem>>
      %dma_start3A_20 = arith.constant 0 : i32
      %dma_start3A_21 = arith.constant 0 : i32
      %dma_start3A_22 = tpu.memref_slice %arg3[%add3A, %dma_start3A_20, %dma_start3A_21] : memref<32x82x128xi32, #tpu.memory_space<hbm>> -> memref<1x82x128xi32, #tpu.memory_space<hbm>>
      %dma_start3A_23 = tpu.memref_squeeze %dma_start3A_22 : memref<1x82x128xi32, #tpu.memory_space<hbm>> -> memref<82x128xi32, #tpu.memory_space<hbm>>
      %dma_start3A_24 = arith.constant 0 : i32
      %dma_start3A_25 = arith.constant 0 : i32
      %dma_start3A_26 = tpu.memref_slice %arg3[%add3A, %dma_start3A_24, %dma_start3A_25] : memref<32x82x128xi32, #tpu.memory_space<hbm>> -> memref<1x82x128xi32, #tpu.memory_space<hbm>>
      %dma_start3A_27 = tpu.memref_squeeze %dma_start3A_26 : memref<1x82x128xi32, #tpu.memory_space<hbm>> -> memref<82x128xi32, #tpu.memory_space<hbm>>
      tpu.enqueue_dma source(%dma_start3A_27 : memref<82x128xi32, #tpu.memory_space<hbm>>) target(%arg7 : memref<82x128xi32, #tpu.memory_space<vmem>>) target_semaphore(%run_scoped3A : memref<!tpu.dma_semaphore, #tpu.memory_space<semaphore_mem>>)
      %dma_wait3A_28 = arith.constant 0 : i32
      %dma_wait3A_29 = arith.constant 0 : i32
      %dma_wait3A_30 = tpu.memref_slice %arg3[%add3A, %dma_wait3A_28, %dma_wait3A_29] : memref<32x82x128xi32, #tpu.memory_space<hbm>> -> memref<1x82x128xi32, #tpu.memory_space<hbm>>
      %dma_wait3A_31 = tpu.memref_squeeze %dma_wait3A_30 : memref<1x82x128xi32, #tpu.memory_space<hbm>> -> memref<82x128xi32, #tpu.memory_space<hbm>>
      %dma_wait3A_32 = arith.constant 0 : i32
      %dma_wait3A_33 = arith.constant 0 : i32
      %dma_wait3A_34 = tpu.memref_slice %arg3[%add3A, %dma_wait3A_32, %dma_wait3A_33] : memref<32x82x128xi32, #tpu.memory_space<hbm>> -> memref<1x82x128xi32, #tpu.memory_space<hbm>>
      %dma_wait3A_35 = tpu.memref_squeeze %dma_wait3A_34 : memref<1x82x128xi32, #tpu.memory_space<hbm>> -> memref<82x128xi32, #tpu.memory_space<hbm>>
      tpu.wait_dma2 semaphore(%run_scoped3A : memref<!tpu.dma_semaphore, #tpu.memory_space<semaphore_mem>>) src(%dma_wait3A_35 : memref<82x128xi32, #tpu.memory_space<hbm>>) dst(%arg7 : memref<82x128xi32, #tpu.memory_space<vmem>>)
      tpu.yield
    }) : () -> ()
    %barrier3A = arith.constant 0 : index
    tpu.barrier barrier_id(%barrier3A)
    %dma_start3A = arith.constant 0 : i32
    %dma_start3A_3 = arith.constant 0 : i32
    %dma_start3A_4 = tpu.memref_slice %arg7[%dma_start3A, %dma_start3A_3] : memref<82x128xi32, #tpu.memory_space<vmem>> -> memref<1x128xi32, #tpu.memory_space<vmem>>
    %dma_start3A_5 = tpu.memref_squeeze %dma_start3A_4 : memref<1x128xi32, #tpu.memory_space<vmem>> -> memref<128xi32, #tpu.memory_space<vmem>>
    %dma_start3A_6 = arith.constant 0 : i32
    %dma_start3A_7 = arith.constant 0 : i32
    %dma_start3A_8 = tpu.memref_slice %arg2[%dma_start3A_6, %dma_start3A_7] : memref<10240x128xf32, #tpu.memory_space<hbm>> -> memref<10240x128xf32, #tpu.memory_space<hbm>>
    tpu.enqueue_indirect_dma source(%dma_start3A_8 : memref<10240x128xf32, #tpu.memory_space<hbm>>) target(%arg9 : memref<128x128xf32, #tpu.memory_space<vmem>>) offsets(%dma_start3A_5 : memref<128xi32, #tpu.memory_space<vmem>>) semaphore(%arg12 : memref<!tpu.dma_semaphore, #tpu.memory_space<semaphore_mem>>)
    %scan3A = arith.constant 0 : i32
    %scan3A_9 = arith.constant 0 : i32
    %scan3A_10 = arith.constant 2 : i32
    %scan3A_11 = arith.addi %scan3A_9, %scan3A_10 : i32
    %scan3A_12 = arith.constant 1 : i32
    scf.for %scan3A_20 = %scan3A_9 to %scan3A_11 step %scan3A_12  : i32 {
      %mul3A_21 = arith.constant 40 : i32
      %mul3A_22 = arith.muli %scan3A_20, %mul3A_21 : i32
      "tpu.region"() ({
        %run_scoped3A = tpu.sem_alloc : memref<!tpu.dma_semaphore, #tpu.memory_space<semaphore_mem>>
        %dma_start3A_29 = arith.constant 0 : i32
        %dma_start3A_30 = tpu.memref_slice %arg4[%add3A, %mul3A_22, %dma_start3A_29] : memref<32x82x128xi32, #tpu.memory_space<hbm>> -> memref<1x40x128xi32, #tpu.memory_space<hbm>>
        %dma_start3A_31 = tpu.memref_squeeze %dma_start3A_30 : memref<1x40x128xi32, #tpu.memory_space<hbm>> -> memref<40x128xi32, #tpu.memory_space<hbm>>
        %dma_start3A_32 = arith.constant 0 : i32
        %dma_start3A_33 = tpu.memref_slice %arg4[%add3A, %mul3A_22, %dma_start3A_32] : memref<32x82x128xi32, #tpu.memory_space<hbm>> -> memref<1x40x128xi32, #tpu.memory_space<hbm>>
        %dma_start3A_34 = tpu.memref_squeeze %dma_start3A_33 : memref<1x40x128xi32, #tpu.memory_space<hbm>> -> memref<40x128xi32, #tpu.memory_space<hbm>>
        tpu.enqueue_dma source(%dma_start3A_34 : memref<40x128xi32, #tpu.memory_space<hbm>>) target(%arg8 : memref<40x128xi32, #tpu.memory_space<vmem>>) target_semaphore(%run_scoped3A : memref<!tpu.dma_semaphore, #tpu.memory_space<semaphore_mem>>)
        %dma_wait3A_35 = arith.constant 0 : i32
        %dma_wait3A_36 = tpu.memref_slice %arg4[%add3A, %mul3A_22, %dma_wait3A_35] : memref<32x82x128xi32, #tpu.memory_space<hbm>> -> memref<1x40x128xi32, #tpu.memory_space<hbm>>
        %dma_wait3A_37 = tpu.memref_squeeze %dma_wait3A_36 : memref<1x40x128xi32, #tpu.memory_space<hbm>> -> memref<40x128xi32, #tpu.memory_space<hbm>>
        %dma_wait3A_38 = arith.constant 0 : i32
        %dma_wait3A_39 = tpu.memref_slice %arg4[%add3A, %mul3A_22, %dma_wait3A_38] : memref<32x82x128xi32, #tpu.memory_space<hbm>> -> memref<1x40x128xi32, #tpu.memory_space<hbm>>
        %dma_wait3A_40 = tpu.memref_squeeze %dma_wait3A_39 : memref<1x40x128xi32, #tpu.memory_space<hbm>> -> memref<40x128xi32, #tpu.memory_space<hbm>>
        tpu.wait_dma2 semaphore(%run_scoped3A : memref<!tpu.dma_semaphore, #tpu.memory_space<semaphore_mem>>) src(%dma_wait3A_40 : memref<40x128xi32, #tpu.memory_space<hbm>>) dst(%arg8 : memref<40x128xi32, #tpu.memory_space<vmem>>)
        tpu.yield
      }) : () -> ()
      %scan3A_23 = arith.constant 0 : i32
      %scan3A_24 = arith.constant 0 : i32
      %scan3A_25 = arith.constant 20 : i32
      %scan3A_26 = arith.addi %scan3A_24, %scan3A_25 : i32
      %scan3A_27 = arith.constant 1 : i32
      scf.for %scan3A_29 = %scan3A_24 to %scan3A_26 step %scan3A_27  : i32 {
        %mul3A_30 = arith.constant 40 : i32
        %mul3A_31 = arith.muli %scan3A_20, %mul3A_30 : i32
        %mul3A_32 = arith.constant 2 : i32
        %mul3A_33 = arith.muli %mul3A_32, %scan3A_29 : i32
        %add3A_34 = arith.addi %mul3A_31, %mul3A_33 : i32
        %add3A_35 = arith.constant 1 : i32
        %add3A_36 = arith.addi %add3A_34, %add3A_35 : i32
        %dma_start3A_37 = arith.constant 0 : i32
        %dma_start3A_38 = tpu.memref_slice %arg7[%add3A_36, %dma_start3A_37] : memref<82x128xi32, #tpu.memory_space<vmem>> -> memref<1x128xi32, #tpu.memory_space<vmem>>
        %dma_start3A_39 = tpu.memref_squeeze %dma_start3A_38 : memref<1x128xi32, #tpu.memory_space<vmem>> -> memref<128xi32, #tpu.memory_space<vmem>>
        %dma_start3A_40 = arith.constant 0 : i32
        %dma_start3A_41 = arith.constant 0 : i32
        %dma_start3A_42 = tpu.memref_slice %arg2[%dma_start3A_40, %dma_start3A_41] : memref<10240x128xf32, #tpu.memory_space<hbm>> -> memref<10240x128xf32, #tpu.memory_space<hbm>>
        tpu.enqueue_indirect_dma source(%dma_start3A_42 : memref<10240x128xf32, #tpu.memory_space<hbm>>) target(%arg10 : memref<128x128xf32, #tpu.memory_space<vmem>>) offsets(%dma_start3A_39 : memref<128xi32, #tpu.memory_space<vmem>>) semaphore(%arg13 : memref<!tpu.dma_semaphore, #tpu.memory_space<semaphore_mem>>)
        %dma_wait3A_43 = arith.constant 0 : i32
        %dma_wait3A_44 = tpu.memref_slice %arg7[%add3A_34, %dma_wait3A_43] : memref<82x128xi32, #tpu.memory_space<vmem>> -> memref<1x128xi32, #tpu.memory_space<vmem>>
        %dma_wait3A_45 = tpu.memref_squeeze %dma_wait3A_44 : memref<1x128xi32, #tpu.memory_space<vmem>> -> memref<128xi32, #tpu.memory_space<vmem>>
        %dma_wait3A_46 = arith.constant 0 : i32
        %dma_wait3A_47 = arith.constant 0 : i32
        %dma_wait3A_48 = tpu.memref_slice %arg2[%dma_wait3A_46, %dma_wait3A_47] : memref<10240x128xf32, #tpu.memory_space<hbm>> -> memref<10240x128xf32, #tpu.memory_space<hbm>>
        tpu.wait_indirect_dma semaphore(%arg12 : memref<!tpu.dma_semaphore, #tpu.memory_space<semaphore_mem>>) src(%dma_wait3A_48 : memref<10240x128xf32, #tpu.memory_space<hbm>>) dst(%arg9 : memref<128x128xf32, #tpu.memory_space<vmem>>)
        %mul3A_49 = arith.constant 2 : i32
        %mul3A_50 = arith.muli %mul3A_49, %scan3A_29 : i32
        "tpu.region"() ({
          %run_scoped3A = tpu.sem_alloc : memref<!tpu.dma_semaphore, #tpu.memory_space<semaphore_mem>>
          %dma_start3A_71 = arith.constant 0 : i32
          %dma_start3A_72 = tpu.memref_slice %arg8[%mul3A_50, %dma_start3A_71] : memref<40x128xi32, #tpu.memory_space<vmem>> -> memref<1x128xi32, #tpu.memory_space<vmem>>
          %dma_start3A_73 = tpu.memref_squeeze %dma_start3A_72 : memref<1x128xi32, #tpu.memory_space<vmem>> -> memref<128xi32, #tpu.memory_space<vmem>>
          %dma_start3A_74 = arith.constant 0 : i32
          %dma_start3A_75 = arith.constant 0 : i32
          %dma_start3A_76 = tpu.memref_slice %arg11[%dma_start3A_74, %dma_start3A_75] : memref<10240x128xf32, #tpu.memory_space<vmem_shared>> -> memref<10240x128xf32, #tpu.memory_space<vmem_shared>>
          tpu.enqueue_indirect_dma source(%arg9 : memref<128x128xf32, #tpu.memory_space<vmem>>) target(%dma_start3A_76 : memref<10240x128xf32, #tpu.memory_space<vmem_shared>>) offsets(%dma_start3A_73 : memref<128xi32, #tpu.memory_space<vmem>>) semaphore(%run_scoped3A : memref<!tpu.dma_semaphore, #tpu.memory_space<semaphore_mem>>) {add = true}
          %dma_wait3A_77 = arith.constant 0 : i32
          %dma_wait3A_78 = tpu.memref_slice %arg8[%mul3A_50, %dma_wait3A_77] : memref<40x128xi32, #tpu.memory_space<vmem>> -> memref<1x128xi32, #tpu.memory_space<vmem>>
          %dma_wait3A_79 = tpu.memref_squeeze %dma_wait3A_78 : memref<1x128xi32, #tpu.memory_space<vmem>> -> memref<128xi32, #tpu.memory_space<vmem>>
          %dma_wait3A_80 = arith.constant 0 : i32
          %dma_wait3A_81 = arith.constant 0 : i32
          %dma_wait3A_82 = tpu.memref_slice %arg11[%dma_wait3A_80, %dma_wait3A_81] : memref<10240x128xf32, #tpu.memory_space<vmem_shared>> -> memref<10240x128xf32, #tpu.memory_space<vmem_shared>>
          tpu.wait_indirect_dma semaphore(%run_scoped3A : memref<!tpu.dma_semaphore, #tpu.memory_space<semaphore_mem>>) src(%arg9 : memref<128x128xf32, #tpu.memory_space<vmem>>) dst(%dma_wait3A_82 : memref<10240x128xf32, #tpu.memory_space<vmem_shared>>)
          tpu.yield
        }) : () -> ()
        %add3A_51 = arith.constant 2 : i32
        %add3A_52 = arith.addi %add3A_34, %add3A_51 : i32
        %dma_start3A_53 = arith.constant 0 : i32
        %dma_start3A_54 = tpu.memref_slice %arg7[%add3A_52, %dma_start3A_53] : memref<82x128xi32, #tpu.memory_space<vmem>> -> memref<1x128xi32, #tpu.memory_space<vmem>>
        %dma_start3A_55 = tpu.memref_squeeze %dma_start3A_54 : memref<1x128xi32, #tpu.memory_space<vmem>> -> memref<128xi32, #tpu.memory_space<vmem>>
        %dma_start3A_56 = arith.constant 0 : i32
        %dma_start3A_57 = arith.constant 0 : i32
        %dma_start3A_58 = tpu.memref_slice %arg2[%dma_start3A_56, %dma_start3A_57] : memref<10240x128xf32, #tpu.memory_space<hbm>> -> memref<10240x128xf32, #tpu.memory_space<hbm>>
        tpu.enqueue_indirect_dma source(%dma_start3A_58 : memref<10240x128xf32, #tpu.memory_space<hbm>>) target(%arg9 : memref<128x128xf32, #tpu.memory_space<vmem>>) offsets(%dma_start3A_55 : memref<128xi32, #tpu.memory_space<vmem>>) semaphore(%arg12 : memref<!tpu.dma_semaphore, #tpu.memory_space<semaphore_mem>>)
        %add3A_59 = arith.constant 1 : i32
        %add3A_60 = arith.addi %add3A_34, %add3A_59 : i32
        %dma_wait3A_61 = arith.constant 0 : i32
        %dma_wait3A_62 = tpu.memref_slice %arg7[%add3A_60, %dma_wait3A_61] : memref<82x128xi32, #tpu.memory_space<vmem>> -> memref<1x128xi32, #tpu.memory_space<vmem>>
        %dma_wait3A_63 = tpu.memref_squeeze %dma_wait3A_62 : memref<1x128xi32, #tpu.memory_space<vmem>> -> memref<128xi32, #tpu.memory_space<vmem>>
        %dma_wait3A_64 = arith.constant 0 : i32
        %dma_wait3A_65 = arith.constant 0 : i32
        %dma_wait3A_66 = tpu.memref_slice %arg2[%dma_wait3A_64, %dma_wait3A_65] : memref<10240x128xf32, #tpu.memory_space<hbm>> -> memref<10240x128xf32, #tpu.memory_space<hbm>>
        tpu.wait_indirect_dma semaphore(%arg13 : memref<!tpu.dma_semaphore, #tpu.memory_space<semaphore_mem>>) src(%dma_wait3A_66 : memref<10240x128xf32, #tpu.memory_space<hbm>>) dst(%arg10 : memref<128x128xf32, #tpu.memory_space<vmem>>)
        %mul3A_67 = arith.constant 2 : i32
        %mul3A_68 = arith.muli %mul3A_67, %scan3A_29 : i32
        %add3A_69 = arith.constant 1 : i32
        %add3A_70 = arith.addi %mul3A_68, %add3A_69 : i32
        "tpu.region"() ({
          %run_scoped3A = tpu.sem_alloc : memref<!tpu.dma_semaphore, #tpu.memory_space<semaphore_mem>>
          %dma_start3A_71 = arith.constant 0 : i32
          %dma_start3A_72 = tpu.memref_slice %arg8[%add3A_70, %dma_start3A_71] : memref<40x128xi32, #tpu.memory_space<vmem>> -> memref<1x128xi32, #tpu.memory_space<vmem>>
          %dma_start3A_73 = tpu.memref_squeeze %dma_start3A_72 : memref<1x128xi32, #tpu.memory_space<vmem>> -> memref<128xi32, #tpu.memory_space<vmem>>
          %dma_start3A_74 = arith.constant 0 : i32
          %dma_start3A_75 = arith.constant 0 : i32
          %dma_start3A_76 = tpu.memref_slice %arg11[%dma_start3A_74, %dma_start3A_75] : memref<10240x128xf32, #tpu.memory_space<vmem_shared>> -> memref<10240x128xf32, #tpu.memory_space<vmem_shared>>
          tpu.enqueue_indirect_dma source(%arg10 : memref<128x128xf32, #tpu.memory_space<vmem>>) target(%dma_start3A_76 : memref<10240x128xf32, #tpu.memory_space<vmem_shared>>) offsets(%dma_start3A_73 : memref<128xi32, #tpu.memory_space<vmem>>) semaphore(%run_scoped3A : memref<!tpu.dma_semaphore, #tpu.memory_space<semaphore_mem>>) {add = true}
          %dma_wait3A_77 = arith.constant 0 : i32
          %dma_wait3A_78 = tpu.memref_slice %arg8[%add3A_70, %dma_wait3A_77] : memref<40x128xi32, #tpu.memory_space<vmem>> -> memref<1x128xi32, #tpu.memory_space<vmem>>
          %dma_wait3A_79 = tpu.memref_squeeze %dma_wait3A_78 : memref<1x128xi32, #tpu.memory_space<vmem>> -> memref<128xi32, #tpu.memory_space<vmem>>
          %dma_wait3A_80 = arith.constant 0 : i32
          %dma_wait3A_81 = arith.constant 0 : i32
          %dma_wait3A_82 = tpu.memref_slice %arg11[%dma_wait3A_80, %dma_wait3A_81] : memref<10240x128xf32, #tpu.memory_space<vmem_shared>> -> memref<10240x128xf32, #tpu.memory_space<vmem_shared>>
          tpu.wait_indirect_dma semaphore(%run_scoped3A : memref<!tpu.dma_semaphore, #tpu.memory_space<semaphore_mem>>) src(%arg10 : memref<128x128xf32, #tpu.memory_space<vmem>>) dst(%dma_wait3A_82 : memref<10240x128xf32, #tpu.memory_space<vmem_shared>>)
          tpu.yield
        }) : () -> ()
      }
      %scan3A_28 = arith.constant 20 : i32
    }
    %scan3A_13 = arith.constant 2 : i32
    %dma_wait3A = arith.constant 0 : i32
    %dma_wait3A_14 = arith.constant 0 : i32
    %dma_wait3A_15 = tpu.memref_slice %arg2[%dma_wait3A, %dma_wait3A_14] : memref<10240x128xf32, #tpu.memory_space<hbm>> -> memref<128x128xf32, #tpu.memory_space<hbm>>
    %dma_wait3A_16 = arith.constant 0 : i32
    %dma_wait3A_17 = arith.constant 0 : i32
    %dma_wait3A_18 = tpu.memref_slice %arg2[%dma_wait3A_16, %dma_wait3A_17] : memref<10240x128xf32, #tpu.memory_space<hbm>> -> memref<128x128xf32, #tpu.memory_space<hbm>>
    tpu.wait_dma2 semaphore(%arg12 : memref<!tpu.dma_semaphore, #tpu.memory_space<semaphore_mem>>) src(%dma_wait3A_18 : memref<128x128xf32, #tpu.memory_space<hbm>>) dst(%arg9 : memref<128x128xf32, #tpu.memory_space<vmem>>)
    %barrier3A_19 = arith.constant 0 : index
    tpu.barrier barrier_id(%barrier3A_19)
    "tpu.region"() ({
      %run_scoped3A = tpu.sem_alloc : memref<!tpu.dma_semaphore, #tpu.memory_space<semaphore_mem>>
      %dma_start3A_20 = arith.constant 0 : i32
      %dma_start3A_21 = tpu.memref_slice %arg6[%arg0, %mul3A_2, %dma_start3A_20] : memref<2x10240x128xf32, #tpu.memory_space<hbm>> -> memref<1x640x128xf32, #tpu.memory_space<hbm>>
      %dma_start3A_22 = tpu.memref_squeeze %dma_start3A_21 : memref<1x640x128xf32, #tpu.memory_space<hbm>> -> memref<640x128xf32, #tpu.memory_space<hbm>>
      %dma_start3A_23 = arith.constant 0 : i32
      %dma_start3A_24 = tpu.memref_slice %arg11[%mul3A_2, %dma_start3A_23] : memref<10240x128xf32, #tpu.memory_space<vmem_shared>> -> memref<640x128xf32, #tpu.memory_space<vmem_shared>>
      tpu.enqueue_dma source(%dma_start3A_24 : memref<640x128xf32, #tpu.memory_space<vmem_shared>>) target(%dma_start3A_22 : memref<640x128xf32, #tpu.memory_space<hbm>>) target_semaphore(%run_scoped3A : memref<!tpu.dma_semaphore, #tpu.memory_space<semaphore_mem>>)
      %dma_wait3A_25 = arith.constant 0 : i32
      %dma_wait3A_26 = tpu.memref_slice %arg6[%arg0, %mul3A_2, %dma_wait3A_25] : memref<2x10240x128xf32, #tpu.memory_space<hbm>> -> memref<1x640x128xf32, #tpu.memory_space<hbm>>
      %dma_wait3A_27 = tpu.memref_squeeze %dma_wait3A_26 : memref<1x640x128xf32, #tpu.memory_space<hbm>> -> memref<640x128xf32, #tpu.memory_space<hbm>>
      %dma_wait3A_28 = arith.constant 0 : i32
      %dma_wait3A_29 = tpu.memref_slice %arg11[%mul3A_2, %dma_wait3A_28] : memref<10240x128xf32, #tpu.memory_space<vmem_shared>> -> memref<640x128xf32, #tpu.memory_space<vmem_shared>>
      tpu.wait_dma2 semaphore(%run_scoped3A : memref<!tpu.dma_semaphore, #tpu.memory_space<semaphore_mem>>) src(%dma_wait3A_29 : memref<640x128xf32, #tpu.memory_space<vmem_shared>>) dst(%dma_wait3A_27 : memref<640x128xf32, #tpu.memory_space<hbm>>)
      tpu.yield
    }) : () -> ()
    return
  }
}

module attributes {stable_mosaic.version = 14 : i64} {
  func.func @_t0_body(%arg0: i32, %arg1: memref<1024x128xf32, #tpu.memory_space<vmem>>, %arg2: memref<1024x1xf32, #tpu.memory_space<vmem>>, %arg3: memref<1024x1xf32, #tpu.memory_space<vmem>>, %arg4: memref<128x128xf32, #tpu.memory_space<vmem>>, %arg5: memref<1024x1xf32, #tpu.memory_space<vmem>>, %arg6: memref<1024x128xf32, #tpu.memory_space<vmem>>) attributes {dimension_semantics = [#tpu.dimension_semantics<arbitrary>], iteration_bounds = array<i64: 10>, scalar_prefetch = 0 : i64, scratch_operands = 0 : i64, tpu.core_type = #tpu.core_type<tc>, window_params = [{transform_indices = @transform_0, window_bounds = array<i64: 1024, 128>}, {transform_indices = @transform_1, window_bounds = array<i64: 1024, 1>}, {transform_indices = @transform_2, window_bounds = array<i64: 1024, 1>}, {pipeline_mode = #tpu.pipeline_mode<synchronous>, transform_indices = @transform_3, window_bounds = array<i64: 128, 128>}, {transform_indices = @transform_4, window_bounds = array<i64: 1024, 1>}, {transform_indices = @transform_5, window_bounds = array<i64: 1024, 128>}]} {
    %get3A = arith.constant 0 : index
    %get3A_0 = arith.constant 0 : index
    %get3A_1 = vector.load %arg2[%get3A, %get3A_0] : memref<1024x1xf32, #tpu.memory_space<vmem>>, vector<1024x1xf32>
    %get3A_2 = arith.constant 0 : index
    %get3A_3 = arith.constant 0 : index
    %get3A_4 = vector.load %arg3[%get3A_2, %get3A_3] : memref<1024x1xf32, #tpu.memory_space<vmem>>, vector<1024x1xf32>
    %add3A = arith.addf %get3A_1, %get3A_4 : vector<1024x1xf32>
    %add3A_5 = arith.constant 1.000000e+00 : f32
    %add3A_6 = vector.broadcast %add3A_5 : f32 to vector<1024x1xf32>
    %add3A_7 = arith.addf %add3A, %add3A_6 : vector<1024x1xf32>
    %max3A = arith.constant 1.000000e+00 : f32
    %max3A_8 = vector.broadcast %max3A : f32 to vector<1024x1xf32>
    %max3A_9 = arith.maximumf %add3A_7, %max3A_8 : vector<1024x1xf32>
    %rsqrt3A = math.rsqrt %max3A_9 : vector<1024x1xf32>
    %swap3A = arith.constant 0 : index
    %swap3A_10 = arith.constant 0 : index
    %swap3A_11 = vector.load %arg5[%swap3A, %swap3A_10] : memref<1024x1xf32, #tpu.memory_space<vmem>>, vector<1024x1xf32>
    tpu.vector_store %arg5[%swap3A, %swap3A_10], %rsqrt3A {strides = array<i32>} : memref<1024x1xf32, #tpu.memory_space<vmem>>, vector<1024x1xf32>,
    %get3A_12 = arith.constant 0 : index
    %get3A_13 = arith.constant 0 : index
    %get3A_14 = vector.load %arg1[%get3A_12, %get3A_13] : memref<1024x128xf32, #tpu.memory_space<vmem>>, vector<1024x128xf32>
    %get3A_15 = arith.constant 0 : index
    %get3A_16 = arith.constant 0 : index
    %get3A_17 = vector.load %arg4[%get3A_15, %get3A_16] : memref<128x128xf32, #tpu.memory_space<vmem>>, vector<128x128xf32>
    %dot_general3A = arith.constant dense<0.000000e+00> : vector<1024x128xf32>
    %dot_general3A_18 = tpu.matmul %get3A_14, %get3A_17, %dot_general3A {dimension_numbers = #tpu.dot_dimension_numbers<[1], [0], [0], [1], [0, 0, 1, 1], [], []>, transpose_lhs_hint = false} : vector<1024x128xf32>, vector<128x128xf32>, vector<1024x128xf32> -> vector<1024x128xf32>
    %mul3A = vector.broadcast %rsqrt3A : vector<1024x1xf32> to vector<1024x128xf32>
    %mul3A_19 = arith.mulf %dot_general3A_18, %mul3A : vector<1024x128xf32>
    %swap3A_20 = arith.constant 0 : index
    %swap3A_21 = arith.constant 0 : index
    %swap3A_22 = vector.load %arg6[%swap3A_20, %swap3A_21] : memref<1024x128xf32, #tpu.memory_space<vmem>>, vector<1024x128xf32>
    tpu.vector_store %arg6[%swap3A_20, %swap3A_21], %mul3A_19 {strides = array<i32>} : memref<1024x128xf32, #tpu.memory_space<vmem>>, vector<1024x128xf32>,
    return
  }
  func.func @transform_0(%arg0: i32) -> (i32, i32) {
    %c0_i32 = arith.constant 0 : i32
    %c0_i32_0 = arith.constant 0 : i32
    return %arg0, %c0_i32 : i32, i32
  }
  func.func @transform_1(%arg0: i32) -> (i32, i32) {
    %c0_i32 = arith.constant 0 : i32
    %c0_i32_0 = arith.constant 0 : i32
    return %arg0, %c0_i32 : i32, i32
  }
  func.func @transform_2(%arg0: i32) -> (i32, i32) {
    %c0_i32 = arith.constant 0 : i32
    %c0_i32_0 = arith.constant 0 : i32
    return %arg0, %c0_i32 : i32, i32
  }
  func.func @transform_3(%arg0: i32) -> (i32, i32) {
    %c0_i32 = arith.constant 0 : i32
    %c0_i32_0 = arith.constant 0 : i32
    %c0_i32_1 = arith.constant 0 : i32
    return %c0_i32, %c0_i32_0 : i32, i32
  }
  func.func @transform_4(%arg0: i32) -> (i32, i32) {
    %c0_i32 = arith.constant 0 : i32
    %c0_i32_0 = arith.constant 0 : i32
    return %arg0, %c0_i32 : i32, i32
  }
  func.func @transform_5(%arg0: i32) -> (i32, i32) {
    %c0_i32 = arith.constant 0 : i32
    %c0_i32_0 = arith.constant 0 : i32
    return %arg0, %c0_i32 : i32, i32
  }
}

module attributes {stable_mosaic.version = 14 : i64} {
  func.func @_tmid_body(%arg0: i32, %arg1: memref<1024x128xf32, #tpu.memory_space<vmem>>, %arg2: memref<1024x128xf32, #tpu.memory_space<vmem>>, %arg3: memref<1024x128xf32, #tpu.memory_space<vmem>>, %arg4: memref<1024x1xf32, #tpu.memory_space<vmem>>, %arg5: memref<1x128xf32, #tpu.memory_space<vmem>>, %arg6: memref<128x128xf32, #tpu.memory_space<vmem>>, %arg7: memref<1024x128xf32, #tpu.memory_space<vmem>>) attributes {dimension_semantics = [#tpu.dimension_semantics<arbitrary>], iteration_bounds = array<i64: 10>, scalar_prefetch = 0 : i64, scratch_operands = 0 : i64, tpu.core_type = #tpu.core_type<tc>, window_params = [{transform_indices = @transform_0, window_bounds = array<i64: 1024, 128>}, {transform_indices = @transform_1, window_bounds = array<i64: 1024, 128>}, {transform_indices = @transform_2, window_bounds = array<i64: 1024, 128>}, {transform_indices = @transform_3, window_bounds = array<i64: 1024, 1>}, {pipeline_mode = #tpu.pipeline_mode<synchronous>, transform_indices = @transform_4, window_bounds = array<i64: 1, 128>}, {pipeline_mode = #tpu.pipeline_mode<synchronous>, transform_indices = @transform_5, window_bounds = array<i64: 128, 128>}, {transform_indices = @transform_6, window_bounds = array<i64: 1024, 128>}]} {
    %get3A = arith.constant 0 : index
    %get3A_0 = arith.constant 0 : index
    %get3A_1 = vector.load %arg4[%get3A, %get3A_0] : memref<1024x1xf32, #tpu.memory_space<vmem>>, vector<1024x1xf32>
    %get3A_2 = arith.constant 0 : index
    %get3A_3 = arith.constant 0 : index
    %get3A_4 = vector.load %arg1[%get3A_2, %get3A_3] : memref<1024x128xf32, #tpu.memory_space<vmem>>, vector<1024x128xf32>
    %get3A_5 = arith.constant 0 : index
    %get3A_6 = arith.constant 0 : index
    %get3A_7 = vector.load %arg2[%get3A_5, %get3A_6] : memref<1024x128xf32, #tpu.memory_space<vmem>>, vector<1024x128xf32>
    %add3A = arith.addf %get3A_4, %get3A_7 : vector<1024x128xf32>
    %get3A_8 = arith.constant 0 : index
    %get3A_9 = arith.constant 0 : index
    %get3A_10 = vector.load %arg3[%get3A_8, %get3A_9] : memref<1024x128xf32, #tpu.memory_space<vmem>>, vector<1024x128xf32>
    %add3A_11 = arith.addf %add3A, %get3A_10 : vector<1024x128xf32>
    %mul3A = vector.broadcast %get3A_1 : vector<1024x1xf32> to vector<1024x128xf32>
    %mul3A_12 = arith.mulf %mul3A, %add3A_11 : vector<1024x128xf32>
    %get3A_13 = arith.constant 0 : index
    %get3A_14 = arith.constant 0 : index
    %get3A_15 = vector.load %arg5[%get3A_13, %get3A_14] : memref<1x128xf32, #tpu.memory_space<vmem>>, vector<1x128xf32>
    %add3A_16 = vector.broadcast %get3A_15 : vector<1x128xf32> to vector<1024x128xf32>
    %add3A_17 = arith.addf %mul3A_12, %add3A_16 : vector<1024x128xf32>
    %max3A = arith.constant 0.000000e+00 : f32
    %max3A_18 = vector.broadcast %max3A : f32 to vector<1024x128xf32>
    %max3A_19 = arith.maximumf %add3A_17, %max3A_18 : vector<1024x128xf32>
    %get3A_20 = arith.constant 0 : index
    %get3A_21 = arith.constant 0 : index
    %get3A_22 = vector.load %arg6[%get3A_20, %get3A_21] : memref<128x128xf32, #tpu.memory_space<vmem>>, vector<128x128xf32>
    %dot_general3A = arith.constant dense<0.000000e+00> : vector<1024x128xf32>
    %dot_general3A_23 = tpu.matmul %max3A_19, %get3A_22, %dot_general3A {dimension_numbers = #tpu.dot_dimension_numbers<[1], [0], [0], [1], [0, 0, 1, 1], [], []>, transpose_lhs_hint = false} : vector<1024x128xf32>, vector<128x128xf32>, vector<1024x128xf32> -> vector<1024x128xf32>
    %mul3A_24 = vector.broadcast %get3A_1 : vector<1024x1xf32> to vector<1024x128xf32>
    %mul3A_25 = arith.mulf %dot_general3A_23, %mul3A_24 : vector<1024x128xf32>
    %swap3A = arith.constant 0 : index
    %swap3A_26 = arith.constant 0 : index
    %swap3A_27 = vector.load %arg7[%swap3A, %swap3A_26] : memref<1024x128xf32, #tpu.memory_space<vmem>>, vector<1024x128xf32>
    tpu.vector_store %arg7[%swap3A, %swap3A_26], %mul3A_25 {strides = array<i32>} : memref<1024x128xf32, #tpu.memory_space<vmem>>, vector<1024x128xf32>,
    return
  }
  func.func @transform_0(%arg0: i32) -> (i32, i32) {
    %c0_i32 = arith.constant 0 : i32
    %c0_i32_0 = arith.constant 0 : i32
    return %arg0, %c0_i32 : i32, i32
  }
  func.func @transform_1(%arg0: i32) -> (i32, i32) {
    %c0_i32 = arith.constant 0 : i32
    %c0_i32_0 = arith.constant 0 : i32
    return %arg0, %c0_i32 : i32, i32
  }
  func.func @transform_2(%arg0: i32) -> (i32, i32) {
    %c0_i32 = arith.constant 0 : i32
    %c0_i32_0 = arith.constant 0 : i32
    return %arg0, %c0_i32 : i32, i32
  }
  func.func @transform_3(%arg0: i32) -> (i32, i32) {
    %c0_i32 = arith.constant 0 : i32
    %c0_i32_0 = arith.constant 0 : i32
    return %arg0, %c0_i32 : i32, i32
  }
  func.func @transform_4(%arg0: i32) -> (i32, i32) {
    %c0_i32 = arith.constant 0 : i32
    %c0_i32_0 = arith.constant 0 : i32
    %c0_i32_1 = arith.constant 0 : i32
    return %c0_i32, %c0_i32_0 : i32, i32
  }
  func.func @transform_5(%arg0: i32) -> (i32, i32) {
    %c0_i32 = arith.constant 0 : i32
    %c0_i32_0 = arith.constant 0 : i32
    %c0_i32_1 = arith.constant 0 : i32
    return %c0_i32, %c0_i32_0 : i32, i32
  }
  func.func @transform_6(%arg0: i32) -> (i32, i32) {
    %c0_i32 = arith.constant 0 : i32
    %c0_i32_0 = arith.constant 0 : i32
    return %arg0, %c0_i32 : i32, i32
  }
}

module attributes {stable_mosaic.version = 14 : i64} {
  func.func @_tfin_body(%arg0: i32, %arg1: memref<1024x128xf32, #tpu.memory_space<vmem>>, %arg2: memref<1024x128xf32, #tpu.memory_space<vmem>>, %arg3: memref<1024x128xf32, #tpu.memory_space<vmem>>, %arg4: memref<1024x1xf32, #tpu.memory_space<vmem>>, %arg5: memref<1x128xf32, #tpu.memory_space<vmem>>, %arg6: memref<1024x128xf32, #tpu.memory_space<vmem>>) attributes {dimension_semantics = [#tpu.dimension_semantics<arbitrary>], iteration_bounds = array<i64: 10>, scalar_prefetch = 0 : i64, scratch_operands = 0 : i64, tpu.core_type = #tpu.core_type<tc>, window_params = [{transform_indices = @transform_0, window_bounds = array<i64: 1024, 128>}, {transform_indices = @transform_1, window_bounds = array<i64: 1024, 128>}, {transform_indices = @transform_2, window_bounds = array<i64: 1024, 128>}, {transform_indices = @transform_3, window_bounds = array<i64: 1024, 1>}, {pipeline_mode = #tpu.pipeline_mode<synchronous>, transform_indices = @transform_4, window_bounds = array<i64: 1, 128>}, {transform_indices = @transform_5, window_bounds = array<i64: 1024, 128>}]} {
    %get3A = arith.constant 0 : index
    %get3A_0 = arith.constant 0 : index
    %get3A_1 = vector.load %arg4[%get3A, %get3A_0] : memref<1024x1xf32, #tpu.memory_space<vmem>>, vector<1024x1xf32>
    %get3A_2 = arith.constant 0 : index
    %get3A_3 = arith.constant 0 : index
    %get3A_4 = vector.load %arg1[%get3A_2, %get3A_3] : memref<1024x128xf32, #tpu.memory_space<vmem>>, vector<1024x128xf32>
    %get3A_5 = arith.constant 0 : index
    %get3A_6 = arith.constant 0 : index
    %get3A_7 = vector.load %arg2[%get3A_5, %get3A_6] : memref<1024x128xf32, #tpu.memory_space<vmem>>, vector<1024x128xf32>
    %add3A = arith.addf %get3A_4, %get3A_7 : vector<1024x128xf32>
    %get3A_8 = arith.constant 0 : index
    %get3A_9 = arith.constant 0 : index
    %get3A_10 = vector.load %arg3[%get3A_8, %get3A_9] : memref<1024x128xf32, #tpu.memory_space<vmem>>, vector<1024x128xf32>
    %add3A_11 = arith.addf %add3A, %get3A_10 : vector<1024x128xf32>
    %mul3A = vector.broadcast %get3A_1 : vector<1024x1xf32> to vector<1024x128xf32>
    %mul3A_12 = arith.mulf %mul3A, %add3A_11 : vector<1024x128xf32>
    %get3A_13 = arith.constant 0 : index
    %get3A_14 = arith.constant 0 : index
    %get3A_15 = vector.load %arg5[%get3A_13, %get3A_14] : memref<1x128xf32, #tpu.memory_space<vmem>>, vector<1x128xf32>
    %add3A_16 = vector.broadcast %get3A_15 : vector<1x128xf32> to vector<1024x128xf32>
    %add3A_17 = arith.addf %mul3A_12, %add3A_16 : vector<1024x128xf32>
    %swap3A = arith.constant 0 : index
    %swap3A_18 = arith.constant 0 : index
    %swap3A_19 = vector.load %arg6[%swap3A, %swap3A_18] : memref<1024x128xf32, #tpu.memory_space<vmem>>, vector<1024x128xf32>
    tpu.vector_store %arg6[%swap3A, %swap3A_18], %add3A_17 {strides = array<i32>} : memref<1024x128xf32, #tpu.memory_space<vmem>>, vector<1024x128xf32>,
    return
  }
  func.func @transform_0(%arg0: i32) -> (i32, i32) {
    %c0_i32 = arith.constant 0 : i32
    %c0_i32_0 = arith.constant 0 : i32
    return %arg0, %c0_i32 : i32, i32
  }
  func.func @transform_1(%arg0: i32) -> (i32, i32) {
    %c0_i32 = arith.constant 0 : i32
    %c0_i32_0 = arith.constant 0 : i32
    return %arg0, %c0_i32 : i32, i32
  }
  func.func @transform_2(%arg0: i32) -> (i32, i32) {
    %c0_i32 = arith.constant 0 : i32
    %c0_i32_0 = arith.constant 0 : i32
    return %arg0, %c0_i32 : i32, i32
  }
  func.func @transform_3(%arg0: i32) -> (i32, i32) {
    %c0_i32 = arith.constant 0 : i32
    %c0_i32_0 = arith.constant 0 : i32
    return %arg0, %c0_i32 : i32, i32
  }
  func.func @transform_4(%arg0: i32) -> (i32, i32) {
    %c0_i32 = arith.constant 0 : i32
    %c0_i32_0 = arith.constant 0 : i32
    %c0_i32_1 = arith.constant 0 : i32
    return %c0_i32, %c0_i32_0 : i32, i32
  }
  func.func @transform_5(%arg0: i32) -> (i32, i32) {
    %c0_i32 = arith.constant 0 : i32
    %c0_i32_0 = arith.constant 0 : i32
    return %arg0, %c0_i32 : i32, i32
  }
}

</mosaic_0001>

<sc_bundles>
// kernel: kernel.16.cloned.1.call-start
scs
__scs_entry_jumppad:
0x0: {  	(pc) =	sbr.rel $0x88, $3  }
0x1: {  	(tag) =	ssettag $0x0;
	lr =	simm.s32 $0x1  }
0x2: {  	[smem:$0x3F93] =	sst lr;
	_ =	strace $0xD0000000  }
0x3: {  	_ = 	snop  }
0x4: {  	_ = 	snop  }
0x5: {  	_ = 	snop  }
0x6: {  	_ = 	snop  }
0x7: {  	_ = 	snop  }
__scs_overlays_trampoline_lowered:
0x8: {  	[smem:$0x3FA2] =	sst s0  }
0x9: {  	[smem:$0x3FA3] =	sst s1  }
0xa: {  	[smem:$0x3FA4] =	sst s2  }
0xb: {  	[smem:$0x3FA5] =	sst s3  }
0xc: {  	[smem:$0x3FA6] =	sst s4  }
0xd: {  	[smem:$0x3FA7] =	sst s5  }
0xe: {  	[smem:$0x3FA8] =	sst s6  }
0xf: {  	[smem:$0x3FA9] =	sst s7  }
0x10: {  	[smem:$0x3FAA] =	sst s8  }
0x11: {  	[smem:$0x3FAB] =	sst s9;
	s0 =	simm.s32 @!p0 $0x0  }
0x12: {  	s1 =	sld [smem:$0x3F91];
	s0 =	simm.s32 @p0 $0x1  }
0x13: {  	[smem:$0x3FAC] =	sst s0;
	s0 =	simm.s32 @!p1 $0x0  }
0x14: {  	s2 =	sld [smem:$0x3F90];
	s0 =	simm.s32 @p1 $0x1  }
0x15: {  	[smem:$0x3FAD] =	sst s0;
	s0 =	simm.s32 @!p2 $0x0  }
0x16: {  	s3 =	sld [smem:$0x3FDB];
	s0 =	simm.s32 @p2 $0x1  }
0x17: {  	s4 =	simm.s32 $0x1BF5;
	[smem:$0x3FAF] =	sst s0  }
0x18: {  	s0 =	sld [smem:$0x3F92];
	_ =	swait.ge [sflag:s4], $0x0  }
0x19: {  	s7 =	sld [smem:$0x3F93]  }
0x1a: {  	s8 =	sadd.s32 $0xFFFFE003, lr  }
0x1b: {  	s9 =	sadd.s32 $0xFFFFFEF7, lr;
	s5 =	simm.s32 $0xFFFFFFFF;
	p2 =	slt.u32 s8, $0xFFFFF086  }
0x1c: {  	p1 =	slt.u32 s9, $0xF7A;
	s5 =	simm.s32 @!p2 $0x0  }
0x1d: {  	s5 =	simm.s32 @p1 $0x1;
	p0 =	seq.s32 s7, s2  }
0x1e: {  	s7 =	smul.u32 @!p0 $0xF7A, s2;
	p2 =	seq.s32 @!p0 s5, $0x0  }
0x1f: {  	s9 =	smul.u32 $0xF7A, s1;
	s8 =	simm.s32 @!p0 $0x1BF5;
	p2 =	por !p2, p0  }
0x20: {  	[sflag:s8] =	ssyncset.s32 @!p0 $0xFFFFF086;
	s6 =	sadd.s32 @!p0 s3, s7;
	s7 =	simm.s32 @!p0 $0x108  }
0x21: {  	s3 =	sadd.s32 s3, s9;
	s6 =	sadd.s32 @!p0 $0x88, s6;
	s7 =	simm.s32 @p2 $0x1082  }
0x22: {  	[simem:s7], [sflag:s8] =	dma.local @!p0 [hbm:s6], $0xF7A  }
0x23: {  	s9 =	sor.u32 $0xD0000000, s2;
	s6 =	simm.s32 $0x108;
	_ =	swait.ge @!p0 [sflag:s8], $0x0  }
0x24: {  	s3 =	sadd.s32 $0x88, s3;
	s6 =	simm.s32 @!p1 $0x1082;
	[sflag:s4] =	ssyncset.s32 $0xFFFFF086  }
0x25: {  	[simem:s6], [sflag:s4] =	dma.local [hbm:s3], $0xF7A  }
0x26: {  	[smem:$0x3F93] =	sst s1;
	(tag) =	ssettag s2;
	_ =	strace s9  }
0x27: {  	s1 =	sld [smem:$0x3FA3]  }
0x28: {  	s2 =	sld [smem:$0x3FA4]  }
0x29: {  	s4 =	sld [smem:$0x3FA6]  }
0x2a: {  	p0 =	seq.s32 s5, $0x0;
	s5 =	sld [smem:$0x3FA7]  }
0x2b: {  	s6 =	sld [smem:$0x3FA8]  }
0x2c: {  	s7 =	sld [smem:$0x3FA9]  }
0x2d: {  	s3 =	simm.s32 $0x108;
	s8 =	sld [smem:$0x3FAA]  }
0x2e: {  	s3 =	simm.s32 @!p0 $0x1082;
	s9 =	sld [smem:$0x3FAB]  }
0x2f: {  	lr =	sadd.s32 s0, s3;
	s0 =	sld [smem:$0x3FA2]  }
0x30: {  	s3 =	sld [smem:$0x3FA5]  }
0x31: {  	[smem:$0x3FAE] =	sst s10  }
0x32: {  	s10 =	sld [smem:$0x3FAC];
	_ =	sdelay $0x3  }
0x33: {  	p0 =	seq.s32 s10, $0x1;
	s10 =	sld [smem:$0x3FAE];
	_ =	sdelay $0x3  }
0x34: {  	[smem:$0x3FAE] =	sst s10  }
0x35: {  	s10 =	sld [smem:$0x3FAD];
	_ =	sdelay $0x3  }
0x36: {  	p1 =	seq.s32 s10, $0x1;
	s10 =	sld [smem:$0x3FAE];
	_ =	sdelay $0x3  }
0x37: {  	[smem:$0x3FAE] =	sst s10  }
0x38: {  	s10 =	sld [smem:$0x3FAF]  }
0x39: {  	_ = 	snop;
	(pc) =	sbr.ind lr, $3  }
0x3a: {  	_ = 	snop  }
0x3b: {  	_ = 	snop  }
0x3c: {  	p2 =	seq.s32 s10, $0x1;
	s10 =	sld [smem:$0x3FAE]  }
0x3d: {  	_ =	shalt  }
0x3e: {  	_ =	shalt  }
0x3f: {  	_ =	shalt  }
0x40: {  	_ =	shalt  }
0x41: {  	_ =	shalt  }
0x42: {  	_ =	shalt  }
0x43: {  	_ =	shalt  }
0x44: {  	_ =	shalt  }
0x45: {  	_ =	shalt  }
0x46: {  	_ =	shalt  }
0x47: {  	_ =	shalt  }
0x48: {  	_ =	shalt  }
0x49: {  	_ =	shalt  }
0x4a: {  	_ =	shalt  }
0x4b: {  	_ =	shalt  }
0x4c: {  	_ =	shalt  }
0x4d: {  	_ =	shalt  }
0x4e: {  	_ =	shalt  }
0x4f: {  	_ =	shalt  }
0x50: {  	_ =	shalt  }
0x51: {  	_ =	shalt  }
0x52: {  	_ =	shalt  }
0x53: {  	_ =	shalt  }
0x54: {  	_ =	shalt  }
0x55: {  	_ =	shalt  }
0x56: {  	_ =	shalt  }
0x57: {  	_ =	shalt  }
0x58: {  	_ =	shalt  }
0x59: {  	_ =	shalt  }
0x5a: {  	_ =	shalt  }
0x5b: {  	_ =	shalt  }
0x5c: {  	_ =	shalt  }
0x5d: {  	_ =	shalt  }
0x5e: {  	_ =	shalt  }
0x5f: {  	_ =	shalt  }
0x60: {  	_ =	shalt  }
0x61: {  	_ =	shalt  }
0x62: {  	_ =	shalt  }
0x63: {  	_ =	shalt  }
0x64: {  	_ =	shalt  }
0x65: {  	_ =	shalt  }
0x66: {  	_ =	shalt  }
0x67: {  	_ =	shalt  }
0x68: {  	_ =	shalt  }
0x69: {  	_ =	shalt  }
0x6a: {  	_ =	shalt  }
0x6b: {  	_ =	shalt  }
0x6c: {  	_ =	shalt  }
0x6d: {  	_ =	shalt  }
0x6e: {  	_ =	shalt  }
0x6f: {  	_ =	shalt  }
0x70: {  	_ =	shalt  }
0x71: {  	_ =	shalt  }
0x72: {  	_ =	shalt  }
0x73: {  	_ =	shalt  }
0x74: {  	_ =	shalt  }
0x75: {  	_ =	shalt  }
0x76: {  	_ =	shalt  }
0x77: {  	_ =	shalt  }
0x78: {  	_ =	shalt  }
0x79: {  	_ =	shalt  }
0x7a: {  	_ =	shalt  }
0x7b: {  	_ =	shalt  }
0x7c: {  	_ =	shalt  }
0x7d: {  	_ =	shalt  }
0x7e: {  	_ =	shalt  }
0x7f: {  	_ =	shalt  }
0x80: {  	_ =	shalt  }
0x81: {  	_ =	shalt  }
0x82: {  	_ =	shalt  }
0x83: {  	_ =	shalt  }
0x84: {  	_ =	shalt  }
0x85: {  	_ =	shalt  }
0x86: {  	_ =	shalt  }
0x87: {  	_ =	shalt  }
.Lfunc_end0:
.L_simem_size_0:
called_computation_lowered:
.L_overlay_start_0:
0x88: {  	s2 =	sld [smem:$0x3FD9]  }
0x89: {  	s3 =	sld [smem:$0x3FFE];
	_ =	sdelay $0x1  }
0x8a: {  	s1 =	srdreg.scid  }
0x8b: {  	s0 =	sand.u32 $0x1, s1  }
0x8c: {  	s17 =	sshll.u32 s0, $0xA;
	s2 =	sadd.s32 s3, s2  }
0x8d: {  	s2 =	sadd.s32 s2, s17  }
0x8e: {  	[smem:$0x3FBA] =	sst s2  }
0x8f: {  	_ = 	snop  }
0x90: {  	s2 =	sld [smem:$0x3FD0];
	(tm) =	ssettm $0x1  }
0x91: {  	s18 =	sld [smem:$0x3FFB];
	_ =	sdelay $0x3  }
0x92: {  	_ =	strace s18  }
0x93: {  	s3 =	sld [smem:$0x3FFC];
	_ =	sdelay $0x3  }
0x94: {  	_ =	strace s3  }
0x95: {  	s3 =	sld [smem:$0x3FFD];
	_ =	sdelay $0x3  }
0x96: {  	_ =	strace s3  }
0x97: {  	_ =	strace $0x8FFFFFFF  }
0x98: {  	s19 =	sld [smem:$0x3FDB];
	_ =	sdelay $0x1  }
0x99: {  	s4 =	simm.s32 $_scs_section_size  }
0x9a: {  	s5 =	simm.s32 $_size__tile_overlayer_lowered;
	s6 =	simm.s32 $_tile_overlayer_lowered  }
0x9b: {  	s22 =	simm.s32 $0x1BFF;
	s21 =	sshll.u32 s6, $0x1;
	s3 =	sadd.s32 s4, s19  }
0x9c: {  	s7 =	simm.s32 $0x0;
	s20 =	sshll.u32 s5, $0x1;
	s5 =	sadd.s32 s21, s3  }
0x9d: {  	[timem:s7], [sflag:s22] =	dma.local [hbm:s5], s20  }
0x9e: {  	_ =	swait.ge [sflag:s22], s20  }
0x9f: {  	s4 =	ssub.s32 $0x0, s20;
	[sflag:s22] =	ssyncset.done $0x0  }
0xa0: {  	[sflag:s22] =	ssyncadd.s32 s4;
	_ =	sdelay $0x1  }
0xa1: {  	s23 =	simm.s32 $0x1B8B  }
0xa2: {  	_ =	swait.ge [sflag:s23], $0x1  }
0xa3: {  	[sflag:s23] =	ssyncset.done $0x0  }
0xa4: {  	s25 =	simm.s32 $0x1B8E;
	s24 =	sld [smem:$0x3FFE];
	[sflag:s23] =	ssyncadd.s32 $0xFFFFFFFF  }
0xa5: {  	s26 =	simm.s32 $execute0_lowered;
	[smem:$0x3FD2] =	sst s25  }
0xa6: {  	s5 =	sshll.u32 s26, $0x1;
	_ =	strace $0x80000046;
	[dreg:$0x1] =	wrdreg $0xFFFFFFFF  }
0xa7: {  	s28 =	simm.s32 $_size_execute0_lowered;
	s3 =	sadd.s32 s3, s5;
	[dreg:$0x0] =	wrdreg $0x0  }
0xa8: {  	s5 =	sshll.u32 s28, $0x1;
	[dreg:$0x2] =	wrdreg s3  }
0xa9: {  	[dreg:$0x3] =	wrdreg s5  }
0xaa: {  	[dreg:$0x4] =	wrdreg $0xC0  }
0xab: {  	_ =	task [dreg:s7], $0x5FFFF  }
0xac: {  	[dreg:$0x1] =	wrdreg $0xFFFFFFFF  }
0xad: {  	[dreg:$0x0] =	wrdreg $0x60  }
0xae: {  	[dreg:$0x2] =	wrdreg s2  }
0xaf: {  	[dreg:$0x3] =	wrdreg s24  }
0xb0: {  	[dreg:$0x4] =	wrdreg $0x6C000  }
0xb1: {  	[dreg:$0x5] =	wrdreg $0x9  }
0xb2: {  	_ =	task.clear_ibuf [dreg:s7], $0x6FFFF;
	_ =	strace $0x90000046  }
0xb3: {  	s29 =	simm.s32 $0x9;
	_ =	strace $0x80000048  }
0xb4: {  	_ =	swait.ge [sflag:s29], $0x1  }
0xb5: {  	[sflag:s29] =	ssyncadd.s32 $0xFFFFFFFF  }
0xb6: {  	_ =	strace $0x90000048  }
0xb7: {  	_ =	sfence  }
0xb8: {  	s30 =	sld [smem:$0x0];
	_ =	sdelay $0x2  }
0xb9: {  	s31 =	sshll.u32 s1, $0xD;
	s1 =	sshrl.u32 s1, $0x2  }
0xba: {  	s3 =	sand.u32 $0x4000, s31;
	s1 =	sadd.s32 s1, s30  }
0xbb: {  	s0 =	sor.u32 s3, s0;
	s1 =	sshll.u32 s1, $0x11  }
0xbc: {  	s0 =	sor.u32 s1, s0  }
0xbd: {  	s0 =	sadd.s32 $0x8F2B, s0  }
0xbe: {  	[sflag:s0] =	ssyncadd.remote.s32 $0x1  }
0xbf: {  	_ =	sfence.sel $0xFFFF  }
0xc0: {  	[dreg:$0x0] =	wrdreg $0xFFFFFFFF;
	(pc) =	sbr.abs _section_cstart, $3  }
0xc1: {  	[dreg:$0x1] =	wrdreg $0xFFFFFFFF  }
0xc2: {  	_ =	task.clear_ibuf [dreg:s7], $0x2FFFF;
	_ =	strace $0x9FFFFFFF  }
0xc3: {  	(tm) =	ssettm $0x7FFFFFFF  }
tec
execute0_lowered:
.L_overlay_start_1:
0x0: {  	(tag) =	ssettag $0x1  }
0x1: {  	s7 =	rddreg [dreg:$0x0]  }
0x2: {  	s5 =	rddreg [dreg:$0x1];
	s0 =	stileid.u32  }
0x3: {  	s1 =	srdreg.scid;
	s2 =	rddreg [dreg:$0x2]  }
0x4: {  	s3 =	simm.s32 $0x0;
	s13 =	simm.s32 $0x80;
	s14 =	simm.s32 $0x0  }
0x5: {  	s4 =	smul.u32 $0x14000, s0;
	s6 =	sand.u32 $0x1, s1;
	s1 =	rddreg [dreg:$0x3]  }
0x6: {  	[smem:$0x7FF] =	sst s3;
	s11 =	smul.u32 $0x50000, s0;
	s12 =	sshll.u32 s0, $0x1  }
0x7: {  	s31 =	sshll.u32 s0, $0x6;
	s8 =	smul.u32 $0x140000, s6;
	_ =	strace $0x80000047  }
0x8: {  	s10 =	ssub.s32 $0x2, s6;
	s6 =	sor.u32 s6, s12;
	s12 =	simm.s32 $0x2C00  }
0x9: {  	s9 =	sshrl.u32 s4, $0x3;
	s26 =	sshrl.u32 s10, $0x1;
	s28 =	sshrl.u32 s11, $0x2  }
0xa: {  	s29 =	smul.u32 $0x580, s6;
	s6 =	sor.u32 $0x1C01, s31;
	s11 =	simm.s32 $0x1  }
0xb: {  	s8 =	sadd.s32 s4, s8;
	s9 =	sadd.s32 s9, s5;
	s4 =	sadd.s32 $0x7C00, s5  }
0xc: {  	s10 =	ssub.s32 s10, s26;
	s30 =	sadd.s32 s28, s2;
	s8 =	sshrl.u32 s8, $0x3  }
0xd: {  	s7 =	sadd.s32 s7, s29;
	s8 =	sadd.s32 s8, s5;
	s5 =	sadd.s32 $0x8400, s9  }
0xe: {  	s9 =	smax.u32 s10, $0x1;
	s10 =	sshrl.u32 s30, $0x3;
	s8 =	sadd.s32 $0x30400, s8  }
.LBB2_1:
0xf: {  	[spmem:s10], [sflag:s6] =	dma.local [hbm:s5], $0x2800  }
0x10: {  	_ =	swait.ge [sflag:s11], $0x2800  }
0x11: {  	[sflag:s11] =	ssyncset.done $0x0  }
0x12: {  	[sflag:s11] =	ssyncadd.s32 $0xFFFFD800  }
0x13: {  	[tilespmem:s12], [sflag:$0x1] =	stream.linear.gather [hbm4b:s4+s3], $0x4000, $0x38;
	[tilespmem:$0x1AC00] =	vst v63  }
0x14: {  	_ =	swait.ge [sflag:s11], $0x4000  }
0x15: {  	[sflag:s11] =	ssyncset.done $0x0  }
0x16: {  	[sflag:s11] =	ssyncadd.s32 $0xFFFFC000  }
0x17: {  	[tilespmem:s3], [sflag:$0x1] =	stream.linear.gather [hbm4b:s7+s3], $0x2900, $0x38;
	[tilespmem:$0x1AC00] =	vst v63  }
0x18: {  	_ =	swait.ge [sflag:s11], $0x2900  }
0x19: {  	[sflag:s11] =	ssyncset.done $0x0  }
0x1a: {  	[sflag:s11] =	ssyncadd.s32 $0xFFFFD700  }
0x1b: {  	s15 =	simm.s32 $0x0;
	[bflag:$0x0] =	sbarrier.arrive $0xFFFF  }
0x1c: {  	[spmem:s2] =	stream.indirect.scatter.add.f32 [tilespmem:s12], [sflag:$0x1], $0x80, s15, s13, $0xb8;
	[tilespmem:$0x1AC00] =	vst v63  }
0x1d: {  	_ =	swait.ge [sflag:s11], $0x4000  }
0x1e: {  	s15 =	simm.s32 $0x200;
	[sflag:s11] =	ssyncset.done $0x0  }
.LBB2_2:
0x1f: {  	s16 =	sshra.s32 s15, $0x2;
	[sflag:s11] =	ssyncadd.s32 $0xFFFFC000;
	p0 =	sne.s32 s15, $0x9E00  }
0x20: {  	[spmem:s2] =	stream.indirect.scatter.add.f32 [tilespmem:s12], [sflag:$0x1], $0x80, s16, s13, $0xb8;
	[tilespmem:$0x1AC00] =	vst v63  }
.Ltmp0:
0x21: {  	_ = 	snop;
	(pc) =	sbr.rel @p0 .LBB2_2-.Ltmp0, $4  }
0x22: {  	_ = 	snop  }
0x23: {  	s15 =	sadd.s32 $0x200, s15  }
0x24: {  	_ =	swait.ge [sflag:s11], $0x4000  }
0x25: {  	[sflag:s11] =	ssyncset.done $0x0  }
0x26: {  	s14 =	sadd.s32 $0x1, s14  }
0x27: {  	[sflag:s11] =	ssyncadd.s32 $0xFFFFC000;
	p0 =	sne.s32 s14, s9  }
.Ltmp1:
0x28: {  	[bflag:$0x0] =	sbarrier.arrive $0xFFFF;
	(pc) =	sbr.rel @p0 .LBB2_1-.Ltmp1, $4  }
0x29: {  	[hbm:s8], [sflag:s6] =	dma.local [spmem:s10], $0x2800  }
0x2a: {  	_ =	swait.ge [sflag:s11], $0x2800  }
0x2b: {  	[sflag:s11] =	ssyncset.done $0x0  }
0x2c: {  	[sflag:s11] =	ssyncadd.s32 $0xFFFFD800  }
0x2d: {  	_ =	sfence.sel $0x180000  }
0x2e: {  	[bflag:$0x0] =	sbarrier.arrive $0xFFFF  }
0x2f: {  	p0 =	sne.s32 s0, $0x0;
	_ =	strace $0x90000047  }
0x30: {  	s0 =	sadd.s32 @!p0 $0x100000, s1;
	[bflag:$0x2] =	sbarrier.arrive $0xFFFF  }
0x31: {  	[sflag:s0] =	ssyncadd.tile.s32 @!p0 $0x1;
	_ =	shalt  }
.Lfunc_end2:
_tile_overlayer_lowered:
.L_overlay_start_2:
0x32: {  	(tag) =	ssettag $0x2  }
0x33: {  	s0 =	rddreg [dreg:$0x0];
	s2 =	stileid.u32  }
0x34: {  	s1 =	rddreg [dreg:$0x1];
	p0 =	sne.s32 s2, $0x0  }
0x35: {  	s3 =	rddreg [dreg:$0x2];
	[bflag:$0x3] =	sbarrier.arrive $0xFFFF;
	s2 =	simm.s32 @!p0 $0x1C01  }
0x36: {  	[timem:s3], [sflag:s2] =	dma.local @!p0 [hbm:s0], s1  }
0x37: {  	s0 =	simm.s32 @!p0 $0x1  }
0x38: {  	_ =	swait.ge @!p0 [sflag:s0], s1  }
0x39: {  	s1 =	ssub.s32 @!p0 $0x0, s1;
	[sflag:s0] =	ssyncset.done @!p0 $0x0  }
0x3a: {  	[sflag:s0] =	ssyncadd.s32 @!p0 s1  }
0x3b: {  	[bflag:$0x3] =	sbarrier.arrive $0xFFFF  }
0x3c: {  	_ =	shalt  }

// kernel: kernel.19.cloned.1.call-start
scs
__scs_entry_jumppad:
0x0: {  	(pc) =	sbr.rel $0x88, $3  }
0x1: {  	(tag) =	ssettag $0x0;
	lr =	simm.s32 $0x1  }
0x2: {  	[smem:$0x3F93] =	sst lr;
	_ =	strace $0xD0000000  }
0x3: {  	_ = 	snop  }
0x4: {  	_ = 	snop  }
0x5: {  	_ = 	snop  }
0x6: {  	_ = 	snop  }
0x7: {  	_ = 	snop  }
__scs_overlays_trampoline_lowered:
0x8: {  	[smem:$0x3FA2] =	sst s0  }
0x9: {  	[smem:$0x3FA3] =	sst s1  }
0xa: {  	[smem:$0x3FA4] =	sst s2  }
0xb: {  	[smem:$0x3FA5] =	sst s3  }
0xc: {  	[smem:$0x3FA6] =	sst s4  }
0xd: {  	[smem:$0x3FA7] =	sst s5  }
0xe: {  	[smem:$0x3FA8] =	sst s6  }
0xf: {  	[smem:$0x3FA9] =	sst s7  }
0x10: {  	[smem:$0x3FAA] =	sst s8  }
0x11: {  	[smem:$0x3FAB] =	sst s9;
	s0 =	simm.s32 @!p0 $0x0  }
0x12: {  	s1 =	sld [smem:$0x3F91];
	s0 =	simm.s32 @p0 $0x1  }
0x13: {  	[smem:$0x3FAC] =	sst s0;
	s0 =	simm.s32 @!p1 $0x0  }
0x14: {  	s2 =	sld [smem:$0x3F90];
	s0 =	simm.s32 @p1 $0x1  }
0x15: {  	[smem:$0x3FAD] =	sst s0;
	s0 =	simm.s32 @!p2 $0x0  }
0x16: {  	s3 =	sld [smem:$0x3FDB];
	s0 =	simm.s32 @p2 $0x1  }
0x17: {  	s4 =	simm.s32 $0x1BF5;
	[smem:$0x3FAF] =	sst s0  }
0x18: {  	s0 =	sld [smem:$0x3F92];
	_ =	swait.ge [sflag:s4], $0x0  }
0x19: {  	s7 =	sld [smem:$0x3F93]  }
0x1a: {  	s8 =	sadd.s32 $0xFFFFE003, lr  }
0x1b: {  	s9 =	sadd.s32 $0xFFFFFEF7, lr;
	s5 =	simm.s32 $0xFFFFFFFF;
	p2 =	slt.u32 s8, $0xFFFFF086  }
0x1c: {  	p1 =	slt.u32 s9, $0xF7A;
	s5 =	simm.s32 @!p2 $0x0  }
0x1d: {  	s5 =	simm.s32 @p1 $0x1;
	p0 =	seq.s32 s7, s2  }
0x1e: {  	s7 =	smul.u32 @!p0 $0xF7A, s2;
	p2 =	seq.s32 @!p0 s5, $0x0  }
0x1f: {  	s9 =	smul.u32 $0xF7A, s1;
	s8 =	simm.s32 @!p0 $0x1BF5;
	p2 =	por !p2, p0  }
0x20: {  	[sflag:s8] =	ssyncset.s32 @!p0 $0xFFFFF086;
	s6 =	sadd.s32 @!p0 s3, s7;
	s7 =	simm.s32 @!p0 $0x108  }
0x21: {  	s3 =	sadd.s32 s3, s9;
	s6 =	sadd.s32 @!p0 $0x88, s6;
	s7 =	simm.s32 @p2 $0x1082  }
0x22: {  	[simem:s7], [sflag:s8] =	dma.local @!p0 [hbm:s6], $0xF7A  }
0x23: {  	s9 =	sor.u32 $0xD0000000, s2;
	s6 =	simm.s32 $0x108;
	_ =	swait.ge @!p0 [sflag:s8], $0x0  }
0x24: {  	s3 =	sadd.s32 $0x88, s3;
	s6 =	simm.s32 @!p1 $0x1082;
	[sflag:s4] =	ssyncset.s32 $0xFFFFF086  }
0x25: {  	[simem:s6], [sflag:s4] =	dma.local [hbm:s3], $0xF7A  }
0x26: {  	[smem:$0x3F93] =	sst s1;
	(tag) =	ssettag s2;
	_ =	strace s9  }
0x27: {  	s1 =	sld [smem:$0x3FA3]  }
0x28: {  	s2 =	sld [smem:$0x3FA4]  }
0x29: {  	s4 =	sld [smem:$0x3FA6]  }
0x2a: {  	p0 =	seq.s32 s5, $0x0;
	s5 =	sld [smem:$0x3FA7]  }
0x2b: {  	s6 =	sld [smem:$0x3FA8]  }
0x2c: {  	s7 =	sld [smem:$0x3FA9]  }
0x2d: {  	s3 =	simm.s32 $0x108;
	s8 =	sld [smem:$0x3FAA]  }
0x2e: {  	s3 =	simm.s32 @!p0 $0x1082;
	s9 =	sld [smem:$0x3FAB]  }
0x2f: {  	lr =	sadd.s32 s0, s3;
	s0 =	sld [smem:$0x3FA2]  }
0x30: {  	s3 =	sld [smem:$0x3FA5]  }
0x31: {  	[smem:$0x3FAE] =	sst s10  }
0x32: {  	s10 =	sld [smem:$0x3FAC];
	_ =	sdelay $0x3  }
0x33: {  	p0 =	seq.s32 s10, $0x1;
	s10 =	sld [smem:$0x3FAE];
	_ =	sdelay $0x3  }
0x34: {  	[smem:$0x3FAE] =	sst s10  }
0x35: {  	s10 =	sld [smem:$0x3FAD];
	_ =	sdelay $0x3  }
0x36: {  	p1 =	seq.s32 s10, $0x1;
	s10 =	sld [smem:$0x3FAE];
	_ =	sdelay $0x3  }
0x37: {  	[smem:$0x3FAE] =	sst s10  }
0x38: {  	s10 =	sld [smem:$0x3FAF]  }
0x39: {  	_ = 	snop;
	(pc) =	sbr.ind lr, $3  }
0x3a: {  	_ = 	snop  }
0x3b: {  	_ = 	snop  }
0x3c: {  	p2 =	seq.s32 s10, $0x1;
	s10 =	sld [smem:$0x3FAE]  }
0x3d: {  	_ =	shalt  }
0x3e: {  	_ =	shalt  }
0x3f: {  	_ =	shalt  }
0x40: {  	_ =	shalt  }
0x41: {  	_ =	shalt  }
0x42: {  	_ =	shalt  }
0x43: {  	_ =	shalt  }
0x44: {  	_ =	shalt  }
0x45: {  	_ =	shalt  }
0x46: {  	_ =	shalt  }
0x47: {  	_ =	shalt  }
0x48: {  	_ =	shalt  }
0x49: {  	_ =	shalt  }
0x4a: {  	_ =	shalt  }
0x4b: {  	_ =	shalt  }
0x4c: {  	_ =	shalt  }
0x4d: {  	_ =	shalt  }
0x4e: {  	_ =	shalt  }
0x4f: {  	_ =	shalt  }
0x50: {  	_ =	shalt  }
0x51: {  	_ =	shalt  }
0x52: {  	_ =	shalt  }
0x53: {  	_ =	shalt  }
0x54: {  	_ =	shalt  }
0x55: {  	_ =	shalt  }
0x56: {  	_ =	shalt  }
0x57: {  	_ =	shalt  }
0x58: {  	_ =	shalt  }
0x59: {  	_ =	shalt  }
0x5a: {  	_ =	shalt  }
0x5b: {  	_ =	shalt  }
0x5c: {  	_ =	shalt  }
0x5d: {  	_ =	shalt  }
0x5e: {  	_ =	shalt  }
0x5f: {  	_ =	shalt  }
0x60: {  	_ =	shalt  }
0x61: {  	_ =	shalt  }
0x62: {  	_ =	shalt  }
0x63: {  	_ =	shalt  }
0x64: {  	_ =	shalt  }
0x65: {  	_ =	shalt  }
0x66: {  	_ =	shalt  }
0x67: {  	_ =	shalt  }
0x68: {  	_ =	shalt  }
0x69: {  	_ =	shalt  }
0x6a: {  	_ =	shalt  }
0x6b: {  	_ =	shalt  }
0x6c: {  	_ =	shalt  }
0x6d: {  	_ =	shalt  }
0x6e: {  	_ =	shalt  }
0x6f: {  	_ =	shalt  }
0x70: {  	_ =	shalt  }
0x71: {  	_ =	shalt  }
0x72: {  	_ =	shalt  }
0x73: {  	_ =	shalt  }
0x74: {  	_ =	shalt  }
0x75: {  	_ =	shalt  }
0x76: {  	_ =	shalt  }
0x77: {  	_ =	shalt  }
0x78: {  	_ =	shalt  }
0x79: {  	_ =	shalt  }
0x7a: {  	_ =	shalt  }
0x7b: {  	_ =	shalt  }
0x7c: {  	_ =	shalt  }
0x7d: {  	_ =	shalt  }
0x7e: {  	_ =	shalt  }
0x7f: {  	_ =	shalt  }
0x80: {  	_ =	shalt  }
0x81: {  	_ =	shalt  }
0x82: {  	_ =	shalt  }
0x83: {  	_ =	shalt  }
0x84: {  	_ =	shalt  }
0x85: {  	_ =	shalt  }
0x86: {  	_ =	shalt  }
0x87: {  	_ =	shalt  }
.Lfunc_end0:
.L_simem_size_0:
called_computation.1_lowered:
.L_overlay_start_0:
0x88: {  	s2 =	sld [smem:$0x3FD9]  }
0x89: {  	s3 =	sld [smem:$0x3FFE];
	_ =	sdelay $0x1  }
0x8a: {  	s1 =	srdreg.scid  }
0x8b: {  	s0 =	sand.u32 $0x1, s1  }
0x8c: {  	s17 =	sshll.u32 s0, $0xA;
	s2 =	sadd.s32 s3, s2  }
0x8d: {  	s2 =	sadd.s32 s2, s17  }
0x8e: {  	[smem:$0x3FBA] =	sst s2  }
0x8f: {  	_ = 	snop  }
0x90: {  	s2 =	sld [smem:$0x3FD0];
	(tm) =	ssettm $0x1  }
0x91: {  	s18 =	sld [smem:$0x3FFB];
	_ =	sdelay $0x3  }
0x92: {  	_ =	strace s18  }
0x93: {  	s3 =	sld [smem:$0x3FFC];
	_ =	sdelay $0x3  }
0x94: {  	_ =	strace s3  }
0x95: {  	s3 =	sld [smem:$0x3FFD];
	_ =	sdelay $0x3  }
0x96: {  	_ =	strace s3  }
0x97: {  	_ =	strace $0x8FFFFFFF  }
0x98: {  	s19 =	sld [smem:$0x3FDB];
	_ =	sdelay $0x1  }
0x99: {  	s4 =	simm.s32 $_scs_section_size  }
0x9a: {  	s5 =	simm.s32 $_size__tile_overlayer_lowered;
	s6 =	simm.s32 $_tile_overlayer_lowered  }
0x9b: {  	s22 =	simm.s32 $0x1BFF;
	s21 =	sshll.u32 s6, $0x1;
	s3 =	sadd.s32 s4, s19  }
0x9c: {  	s7 =	simm.s32 $0x0;
	s20 =	sshll.u32 s5, $0x1;
	s5 =	sadd.s32 s21, s3  }
0x9d: {  	[timem:s7], [sflag:s22] =	dma.local [hbm:s5], s20  }
0x9e: {  	_ =	swait.ge [sflag:s22], s20  }
0x9f: {  	s4 =	ssub.s32 $0x0, s20;
	[sflag:s22] =	ssyncset.done $0x0  }
0xa0: {  	[sflag:s22] =	ssyncadd.s32 s4;
	_ =	sdelay $0x1  }
0xa1: {  	s23 =	simm.s32 $0x1B8B  }
0xa2: {  	_ =	swait.ge [sflag:s23], $0x1  }
0xa3: {  	[sflag:s23] =	ssyncset.done $0x0  }
0xa4: {  	s25 =	simm.s32 $0x1B8E;
	s24 =	sld [smem:$0x3FFE];
	[sflag:s23] =	ssyncadd.s32 $0xFFFFFFFF  }
0xa5: {  	s26 =	simm.s32 $execute0_lowered;
	[smem:$0x3FD2] =	sst s25  }
0xa6: {  	s5 =	sshll.u32 s26, $0x1;
	_ =	strace $0x80000049;
	[dreg:$0x1] =	wrdreg $0xFFFFFFFF  }
0xa7: {  	s28 =	simm.s32 $_size_execute0_lowered;
	s3 =	sadd.s32 s3, s5;
	[dreg:$0x0] =	wrdreg $0x0  }
0xa8: {  	s5 =	sshll.u32 s28, $0x1;
	[dreg:$0x2] =	wrdreg s3  }
0xa9: {  	[dreg:$0x3] =	wrdreg s5  }
0xaa: {  	[dreg:$0x4] =	wrdreg $0xC0  }
0xab: {  	_ =	task [dreg:s7], $0x5FFFF  }
0xac: {  	[dreg:$0x1] =	wrdreg $0xFFFFFFFF  }
0xad: {  	[dreg:$0x0] =	wrdreg $0x60  }
0xae: {  	[dreg:$0x2] =	wrdreg s24  }
0xaf: {  	[dreg:$0x3] =	wrdreg s2  }
0xb0: {  	[dreg:$0x4] =	wrdreg $0xC0000  }
0xb1: {  	[dreg:$0x5] =	wrdreg $0x9  }
0xb2: {  	_ =	task.clear_ibuf [dreg:s7], $0x6FFFF;
	_ =	strace $0x90000049  }
0xb3: {  	s29 =	simm.s32 $0x9;
	_ =	strace $0x8000004B  }
0xb4: {  	_ =	swait.ge [sflag:s29], $0x1  }
0xb5: {  	[sflag:s29] =	ssyncadd.s32 $0xFFFFFFFF  }
0xb6: {  	_ =	strace $0x9000004B  }
0xb7: {  	_ =	sfence  }
0xb8: {  	s30 =	sld [smem:$0x0];
	_ =	sdelay $0x2  }
0xb9: {  	s31 =	sshll.u32 s1, $0xD;
	s1 =	sshrl.u32 s1, $0x2  }
0xba: {  	s3 =	sand.u32 $0x4000, s31;
	s1 =	sadd.s32 s1, s30  }
0xbb: {  	s0 =	sor.u32 s3, s0;
	s1 =	sshll.u32 s1, $0x11  }
0xbc: {  	s0 =	sor.u32 s1, s0  }
0xbd: {  	s0 =	sadd.s32 $0x8F2B, s0  }
0xbe: {  	[sflag:s0] =	ssyncadd.remote.s32 $0x1  }
0xbf: {  	_ =	sfence.sel $0xFFFF  }
0xc0: {  	[dreg:$0x0] =	wrdreg $0xFFFFFFFF;
	(pc) =	sbr.abs _section_cstart, $3  }
0xc1: {  	[dreg:$0x1] =	wrdreg $0xFFFFFFFF  }
0xc2: {  	_ =	task.clear_ibuf [dreg:s7], $0x2FFFF;
	_ =	strace $0x9FFFFFFF  }
0xc3: {  	(tm) =	ssettm $0x7FFFFFFF  }
tec
execute0_lowered:
.L_overlay_start_1:
0x0: {  	(tag) =	ssettag $0x1  }
0x1: {  	s5 =	rddreg [dreg:$0x0];
	s1 =	srdreg.scid  }
0x2: {  	s0 =	stileid.u32;
	s8 =	rddreg [dreg:$0x1]  }
0x3: {  	s2 =	rddreg [dreg:$0x2];
	s3 =	simm.s32 $0x0;
	s16 =	simm.s32 $0x2C00  }
0x4: {  	s17 =	simm.s32 $0x8000;
	s18 =	simm.s32 $0x1;
	s19 =	simm.s32 $0x2  }
0x5: {  	s20 =	simm.s32 $0x0;
	s6 =	sand.u32 $0x1, s1;
	s1 =	rddreg [dreg:$0x3]  }
0x6: {  	s28 =	sshll.u32 s0, $0x1;
	[smem:$0x7FF] =	sst s3;
	s7 =	smul.u32 $0x14000, s0  }
0x7: {  	s29 =	smul.u32 $0x50000, s0;
	s31 =	sshll.u32 s0, $0x6;
	s4 =	sor.u32 s6, s28  }
0x8: {  	_ =	strace $0x8000004A;
	s10 =	smul.u32 $0x140000, s6;
	s6 =	ssub.s32 $0x2, s6  }
0x9: {  	s4 =	smul.u32 $0x2C00, s4;
	s12 =	sshrl.u32 s7, $0x3;
	s13 =	sshrl.u32 s6, $0x1  }
0xa: {  	s30 =	sshrl.u32 s29, $0x2;
	s7 =	sadd.s32 s7, s10;
	s12 =	sadd.s32 s12, s5  }
0xb: {  	s13 =	ssub.s32 s6, s13;
	s15 =	sadd.s32 s30, s2;
	s6 =	sor.u32 $0x1C03, s31  }
0xc: {  	s9 =	sshrl.u32 s4, $0x3;
	s4 =	sadd.s32 $0x30400, s5;
	s7 =	sshrl.u32 s7, $0x3  }
0xd: {  	s10 =	smax.u32 s13, $0x1;
	s13 =	simm.s32 $0x3;
	s11 =	sadd.s32 s9, s5  }
0xe: {  	s14 =	sadd.s32 s7, s5;
	s5 =	sadd.s32 $0x8400, s12;
	s8 =	sadd.s32 s8, s9  }
0xf: {  	s12 =	sshrl.u32 s15, $0x3;
	s15 =	simm.s32 $0x4000;
	s7 =	sadd.s32 $0x80400, s11  }
0x10: {  	s9 =	sadd.s32 $0x8B400, s14;
	s11 =	sadd.s32 $0x280, s8;
	s14 =	simm.s32 $0x80  }
.LBB2_1:
0x11: {  	[spmem:s12], [sflag:s6] =	dma.local [hbm:s5], $0x2800  }
0x12: {  	_ =	swait.ge [sflag:s13], $0x2800  }
0x13: {  	[sflag:s13] =	ssyncset.done $0x0  }
0x14: {  	[sflag:s13] =	ssyncadd.s32 $0xFFFFD800  }
0x15: {  	[tilespmem:s3], [sflag:$0x3] =	stream.linear.gather [hbm4b:s7+s3], $0x2900, $0x38;
	v63 =	vld [tilespmem:$0x0]  }
0x16: {  	_ =	swait.ge [sflag:s13], $0x2900  }
0x17: {  	[sflag:s13] =	ssyncset.done $0x0  }
0x18: {  	[sflag:s13] =	ssyncadd.s32 $0xFFFFD700  }
0x19: {  	[bflag:$0x0] =	sbarrier.arrive $0xFFFF  }
0x1a: {  	[tilespmem:s15], [sflag:$0x1] =	stream.indirect.gather [hbm4b:s4+s14], $0x80, s3, s14, $0xb8;
	v63 =	vld [tilespmem:$0x0]  }
0x1b: {  	_ = 	snop  }
0x1c: {  	[tilespmem:s16], [sflag:$0x3] =	stream.linear.gather [hbm4b:s8+s3], $0x1400, $0x38;
	v63 =	vld [tilespmem:$0x0]  }
0x1d: {  	_ =	swait.ge [sflag:s13], $0x1400  }
0x1e: {  	[sflag:s13] =	ssyncset.done $0x0  }
0x1f: {  	s21 =	simm.s32 $0x80;
	[sflag:s13] =	ssyncadd.s32 $0xFFFFEC00  }
0x20: {  	[tilespmem:s17], [sflag:$0x2] =	stream.indirect.gather [hbm4b:s4+s14], $0x80, s21, s14, $0xb8;
	v63 =	vld [tilespmem:$0x0]  }
0x21: {  	_ =	swait.ge [sflag:s18], $0x4000  }
0x22: {  	[sflag:s18] =	ssyncset.done $0x0  }
0x23: {  	s29 =	simm.s32 $0x2C00;
	[sflag:s18] =	ssyncadd.s32 $0xFFFFC000  }
0x24: {  	[spmem:s2] =	stream.indirect.scatter.add.f32 [tilespmem:s15], [sflag:$0x3], $0x80, s29, s14, $0xb8;
	v63 =	vld [tilespmem:$0x0]  }
0x25: {  	_ =	swait.ge [sflag:s13], $0x4000  }
0x26: {  	[sflag:s13] =	ssyncset.done $0x0  }
0x27: {  	s30 =	simm.s32 $0x100;
	[sflag:s13] =	ssyncadd.s32 $0xFFFFC000  }
0x28: {  	[tilespmem:s15], [sflag:$0x1] =	stream.indirect.gather [hbm4b:s4+s14], $0x80, s30, s14, $0xb8;
	v63 =	vld [tilespmem:$0x0]  }
0x29: {  	_ =	swait.ge [sflag:s19], $0x4000  }
0x2a: {  	[sflag:s19] =	ssyncset.done $0x0  }
0x2b: {  	s31 =	simm.s32 $0x2C80;
	[sflag:s19] =	ssyncadd.s32 $0xFFFFC000  }
0x2c: {  	[spmem:s2] =	stream.indirect.scatter.add.f32 [tilespmem:s17], [sflag:$0x3], $0x80, s31, s14, $0xb8;
	v63 =	vld [tilespmem:$0x0]  }
0x2d: {  	_ =	swait.ge [sflag:s13], $0x4000  }
0x2e: {  	s22 =	simm.s32 $0x800;
	s21 =	simm.s32 $0x100;
	[sflag:s13] =	ssyncset.done $0x0  }
.LBB2_2:
0x2f: {  	s23 =	sadd.s32 $0x80, s21  }
0x30: {  	[sflag:s13] =	ssyncadd.s32 $0xFFFFC000;
	s24 =	smov.u32 s22;
	s25 =	sadd.s32 $0x400, s22  }
0x31: {  	[tilespmem:s17], [sflag:$0x2] =	stream.indirect.gather [hbm4b:s4+s14], $0x80, s23, s14, $0xb8;
	v63 =	vld [tilespmem:$0x0]  }
0x32: {  	p0 =	sne.s32 s22, $0x4C00;
	_ =	swait.ge [sflag:s18], $0x4000  }
0x33: {  	[sflag:s18] =	ssyncset.done $0x0  }
0x34: {  	s22 =	sadd.s32 $0x2C00, s21;
	[sflag:s18] =	ssyncadd.s32 $0xFFFFC000  }
0x35: {  	[spmem:s2] =	stream.indirect.scatter.add.f32 [tilespmem:s15], [sflag:$0x3], $0x80, s22, s14, $0xb8;
	v63 =	vld [tilespmem:$0x0]  }
0x36: {  	_ =	swait.ge [sflag:s13], $0x4000  }
0x37: {  	[sflag:s13] =	ssyncset.done $0x0  }
0x38: {  	s22 =	sadd.s32 $0x100, s21;
	[sflag:s13] =	ssyncadd.s32 $0xFFFFC000  }
0x39: {  	[tilespmem:s15], [sflag:$0x1] =	stream.indirect.gather [hbm4b:s4+s14], $0x80, s22, s14, $0xb8;
	v63 =	vld [tilespmem:$0x0]  }
0x3a: {  	_ =	swait.ge [sflag:s19], $0x4000  }
.Ltmp0:
0x3b: {  	[sflag:s19] =	ssyncset.done $0x0;
	(pc) =	sbr.rel @p0 .LBB2_2-.Ltmp0, $4  }
0x3c: {  	s21 =	sadd.s32 $0x2C80, s21;
	[sflag:s19] =	ssyncadd.s32 $0xFFFFC000  }
0x3d: {  	[spmem:s2] =	stream.indirect.scatter.add.f32 [tilespmem:s17], [sflag:$0x3], $0x80, s21, s14, $0xb8;
	v63 =	vld [tilespmem:$0x0]  }
0x3e: {  	_ =	swait.ge [sflag:s13], $0x4000  }
0x3f: {  	s22 =	smov.u32 s25;
	s21 =	sshra.s32 s24, $0x2;
	[sflag:s13] =	ssyncset.done $0x0  }
0x40: {  	s22 =	sadd.s32 $0x80, s21;
	[sflag:s13] =	ssyncadd.s32 $0xFFFFC000  }
0x41: {  	[tilespmem:s17], [sflag:$0x2] =	stream.indirect.gather [hbm4b:s4+s14], $0x80, s22, s14, $0xb8;
	v63 =	vld [tilespmem:$0x0]  }
0x42: {  	_ =	swait.ge [sflag:s18], $0x4000  }
0x43: {  	[sflag:s18] =	ssyncset.done $0x0  }
0x44: {  	s23 =	sadd.s32 $0x2C00, s21;
	[sflag:s18] =	ssyncadd.s32 $0xFFFFC000  }
0x45: {  	[spmem:s2] =	stream.indirect.scatter.add.f32 [tilespmem:s15], [sflag:$0x3], $0x80, s23, s14, $0xb8;
	v63 =	vld [tilespmem:$0x0]  }
0x46: {  	_ =	swait.ge [sflag:s13], $0x4000  }
0x47: {  	[sflag:s13] =	ssyncset.done $0x0  }
0x48: {  	s24 =	sadd.s32 $0x100, s21;
	[sflag:s13] =	ssyncadd.s32 $0xFFFFC000  }
0x49: {  	[tilespmem:s15], [sflag:$0x1] =	stream.indirect.gather [hbm4b:s4+s14], $0x80, s24, s14, $0xb8;
	v63 =	vld [tilespmem:$0x0]  }
0x4a: {  	_ =	swait.ge [sflag:s19], $0x4000  }
0x4b: {  	[sflag:s19] =	ssyncset.done $0x0  }
0x4c: {  	s25 =	sadd.s32 $0x2C80, s21;
	[sflag:s19] =	ssyncadd.s32 $0xFFFFC000  }
0x4d: {  	[spmem:s2] =	stream.indirect.scatter.add.f32 [tilespmem:s17], [sflag:$0x3], $0x80, s25, s14, $0xb8;
	v63 =	vld [tilespmem:$0x0]  }
0x4e: {  	_ =	swait.ge [sflag:s13], $0x4000  }
0x4f: {  	[sflag:s13] =	ssyncset.done $0x0  }
0x50: {  	s26 =	simm.s32 $0x0;
	[sflag:s13] =	ssyncadd.s32 $0xFFFFC000  }
0x51: {  	[tilespmem:s16], [sflag:$0x3] =	stream.linear.gather [hbm4b:s11+s26], $0x1400, $0x38;
	v63 =	vld [tilespmem:$0x0]  }
0x52: {  	_ =	swait.ge [sflag:s13], $0x1400  }
0x53: {  	[sflag:s13] =	ssyncset.done $0x0  }
0x54: {  	s28 =	simm.s32 $0x1480;
	[sflag:s13] =	ssyncadd.s32 $0xFFFFEC00  }
0x55: {  	[tilespmem:s17], [sflag:$0x2] =	stream.indirect.gather [hbm4b:s4+s14], $0x80, s28, s14, $0xb8;
	v63 =	vld [tilespmem:$0x0]  }
0x56: {  	_ =	swait.ge [sflag:s18], $0x4000  }
0x57: {  	[sflag:s18] =	ssyncset.done $0x0  }
0x58: {  	s29 =	simm.s32 $0x2C00;
	[sflag:s18] =	ssyncadd.s32 $0xFFFFC000  }
0x59: {  	[spmem:s2] =	stream.indirect.scatter.add.f32 [tilespmem:s15], [sflag:$0x3], $0x80, s29, s14, $0xb8;
	v63 =	vld [tilespmem:$0x0]  }
0x5a: {  	_ =	swait.ge [sflag:s13], $0x4000  }
0x5b: {  	[sflag:s13] =	ssyncset.done $0x0  }
0x5c: {  	s30 =	simm.s32 $0x1500;
	[sflag:s13] =	ssyncadd.s32 $0xFFFFC000  }
0x5d: {  	[tilespmem:s15], [sflag:$0x1] =	stream.indirect.gather [hbm4b:s4+s14], $0x80, s30, s14, $0xb8;
	v63 =	vld [tilespmem:$0x0]  }
0x5e: {  	_ =	swait.ge [sflag:s19], $0x4000  }
0x5f: {  	[sflag:s19] =	ssyncset.done $0x0  }
0x60: {  	s31 =	simm.s32 $0x2C80;
	[sflag:s19] =	ssyncadd.s32 $0xFFFFC000  }
0x61: {  	[spmem:s2] =	stream.indirect.scatter.add.f32 [tilespmem:s17], [sflag:$0x3], $0x80, s31, s14, $0xb8;
	v63 =	vld [tilespmem:$0x0]  }
0x62: {  	_ =	swait.ge [sflag:s13], $0x4000  }
0x63: {  	s21 =	simm.s32 $0x100;
	s22 =	simm.s32 $0x800;
	[sflag:s13] =	ssyncset.done $0x0  }
.LBB2_4:
0x64: {  	s23 =	sadd.s32 $0x1480, s21  }
0x65: {  	[sflag:s13] =	ssyncadd.s32 $0xFFFFC000;
	s24 =	smov.u32 s22;
	s25 =	sadd.s32 $0x400, s22  }
0x66: {  	[tilespmem:s17], [sflag:$0x2] =	stream.indirect.gather [hbm4b:s4+s14], $0x80, s23, s14, $0xb8;
	v63 =	vld [tilespmem:$0x0]  }
0x67: {  	p0 =	sne.s32 s22, $0x4C00;
	_ =	swait.ge [sflag:s18], $0x4000  }
0x68: {  	[sflag:s18] =	ssyncset.done $0x0  }
0x69: {  	s22 =	sadd.s32 $0x2C00, s21;
	[sflag:s18] =	ssyncadd.s32 $0xFFFFC000  }
0x6a: {  	[spmem:s2] =	stream.indirect.scatter.add.f32 [tilespmem:s15], [sflag:$0x3], $0x80, s22, s14, $0xb8;
	v63 =	vld [tilespmem:$0x0]  }
0x6b: {  	_ =	swait.ge [sflag:s13], $0x4000  }
0x6c: {  	[sflag:s13] =	ssyncset.done $0x0  }
0x6d: {  	s22 =	sadd.s32 $0x1500, s21;
	[sflag:s13] =	ssyncadd.s32 $0xFFFFC000  }
0x6e: {  	[tilespmem:s15], [sflag:$0x1] =	stream.indirect.gather [hbm4b:s4+s14], $0x80, s22, s14, $0xb8;
	v63 =	vld [tilespmem:$0x0]  }
0x6f: {  	_ =	swait.ge [sflag:s19], $0x4000  }
.Ltmp1:
0x70: {  	[sflag:s19] =	ssyncset.done $0x0;
	(pc) =	sbr.rel @p0 .LBB2_4-.Ltmp1, $4  }
0x71: {  	s21 =	sadd.s32 $0x2C80, s21;
	[sflag:s19] =	ssyncadd.s32 $0xFFFFC000  }
0x72: {  	[spmem:s2] =	stream.indirect.scatter.add.f32 [tilespmem:s17], [sflag:$0x3], $0x80, s21, s14, $0xb8;
	v63 =	vld [tilespmem:$0x0]  }
0x73: {  	_ =	swait.ge [sflag:s13], $0x4000  }
0x74: {  	s22 =	smov.u32 s25;
	s21 =	sshra.s32 s24, $0x2;
	[sflag:s13] =	ssyncset.done $0x0  }
0x75: {  	s22 =	sadd.s32 $0x1480, s21;
	[sflag:s13] =	ssyncadd.s32 $0xFFFFC000  }
0x76: {  	[tilespmem:s17], [sflag:$0x2] =	stream.indirect.gather [hbm4b:s4+s14], $0x80, s22, s14, $0xb8;
	v63 =	vld [tilespmem:$0x0]  }
0x77: {  	_ =	swait.ge [sflag:s18], $0x4000  }
0x78: {  	[sflag:s18] =	ssyncset.done $0x0  }
0x79: {  	s29 =	sadd.s32 $0x2C00, s21;
	[sflag:s18] =	ssyncadd.s32 $0xFFFFC000  }
0x7a: {  	[spmem:s2] =	stream.indirect.scatter.add.f32 [tilespmem:s15], [sflag:$0x3], $0x80, s29, s14, $0xb8;
	v63 =	vld [tilespmem:$0x0]  }
0x7b: {  	_ =	swait.ge [sflag:s13], $0x4000  }
0x7c: {  	[sflag:s13] =	ssyncset.done $0x0  }
0x7d: {  	s30 =	sadd.s32 $0x1500, s21;
	[sflag:s13] =	ssyncadd.s32 $0xFFFFC000  }
0x7e: {  	[tilespmem:s15], [sflag:$0x1] =	stream.indirect.gather [hbm4b:s4+s14], $0x80, s30, s14, $0xb8;
	v63 =	vld [tilespmem:$0x0]  }
0x7f: {  	_ =	swait.ge [sflag:s19], $0x4000  }
0x80: {  	[sflag:s19] =	ssyncset.done $0x0  }
0x81: {  	s31 =	sadd.s32 $0x2C80, s21;
	[sflag:s19] =	ssyncadd.s32 $0xFFFFC000  }
0x82: {  	[spmem:s2] =	stream.indirect.scatter.add.f32 [tilespmem:s17], [sflag:$0x3], $0x80, s31, s14, $0xb8;
	v63 =	vld [tilespmem:$0x0]  }
0x83: {  	_ =	swait.ge [sflag:s13], $0x4000  }
0x84: {  	[sflag:s13] =	ssyncset.done $0x0  }
0x85: {  	[sflag:s13] =	ssyncadd.s32 $0xFFFFC000  }
0x86: {  	_ =	swait.ge [sflag:s18], $0x4000  }
0x87: {  	s20 =	sadd.s32 $0x1, s20;
	[sflag:s18] =	ssyncset.done $0x0  }
0x88: {  	p0 =	sne.s32 s20, s10;
	[sflag:s18] =	ssyncadd.s32 $0xFFFFC000  }
.Ltmp2:
0x89: {  	[bflag:$0x0] =	sbarrier.arrive $0xFFFF;
	(pc) =	sbr.rel @p0 .LBB2_1-.Ltmp2, $4  }
0x8a: {  	[hbm:s9], [sflag:s6] =	dma.local [spmem:s12], $0x2800  }
0x8b: {  	_ =	swait.ge [sflag:s13], $0x2800  }
0x8c: {  	[sflag:s13] =	ssyncset.done $0x0  }
0x8d: {  	[sflag:s13] =	ssyncadd.s32 $0xFFFFD800  }
0x8e: {  	_ =	sfence.sel $0x180000  }
0x8f: {  	[bflag:$0x0] =	sbarrier.arrive $0xFFFF  }
0x90: {  	p0 =	sne.s32 s0, $0x0;
	_ =	strace $0x9000004A  }
0x91: {  	s0 =	sadd.s32 @!p0 $0x100000, s1;
	[bflag:$0x2] =	sbarrier.arrive $0xFFFF  }
0x92: {  	[sflag:s0] =	ssyncadd.tile.s32 @!p0 $0x1;
	_ =	shalt  }
.Lfunc_end2:
_tile_overlayer_lowered:
.L_overlay_start_2:
0x93: {  	(tag) =	ssettag $0x2  }
0x94: {  	s0 =	rddreg [dreg:$0x0];
	s2 =	stileid.u32  }
0x95: {  	s1 =	rddreg [dreg:$0x1];
	p0 =	sne.s32 s2, $0x0  }
0x96: {  	s3 =	rddreg [dreg:$0x2];
	[bflag:$0x3] =	sbarrier.arrive $0xFFFF;
	s2 =	simm.s32 @!p0 $0x1C03  }
0x97: {  	[timem:s3], [sflag:s2] =	dma.local @!p0 [hbm:s0], s1  }
0x98: {  	s0 =	simm.s32 @!p0 $0x3  }
0x99: {  	_ =	swait.ge @!p0 [sflag:s0], s1  }
0x9a: {  	s1 =	ssub.s32 @!p0 $0x0, s1;
	[sflag:s0] =	ssyncset.done @!p0 $0x0  }
0x9b: {  	[sflag:s0] =	ssyncadd.s32 @!p0 s1  }
0x9c: {  	[bflag:$0x3] =	sbarrier.arrive $0xFFFF  }
0x9d: {  	_ =	shalt  }

// kernel: kernel.22.cloned.1.call-start
scs
__scs_entry_jumppad:
0x0: {  	(pc) =	sbr.rel $0x88, $3  }
0x1: {  	(tag) =	ssettag $0x0;
	lr =	simm.s32 $0x1  }
0x2: {  	[smem:$0x3F93] =	sst lr;
	_ =	strace $0xD0000000  }
0x3: {  	_ = 	snop  }
0x4: {  	_ = 	snop  }
0x5: {  	_ = 	snop  }
0x6: {  	_ = 	snop  }
0x7: {  	_ = 	snop  }
__scs_overlays_trampoline_lowered:
0x8: {  	[smem:$0x3FA2] =	sst s0  }
0x9: {  	[smem:$0x3FA3] =	sst s1  }
0xa: {  	[smem:$0x3FA4] =	sst s2  }
0xb: {  	[smem:$0x3FA5] =	sst s3  }
0xc: {  	[smem:$0x3FA6] =	sst s4  }
0xd: {  	[smem:$0x3FA7] =	sst s5  }
0xe: {  	[smem:$0x3FA8] =	sst s6  }
0xf: {  	[smem:$0x3FA9] =	sst s7  }
0x10: {  	[smem:$0x3FAA] =	sst s8  }
0x11: {  	[smem:$0x3FAB] =	sst s9;
	s0 =	simm.s32 @!p0 $0x0  }
0x12: {  	s1 =	sld [smem:$0x3F91];
	s0 =	simm.s32 @p0 $0x1  }
0x13: {  	[smem:$0x3FAC] =	sst s0;
	s0 =	simm.s32 @!p1 $0x0  }
0x14: {  	s2 =	sld [smem:$0x3F90];
	s0 =	simm.s32 @p1 $0x1  }
0x15: {  	[smem:$0x3FAD] =	sst s0;
	s0 =	simm.s32 @!p2 $0x0  }
0x16: {  	s3 =	sld [smem:$0x3FDB];
	s0 =	simm.s32 @p2 $0x1  }
0x17: {  	s4 =	simm.s32 $0x1BF5;
	[smem:$0x3FAF] =	sst s0  }
0x18: {  	s0 =	sld [smem:$0x3F92];
	_ =	swait.ge [sflag:s4], $0x0  }
0x19: {  	s7 =	sld [smem:$0x3F93]  }
0x1a: {  	s8 =	sadd.s32 $0xFFFFE003, lr  }
0x1b: {  	s9 =	sadd.s32 $0xFFFFFEF7, lr;
	s5 =	simm.s32 $0xFFFFFFFF;
	p2 =	slt.u32 s8, $0xFFFFF086  }
0x1c: {  	p1 =	slt.u32 s9, $0xF7A;
	s5 =	simm.s32 @!p2 $0x0  }
0x1d: {  	s5 =	simm.s32 @p1 $0x1;
	p0 =	seq.s32 s7, s2  }
0x1e: {  	s7 =	smul.u32 @!p0 $0xF7A, s2;
	p2 =	seq.s32 @!p0 s5, $0x0  }
0x1f: {  	s9 =	smul.u32 $0xF7A, s1;
	s8 =	simm.s32 @!p0 $0x1BF5;
	p2 =	por !p2, p0  }
0x20: {  	[sflag:s8] =	ssyncset.s32 @!p0 $0xFFFFF086;
	s6 =	sadd.s32 @!p0 s3, s7;
	s7 =	simm.s32 @!p0 $0x108  }
0x21: {  	s3 =	sadd.s32 s3, s9;
	s6 =	sadd.s32 @!p0 $0x88, s6;
	s7 =	simm.s32 @p2 $0x1082  }
0x22: {  	[simem:s7], [sflag:s8] =	dma.local @!p0 [hbm:s6], $0xF7A  }
0x23: {  	s9 =	sor.u32 $0xD0000000, s2;
	s6 =	simm.s32 $0x108;
	_ =	swait.ge @!p0 [sflag:s8], $0x0  }
0x24: {  	s3 =	sadd.s32 $0x88, s3;
	s6 =	simm.s32 @!p1 $0x1082;
	[sflag:s4] =	ssyncset.s32 $0xFFFFF086  }
0x25: {  	[simem:s6], [sflag:s4] =	dma.local [hbm:s3], $0xF7A  }
0x26: {  	[smem:$0x3F93] =	sst s1;
	(tag) =	ssettag s2;
	_ =	strace s9  }
0x27: {  	s1 =	sld [smem:$0x3FA3]  }
0x28: {  	s2 =	sld [smem:$0x3FA4]  }
0x29: {  	s4 =	sld [smem:$0x3FA6]  }
0x2a: {  	p0 =	seq.s32 s5, $0x0;
	s5 =	sld [smem:$0x3FA7]  }
0x2b: {  	s6 =	sld [smem:$0x3FA8]  }
0x2c: {  	s7 =	sld [smem:$0x3FA9]  }
0x2d: {  	s3 =	simm.s32 $0x108;
	s8 =	sld [smem:$0x3FAA]  }
0x2e: {  	s3 =	simm.s32 @!p0 $0x1082;
	s9 =	sld [smem:$0x3FAB]  }
0x2f: {  	lr =	sadd.s32 s0, s3;
	s0 =	sld [smem:$0x3FA2]  }
0x30: {  	s3 =	sld [smem:$0x3FA5]  }
0x31: {  	[smem:$0x3FAE] =	sst s10  }
0x32: {  	s10 =	sld [smem:$0x3FAC];
	_ =	sdelay $0x3  }
0x33: {  	p0 =	seq.s32 s10, $0x1;
	s10 =	sld [smem:$0x3FAE];
	_ =	sdelay $0x3  }
0x34: {  	[smem:$0x3FAE] =	sst s10  }
0x35: {  	s10 =	sld [smem:$0x3FAD];
	_ =	sdelay $0x3  }
0x36: {  	p1 =	seq.s32 s10, $0x1;
	s10 =	sld [smem:$0x3FAE];
	_ =	sdelay $0x3  }
0x37: {  	[smem:$0x3FAE] =	sst s10  }
0x38: {  	s10 =	sld [smem:$0x3FAF]  }
0x39: {  	_ = 	snop;
	(pc) =	sbr.ind lr, $3  }
0x3a: {  	_ = 	snop  }
0x3b: {  	_ = 	snop  }
0x3c: {  	p2 =	seq.s32 s10, $0x1;
	s10 =	sld [smem:$0x3FAE]  }
0x3d: {  	_ =	shalt  }
0x3e: {  	_ =	shalt  }
0x3f: {  	_ =	shalt  }
0x40: {  	_ =	shalt  }
0x41: {  	_ =	shalt  }
0x42: {  	_ =	shalt  }
0x43: {  	_ =	shalt  }
0x44: {  	_ =	shalt  }
0x45: {  	_ =	shalt  }
0x46: {  	_ =	shalt  }
0x47: {  	_ =	shalt  }
0x48: {  	_ =	shalt  }
0x49: {  	_ =	shalt  }
0x4a: {  	_ =	shalt  }
0x4b: {  	_ =	shalt  }
0x4c: {  	_ =	shalt  }
0x4d: {  	_ =	shalt  }
0x4e: {  	_ =	shalt  }
0x4f: {  	_ =	shalt  }
0x50: {  	_ =	shalt  }
0x51: {  	_ =	shalt  }
0x52: {  	_ =	shalt  }
0x53: {  	_ =	shalt  }
0x54: {  	_ =	shalt  }
0x55: {  	_ =	shalt  }
0x56: {  	_ =	shalt  }
0x57: {  	_ =	shalt  }
0x58: {  	_ =	shalt  }
0x59: {  	_ =	shalt  }
0x5a: {  	_ =	shalt  }
0x5b: {  	_ =	shalt  }
0x5c: {  	_ =	shalt  }
0x5d: {  	_ =	shalt  }
0x5e: {  	_ =	shalt  }
0x5f: {  	_ =	shalt  }
0x60: {  	_ =	shalt  }
0x61: {  	_ =	shalt  }
0x62: {  	_ =	shalt  }
0x63: {  	_ =	shalt  }
0x64: {  	_ =	shalt  }
0x65: {  	_ =	shalt  }
0x66: {  	_ =	shalt  }
0x67: {  	_ =	shalt  }
0x68: {  	_ =	shalt  }
0x69: {  	_ =	shalt  }
0x6a: {  	_ =	shalt  }
0x6b: {  	_ =	shalt  }
0x6c: {  	_ =	shalt  }
0x6d: {  	_ =	shalt  }
0x6e: {  	_ =	shalt  }
0x6f: {  	_ =	shalt  }
0x70: {  	_ =	shalt  }
0x71: {  	_ =	shalt  }
0x72: {  	_ =	shalt  }
0x73: {  	_ =	shalt  }
0x74: {  	_ =	shalt  }
0x75: {  	_ =	shalt  }
0x76: {  	_ =	shalt  }
0x77: {  	_ =	shalt  }
0x78: {  	_ =	shalt  }
0x79: {  	_ =	shalt  }
0x7a: {  	_ =	shalt  }
0x7b: {  	_ =	shalt  }
0x7c: {  	_ =	shalt  }
0x7d: {  	_ =	shalt  }
0x7e: {  	_ =	shalt  }
0x7f: {  	_ =	shalt  }
0x80: {  	_ =	shalt  }
0x81: {  	_ =	shalt  }
0x82: {  	_ =	shalt  }
0x83: {  	_ =	shalt  }
0x84: {  	_ =	shalt  }
0x85: {  	_ =	shalt  }
0x86: {  	_ =	shalt  }
0x87: {  	_ =	shalt  }
.Lfunc_end0:
.L_simem_size_0:
called_computation.2_lowered:
.L_overlay_start_0:
0x88: {  	s2 =	sld [smem:$0x3FD9]  }
0x89: {  	s3 =	sld [smem:$0x3FFE];
	_ =	sdelay $0x1  }
0x8a: {  	s1 =	srdreg.scid  }
0x8b: {  	s0 =	sand.u32 $0x1, s1  }
0x8c: {  	s17 =	sshll.u32 s0, $0xA;
	s2 =	sadd.s32 s3, s2  }
0x8d: {  	s2 =	sadd.s32 s2, s17  }
0x8e: {  	[smem:$0x3FBA] =	sst s2  }
0x8f: {  	_ = 	snop  }
0x90: {  	s2 =	sld [smem:$0x3FD0];
	(tm) =	ssettm $0x1  }
0x91: {  	s18 =	sld [smem:$0x3FFB];
	_ =	sdelay $0x3  }
0x92: {  	_ =	strace s18  }
0x93: {  	s3 =	sld [smem:$0x3FFC];
	_ =	sdelay $0x3  }
0x94: {  	_ =	strace s3  }
0x95: {  	s3 =	sld [smem:$0x3FFD];
	_ =	sdelay $0x3  }
0x96: {  	_ =	strace s3  }
0x97: {  	_ =	strace $0x8FFFFFFF  }
0x98: {  	s19 =	sld [smem:$0x3FDB];
	_ =	sdelay $0x1  }
0x99: {  	s4 =	simm.s32 $_scs_section_size  }
0x9a: {  	s5 =	simm.s32 $_size__tile_overlayer_lowered;
	s6 =	simm.s32 $_tile_overlayer_lowered  }
0x9b: {  	s22 =	simm.s32 $0x1BFF;
	s21 =	sshll.u32 s6, $0x1;
	s3 =	sadd.s32 s4, s19  }
0x9c: {  	s7 =	simm.s32 $0x0;
	s20 =	sshll.u32 s5, $0x1;
	s5 =	sadd.s32 s21, s3  }
0x9d: {  	[timem:s7], [sflag:s22] =	dma.local [hbm:s5], s20  }
0x9e: {  	_ =	swait.ge [sflag:s22], s20  }
0x9f: {  	s4 =	ssub.s32 $0x0, s20;
	[sflag:s22] =	ssyncset.done $0x0  }
0xa0: {  	[sflag:s22] =	ssyncadd.s32 s4;
	_ =	sdelay $0x1  }
0xa1: {  	s23 =	simm.s32 $0x1B8B  }
0xa2: {  	_ =	swait.ge [sflag:s23], $0x1  }
0xa3: {  	[sflag:s23] =	ssyncset.done $0x0  }
0xa4: {  	s25 =	simm.s32 $0x1B8E;
	s24 =	sld [smem:$0x3FFE];
	[sflag:s23] =	ssyncadd.s32 $0xFFFFFFFF  }
0xa5: {  	s26 =	simm.s32 $execute0_lowered;
	[smem:$0x3FD2] =	sst s25  }
0xa6: {  	s5 =	sshll.u32 s26, $0x1;
	_ =	strace $0x8000004C;
	[dreg:$0x1] =	wrdreg $0xFFFFFFFF  }
0xa7: {  	s28 =	simm.s32 $_size_execute0_lowered;
	s3 =	sadd.s32 s3, s5;
	[dreg:$0x0] =	wrdreg $0x0  }
0xa8: {  	s5 =	sshll.u32 s28, $0x1;
	[dreg:$0x2] =	wrdreg s3  }
0xa9: {  	[dreg:$0x3] =	wrdreg s5  }
0xaa: {  	[dreg:$0x4] =	wrdreg $0xC0  }
0xab: {  	_ =	task [dreg:s7], $0x5FFFF  }
0xac: {  	[dreg:$0x1] =	wrdreg $0xFFFFFFFF  }
0xad: {  	[dreg:$0x0] =	wrdreg $0x60  }
0xae: {  	[dreg:$0x2] =	wrdreg s24  }
0xaf: {  	[dreg:$0x3] =	wrdreg s2  }
0xb0: {  	[dreg:$0x4] =	wrdreg $0xC0000  }
0xb1: {  	[dreg:$0x5] =	wrdreg $0x9  }
0xb2: {  	_ =	task.clear_ibuf [dreg:s7], $0x6FFFF;
	_ =	strace $0x9000004C  }
0xb3: {  	s29 =	simm.s32 $0x9;
	_ =	strace $0x8000004E  }
0xb4: {  	_ =	swait.ge [sflag:s29], $0x1  }
0xb5: {  	[sflag:s29] =	ssyncadd.s32 $0xFFFFFFFF  }
0xb6: {  	_ =	strace $0x9000004E  }
0xb7: {  	_ =	sfence  }
0xb8: {  	s30 =	sld [smem:$0x0];
	_ =	sdelay $0x2  }
0xb9: {  	s31 =	sshll.u32 s1, $0xD;
	s1 =	sshrl.u32 s1, $0x2  }
0xba: {  	s3 =	sand.u32 $0x4000, s31;
	s1 =	sadd.s32 s1, s30  }
0xbb: {  	s0 =	sor.u32 s3, s0;
	s1 =	sshll.u32 s1, $0x11  }
0xbc: {  	s0 =	sor.u32 s1, s0  }
0xbd: {  	s0 =	sadd.s32 $0x8F2B, s0  }
0xbe: {  	[sflag:s0] =	ssyncadd.remote.s32 $0x1  }
0xbf: {  	_ =	sfence.sel $0xFFFF  }
0xc0: {  	[dreg:$0x0] =	wrdreg $0xFFFFFFFF;
	(pc) =	sbr.abs _section_cstart, $3  }
0xc1: {  	[dreg:$0x1] =	wrdreg $0xFFFFFFFF  }
0xc2: {  	_ =	task.clear_ibuf [dreg:s7], $0x2FFFF;
	_ =	strace $0x9FFFFFFF  }
0xc3: {  	(tm) =	ssettm $0x7FFFFFFF  }
tec
execute0_lowered:
.L_overlay_start_1:
0x0: {  	(tag) =	ssettag $0x1  }
0x1: {  	s5 =	rddreg [dreg:$0x0];
	s1 =	srdreg.scid  }
0x2: {  	s0 =	stileid.u32;
	s8 =	rddreg [dreg:$0x1]  }
0x3: {  	s2 =	rddreg [dreg:$0x2];
	s3 =	simm.s32 $0x0;
	s16 =	simm.s32 $0x2C00  }
0x4: {  	s17 =	simm.s32 $0x8000;
	s18 =	simm.s32 $0x1;
	s19 =	simm.s32 $0x2  }
0x5: {  	s20 =	simm.s32 $0x0;
	s6 =	sand.u32 $0x1, s1;
	s1 =	rddreg [dreg:$0x3]  }
0x6: {  	s28 =	sshll.u32 s0, $0x1;
	[smem:$0x7FF] =	sst s3;
	s7 =	smul.u32 $0x14000, s0  }
0x7: {  	s29 =	smul.u32 $0x50000, s0;
	s31 =	sshll.u32 s0, $0x6;
	s4 =	sor.u32 s6, s28  }
0x8: {  	_ =	strace $0x8000004D;
	s10 =	smul.u32 $0x140000, s6;
	s6 =	ssub.s32 $0x2, s6  }
0x9: {  	s4 =	smul.u32 $0x2C00, s4;
	s12 =	sshrl.u32 s7, $0x3;
	s13 =	sshrl.u32 s6, $0x1  }
0xa: {  	s30 =	sshrl.u32 s29, $0x2;
	s7 =	sadd.s32 s7, s10;
	s12 =	sadd.s32 s12, s5  }
0xb: {  	s13 =	ssub.s32 s6, s13;
	s15 =	sadd.s32 s30, s2;
	s6 =	sor.u32 $0x1C03, s31  }
0xc: {  	s9 =	sshrl.u32 s4, $0x3;
	s4 =	sadd.s32 $0x30400, s5;
	s7 =	sshrl.u32 s7, $0x3  }
0xd: {  	s10 =	smax.u32 s13, $0x1;
	s13 =	simm.s32 $0x3;
	s11 =	sadd.s32 s9, s5  }
0xe: {  	s14 =	sadd.s32 s7, s5;
	s5 =	sadd.s32 $0x8400, s12;
	s8 =	sadd.s32 s8, s9  }
0xf: {  	s12 =	sshrl.u32 s15, $0x3;
	s15 =	simm.s32 $0x4000;
	s7 =	sadd.s32 $0x80400, s11  }
0x10: {  	s9 =	sadd.s32 $0x8B400, s14;
	s11 =	sadd.s32 $0x280, s8;
	s14 =	simm.s32 $0x80  }
.LBB2_1:
0x11: {  	[spmem:s12], [sflag:s6] =	dma.local [hbm:s5], $0x2800  }
0x12: {  	_ =	swait.ge [sflag:s13], $0x2800  }
0x13: {  	[sflag:s13] =	ssyncset.done $0x0  }
0x14: {  	[sflag:s13] =	ssyncadd.s32 $0xFFFFD800  }
0x15: {  	[tilespmem:s3], [sflag:$0x3] =	stream.linear.gather [hbm4b:s7+s3], $0x2900, $0x38;
	v63 =	vld [tilespmem:$0x0]  }
0x16: {  	_ =	swait.ge [sflag:s13], $0x2900  }
0x17: {  	[sflag:s13] =	ssyncset.done $0x0  }
0x18: {  	[sflag:s13] =	ssyncadd.s32 $0xFFFFD700  }
0x19: {  	[bflag:$0x0] =	sbarrier.arrive $0xFFFF  }
0x1a: {  	[tilespmem:s15], [sflag:$0x1] =	stream.indirect.gather [hbm4b:s4+s14], $0x80, s3, s14, $0xb8;
	v63 =	vld [tilespmem:$0x0]  }
0x1b: {  	_ = 	snop  }
0x1c: {  	[tilespmem:s16], [sflag:$0x3] =	stream.linear.gather [hbm4b:s8+s3], $0x1400, $0x38;
	v63 =	vld [tilespmem:$0x0]  }
0x1d: {  	_ =	swait.ge [sflag:s13], $0x1400  }
0x1e: {  	[sflag:s13] =	ssyncset.done $0x0  }
0x1f: {  	s21 =	simm.s32 $0x80;
	[sflag:s13] =	ssyncadd.s32 $0xFFFFEC00  }
0x20: {  	[tilespmem:s17], [sflag:$0x2] =	stream.indirect.gather [hbm4b:s4+s14], $0x80, s21, s14, $0xb8;
	v63 =	vld [tilespmem:$0x0]  }
0x21: {  	_ =	swait.ge [sflag:s18], $0x4000  }
0x22: {  	[sflag:s18] =	ssyncset.done $0x0  }
0x23: {  	s29 =	simm.s32 $0x2C00;
	[sflag:s18] =	ssyncadd.s32 $0xFFFFC000  }
0x24: {  	[spmem:s2] =	stream.indirect.scatter.add.f32 [tilespmem:s15], [sflag:$0x3], $0x80, s29, s14, $0xb8;
	v63 =	vld [tilespmem:$0x0]  }
0x25: {  	_ =	swait.ge [sflag:s13], $0x4000  }
0x26: {  	[sflag:s13] =	ssyncset.done $0x0  }
0x27: {  	s30 =	simm.s32 $0x100;
	[sflag:s13] =	ssyncadd.s32 $0xFFFFC000  }
0x28: {  	[tilespmem:s15], [sflag:$0x1] =	stream.indirect.gather [hbm4b:s4+s14], $0x80, s30, s14, $0xb8;
	v63 =	vld [tilespmem:$0x0]  }
0x29: {  	_ =	swait.ge [sflag:s19], $0x4000  }
0x2a: {  	[sflag:s19] =	ssyncset.done $0x0  }
0x2b: {  	s31 =	simm.s32 $0x2C80;
	[sflag:s19] =	ssyncadd.s32 $0xFFFFC000  }
0x2c: {  	[spmem:s2] =	stream.indirect.scatter.add.f32 [tilespmem:s17], [sflag:$0x3], $0x80, s31, s14, $0xb8;
	v63 =	vld [tilespmem:$0x0]  }
0x2d: {  	_ =	swait.ge [sflag:s13], $0x4000  }
0x2e: {  	s22 =	simm.s32 $0x800;
	s21 =	simm.s32 $0x100;
	[sflag:s13] =	ssyncset.done $0x0  }
.LBB2_2:
0x2f: {  	s23 =	sadd.s32 $0x80, s21  }
0x30: {  	[sflag:s13] =	ssyncadd.s32 $0xFFFFC000;
	s24 =	smov.u32 s22;
	s25 =	sadd.s32 $0x400, s22  }
0x31: {  	[tilespmem:s17], [sflag:$0x2] =	stream.indirect.gather [hbm4b:s4+s14], $0x80, s23, s14, $0xb8;
	v63 =	vld [tilespmem:$0x0]  }
0x32: {  	p0 =	sne.s32 s22, $0x4C00;
	_ =	swait.ge [sflag:s18], $0x4000  }
0x33: {  	[sflag:s18] =	ssyncset.done $0x0  }
0x34: {  	s22 =	sadd.s32 $0x2C00, s21;
	[sflag:s18] =	ssyncadd.s32 $0xFFFFC000  }
0x35: {  	[spmem:s2] =	stream.indirect.scatter.add.f32 [tilespmem:s15], [sflag:$0x3], $0x80, s22, s14, $0xb8;
	v63 =	vld [tilespmem:$0x0]  }
0x36: {  	_ =	swait.ge [sflag:s13], $0x4000  }
0x37: {  	[sflag:s13] =	ssyncset.done $0x0  }
0x38: {  	s22 =	sadd.s32 $0x100, s21;
	[sflag:s13] =	ssyncadd.s32 $0xFFFFC000  }
0x39: {  	[tilespmem:s15], [sflag:$0x1] =	stream.indirect.gather [hbm4b:s4+s14], $0x80, s22, s14, $0xb8;
	v63 =	vld [tilespmem:$0x0]  }
0x3a: {  	_ =	swait.ge [sflag:s19], $0x4000  }
.Ltmp0:
0x3b: {  	[sflag:s19] =	ssyncset.done $0x0;
	(pc) =	sbr.rel @p0 .LBB2_2-.Ltmp0, $4  }
0x3c: {  	s21 =	sadd.s32 $0x2C80, s21;
	[sflag:s19] =	ssyncadd.s32 $0xFFFFC000  }
0x3d: {  	[spmem:s2] =	stream.indirect.scatter.add.f32 [tilespmem:s17], [sflag:$0x3], $0x80, s21, s14, $0xb8;
	v63 =	vld [tilespmem:$0x0]  }
0x3e: {  	_ =	swait.ge [sflag:s13], $0x4000  }
0x3f: {  	s22 =	smov.u32 s25;
	s21 =	sshra.s32 s24, $0x2;
	[sflag:s13] =	ssyncset.done $0x0  }
0x40: {  	s22 =	sadd.s32 $0x80, s21;
	[sflag:s13] =	ssyncadd.s32 $0xFFFFC000  }
0x41: {  	[tilespmem:s17], [sflag:$0x2] =	stream.indirect.gather [hbm4b:s4+s14], $0x80, s22, s14, $0xb8;
	v63 =	vld [tilespmem:$0x0]  }
0x42: {  	_ =	swait.ge [sflag:s18], $0x4000  }
0x43: {  	[sflag:s18] =	ssyncset.done $0x0  }
0x44: {  	s23 =	sadd.s32 $0x2C00, s21;
	[sflag:s18] =	ssyncadd.s32 $0xFFFFC000  }
0x45: {  	[spmem:s2] =	stream.indirect.scatter.add.f32 [tilespmem:s15], [sflag:$0x3], $0x80, s23, s14, $0xb8;
	v63 =	vld [tilespmem:$0x0]  }
0x46: {  	_ =	swait.ge [sflag:s13], $0x4000  }
0x47: {  	[sflag:s13] =	ssyncset.done $0x0  }
0x48: {  	s24 =	sadd.s32 $0x100, s21;
	[sflag:s13] =	ssyncadd.s32 $0xFFFFC000  }
0x49: {  	[tilespmem:s15], [sflag:$0x1] =	stream.indirect.gather [hbm4b:s4+s14], $0x80, s24, s14, $0xb8;
	v63 =	vld [tilespmem:$0x0]  }
0x4a: {  	_ =	swait.ge [sflag:s19], $0x4000  }
0x4b: {  	[sflag:s19] =	ssyncset.done $0x0  }
0x4c: {  	s25 =	sadd.s32 $0x2C80, s21;
	[sflag:s19] =	ssyncadd.s32 $0xFFFFC000  }
0x4d: {  	[spmem:s2] =	stream.indirect.scatter.add.f32 [tilespmem:s17], [sflag:$0x3], $0x80, s25, s14, $0xb8;
	v63 =	vld [tilespmem:$0x0]  }
0x4e: {  	_ =	swait.ge [sflag:s13], $0x4000  }
0x4f: {  	[sflag:s13] =	ssyncset.done $0x0  }
0x50: {  	s26 =	simm.s32 $0x0;
	[sflag:s13] =	ssyncadd.s32 $0xFFFFC000  }
0x51: {  	[tilespmem:s16], [sflag:$0x3] =	stream.linear.gather [hbm4b:s11+s26], $0x1400, $0x38;
	v63 =	vld [tilespmem:$0x0]  }
0x52: {  	_ =	swait.ge [sflag:s13], $0x1400  }
0x53: {  	[sflag:s13] =	ssyncset.done $0x0  }
0x54: {  	s28 =	simm.s32 $0x1480;
	[sflag:s13] =	ssyncadd.s32 $0xFFFFEC00  }
0x55: {  	[tilespmem:s17], [sflag:$0x2] =	stream.indirect.gather [hbm4b:s4+s14], $0x80, s28, s14, $0xb8;
	v63 =	vld [tilespmem:$0x0]  }
0x56: {  	_ =	swait.ge [sflag:s18], $0x4000  }
0x57: {  	[sflag:s18] =	ssyncset.done $0x0  }
0x58: {  	s29 =	simm.s32 $0x2C00;
	[sflag:s18] =	ssyncadd.s32 $0xFFFFC000  }
0x59: {  	[spmem:s2] =	stream.indirect.scatter.add.f32 [tilespmem:s15], [sflag:$0x3], $0x80, s29, s14, $0xb8;
	v63 =	vld [tilespmem:$0x0]  }
0x5a: {  	_ =	swait.ge [sflag:s13], $0x4000  }
0x5b: {  	[sflag:s13] =	ssyncset.done $0x0  }
0x5c: {  	s30 =	simm.s32 $0x1500;
	[sflag:s13] =	ssyncadd.s32 $0xFFFFC000  }
0x5d: {  	[tilespmem:s15], [sflag:$0x1] =	stream.indirect.gather [hbm4b:s4+s14], $0x80, s30, s14, $0xb8;
	v63 =	vld [tilespmem:$0x0]  }
0x5e: {  	_ =	swait.ge [sflag:s19], $0x4000  }
0x5f: {  	[sflag:s19] =	ssyncset.done $0x0  }
0x60: {  	s31 =	simm.s32 $0x2C80;
	[sflag:s19] =	ssyncadd.s32 $0xFFFFC000  }
0x61: {  	[spmem:s2] =	stream.indirect.scatter.add.f32 [tilespmem:s17], [sflag:$0x3], $0x80, s31, s14, $0xb8;
	v63 =	vld [tilespmem:$0x0]  }
0x62: {  	_ =	swait.ge [sflag:s13], $0x4000  }
0x63: {  	s21 =	simm.s32 $0x100;
	s22 =	simm.s32 $0x800;
	[sflag:s13] =	ssyncset.done $0x0  }
.LBB2_4:
0x64: {  	s23 =	sadd.s32 $0x1480, s21  }
0x65: {  	[sflag:s13] =	ssyncadd.s32 $0xFFFFC000;
	s24 =	smov.u32 s22;
	s25 =	sadd.s32 $0x400, s22  }
0x66: {  	[tilespmem:s17], [sflag:$0x2] =	stream.indirect.gather [hbm4b:s4+s14], $0x80, s23, s14, $0xb8;
	v63 =	vld [tilespmem:$0x0]  }
0x67: {  	p0 =	sne.s32 s22, $0x4C00;
	_ =	swait.ge [sflag:s18], $0x4000  }
0x68: {  	[sflag:s18] =	ssyncset.done $0x0  }
0x69: {  	s22 =	sadd.s32 $0x2C00, s21;
	[sflag:s18] =	ssyncadd.s32 $0xFFFFC000  }
0x6a: {  	[spmem:s2] =	stream.indirect.scatter.add.f32 [tilespmem:s15], [sflag:$0x3], $0x80, s22, s14, $0xb8;
	v63 =	vld [tilespmem:$0x0]  }
0x6b: {  	_ =	swait.ge [sflag:s13], $0x4000  }
0x6c: {  	[sflag:s13] =	ssyncset.done $0x0  }
0x6d: {  	s22 =	sadd.s32 $0x1500, s21;
	[sflag:s13] =	ssyncadd.s32 $0xFFFFC000  }
0x6e: {  	[tilespmem:s15], [sflag:$0x1] =	stream.indirect.gather [hbm4b:s4+s14], $0x80, s22, s14, $0xb8;
	v63 =	vld [tilespmem:$0x0]  }
0x6f: {  	_ =	swait.ge [sflag:s19], $0x4000  }
.Ltmp1:
0x70: {  	[sflag:s19] =	ssyncset.done $0x0;
	(pc) =	sbr.rel @p0 .LBB2_4-.Ltmp1, $4  }
0x71: {  	s21 =	sadd.s32 $0x2C80, s21;
	[sflag:s19] =	ssyncadd.s32 $0xFFFFC000  }
0x72: {  	[spmem:s2] =	stream.indirect.scatter.add.f32 [tilespmem:s17], [sflag:$0x3], $0x80, s21, s14, $0xb8;
	v63 =	vld [tilespmem:$0x0]  }
0x73: {  	_ =	swait.ge [sflag:s13], $0x4000  }
0x74: {  	s22 =	smov.u32 s25;
	s21 =	sshra.s32 s24, $0x2;
	[sflag:s13] =	ssyncset.done $0x0  }
0x75: {  	s22 =	sadd.s32 $0x1480, s21;
	[sflag:s13] =	ssyncadd.s32 $0xFFFFC000  }
0x76: {  	[tilespmem:s17], [sflag:$0x2] =	stream.indirect.gather [hbm4b:s4+s14], $0x80, s22, s14, $0xb8;
	v63 =	vld [tilespmem:$0x0]  }
0x77: {  	_ =	swait.ge [sflag:s18], $0x4000  }
0x78: {  	[sflag:s18] =	ssyncset.done $0x0  }
0x79: {  	s29 =	sadd.s32 $0x2C00, s21;
	[sflag:s18] =	ssyncadd.s32 $0xFFFFC000  }
0x7a: {  	[spmem:s2] =	stream.indirect.scatter.add.f32 [tilespmem:s15], [sflag:$0x3], $0x80, s29, s14, $0xb8;
	v63 =	vld [tilespmem:$0x0]  }
0x7b: {  	_ =	swait.ge [sflag:s13], $0x4000  }
0x7c: {  	[sflag:s13] =	ssyncset.done $0x0  }
0x7d: {  	s30 =	sadd.s32 $0x1500, s21;
	[sflag:s13] =	ssyncadd.s32 $0xFFFFC000  }
0x7e: {  	[tilespmem:s15], [sflag:$0x1] =	stream.indirect.gather [hbm4b:s4+s14], $0x80, s30, s14, $0xb8;
	v63 =	vld [tilespmem:$0x0]  }
0x7f: {  	_ =	swait.ge [sflag:s19], $0x4000  }
0x80: {  	[sflag:s19] =	ssyncset.done $0x0  }
0x81: {  	s31 =	sadd.s32 $0x2C80, s21;
	[sflag:s19] =	ssyncadd.s32 $0xFFFFC000  }
0x82: {  	[spmem:s2] =	stream.indirect.scatter.add.f32 [tilespmem:s17], [sflag:$0x3], $0x80, s31, s14, $0xb8;
	v63 =	vld [tilespmem:$0x0]  }
0x83: {  	_ =	swait.ge [sflag:s13], $0x4000  }
0x84: {  	[sflag:s13] =	ssyncset.done $0x0  }
0x85: {  	[sflag:s13] =	ssyncadd.s32 $0xFFFFC000  }
0x86: {  	_ =	swait.ge [sflag:s18], $0x4000  }
0x87: {  	s20 =	sadd.s32 $0x1, s20;
	[sflag:s18] =	ssyncset.done $0x0  }
0x88: {  	p0 =	sne.s32 s20, s10;
	[sflag:s18] =	ssyncadd.s32 $0xFFFFC000  }
.Ltmp2:
0x89: {  	[bflag:$0x0] =	sbarrier.arrive $0xFFFF;
	(pc) =	sbr.rel @p0 .LBB2_1-.Ltmp2, $4  }
0x8a: {  	[hbm:s9], [sflag:s6] =	dma.local [spmem:s12], $0x2800  }
0x8b: {  	_ =	swait.ge [sflag:s13], $0x2800  }
0x8c: {  	[sflag:s13] =	ssyncset.done $0x0  }
0x8d: {  	[sflag:s13] =	ssyncadd.s32 $0xFFFFD800  }
0x8e: {  	_ =	sfence.sel $0x180000  }
0x8f: {  	[bflag:$0x0] =	sbarrier.arrive $0xFFFF  }
0x90: {  	p0 =	sne.s32 s0, $0x0;
	_ =	strace $0x9000004D  }
0x91: {  	s0 =	sadd.s32 @!p0 $0x100000, s1;
	[bflag:$0x2] =	sbarrier.arrive $0xFFFF  }
0x92: {  	[sflag:s0] =	ssyncadd.tile.s32 @!p0 $0x1;
	_ =	shalt  }
.Lfunc_end2:
_tile_overlayer_lowered:
.L_overlay_start_2:
0x93: {  	(tag) =	ssettag $0x2  }
0x94: {  	s0 =	rddreg [dreg:$0x0];
	s2 =	stileid.u32  }
0x95: {  	s1 =	rddreg [dreg:$0x1];
	p0 =	sne.s32 s2, $0x0  }
0x96: {  	s3 =	rddreg [dreg:$0x2];
	[bflag:$0x3] =	sbarrier.arrive $0xFFFF;
	s2 =	simm.s32 @!p0 $0x1C03  }
0x97: {  	[timem:s3], [sflag:s2] =	dma.local @!p0 [hbm:s0], s1  }
0x98: {  	s0 =	simm.s32 @!p0 $0x3  }
0x99: {  	_ =	swait.ge @!p0 [sflag:s0], s1  }
0x9a: {  	s1 =	ssub.s32 @!p0 $0x0, s1;
	[sflag:s0] =	ssyncset.done @!p0 $0x0  }
0x9b: {  	[sflag:s0] =	ssyncadd.s32 @!p0 s1  }
0x9c: {  	[bflag:$0x3] =	sbarrier.arrive $0xFFFF  }
0x9d: {  	_ =	shalt  }

// kernel: kernel.25.cloned.1.call-start
scs
__scs_entry_jumppad:
0x0: {  	(pc) =	sbr.rel $0x88, $3  }
0x1: {  	(tag) =	ssettag $0x0;
	lr =	simm.s32 $0x1  }
0x2: {  	[smem:$0x3F93] =	sst lr;
	_ =	strace $0xD0000000  }
0x3: {  	_ = 	snop  }
0x4: {  	_ = 	snop  }
0x5: {  	_ = 	snop  }
0x6: {  	_ = 	snop  }
0x7: {  	_ = 	snop  }
__scs_overlays_trampoline_lowered:
0x8: {  	[smem:$0x3FA2] =	sst s0  }
0x9: {  	[smem:$0x3FA3] =	sst s1  }
0xa: {  	[smem:$0x3FA4] =	sst s2  }
0xb: {  	[smem:$0x3FA5] =	sst s3  }
0xc: {  	[smem:$0x3FA6] =	sst s4  }
0xd: {  	[smem:$0x3FA7] =	sst s5  }
0xe: {  	[smem:$0x3FA8] =	sst s6  }
0xf: {  	[smem:$0x3FA9] =	sst s7  }
0x10: {  	[smem:$0x3FAA] =	sst s8  }
0x11: {  	[smem:$0x3FAB] =	sst s9;
	s0 =	simm.s32 @!p0 $0x0  }
0x12: {  	s1 =	sld [smem:$0x3F91];
	s0 =	simm.s32 @p0 $0x1  }
0x13: {  	[smem:$0x3FAC] =	sst s0;
	s0 =	simm.s32 @!p1 $0x0  }
0x14: {  	s2 =	sld [smem:$0x3F90];
	s0 =	simm.s32 @p1 $0x1  }
0x15: {  	[smem:$0x3FAD] =	sst s0;
	s0 =	simm.s32 @!p2 $0x0  }
0x16: {  	s3 =	sld [smem:$0x3FDB];
	s0 =	simm.s32 @p2 $0x1  }
0x17: {  	s4 =	simm.s32 $0x1BF5;
	[smem:$0x3FAF] =	sst s0  }
0x18: {  	s0 =	sld [smem:$0x3F92];
	_ =	swait.ge [sflag:s4], $0x0  }
0x19: {  	s7 =	sld [smem:$0x3F93]  }
0x1a: {  	s8 =	sadd.s32 $0xFFFFE003, lr  }
0x1b: {  	s9 =	sadd.s32 $0xFFFFFEF7, lr;
	s5 =	simm.s32 $0xFFFFFFFF;
	p2 =	slt.u32 s8, $0xFFFFF086  }
0x1c: {  	p1 =	slt.u32 s9, $0xF7A;
	s5 =	simm.s32 @!p2 $0x0  }
0x1d: {  	s5 =	simm.s32 @p1 $0x1;
	p0 =	seq.s32 s7, s2  }
0x1e: {  	s7 =	smul.u32 @!p0 $0xF7A, s2;
	p2 =	seq.s32 @!p0 s5, $0x0  }
0x1f: {  	s9 =	smul.u32 $0xF7A, s1;
	s8 =	simm.s32 @!p0 $0x1BF5;
	p2 =	por !p2, p0  }
0x20: {  	[sflag:s8] =	ssyncset.s32 @!p0 $0xFFFFF086;
	s6 =	sadd.s32 @!p0 s3, s7;
	s7 =	simm.s32 @!p0 $0x108  }
0x21: {  	s3 =	sadd.s32 s3, s9;
	s6 =	sadd.s32 @!p0 $0x88, s6;
	s7 =	simm.s32 @p2 $0x1082  }
0x22: {  	[simem:s7], [sflag:s8] =	dma.local @!p0 [hbm:s6], $0xF7A  }
0x23: {  	s9 =	sor.u32 $0xD0000000, s2;
	s6 =	simm.s32 $0x108;
	_ =	swait.ge @!p0 [sflag:s8], $0x0  }
0x24: {  	s3 =	sadd.s32 $0x88, s3;
	s6 =	simm.s32 @!p1 $0x1082;
	[sflag:s4] =	ssyncset.s32 $0xFFFFF086  }
0x25: {  	[simem:s6], [sflag:s4] =	dma.local [hbm:s3], $0xF7A  }
0x26: {  	[smem:$0x3F93] =	sst s1;
	(tag) =	ssettag s2;
	_ =	strace s9  }
0x27: {  	s1 =	sld [smem:$0x3FA3]  }
0x28: {  	s2 =	sld [smem:$0x3FA4]  }
0x29: {  	s4 =	sld [smem:$0x3FA6]  }
0x2a: {  	p0 =	seq.s32 s5, $0x0;
	s5 =	sld [smem:$0x3FA7]  }
0x2b: {  	s6 =	sld [smem:$0x3FA8]  }
0x2c: {  	s7 =	sld [smem:$0x3FA9]  }
0x2d: {  	s3 =	simm.s32 $0x108;
	s8 =	sld [smem:$0x3FAA]  }
0x2e: {  	s3 =	simm.s32 @!p0 $0x1082;
	s9 =	sld [smem:$0x3FAB]  }
0x2f: {  	lr =	sadd.s32 s0, s3;
	s0 =	sld [smem:$0x3FA2]  }
0x30: {  	s3 =	sld [smem:$0x3FA5]  }
0x31: {  	[smem:$0x3FAE] =	sst s10  }
0x32: {  	s10 =	sld [smem:$0x3FAC];
	_ =	sdelay $0x3  }
0x33: {  	p0 =	seq.s32 s10, $0x1;
	s10 =	sld [smem:$0x3FAE];
	_ =	sdelay $0x3  }
0x34: {  	[smem:$0x3FAE] =	sst s10  }
0x35: {  	s10 =	sld [smem:$0x3FAD];
	_ =	sdelay $0x3  }
0x36: {  	p1 =	seq.s32 s10, $0x1;
	s10 =	sld [smem:$0x3FAE];
	_ =	sdelay $0x3  }
0x37: {  	[smem:$0x3FAE] =	sst s10  }
0x38: {  	s10 =	sld [smem:$0x3FAF]  }
0x39: {  	_ = 	snop;
	(pc) =	sbr.ind lr, $3  }
0x3a: {  	_ = 	snop  }
0x3b: {  	_ = 	snop  }
0x3c: {  	p2 =	seq.s32 s10, $0x1;
	s10 =	sld [smem:$0x3FAE]  }
0x3d: {  	_ =	shalt  }
0x3e: {  	_ =	shalt  }
0x3f: {  	_ =	shalt  }
0x40: {  	_ =	shalt  }
0x41: {  	_ =	shalt  }
0x42: {  	_ =	shalt  }
0x43: {  	_ =	shalt  }
0x44: {  	_ =	shalt  }
0x45: {  	_ =	shalt  }
0x46: {  	_ =	shalt  }
0x47: {  	_ =	shalt  }
0x48: {  	_ =	shalt  }
0x49: {  	_ =	shalt  }
0x4a: {  	_ =	shalt  }
0x4b: {  	_ =	shalt  }
0x4c: {  	_ =	shalt  }
0x4d: {  	_ =	shalt  }
0x4e: {  	_ =	shalt  }
0x4f: {  	_ =	shalt  }
0x50: {  	_ =	shalt  }
0x51: {  	_ =	shalt  }
0x52: {  	_ =	shalt  }
0x53: {  	_ =	shalt  }
0x54: {  	_ =	shalt  }
0x55: {  	_ =	shalt  }
0x56: {  	_ =	shalt  }
0x57: {  	_ =	shalt  }
0x58: {  	_ =	shalt  }
0x59: {  	_ =	shalt  }
0x5a: {  	_ =	shalt  }
0x5b: {  	_ =	shalt  }
0x5c: {  	_ =	shalt  }
0x5d: {  	_ =	shalt  }
0x5e: {  	_ =	shalt  }
0x5f: {  	_ =	shalt  }
0x60: {  	_ =	shalt  }
0x61: {  	_ =	shalt  }
0x62: {  	_ =	shalt  }
0x63: {  	_ =	shalt  }
0x64: {  	_ =	shalt  }
0x65: {  	_ =	shalt  }
0x66: {  	_ =	shalt  }
0x67: {  	_ =	shalt  }
0x68: {  	_ =	shalt  }
0x69: {  	_ =	shalt  }
0x6a: {  	_ =	shalt  }
0x6b: {  	_ =	shalt  }
0x6c: {  	_ =	shalt  }
0x6d: {  	_ =	shalt  }
0x6e: {  	_ =	shalt  }
0x6f: {  	_ =	shalt  }
0x70: {  	_ =	shalt  }
0x71: {  	_ =	shalt  }
0x72: {  	_ =	shalt  }
0x73: {  	_ =	shalt  }
0x74: {  	_ =	shalt  }
0x75: {  	_ =	shalt  }
0x76: {  	_ =	shalt  }
0x77: {  	_ =	shalt  }
0x78: {  	_ =	shalt  }
0x79: {  	_ =	shalt  }
0x7a: {  	_ =	shalt  }
0x7b: {  	_ =	shalt  }
0x7c: {  	_ =	shalt  }
0x7d: {  	_ =	shalt  }
0x7e: {  	_ =	shalt  }
0x7f: {  	_ =	shalt  }
0x80: {  	_ =	shalt  }
0x81: {  	_ =	shalt  }
0x82: {  	_ =	shalt  }
0x83: {  	_ =	shalt  }
0x84: {  	_ =	shalt  }
0x85: {  	_ =	shalt  }
0x86: {  	_ =	shalt  }
0x87: {  	_ =	shalt  }
.Lfunc_end0:
.L_simem_size_0:
called_computation.3_lowered:
.L_overlay_start_0:
0x88: {  	s2 =	sld [smem:$0x3FD9]  }
0x89: {  	s3 =	sld [smem:$0x3FFE];
	_ =	sdelay $0x1  }
0x8a: {  	s1 =	srdreg.scid  }
0x8b: {  	s0 =	sand.u32 $0x1, s1  }
0x8c: {  	s17 =	sshll.u32 s0, $0xA;
	s2 =	sadd.s32 s3, s2  }
0x8d: {  	s2 =	sadd.s32 s2, s17  }
0x8e: {  	[smem:$0x3FBA] =	sst s2  }
0x8f: {  	_ = 	snop  }
0x90: {  	s2 =	sld [smem:$0x3FD0];
	(tm) =	ssettm $0x1  }
0x91: {  	s18 =	sld [smem:$0x3FFB];
	_ =	sdelay $0x3  }
0x92: {  	_ =	strace s18  }
0x93: {  	s3 =	sld [smem:$0x3FFC];
	_ =	sdelay $0x3  }
0x94: {  	_ =	strace s3  }
0x95: {  	s3 =	sld [smem:$0x3FFD];
	_ =	sdelay $0x3  }
0x96: {  	_ =	strace s3  }
0x97: {  	_ =	strace $0x8FFFFFFF  }
0x98: {  	s19 =	sld [smem:$0x3FDB];
	_ =	sdelay $0x1  }
0x99: {  	s4 =	simm.s32 $_scs_section_size  }
0x9a: {  	s5 =	simm.s32 $_size__tile_overlayer_lowered;
	s6 =	simm.s32 $_tile_overlayer_lowered  }
0x9b: {  	s22 =	simm.s32 $0x1BFF;
	s21 =	sshll.u32 s6, $0x1;
	s3 =	sadd.s32 s4, s19  }
0x9c: {  	s7 =	simm.s32 $0x0;
	s20 =	sshll.u32 s5, $0x1;
	s5 =	sadd.s32 s21, s3  }
0x9d: {  	[timem:s7], [sflag:s22] =	dma.local [hbm:s5], s20  }
0x9e: {  	_ =	swait.ge [sflag:s22], s20  }
0x9f: {  	s4 =	ssub.s32 $0x0, s20;
	[sflag:s22] =	ssyncset.done $0x0  }
0xa0: {  	[sflag:s22] =	ssyncadd.s32 s4;
	_ =	sdelay $0x1  }
0xa1: {  	s23 =	simm.s32 $0x1B8B  }
0xa2: {  	_ =	swait.ge [sflag:s23], $0x1  }
0xa3: {  	[sflag:s23] =	ssyncset.done $0x0  }
0xa4: {  	s25 =	simm.s32 $0x1B8E;
	s24 =	sld [smem:$0x3FFE];
	[sflag:s23] =	ssyncadd.s32 $0xFFFFFFFF  }
0xa5: {  	s26 =	simm.s32 $execute0_lowered;
	[smem:$0x3FD2] =	sst s25  }
0xa6: {  	s5 =	sshll.u32 s26, $0x1;
	_ =	strace $0x8000004F;
	[dreg:$0x1] =	wrdreg $0xFFFFFFFF  }
0xa7: {  	s28 =	simm.s32 $_size_execute0_lowered;
	s3 =	sadd.s32 s3, s5;
	[dreg:$0x0] =	wrdreg $0x0  }
0xa8: {  	s5 =	sshll.u32 s28, $0x1;
	[dreg:$0x2] =	wrdreg s3  }
0xa9: {  	[dreg:$0x3] =	wrdreg s5  }
0xaa: {  	[dreg:$0x4] =	wrdreg $0xC0  }
0xab: {  	_ =	task [dreg:s7], $0x5FFFF  }
0xac: {  	[dreg:$0x1] =	wrdreg $0xFFFFFFFF  }
0xad: {  	[dreg:$0x0] =	wrdreg $0x60  }
0xae: {  	[dreg:$0x2] =	wrdreg s24  }
0xaf: {  	[dreg:$0x3] =	wrdreg s2  }
0xb0: {  	[dreg:$0x4] =	wrdreg $0xC0000  }
0xb1: {  	[dreg:$0x5] =	wrdreg $0x9  }
0xb2: {  	_ =	task.clear_ibuf [dreg:s7], $0x6FFFF;
	_ =	strace $0x9000004F  }
0xb3: {  	s29 =	simm.s32 $0x9;
	_ =	strace $0x80000051  }
0xb4: {  	_ =	swait.ge [sflag:s29], $0x1  }
0xb5: {  	[sflag:s29] =	ssyncadd.s32 $0xFFFFFFFF  }
0xb6: {  	_ =	strace $0x90000051  }
0xb7: {  	_ =	sfence  }
0xb8: {  	s30 =	sld [smem:$0x0];
	_ =	sdelay $0x2  }
0xb9: {  	s31 =	sshll.u32 s1, $0xD;
	s1 =	sshrl.u32 s1, $0x2  }
0xba: {  	s3 =	sand.u32 $0x4000, s31;
	s1 =	sadd.s32 s1, s30  }
0xbb: {  	s0 =	sor.u32 s3, s0;
	s1 =	sshll.u32 s1, $0x11  }
0xbc: {  	s0 =	sor.u32 s1, s0  }
0xbd: {  	s0 =	sadd.s32 $0x8F2B, s0  }
0xbe: {  	[sflag:s0] =	ssyncadd.remote.s32 $0x1  }
0xbf: {  	_ =	sfence.sel $0xFFFF  }
0xc0: {  	[dreg:$0x0] =	wrdreg $0xFFFFFFFF;
	(pc) =	sbr.abs _section_cstart, $3  }
0xc1: {  	[dreg:$0x1] =	wrdreg $0xFFFFFFFF  }
0xc2: {  	_ =	task.clear_ibuf [dreg:s7], $0x2FFFF;
	_ =	strace $0x9FFFFFFF  }
0xc3: {  	(tm) =	ssettm $0x7FFFFFFF  }
tec
execute0_lowered:
.L_overlay_start_1:
0x0: {  	(tag) =	ssettag $0x1  }
0x1: {  	s5 =	rddreg [dreg:$0x0];
	s1 =	srdreg.scid  }
0x2: {  	s0 =	stileid.u32;
	s8 =	rddreg [dreg:$0x1]  }
0x3: {  	s2 =	rddreg [dreg:$0x2];
	s3 =	simm.s32 $0x0;
	s16 =	simm.s32 $0x2C00  }
0x4: {  	s17 =	simm.s32 $0x8000;
	s18 =	simm.s32 $0x1;
	s19 =	simm.s32 $0x2  }
0x5: {  	s20 =	simm.s32 $0x0;
	s6 =	sand.u32 $0x1, s1;
	s1 =	rddreg [dreg:$0x3]  }
0x6: {  	s28 =	sshll.u32 s0, $0x1;
	[smem:$0x7FF] =	sst s3;
	s7 =	smul.u32 $0x14000, s0  }
0x7: {  	s29 =	smul.u32 $0x50000, s0;
	s31 =	sshll.u32 s0, $0x6;
	s4 =	sor.u32 s6, s28  }
0x8: {  	_ =	strace $0x80000050;
	s10 =	smul.u32 $0x140000, s6;
	s6 =	ssub.s32 $0x2, s6  }
0x9: {  	s4 =	smul.u32 $0x2C00, s4;
	s12 =	sshrl.u32 s7, $0x3;
	s13 =	sshrl.u32 s6, $0x1  }
0xa: {  	s30 =	sshrl.u32 s29, $0x2;
	s7 =	sadd.s32 s7, s10;
	s12 =	sadd.s32 s12, s5  }
0xb: {  	s13 =	ssub.s32 s6, s13;
	s15 =	sadd.s32 s30, s2;
	s6 =	sor.u32 $0x1C03, s31  }
0xc: {  	s9 =	sshrl.u32 s4, $0x3;
	s4 =	sadd.s32 $0x30400, s5;
	s7 =	sshrl.u32 s7, $0x3  }
0xd: {  	s10 =	smax.u32 s13, $0x1;
	s13 =	simm.s32 $0x3;
	s11 =	sadd.s32 s9, s5  }
0xe: {  	s14 =	sadd.s32 s7, s5;
	s5 =	sadd.s32 $0x8400, s12;
	s8 =	sadd.s32 s8, s9  }
0xf: {  	s12 =	sshrl.u32 s15, $0x3;
	s15 =	simm.s32 $0x4000;
	s7 =	sadd.s32 $0x80400, s11  }
0x10: {  	s9 =	sadd.s32 $0x8B400, s14;
	s11 =	sadd.s32 $0x280, s8;
	s14 =	simm.s32 $0x80  }
.LBB2_1:
0x11: {  	[spmem:s12], [sflag:s6] =	dma.local [hbm:s5], $0x2800  }
0x12: {  	_ =	swait.ge [sflag:s13], $0x2800  }
0x13: {  	[sflag:s13] =	ssyncset.done $0x0  }
0x14: {  	[sflag:s13] =	ssyncadd.s32 $0xFFFFD800  }
0x15: {  	[tilespmem:s3], [sflag:$0x3] =	stream.linear.gather [hbm4b:s7+s3], $0x2900, $0x38;
	v63 =	vld [tilespmem:$0x0]  }
0x16: {  	_ =	swait.ge [sflag:s13], $0x2900  }
0x17: {  	[sflag:s13] =	ssyncset.done $0x0  }
0x18: {  	[sflag:s13] =	ssyncadd.s32 $0xFFFFD700  }
0x19: {  	[bflag:$0x0] =	sbarrier.arrive $0xFFFF  }
0x1a: {  	[tilespmem:s15], [sflag:$0x1] =	stream.indirect.gather [hbm4b:s4+s14], $0x80, s3, s14, $0xb8;
	v63 =	vld [tilespmem:$0x0]  }
0x1b: {  	_ = 	snop  }
0x1c: {  	[tilespmem:s16], [sflag:$0x3] =	stream.linear.gather [hbm4b:s8+s3], $0x1400, $0x38;
	v63 =	vld [tilespmem:$0x0]  }
0x1d: {  	_ =	swait.ge [sflag:s13], $0x1400  }
0x1e: {  	[sflag:s13] =	ssyncset.done $0x0  }
0x1f: {  	s21 =	simm.s32 $0x80;
	[sflag:s13] =	ssyncadd.s32 $0xFFFFEC00  }
0x20: {  	[tilespmem:s17], [sflag:$0x2] =	stream.indirect.gather [hbm4b:s4+s14], $0x80, s21, s14, $0xb8;
	v63 =	vld [tilespmem:$0x0]  }
0x21: {  	_ =	swait.ge [sflag:s18], $0x4000  }
0x22: {  	[sflag:s18] =	ssyncset.done $0x0  }
0x23: {  	s29 =	simm.s32 $0x2C00;
	[sflag:s18] =	ssyncadd.s32 $0xFFFFC000  }
0x24: {  	[spmem:s2] =	stream.indirect.scatter.add.f32 [tilespmem:s15], [sflag:$0x3], $0x80, s29, s14, $0xb8;
	v63 =	vld [tilespmem:$0x0]  }
0x25: {  	_ =	swait.ge [sflag:s13], $0x4000  }
0x26: {  	[sflag:s13] =	ssyncset.done $0x0  }
0x27: {  	s30 =	simm.s32 $0x100;
	[sflag:s13] =	ssyncadd.s32 $0xFFFFC000  }
0x28: {  	[tilespmem:s15], [sflag:$0x1] =	stream.indirect.gather [hbm4b:s4+s14], $0x80, s30, s14, $0xb8;
	v63 =	vld [tilespmem:$0x0]  }
0x29: {  	_ =	swait.ge [sflag:s19], $0x4000  }
0x2a: {  	[sflag:s19] =	ssyncset.done $0x0  }
0x2b: {  	s31 =	simm.s32 $0x2C80;
	[sflag:s19] =	ssyncadd.s32 $0xFFFFC000  }
0x2c: {  	[spmem:s2] =	stream.indirect.scatter.add.f32 [tilespmem:s17], [sflag:$0x3], $0x80, s31, s14, $0xb8;
	v63 =	vld [tilespmem:$0x0]  }
0x2d: {  	_ =	swait.ge [sflag:s13], $0x4000  }
0x2e: {  	s22 =	simm.s32 $0x800;
	s21 =	simm.s32 $0x100;
	[sflag:s13] =	ssyncset.done $0x0  }
.LBB2_2:
0x2f: {  	s23 =	sadd.s32 $0x80, s21  }
0x30: {  	[sflag:s13] =	ssyncadd.s32 $0xFFFFC000;
	s24 =	smov.u32 s22;
	s25 =	sadd.s32 $0x400, s22  }
0x31: {  	[tilespmem:s17], [sflag:$0x2] =	stream.indirect.gather [hbm4b:s4+s14], $0x80, s23, s14, $0xb8;
	v63 =	vld [tilespmem:$0x0]  }
0x32: {  	p0 =	sne.s32 s22, $0x4C00;
	_ =	swait.ge [sflag:s18], $0x4000  }
0x33: {  	[sflag:s18] =	ssyncset.done $0x0  }
0x34: {  	s22 =	sadd.s32 $0x2C00, s21;
	[sflag:s18] =	ssyncadd.s32 $0xFFFFC000  }
0x35: {  	[spmem:s2] =	stream.indirect.scatter.add.f32 [tilespmem:s15], [sflag:$0x3], $0x80, s22, s14, $0xb8;
	v63 =	vld [tilespmem:$0x0]  }
0x36: {  	_ =	swait.ge [sflag:s13], $0x4000  }
0x37: {  	[sflag:s13] =	ssyncset.done $0x0  }
0x38: {  	s22 =	sadd.s32 $0x100, s21;
	[sflag:s13] =	ssyncadd.s32 $0xFFFFC000  }
0x39: {  	[tilespmem:s15], [sflag:$0x1] =	stream.indirect.gather [hbm4b:s4+s14], $0x80, s22, s14, $0xb8;
	v63 =	vld [tilespmem:$0x0]  }
0x3a: {  	_ =	swait.ge [sflag:s19], $0x4000  }
.Ltmp0:
0x3b: {  	[sflag:s19] =	ssyncset.done $0x0;
	(pc) =	sbr.rel @p0 .LBB2_2-.Ltmp0, $4  }
0x3c: {  	s21 =	sadd.s32 $0x2C80, s21;
	[sflag:s19] =	ssyncadd.s32 $0xFFFFC000  }
0x3d: {  	[spmem:s2] =	stream.indirect.scatter.add.f32 [tilespmem:s17], [sflag:$0x3], $0x80, s21, s14, $0xb8;
	v63 =	vld [tilespmem:$0x0]  }
0x3e: {  	_ =	swait.ge [sflag:s13], $0x4000  }
0x3f: {  	s22 =	smov.u32 s25;
	s21 =	sshra.s32 s24, $0x2;
	[sflag:s13] =	ssyncset.done $0x0  }
0x40: {  	s22 =	sadd.s32 $0x80, s21;
	[sflag:s13] =	ssyncadd.s32 $0xFFFFC000  }
0x41: {  	[tilespmem:s17], [sflag:$0x2] =	stream.indirect.gather [hbm4b:s4+s14], $0x80, s22, s14, $0xb8;
	v63 =	vld [tilespmem:$0x0]  }
0x42: {  	_ =	swait.ge [sflag:s18], $0x4000  }
0x43: {  	[sflag:s18] =	ssyncset.done $0x0  }
0x44: {  	s23 =	sadd.s32 $0x2C00, s21;
	[sflag:s18] =	ssyncadd.s32 $0xFFFFC000  }
0x45: {  	[spmem:s2] =	stream.indirect.scatter.add.f32 [tilespmem:s15], [sflag:$0x3], $0x80, s23, s14, $0xb8;
	v63 =	vld [tilespmem:$0x0]  }
0x46: {  	_ =	swait.ge [sflag:s13], $0x4000  }
0x47: {  	[sflag:s13] =	ssyncset.done $0x0  }
0x48: {  	s24 =	sadd.s32 $0x100, s21;
	[sflag:s13] =	ssyncadd.s32 $0xFFFFC000  }
0x49: {  	[tilespmem:s15], [sflag:$0x1] =	stream.indirect.gather [hbm4b:s4+s14], $0x80, s24, s14, $0xb8;
	v63 =	vld [tilespmem:$0x0]  }
0x4a: {  	_ =	swait.ge [sflag:s19], $0x4000  }
0x4b: {  	[sflag:s19] =	ssyncset.done $0x0  }
0x4c: {  	s25 =	sadd.s32 $0x2C80, s21;
	[sflag:s19] =	ssyncadd.s32 $0xFFFFC000  }
0x4d: {  	[spmem:s2] =	stream.indirect.scatter.add.f32 [tilespmem:s17], [sflag:$0x3], $0x80, s25, s14, $0xb8;
	v63 =	vld [tilespmem:$0x0]  }
0x4e: {  	_ =	swait.ge [sflag:s13], $0x4000  }
0x4f: {  	[sflag:s13] =	ssyncset.done $0x0  }
0x50: {  	s26 =	simm.s32 $0x0;
	[sflag:s13] =	ssyncadd.s32 $0xFFFFC000  }
0x51: {  	[tilespmem:s16], [sflag:$0x3] =	stream.linear.gather [hbm4b:s11+s26], $0x1400, $0x38;
	v63 =	vld [tilespmem:$0x0]  }
0x52: {  	_ =	swait.ge [sflag:s13], $0x1400  }
0x53: {  	[sflag:s13] =	ssyncset.done $0x0  }
0x54: {  	s28 =	simm.s32 $0x1480;
	[sflag:s13] =	ssyncadd.s32 $0xFFFFEC00  }
0x55: {  	[tilespmem:s17], [sflag:$0x2] =	stream.indirect.gather [hbm4b:s4+s14], $0x80, s28, s14, $0xb8;
	v63 =	vld [tilespmem:$0x0]  }
0x56: {  	_ =	swait.ge [sflag:s18], $0x4000  }
0x57: {  	[sflag:s18] =	ssyncset.done $0x0  }
0x58: {  	s29 =	simm.s32 $0x2C00;
	[sflag:s18] =	ssyncadd.s32 $0xFFFFC000  }
0x59: {  	[spmem:s2] =	stream.indirect.scatter.add.f32 [tilespmem:s15], [sflag:$0x3], $0x80, s29, s14, $0xb8;
	v63 =	vld [tilespmem:$0x0]  }
0x5a: {  	_ =	swait.ge [sflag:s13], $0x4000  }
0x5b: {  	[sflag:s13] =	ssyncset.done $0x0  }
0x5c: {  	s30 =	simm.s32 $0x1500;
	[sflag:s13] =	ssyncadd.s32 $0xFFFFC000  }
0x5d: {  	[tilespmem:s15], [sflag:$0x1] =	stream.indirect.gather [hbm4b:s4+s14], $0x80, s30, s14, $0xb8;
	v63 =	vld [tilespmem:$0x0]  }
0x5e: {  	_ =	swait.ge [sflag:s19], $0x4000  }
0x5f: {  	[sflag:s19] =	ssyncset.done $0x0  }
0x60: {  	s31 =	simm.s32 $0x2C80;
	[sflag:s19] =	ssyncadd.s32 $0xFFFFC000  }
0x61: {  	[spmem:s2] =	stream.indirect.scatter.add.f32 [tilespmem:s17], [sflag:$0x3], $0x80, s31, s14, $0xb8;
	v63 =	vld [tilespmem:$0x0]  }
0x62: {  	_ =	swait.ge [sflag:s13], $0x4000  }
0x63: {  	s21 =	simm.s32 $0x100;
	s22 =	simm.s32 $0x800;
	[sflag:s13] =	ssyncset.done $0x0  }
.LBB2_4:
0x64: {  	s23 =	sadd.s32 $0x1480, s21  }
0x65: {  	[sflag:s13] =	ssyncadd.s32 $0xFFFFC000;
	s24 =	smov.u32 s22;
	s25 =	sadd.s32 $0x400, s22  }
0x66: {  	[tilespmem:s17], [sflag:$0x2] =	stream.indirect.gather [hbm4b:s4+s14], $0x80, s23, s14, $0xb8;
	v63 =	vld [tilespmem:$0x0]  }
0x67: {  	p0 =	sne.s32 s22, $0x4C00;
	_ =	swait.ge [sflag:s18], $0x4000  }
0x68: {  	[sflag:s18] =	ssyncset.done $0x0  }
0x69: {  	s22 =	sadd.s32 $0x2C00, s21;
	[sflag:s18] =	ssyncadd.s32 $0xFFFFC000  }
0x6a: {  	[spmem:s2] =	stream.indirect.scatter.add.f32 [tilespmem:s15], [sflag:$0x3], $0x80, s22, s14, $0xb8;
	v63 =	vld [tilespmem:$0x0]  }
0x6b: {  	_ =	swait.ge [sflag:s13], $0x4000  }
0x6c: {  	[sflag:s13] =	ssyncset.done $0x0  }
0x6d: {  	s22 =	sadd.s32 $0x1500, s21;
	[sflag:s13] =	ssyncadd.s32 $0xFFFFC000  }
0x6e: {  	[tilespmem:s15], [sflag:$0x1] =	stream.indirect.gather [hbm4b:s4+s14], $0x80, s22, s14, $0xb8;
	v63 =	vld [tilespmem:$0x0]  }
0x6f: {  	_ =	swait.ge [sflag:s19], $0x4000  }
.Ltmp1:
0x70: {  	[sflag:s19] =	ssyncset.done $0x0;
	(pc) =	sbr.rel @p0 .LBB2_4-.Ltmp1, $4  }
0x71: {  	s21 =	sadd.s32 $0x2C80, s21;
	[sflag:s19] =	ssyncadd.s32 $0xFFFFC000  }
0x72: {  	[spmem:s2] =	stream.indirect.scatter.add.f32 [tilespmem:s17], [sflag:$0x3], $0x80, s21, s14, $0xb8;
	v63 =	vld [tilespmem:$0x0]  }
0x73: {  	_ =	swait.ge [sflag:s13], $0x4000  }
0x74: {  	s22 =	smov.u32 s25;
	s21 =	sshra.s32 s24, $0x2;
	[sflag:s13] =	ssyncset.done $0x0  }
0x75: {  	s22 =	sadd.s32 $0x1480, s21;
	[sflag:s13] =	ssyncadd.s32 $0xFFFFC000  }
0x76: {  	[tilespmem:s17], [sflag:$0x2] =	stream.indirect.gather [hbm4b:s4+s14], $0x80, s22, s14, $0xb8;
	v63 =	vld [tilespmem:$0x0]  }
0x77: {  	_ =	swait.ge [sflag:s18], $0x4000  }
0x78: {  	[sflag:s18] =	ssyncset.done $0x0  }
0x79: {  	s29 =	sadd.s32 $0x2C00, s21;
	[sflag:s18] =	ssyncadd.s32 $0xFFFFC000  }
0x7a: {  	[spmem:s2] =	stream.indirect.scatter.add.f32 [tilespmem:s15], [sflag:$0x3], $0x80, s29, s14, $0xb8;
	v63 =	vld [tilespmem:$0x0]  }
0x7b: {  	_ =	swait.ge [sflag:s13], $0x4000  }
0x7c: {  	[sflag:s13] =	ssyncset.done $0x0  }
0x7d: {  	s30 =	sadd.s32 $0x1500, s21;
	[sflag:s13] =	ssyncadd.s32 $0xFFFFC000  }
0x7e: {  	[tilespmem:s15], [sflag:$0x1] =	stream.indirect.gather [hbm4b:s4+s14], $0x80, s30, s14, $0xb8;
	v63 =	vld [tilespmem:$0x0]  }
0x7f: {  	_ =	swait.ge [sflag:s19], $0x4000  }
0x80: {  	[sflag:s19] =	ssyncset.done $0x0  }
0x81: {  	s31 =	sadd.s32 $0x2C80, s21;
	[sflag:s19] =	ssyncadd.s32 $0xFFFFC000  }
0x82: {  	[spmem:s2] =	stream.indirect.scatter.add.f32 [tilespmem:s17], [sflag:$0x3], $0x80, s31, s14, $0xb8;
	v63 =	vld [tilespmem:$0x0]  }
0x83: {  	_ =	swait.ge [sflag:s13], $0x4000  }
0x84: {  	[sflag:s13] =	ssyncset.done $0x0  }
0x85: {  	[sflag:s13] =	ssyncadd.s32 $0xFFFFC000  }
0x86: {  	_ =	swait.ge [sflag:s18], $0x4000  }
0x87: {  	s20 =	sadd.s32 $0x1, s20;
	[sflag:s18] =	ssyncset.done $0x0  }
0x88: {  	p0 =	sne.s32 s20, s10;
	[sflag:s18] =	ssyncadd.s32 $0xFFFFC000  }
.Ltmp2:
0x89: {  	[bflag:$0x0] =	sbarrier.arrive $0xFFFF;
	(pc) =	sbr.rel @p0 .LBB2_1-.Ltmp2, $4  }
0x8a: {  	[hbm:s9], [sflag:s6] =	dma.local [spmem:s12], $0x2800  }
0x8b: {  	_ =	swait.ge [sflag:s13], $0x2800  }
0x8c: {  	[sflag:s13] =	ssyncset.done $0x0  }
0x8d: {  	[sflag:s13] =	ssyncadd.s32 $0xFFFFD800  }
0x8e: {  	_ =	sfence.sel $0x180000  }
0x8f: {  	[bflag:$0x0] =	sbarrier.arrive $0xFFFF  }
0x90: {  	p0 =	sne.s32 s0, $0x0;
	_ =	strace $0x90000050  }
0x91: {  	s0 =	sadd.s32 @!p0 $0x100000, s1;
	[bflag:$0x2] =	sbarrier.arrive $0xFFFF  }
0x92: {  	[sflag:s0] =	ssyncadd.tile.s32 @!p0 $0x1;
	_ =	shalt  }
.Lfunc_end2:
_tile_overlayer_lowered:
.L_overlay_start_2:
0x93: {  	(tag) =	ssettag $0x2  }
0x94: {  	s0 =	rddreg [dreg:$0x0];
	s2 =	stileid.u32  }
0x95: {  	s1 =	rddreg [dreg:$0x1];
	p0 =	sne.s32 s2, $0x0  }
0x96: {  	s3 =	rddreg [dreg:$0x2];
	[bflag:$0x3] =	sbarrier.arrive $0xFFFF;
	s2 =	simm.s32 @!p0 $0x1C03  }
0x97: {  	[timem:s3], [sflag:s2] =	dma.local @!p0 [hbm:s0], s1  }
0x98: {  	s0 =	simm.s32 @!p0 $0x3  }
0x99: {  	_ =	swait.ge @!p0 [sflag:s0], s1  }
0x9a: {  	s1 =	ssub.s32 @!p0 $0x0, s1;
	[sflag:s0] =	ssyncset.done @!p0 $0x0  }
0x9b: {  	[sflag:s0] =	ssyncadd.s32 @!p0 s1  }
0x9c: {  	[bflag:$0x3] =	sbarrier.arrive $0xFFFF  }
0x9d: {  	_ =	shalt  }

// kernel: kernel.28.cloned.1.call-start
scs
__scs_entry_jumppad:
0x0: {  	(pc) =	sbr.rel $0x88, $3  }
0x1: {  	(tag) =	ssettag $0x0;
	lr =	simm.s32 $0x1  }
0x2: {  	[smem:$0x3F93] =	sst lr;
	_ =	strace $0xD0000000  }
0x3: {  	_ = 	snop  }
0x4: {  	_ = 	snop  }
0x5: {  	_ = 	snop  }
0x6: {  	_ = 	snop  }
0x7: {  	_ = 	snop  }
__scs_overlays_trampoline_lowered:
0x8: {  	[smem:$0x3FA2] =	sst s0  }
0x9: {  	[smem:$0x3FA3] =	sst s1  }
0xa: {  	[smem:$0x3FA4] =	sst s2  }
0xb: {  	[smem:$0x3FA5] =	sst s3  }
0xc: {  	[smem:$0x3FA6] =	sst s4  }
0xd: {  	[smem:$0x3FA7] =	sst s5  }
0xe: {  	[smem:$0x3FA8] =	sst s6  }
0xf: {  	[smem:$0x3FA9] =	sst s7  }
0x10: {  	[smem:$0x3FAA] =	sst s8  }
0x11: {  	[smem:$0x3FAB] =	sst s9;
	s0 =	simm.s32 @!p0 $0x0  }
0x12: {  	s1 =	sld [smem:$0x3F91];
	s0 =	simm.s32 @p0 $0x1  }
0x13: {  	[smem:$0x3FAC] =	sst s0;
	s0 =	simm.s32 @!p1 $0x0  }
0x14: {  	s2 =	sld [smem:$0x3F90];
	s0 =	simm.s32 @p1 $0x1  }
0x15: {  	[smem:$0x3FAD] =	sst s0;
	s0 =	simm.s32 @!p2 $0x0  }
0x16: {  	s3 =	sld [smem:$0x3FDB];
	s0 =	simm.s32 @p2 $0x1  }
0x17: {  	s4 =	simm.s32 $0x1BF5;
	[smem:$0x3FAF] =	sst s0  }
0x18: {  	s0 =	sld [smem:$0x3F92];
	_ =	swait.ge [sflag:s4], $0x0  }
0x19: {  	s7 =	sld [smem:$0x3F93]  }
0x1a: {  	s8 =	sadd.s32 $0xFFFFE003, lr  }
0x1b: {  	s9 =	sadd.s32 $0xFFFFFEF7, lr;
	s5 =	simm.s32 $0xFFFFFFFF;
	p2 =	slt.u32 s8, $0xFFFFF086  }
0x1c: {  	p1 =	slt.u32 s9, $0xF7A;
	s5 =	simm.s32 @!p2 $0x0  }
0x1d: {  	s5 =	simm.s32 @p1 $0x1;
	p0 =	seq.s32 s7, s2  }
0x1e: {  	s7 =	smul.u32 @!p0 $0xF7A, s2;
	p2 =	seq.s32 @!p0 s5, $0x0  }
0x1f: {  	s9 =	smul.u32 $0xF7A, s1;
	s8 =	simm.s32 @!p0 $0x1BF5;
	p2 =	por !p2, p0  }
0x20: {  	[sflag:s8] =	ssyncset.s32 @!p0 $0xFFFFF086;
	s6 =	sadd.s32 @!p0 s3, s7;
	s7 =	simm.s32 @!p0 $0x108  }
0x21: {  	s3 =	sadd.s32 s3, s9;
	s6 =	sadd.s32 @!p0 $0x88, s6;
	s7 =	simm.s32 @p2 $0x1082  }
0x22: {  	[simem:s7], [sflag:s8] =	dma.local @!p0 [hbm:s6], $0xF7A  }
0x23: {  	s9 =	sor.u32 $0xD0000000, s2;
	s6 =	simm.s32 $0x108;
	_ =	swait.ge @!p0 [sflag:s8], $0x0  }
0x24: {  	s3 =	sadd.s32 $0x88, s3;
	s6 =	simm.s32 @!p1 $0x1082;
	[sflag:s4] =	ssyncset.s32 $0xFFFFF086  }
0x25: {  	[simem:s6], [sflag:s4] =	dma.local [hbm:s3], $0xF7A  }
0x26: {  	[smem:$0x3F93] =	sst s1;
	(tag) =	ssettag s2;
	_ =	strace s9  }
0x27: {  	s1 =	sld [smem:$0x3FA3]  }
0x28: {  	s2 =	sld [smem:$0x3FA4]  }
0x29: {  	s4 =	sld [smem:$0x3FA6]  }
0x2a: {  	p0 =	seq.s32 s5, $0x0;
	s5 =	sld [smem:$0x3FA7]  }
0x2b: {  	s6 =	sld [smem:$0x3FA8]  }
0x2c: {  	s7 =	sld [smem:$0x3FA9]  }
0x2d: {  	s3 =	simm.s32 $0x108;
	s8 =	sld [smem:$0x3FAA]  }
0x2e: {  	s3 =	simm.s32 @!p0 $0x1082;
	s9 =	sld [smem:$0x3FAB]  }
0x2f: {  	lr =	sadd.s32 s0, s3;
	s0 =	sld [smem:$0x3FA2]  }
0x30: {  	s3 =	sld [smem:$0x3FA5]  }
0x31: {  	[smem:$0x3FAE] =	sst s10  }
0x32: {  	s10 =	sld [smem:$0x3FAC];
	_ =	sdelay $0x3  }
0x33: {  	p0 =	seq.s32 s10, $0x1;
	s10 =	sld [smem:$0x3FAE];
	_ =	sdelay $0x3  }
0x34: {  	[smem:$0x3FAE] =	sst s10  }
0x35: {  	s10 =	sld [smem:$0x3FAD];
	_ =	sdelay $0x3  }
0x36: {  	p1 =	seq.s32 s10, $0x1;
	s10 =	sld [smem:$0x3FAE];
	_ =	sdelay $0x3  }
0x37: {  	[smem:$0x3FAE] =	sst s10  }
0x38: {  	s10 =	sld [smem:$0x3FAF]  }
0x39: {  	_ = 	snop;
	(pc) =	sbr.ind lr, $3  }
0x3a: {  	_ = 	snop  }
0x3b: {  	_ = 	snop  }
0x3c: {  	p2 =	seq.s32 s10, $0x1;
	s10 =	sld [smem:$0x3FAE]  }
0x3d: {  	_ =	shalt  }
0x3e: {  	_ =	shalt  }
0x3f: {  	_ =	shalt  }
0x40: {  	_ =	shalt  }
0x41: {  	_ =	shalt  }
0x42: {  	_ =	shalt  }
0x43: {  	_ =	shalt  }
0x44: {  	_ =	shalt  }
0x45: {  	_ =	shalt  }
0x46: {  	_ =	shalt  }
0x47: {  	_ =	shalt  }
0x48: {  	_ =	shalt  }
0x49: {  	_ =	shalt  }
0x4a: {  	_ =	shalt  }
0x4b: {  	_ =	shalt  }
0x4c: {  	_ =	shalt  }
0x4d: {  	_ =	shalt  }
0x4e: {  	_ =	shalt  }
0x4f: {  	_ =	shalt  }
0x50: {  	_ =	shalt  }
0x51: {  	_ =	shalt  }
0x52: {  	_ =	shalt  }
0x53: {  	_ =	shalt  }
0x54: {  	_ =	shalt  }
0x55: {  	_ =	shalt  }
0x56: {  	_ =	shalt  }
0x57: {  	_ =	shalt  }
0x58: {  	_ =	shalt  }
0x59: {  	_ =	shalt  }
0x5a: {  	_ =	shalt  }
0x5b: {  	_ =	shalt  }
0x5c: {  	_ =	shalt  }
0x5d: {  	_ =	shalt  }
0x5e: {  	_ =	shalt  }
0x5f: {  	_ =	shalt  }
0x60: {  	_ =	shalt  }
0x61: {  	_ =	shalt  }
0x62: {  	_ =	shalt  }
0x63: {  	_ =	shalt  }
0x64: {  	_ =	shalt  }
0x65: {  	_ =	shalt  }
0x66: {  	_ =	shalt  }
0x67: {  	_ =	shalt  }
0x68: {  	_ =	shalt  }
0x69: {  	_ =	shalt  }
0x6a: {  	_ =	shalt  }
0x6b: {  	_ =	shalt  }
0x6c: {  	_ =	shalt  }
0x6d: {  	_ =	shalt  }
0x6e: {  	_ =	shalt  }
0x6f: {  	_ =	shalt  }
0x70: {  	_ =	shalt  }
0x71: {  	_ =	shalt  }
0x72: {  	_ =	shalt  }
0x73: {  	_ =	shalt  }
0x74: {  	_ =	shalt  }
0x75: {  	_ =	shalt  }
0x76: {  	_ =	shalt  }
0x77: {  	_ =	shalt  }
0x78: {  	_ =	shalt  }
0x79: {  	_ =	shalt  }
0x7a: {  	_ =	shalt  }
0x7b: {  	_ =	shalt  }
0x7c: {  	_ =	shalt  }
0x7d: {  	_ =	shalt  }
0x7e: {  	_ =	shalt  }
0x7f: {  	_ =	shalt  }
0x80: {  	_ =	shalt  }
0x81: {  	_ =	shalt  }
0x82: {  	_ =	shalt  }
0x83: {  	_ =	shalt  }
0x84: {  	_ =	shalt  }
0x85: {  	_ =	shalt  }
0x86: {  	_ =	shalt  }
0x87: {  	_ =	shalt  }
.Lfunc_end0:
.L_simem_size_0:
called_computation.4_lowered:
.L_overlay_start_0:
0x88: {  	s2 =	sld [smem:$0x3FD9]  }
0x89: {  	s3 =	sld [smem:$0x3FFE];
	_ =	sdelay $0x1  }
0x8a: {  	s1 =	srdreg.scid  }
0x8b: {  	s0 =	sand.u32 $0x1, s1  }
0x8c: {  	s17 =	sshll.u32 s0, $0xA;
	s2 =	sadd.s32 s3, s2  }
0x8d: {  	s2 =	sadd.s32 s2, s17  }
0x8e: {  	[smem:$0x3FBA] =	sst s2  }
0x8f: {  	_ = 	snop  }
0x90: {  	s2 =	sld [smem:$0x3FD0];
	(tm) =	ssettm $0x1  }
0x91: {  	s18 =	sld [smem:$0x3FFB];
	_ =	sdelay $0x3  }
0x92: {  	_ =	strace s18  }
0x93: {  	s3 =	sld [smem:$0x3FFC];
	_ =	sdelay $0x3  }
0x94: {  	_ =	strace s3  }
0x95: {  	s3 =	sld [smem:$0x3FFD];
	_ =	sdelay $0x3  }
0x96: {  	_ =	strace s3  }
0x97: {  	_ =	strace $0x8FFFFFFF  }
0x98: {  	s19 =	sld [smem:$0x3FDB];
	_ =	sdelay $0x1  }
0x99: {  	s4 =	simm.s32 $_scs_section_size  }
0x9a: {  	s5 =	simm.s32 $_size__tile_overlayer_lowered;
	s6 =	simm.s32 $_tile_overlayer_lowered  }
0x9b: {  	s22 =	simm.s32 $0x1BFF;
	s21 =	sshll.u32 s6, $0x1;
	s3 =	sadd.s32 s4, s19  }
0x9c: {  	s7 =	simm.s32 $0x0;
	s20 =	sshll.u32 s5, $0x1;
	s5 =	sadd.s32 s21, s3  }
0x9d: {  	[timem:s7], [sflag:s22] =	dma.local [hbm:s5], s20  }
0x9e: {  	_ =	swait.ge [sflag:s22], s20  }
0x9f: {  	s4 =	ssub.s32 $0x0, s20;
	[sflag:s22] =	ssyncset.done $0x0  }
0xa0: {  	[sflag:s22] =	ssyncadd.s32 s4;
	_ =	sdelay $0x1  }
0xa1: {  	s23 =	simm.s32 $0x1B8B  }
0xa2: {  	_ =	swait.ge [sflag:s23], $0x1  }
0xa3: {  	[sflag:s23] =	ssyncset.done $0x0  }
0xa4: {  	s25 =	simm.s32 $0x1B8E;
	s24 =	sld [smem:$0x3FFE];
	[sflag:s23] =	ssyncadd.s32 $0xFFFFFFFF  }
0xa5: {  	s26 =	simm.s32 $execute0_lowered;
	[smem:$0x3FD2] =	sst s25  }
0xa6: {  	s5 =	sshll.u32 s26, $0x1;
	_ =	strace $0x80000052;
	[dreg:$0x1] =	wrdreg $0xFFFFFFFF  }
0xa7: {  	s28 =	simm.s32 $_size_execute0_lowered;
	s3 =	sadd.s32 s3, s5;
	[dreg:$0x0] =	wrdreg $0x0  }
0xa8: {  	s5 =	sshll.u32 s28, $0x1;
	[dreg:$0x2] =	wrdreg s3  }
0xa9: {  	[dreg:$0x3] =	wrdreg s5  }
0xaa: {  	[dreg:$0x4] =	wrdreg $0xC0  }
0xab: {  	_ =	task [dreg:s7], $0x5FFFF  }
0xac: {  	[dreg:$0x1] =	wrdreg $0xFFFFFFFF  }
0xad: {  	[dreg:$0x0] =	wrdreg $0x60  }
0xae: {  	[dreg:$0x2] =	wrdreg s24  }
0xaf: {  	[dreg:$0x3] =	wrdreg s2  }
0xb0: {  	[dreg:$0x4] =	wrdreg $0xC0000  }
0xb1: {  	[dreg:$0x5] =	wrdreg $0x9  }
0xb2: {  	_ =	task.clear_ibuf [dreg:s7], $0x6FFFF;
	_ =	strace $0x90000052  }
0xb3: {  	s29 =	simm.s32 $0x9;
	_ =	strace $0x80000054  }
0xb4: {  	_ =	swait.ge [sflag:s29], $0x1  }
0xb5: {  	[sflag:s29] =	ssyncadd.s32 $0xFFFFFFFF  }
0xb6: {  	_ =	strace $0x90000054  }
0xb7: {  	_ =	sfence  }
0xb8: {  	s30 =	sld [smem:$0x0];
	_ =	sdelay $0x2  }
0xb9: {  	s31 =	sshll.u32 s1, $0xD;
	s1 =	sshrl.u32 s1, $0x2  }
0xba: {  	s3 =	sand.u32 $0x4000, s31;
	s1 =	sadd.s32 s1, s30  }
0xbb: {  	s0 =	sor.u32 s3, s0;
	s1 =	sshll.u32 s1, $0x11  }
0xbc: {  	s0 =	sor.u32 s1, s0  }
0xbd: {  	s0 =	sadd.s32 $0x8F2B, s0  }
0xbe: {  	[sflag:s0] =	ssyncadd.remote.s32 $0x1  }
0xbf: {  	_ =	sfence.sel $0xFFFF  }
0xc0: {  	[dreg:$0x0] =	wrdreg $0xFFFFFFFF;
	(pc) =	sbr.abs _section_cstart, $3  }
0xc1: {  	[dreg:$0x1] =	wrdreg $0xFFFFFFFF  }
0xc2: {  	_ =	task.clear_ibuf [dreg:s7], $0x2FFFF;
	_ =	strace $0x9FFFFFFF  }
0xc3: {  	(tm) =	ssettm $0x7FFFFFFF  }
tec
execute0_lowered:
.L_overlay_start_1:
0x0: {  	(tag) =	ssettag $0x1  }
0x1: {  	s5 =	rddreg [dreg:$0x0];
	s1 =	srdreg.scid  }
0x2: {  	s0 =	stileid.u32;
	s8 =	rddreg [dreg:$0x1]  }
0x3: {  	s2 =	rddreg [dreg:$0x2];
	s3 =	simm.s32 $0x0;
	s16 =	simm.s32 $0x2C00  }
0x4: {  	s17 =	simm.s32 $0x8000;
	s18 =	simm.s32 $0x1;
	s19 =	simm.s32 $0x2  }
0x5: {  	s20 =	simm.s32 $0x0;
	s6 =	sand.u32 $0x1, s1;
	s1 =	rddreg [dreg:$0x3]  }
0x6: {  	s28 =	sshll.u32 s0, $0x1;
	[smem:$0x7FF] =	sst s3;
	s7 =	smul.u32 $0x14000, s0  }
0x7: {  	s29 =	smul.u32 $0x50000, s0;
	s31 =	sshll.u32 s0, $0x6;
	s4 =	sor.u32 s6, s28  }
0x8: {  	_ =	strace $0x80000053;
	s10 =	smul.u32 $0x140000, s6;
	s6 =	ssub.s32 $0x2, s6  }
0x9: {  	s4 =	smul.u32 $0x2C00, s4;
	s12 =	sshrl.u32 s7, $0x3;
	s13 =	sshrl.u32 s6, $0x1  }
0xa: {  	s30 =	sshrl.u32 s29, $0x2;
	s7 =	sadd.s32 s7, s10;
	s12 =	sadd.s32 s12, s5  }
0xb: {  	s13 =	ssub.s32 s6, s13;
	s15 =	sadd.s32 s30, s2;
	s6 =	sor.u32 $0x1C03, s31  }
0xc: {  	s9 =	sshrl.u32 s4, $0x3;
	s4 =	sadd.s32 $0x30400, s5;
	s7 =	sshrl.u32 s7, $0x3  }
0xd: {  	s10 =	smax.u32 s13, $0x1;
	s13 =	simm.s32 $0x3;
	s11 =	sadd.s32 s9, s5  }
0xe: {  	s14 =	sadd.s32 s7, s5;
	s5 =	sadd.s32 $0x8400, s12;
	s8 =	sadd.s32 s8, s9  }
0xf: {  	s12 =	sshrl.u32 s15, $0x3;
	s15 =	simm.s32 $0x4000;
	s7 =	sadd.s32 $0x80400, s11  }
0x10: {  	s9 =	sadd.s32 $0x8B400, s14;
	s11 =	sadd.s32 $0x280, s8;
	s14 =	simm.s32 $0x80  }
.LBB2_1:
0x11: {  	[spmem:s12], [sflag:s6] =	dma.local [hbm:s5], $0x2800  }
0x12: {  	_ =	swait.ge [sflag:s13], $0x2800  }
0x13: {  	[sflag:s13] =	ssyncset.done $0x0  }
0x14: {  	[sflag:s13] =	ssyncadd.s32 $0xFFFFD800  }
0x15: {  	[tilespmem:s3], [sflag:$0x3] =	stream.linear.gather [hbm4b:s7+s3], $0x2900, $0x38;
	v63 =	vld [tilespmem:$0x0]  }
0x16: {  	_ =	swait.ge [sflag:s13], $0x2900  }
0x17: {  	[sflag:s13] =	ssyncset.done $0x0  }
0x18: {  	[sflag:s13] =	ssyncadd.s32 $0xFFFFD700  }
0x19: {  	[bflag:$0x0] =	sbarrier.arrive $0xFFFF  }
0x1a: {  	[tilespmem:s15], [sflag:$0x1] =	stream.indirect.gather [hbm4b:s4+s14], $0x80, s3, s14, $0xb8;
	v63 =	vld [tilespmem:$0x0]  }
0x1b: {  	_ = 	snop  }
0x1c: {  	[tilespmem:s16], [sflag:$0x3] =	stream.linear.gather [hbm4b:s8+s3], $0x1400, $0x38;
	v63 =	vld [tilespmem:$0x0]  }
0x1d: {  	_ =	swait.ge [sflag:s13], $0x1400  }
0x1e: {  	[sflag:s13] =	ssyncset.done $0x0  }
0x1f: {  	s21 =	simm.s32 $0x80;
	[sflag:s13] =	ssyncadd.s32 $0xFFFFEC00  }
0x20: {  	[tilespmem:s17], [sflag:$0x2] =	stream.indirect.gather [hbm4b:s4+s14], $0x80, s21, s14, $0xb8;
	v63 =	vld [tilespmem:$0x0]  }
0x21: {  	_ =	swait.ge [sflag:s18], $0x4000  }
0x22: {  	[sflag:s18] =	ssyncset.done $0x0  }
0x23: {  	s29 =	simm.s32 $0x2C00;
	[sflag:s18] =	ssyncadd.s32 $0xFFFFC000  }
0x24: {  	[spmem:s2] =	stream.indirect.scatter.add.f32 [tilespmem:s15], [sflag:$0x3], $0x80, s29, s14, $0xb8;
	v63 =	vld [tilespmem:$0x0]  }
0x25: {  	_ =	swait.ge [sflag:s13], $0x4000  }
0x26: {  	[sflag:s13] =	ssyncset.done $0x0  }
0x27: {  	s30 =	simm.s32 $0x100;
	[sflag:s13] =	ssyncadd.s32 $0xFFFFC000  }
0x28: {  	[tilespmem:s15], [sflag:$0x1] =	stream.indirect.gather [hbm4b:s4+s14], $0x80, s30, s14, $0xb8;
	v63 =	vld [tilespmem:$0x0]  }
0x29: {  	_ =	swait.ge [sflag:s19], $0x4000  }
0x2a: {  	[sflag:s19] =	ssyncset.done $0x0  }
0x2b: {  	s31 =	simm.s32 $0x2C80;
	[sflag:s19] =	ssyncadd.s32 $0xFFFFC000  }
0x2c: {  	[spmem:s2] =	stream.indirect.scatter.add.f32 [tilespmem:s17], [sflag:$0x3], $0x80, s31, s14, $0xb8;
	v63 =	vld [tilespmem:$0x0]  }
0x2d: {  	_ =	swait.ge [sflag:s13], $0x4000  }
0x2e: {  	s22 =	simm.s32 $0x800;
	s21 =	simm.s32 $0x100;
	[sflag:s13] =	ssyncset.done $0x0  }
.LBB2_2:
0x2f: {  	s23 =	sadd.s32 $0x80, s21  }
0x30: {  	[sflag:s13] =	ssyncadd.s32 $0xFFFFC000;
	s24 =	smov.u32 s22;
	s25 =	sadd.s32 $0x400, s22  }
0x31: {  	[tilespmem:s17], [sflag:$0x2] =	stream.indirect.gather [hbm4b:s4+s14], $0x80, s23, s14, $0xb8;
	v63 =	vld [tilespmem:$0x0]  }
0x32: {  	p0 =	sne.s32 s22, $0x4C00;
	_ =	swait.ge [sflag:s18], $0x4000  }
0x33: {  	[sflag:s18] =	ssyncset.done $0x0  }
0x34: {  	s22 =	sadd.s32 $0x2C00, s21;
	[sflag:s18] =	ssyncadd.s32 $0xFFFFC000  }
0x35: {  	[spmem:s2] =	stream.indirect.scatter.add.f32 [tilespmem:s15], [sflag:$0x3], $0x80, s22, s14, $0xb8;
	v63 =	vld [tilespmem:$0x0]  }
0x36: {  	_ =	swait.ge [sflag:s13], $0x4000  }
0x37: {  	[sflag:s13] =	ssyncset.done $0x0  }
0x38: {  	s22 =	sadd.s32 $0x100, s21;
	[sflag:s13] =	ssyncadd.s32 $0xFFFFC000  }
0x39: {  	[tilespmem:s15], [sflag:$0x1] =	stream.indirect.gather [hbm4b:s4+s14], $0x80, s22, s14, $0xb8;
	v63 =	vld [tilespmem:$0x0]  }
0x3a: {  	_ =	swait.ge [sflag:s19], $0x4000  }
.Ltmp0:
0x3b: {  	[sflag:s19] =	ssyncset.done $0x0;
	(pc) =	sbr.rel @p0 .LBB2_2-.Ltmp0, $4  }
0x3c: {  	s21 =	sadd.s32 $0x2C80, s21;
	[sflag:s19] =	ssyncadd.s32 $0xFFFFC000  }
0x3d: {  	[spmem:s2] =	stream.indirect.scatter.add.f32 [tilespmem:s17], [sflag:$0x3], $0x80, s21, s14, $0xb8;
	v63 =	vld [tilespmem:$0x0]  }
0x3e: {  	_ =	swait.ge [sflag:s13], $0x4000  }
0x3f: {  	s22 =	smov.u32 s25;
	s21 =	sshra.s32 s24, $0x2;
	[sflag:s13] =	ssyncset.done $0x0  }
0x40: {  	s22 =	sadd.s32 $0x80, s21;
	[sflag:s13] =	ssyncadd.s32 $0xFFFFC000  }
0x41: {  	[tilespmem:s17], [sflag:$0x2] =	stream.indirect.gather [hbm4b:s4+s14], $0x80, s22, s14, $0xb8;
	v63 =	vld [tilespmem:$0x0]  }
0x42: {  	_ =	swait.ge [sflag:s18], $0x4000  }
0x43: {  	[sflag:s18] =	ssyncset.done $0x0  }
0x44: {  	s23 =	sadd.s32 $0x2C00, s21;
	[sflag:s18] =	ssyncadd.s32 $0xFFFFC000  }
0x45: {  	[spmem:s2] =	stream.indirect.scatter.add.f32 [tilespmem:s15], [sflag:$0x3], $0x80, s23, s14, $0xb8;
	v63 =	vld [tilespmem:$0x0]  }
0x46: {  	_ =	swait.ge [sflag:s13], $0x4000  }
0x47: {  	[sflag:s13] =	ssyncset.done $0x0  }
0x48: {  	s24 =	sadd.s32 $0x100, s21;
	[sflag:s13] =	ssyncadd.s32 $0xFFFFC000  }
0x49: {  	[tilespmem:s15], [sflag:$0x1] =	stream.indirect.gather [hbm4b:s4+s14], $0x80, s24, s14, $0xb8;
	v63 =	vld [tilespmem:$0x0]  }
0x4a: {  	_ =	swait.ge [sflag:s19], $0x4000  }
0x4b: {  	[sflag:s19] =	ssyncset.done $0x0  }
0x4c: {  	s25 =	sadd.s32 $0x2C80, s21;
	[sflag:s19] =	ssyncadd.s32 $0xFFFFC000  }
0x4d: {  	[spmem:s2] =	stream.indirect.scatter.add.f32 [tilespmem:s17], [sflag:$0x3], $0x80, s25, s14, $0xb8;
	v63 =	vld [tilespmem:$0x0]  }
0x4e: {  	_ =	swait.ge [sflag:s13], $0x4000  }
0x4f: {  	[sflag:s13] =	ssyncset.done $0x0  }
0x50: {  	s26 =	simm.s32 $0x0;
	[sflag:s13] =	ssyncadd.s32 $0xFFFFC000  }
0x51: {  	[tilespmem:s16], [sflag:$0x3] =	stream.linear.gather [hbm4b:s11+s26], $0x1400, $0x38;
	v63 =	vld [tilespmem:$0x0]  }
0x52: {  	_ =	swait.ge [sflag:s13], $0x1400  }
0x53: {  	[sflag:s13] =	ssyncset.done $0x0  }
0x54: {  	s28 =	simm.s32 $0x1480;
	[sflag:s13] =	ssyncadd.s32 $0xFFFFEC00  }
0x55: {  	[tilespmem:s17], [sflag:$0x2] =	stream.indirect.gather [hbm4b:s4+s14], $0x80, s28, s14, $0xb8;
	v63 =	vld [tilespmem:$0x0]  }
0x56: {  	_ =	swait.ge [sflag:s18], $0x4000  }
0x57: {  	[sflag:s18] =	ssyncset.done $0x0  }
0x58: {  	s29 =	simm.s32 $0x2C00;
	[sflag:s18] =	ssyncadd.s32 $0xFFFFC000  }
0x59: {  	[spmem:s2] =	stream.indirect.scatter.add.f32 [tilespmem:s15], [sflag:$0x3], $0x80, s29, s14, $0xb8;
	v63 =	vld [tilespmem:$0x0]  }
0x5a: {  	_ =	swait.ge [sflag:s13], $0x4000  }
0x5b: {  	[sflag:s13] =	ssyncset.done $0x0  }
0x5c: {  	s30 =	simm.s32 $0x1500;
	[sflag:s13] =	ssyncadd.s32 $0xFFFFC000  }
0x5d: {  	[tilespmem:s15], [sflag:$0x1] =	stream.indirect.gather [hbm4b:s4+s14], $0x80, s30, s14, $0xb8;
	v63 =	vld [tilespmem:$0x0]  }
0x5e: {  	_ =	swait.ge [sflag:s19], $0x4000  }
0x5f: {  	[sflag:s19] =	ssyncset.done $0x0  }
0x60: {  	s31 =	simm.s32 $0x2C80;
	[sflag:s19] =	ssyncadd.s32 $0xFFFFC000  }
0x61: {  	[spmem:s2] =	stream.indirect.scatter.add.f32 [tilespmem:s17], [sflag:$0x3], $0x80, s31, s14, $0xb8;
	v63 =	vld [tilespmem:$0x0]  }
0x62: {  	_ =	swait.ge [sflag:s13], $0x4000  }
0x63: {  	s21 =	simm.s32 $0x100;
	s22 =	simm.s32 $0x800;
	[sflag:s13] =	ssyncset.done $0x0  }
.LBB2_4:
0x64: {  	s23 =	sadd.s32 $0x1480, s21  }
0x65: {  	[sflag:s13] =	ssyncadd.s32 $0xFFFFC000;
	s24 =	smov.u32 s22;
	s25 =	sadd.s32 $0x400, s22  }
0x66: {  	[tilespmem:s17], [sflag:$0x2] =	stream.indirect.gather [hbm4b:s4+s14], $0x80, s23, s14, $0xb8;
	v63 =	vld [tilespmem:$0x0]  }
0x67: {  	p0 =	sne.s32 s22, $0x4C00;
	_ =	swait.ge [sflag:s18], $0x4000  }
0x68: {  	[sflag:s18] =	ssyncset.done $0x0  }
0x69: {  	s22 =	sadd.s32 $0x2C00, s21;
	[sflag:s18] =	ssyncadd.s32 $0xFFFFC000  }
0x6a: {  	[spmem:s2] =	stream.indirect.scatter.add.f32 [tilespmem:s15], [sflag:$0x3], $0x80, s22, s14, $0xb8;
	v63 =	vld [tilespmem:$0x0]  }
0x6b: {  	_ =	swait.ge [sflag:s13], $0x4000  }
0x6c: {  	[sflag:s13] =	ssyncset.done $0x0  }
0x6d: {  	s22 =	sadd.s32 $0x1500, s21;
	[sflag:s13] =	ssyncadd.s32 $0xFFFFC000  }
0x6e: {  	[tilespmem:s15], [sflag:$0x1] =	stream.indirect.gather [hbm4b:s4+s14], $0x80, s22, s14, $0xb8;
	v63 =	vld [tilespmem:$0x0]  }
0x6f: {  	_ =	swait.ge [sflag:s19], $0x4000  }
.Ltmp1:
0x70: {  	[sflag:s19] =	ssyncset.done $0x0;
	(pc) =	sbr.rel @p0 .LBB2_4-.Ltmp1, $4  }
0x71: {  	s21 =	sadd.s32 $0x2C80, s21;
	[sflag:s19] =	ssyncadd.s32 $0xFFFFC000  }
0x72: {  	[spmem:s2] =	stream.indirect.scatter.add.f32 [tilespmem:s17], [sflag:$0x3], $0x80, s21, s14, $0xb8;
	v63 =	vld [tilespmem:$0x0]  }
0x73: {  	_ =	swait.ge [sflag:s13], $0x4000  }
0x74: {  	s22 =	smov.u32 s25;
	s21 =	sshra.s32 s24, $0x2;
	[sflag:s13] =	ssyncset.done $0x0  }
0x75: {  	s22 =	sadd.s32 $0x1480, s21;
	[sflag:s13] =	ssyncadd.s32 $0xFFFFC000  }
0x76: {  	[tilespmem:s17], [sflag:$0x2] =	stream.indirect.gather [hbm4b:s4+s14], $0x80, s22, s14, $0xb8;
	v63 =	vld [tilespmem:$0x0]  }
0x77: {  	_ =	swait.ge [sflag:s18], $0x4000  }
0x78: {  	[sflag:s18] =	ssyncset.done $0x0  }
0x79: {  	s29 =	sadd.s32 $0x2C00, s21;
	[sflag:s18] =	ssyncadd.s32 $0xFFFFC000  }
0x7a: {  	[spmem:s2] =	stream.indirect.scatter.add.f32 [tilespmem:s15], [sflag:$0x3], $0x80, s29, s14, $0xb8;
	v63 =	vld [tilespmem:$0x0]  }
0x7b: {  	_ =	swait.ge [sflag:s13], $0x4000  }
0x7c: {  	[sflag:s13] =	ssyncset.done $0x0  }
0x7d: {  	s30 =	sadd.s32 $0x1500, s21;
	[sflag:s13] =	ssyncadd.s32 $0xFFFFC000  }
0x7e: {  	[tilespmem:s15], [sflag:$0x1] =	stream.indirect.gather [hbm4b:s4+s14], $0x80, s30, s14, $0xb8;
	v63 =	vld [tilespmem:$0x0]  }
0x7f: {  	_ =	swait.ge [sflag:s19], $0x4000  }
0x80: {  	[sflag:s19] =	ssyncset.done $0x0  }
0x81: {  	s31 =	sadd.s32 $0x2C80, s21;
	[sflag:s19] =	ssyncadd.s32 $0xFFFFC000  }
0x82: {  	[spmem:s2] =	stream.indirect.scatter.add.f32 [tilespmem:s17], [sflag:$0x3], $0x80, s31, s14, $0xb8;
	v63 =	vld [tilespmem:$0x0]  }
0x83: {  	_ =	swait.ge [sflag:s13], $0x4000  }
0x84: {  	[sflag:s13] =	ssyncset.done $0x0  }
0x85: {  	[sflag:s13] =	ssyncadd.s32 $0xFFFFC000  }
0x86: {  	_ =	swait.ge [sflag:s18], $0x4000  }
0x87: {  	s20 =	sadd.s32 $0x1, s20;
	[sflag:s18] =	ssyncset.done $0x0  }
0x88: {  	p0 =	sne.s32 s20, s10;
	[sflag:s18] =	ssyncadd.s32 $0xFFFFC000  }
.Ltmp2:
0x89: {  	[bflag:$0x0] =	sbarrier.arrive $0xFFFF;
	(pc) =	sbr.rel @p0 .LBB2_1-.Ltmp2, $4  }
0x8a: {  	[hbm:s9], [sflag:s6] =	dma.local [spmem:s12], $0x2800  }
0x8b: {  	_ =	swait.ge [sflag:s13], $0x2800  }
0x8c: {  	[sflag:s13] =	ssyncset.done $0x0  }
0x8d: {  	[sflag:s13] =	ssyncadd.s32 $0xFFFFD800  }
0x8e: {  	_ =	sfence.sel $0x180000  }
0x8f: {  	[bflag:$0x0] =	sbarrier.arrive $0xFFFF  }
0x90: {  	p0 =	sne.s32 s0, $0x0;
	_ =	strace $0x90000053  }
0x91: {  	s0 =	sadd.s32 @!p0 $0x100000, s1;
	[bflag:$0x2] =	sbarrier.arrive $0xFFFF  }
0x92: {  	[sflag:s0] =	ssyncadd.tile.s32 @!p0 $0x1;
	_ =	shalt  }
.Lfunc_end2:
_tile_overlayer_lowered:
.L_overlay_start_2:
0x93: {  	(tag) =	ssettag $0x2  }
0x94: {  	s0 =	rddreg [dreg:$0x0];
	s2 =	stileid.u32  }
0x95: {  	s1 =	rddreg [dreg:$0x1];
	p0 =	sne.s32 s2, $0x0  }
0x96: {  	s3 =	rddreg [dreg:$0x2];
	[bflag:$0x3] =	sbarrier.arrive $0xFFFF;
	s2 =	simm.s32 @!p0 $0x1C03  }
0x97: {  	[timem:s3], [sflag:s2] =	dma.local @!p0 [hbm:s0], s1  }
0x98: {  	s0 =	simm.s32 @!p0 $0x3  }
0x99: {  	_ =	swait.ge @!p0 [sflag:s0], s1  }
0x9a: {  	s1 =	ssub.s32 @!p0 $0x0, s1;
	[sflag:s0] =	ssyncset.done @!p0 $0x0  }
0x9b: {  	[sflag:s0] =	ssyncadd.s32 @!p0 s1  }
0x9c: {  	[bflag:$0x3] =	sbarrier.arrive $0xFFFF  }
0x9d: {  	_ =	shalt  }

// kernel: kernel.31.cloned.1.call-start
scs
__scs_entry_jumppad:
0x0: {  	(pc) =	sbr.rel $0x88, $3  }
0x1: {  	(tag) =	ssettag $0x0;
	lr =	simm.s32 $0x1  }
0x2: {  	[smem:$0x3F93] =	sst lr;
	_ =	strace $0xD0000000  }
0x3: {  	_ = 	snop  }
0x4: {  	_ = 	snop  }
0x5: {  	_ = 	snop  }
0x6: {  	_ = 	snop  }
0x7: {  	_ = 	snop  }
__scs_overlays_trampoline_lowered:
0x8: {  	[smem:$0x3FA2] =	sst s0  }
0x9: {  	[smem:$0x3FA3] =	sst s1  }
0xa: {  	[smem:$0x3FA4] =	sst s2  }
0xb: {  	[smem:$0x3FA5] =	sst s3  }
0xc: {  	[smem:$0x3FA6] =	sst s4  }
0xd: {  	[smem:$0x3FA7] =	sst s5  }
0xe: {  	[smem:$0x3FA8] =	sst s6  }
0xf: {  	[smem:$0x3FA9] =	sst s7  }
0x10: {  	[smem:$0x3FAA] =	sst s8  }
0x11: {  	[smem:$0x3FAB] =	sst s9;
	s0 =	simm.s32 @!p0 $0x0  }
0x12: {  	s1 =	sld [smem:$0x3F91];
	s0 =	simm.s32 @p0 $0x1  }
0x13: {  	[smem:$0x3FAC] =	sst s0;
	s0 =	simm.s32 @!p1 $0x0  }
0x14: {  	s2 =	sld [smem:$0x3F90];
	s0 =	simm.s32 @p1 $0x1  }
0x15: {  	[smem:$0x3FAD] =	sst s0;
	s0 =	simm.s32 @!p2 $0x0  }
0x16: {  	s3 =	sld [smem:$0x3FDB];
	s0 =	simm.s32 @p2 $0x1  }
0x17: {  	s4 =	simm.s32 $0x1BF5;
	[smem:$0x3FAF] =	sst s0  }
0x18: {  	s0 =	sld [smem:$0x3F92];
	_ =	swait.ge [sflag:s4], $0x0  }
0x19: {  	s7 =	sld [smem:$0x3F93]  }
0x1a: {  	s8 =	sadd.s32 $0xFFFFE003, lr  }
0x1b: {  	s9 =	sadd.s32 $0xFFFFFEF7, lr;
	s5 =	simm.s32 $0xFFFFFFFF;
	p2 =	slt.u32 s8, $0xFFFFF086  }
0x1c: {  	p1 =	slt.u32 s9, $0xF7A;
	s5 =	simm.s32 @!p2 $0x0  }
0x1d: {  	s5 =	simm.s32 @p1 $0x1;
	p0 =	seq.s32 s7, s2  }
0x1e: {  	s7 =	smul.u32 @!p0 $0xF7A, s2;
	p2 =	seq.s32 @!p0 s5, $0x0  }
0x1f: {  	s9 =	smul.u32 $0xF7A, s1;
	s8 =	simm.s32 @!p0 $0x1BF5;
	p2 =	por !p2, p0  }
0x20: {  	[sflag:s8] =	ssyncset.s32 @!p0 $0xFFFFF086;
	s6 =	sadd.s32 @!p0 s3, s7;
	s7 =	simm.s32 @!p0 $0x108  }
0x21: {  	s3 =	sadd.s32 s3, s9;
	s6 =	sadd.s32 @!p0 $0x88, s6;
	s7 =	simm.s32 @p2 $0x1082  }
0x22: {  	[simem:s7], [sflag:s8] =	dma.local @!p0 [hbm:s6], $0xF7A  }
0x23: {  	s9 =	sor.u32 $0xD0000000, s2;
	s6 =	simm.s32 $0x108;
	_ =	swait.ge @!p0 [sflag:s8], $0x0  }
0x24: {  	s3 =	sadd.s32 $0x88, s3;
	s6 =	simm.s32 @!p1 $0x1082;
	[sflag:s4] =	ssyncset.s32 $0xFFFFF086  }
0x25: {  	[simem:s6], [sflag:s4] =	dma.local [hbm:s3], $0xF7A  }
0x26: {  	[smem:$0x3F93] =	sst s1;
	(tag) =	ssettag s2;
	_ =	strace s9  }
0x27: {  	s1 =	sld [smem:$0x3FA3]  }
0x28: {  	s2 =	sld [smem:$0x3FA4]  }
0x29: {  	s4 =	sld [smem:$0x3FA6]  }
0x2a: {  	p0 =	seq.s32 s5, $0x0;
	s5 =	sld [smem:$0x3FA7]  }
0x2b: {  	s6 =	sld [smem:$0x3FA8]  }
0x2c: {  	s7 =	sld [smem:$0x3FA9]  }
0x2d: {  	s3 =	simm.s32 $0x108;
	s8 =	sld [smem:$0x3FAA]  }
0x2e: {  	s3 =	simm.s32 @!p0 $0x1082;
	s9 =	sld [smem:$0x3FAB]  }
0x2f: {  	lr =	sadd.s32 s0, s3;
	s0 =	sld [smem:$0x3FA2]  }
0x30: {  	s3 =	sld [smem:$0x3FA5]  }
0x31: {  	[smem:$0x3FAE] =	sst s10  }
0x32: {  	s10 =	sld [smem:$0x3FAC];
	_ =	sdelay $0x3  }
0x33: {  	p0 =	seq.s32 s10, $0x1;
	s10 =	sld [smem:$0x3FAE];
	_ =	sdelay $0x3  }
0x34: {  	[smem:$0x3FAE] =	sst s10  }
0x35: {  	s10 =	sld [smem:$0x3FAD];
	_ =	sdelay $0x3  }
0x36: {  	p1 =	seq.s32 s10, $0x1;
	s10 =	sld [smem:$0x3FAE];
	_ =	sdelay $0x3  }
0x37: {  	[smem:$0x3FAE] =	sst s10  }
0x38: {  	s10 =	sld [smem:$0x3FAF]  }
0x39: {  	_ = 	snop;
	(pc) =	sbr.ind lr, $3  }
0x3a: {  	_ = 	snop  }
0x3b: {  	_ = 	snop  }
0x3c: {  	p2 =	seq.s32 s10, $0x1;
	s10 =	sld [smem:$0x3FAE]  }
0x3d: {  	_ =	shalt  }
0x3e: {  	_ =	shalt  }
0x3f: {  	_ =	shalt  }
0x40: {  	_ =	shalt  }
0x41: {  	_ =	shalt  }
0x42: {  	_ =	shalt  }
0x43: {  	_ =	shalt  }
0x44: {  	_ =	shalt  }
0x45: {  	_ =	shalt  }
0x46: {  	_ =	shalt  }
0x47: {  	_ =	shalt  }
0x48: {  	_ =	shalt  }
0x49: {  	_ =	shalt  }
0x4a: {  	_ =	shalt  }
0x4b: {  	_ =	shalt  }
0x4c: {  	_ =	shalt  }
0x4d: {  	_ =	shalt  }
0x4e: {  	_ =	shalt  }
0x4f: {  	_ =	shalt  }
0x50: {  	_ =	shalt  }
0x51: {  	_ =	shalt  }
0x52: {  	_ =	shalt  }
0x53: {  	_ =	shalt  }
0x54: {  	_ =	shalt  }
0x55: {  	_ =	shalt  }
0x56: {  	_ =	shalt  }
0x57: {  	_ =	shalt  }
0x58: {  	_ =	shalt  }
0x59: {  	_ =	shalt  }
0x5a: {  	_ =	shalt  }
0x5b: {  	_ =	shalt  }
0x5c: {  	_ =	shalt  }
0x5d: {  	_ =	shalt  }
0x5e: {  	_ =	shalt  }
0x5f: {  	_ =	shalt  }
0x60: {  	_ =	shalt  }
0x61: {  	_ =	shalt  }
0x62: {  	_ =	shalt  }
0x63: {  	_ =	shalt  }
0x64: {  	_ =	shalt  }
0x65: {  	_ =	shalt  }
0x66: {  	_ =	shalt  }
0x67: {  	_ =	shalt  }
0x68: {  	_ =	shalt  }
0x69: {  	_ =	shalt  }
0x6a: {  	_ =	shalt  }
0x6b: {  	_ =	shalt  }
0x6c: {  	_ =	shalt  }
0x6d: {  	_ =	shalt  }
0x6e: {  	_ =	shalt  }
0x6f: {  	_ =	shalt  }
0x70: {  	_ =	shalt  }
0x71: {  	_ =	shalt  }
0x72: {  	_ =	shalt  }
0x73: {  	_ =	shalt  }
0x74: {  	_ =	shalt  }
0x75: {  	_ =	shalt  }
0x76: {  	_ =	shalt  }
0x77: {  	_ =	shalt  }
0x78: {  	_ =	shalt  }
0x79: {  	_ =	shalt  }
0x7a: {  	_ =	shalt  }
0x7b: {  	_ =	shalt  }
0x7c: {  	_ =	shalt  }
0x7d: {  	_ =	shalt  }
0x7e: {  	_ =	shalt  }
0x7f: {  	_ =	shalt  }
0x80: {  	_ =	shalt  }
0x81: {  	_ =	shalt  }
0x82: {  	_ =	shalt  }
0x83: {  	_ =	shalt  }
0x84: {  	_ =	shalt  }
0x85: {  	_ =	shalt  }
0x86: {  	_ =	shalt  }
0x87: {  	_ =	shalt  }
.Lfunc_end0:
.L_simem_size_0:
called_computation.5_lowered:
.L_overlay_start_0:
0x88: {  	s2 =	sld [smem:$0x3FD9]  }
0x89: {  	s3 =	sld [smem:$0x3FFE];
	_ =	sdelay $0x1  }
0x8a: {  	s1 =	srdreg.scid  }
0x8b: {  	s0 =	sand.u32 $0x1, s1  }
0x8c: {  	s17 =	sshll.u32 s0, $0xA;
	s2 =	sadd.s32 s3, s2  }
0x8d: {  	s2 =	sadd.s32 s2, s17  }
0x8e: {  	[smem:$0x3FBA] =	sst s2  }
0x8f: {  	_ = 	snop  }
0x90: {  	s2 =	sld [smem:$0x3FD0];
	(tm) =	ssettm $0x1  }
0x91: {  	s18 =	sld [smem:$0x3FFB];
	_ =	sdelay $0x3  }
0x92: {  	_ =	strace s18  }
0x93: {  	s3 =	sld [smem:$0x3FFC];
	_ =	sdelay $0x3  }
0x94: {  	_ =	strace s3  }
0x95: {  	s3 =	sld [smem:$0x3FFD];
	_ =	sdelay $0x3  }
0x96: {  	_ =	strace s3  }
0x97: {  	_ =	strace $0x8FFFFFFF  }
0x98: {  	s19 =	sld [smem:$0x3FDB];
	_ =	sdelay $0x1  }
0x99: {  	s4 =	simm.s32 $_scs_section_size  }
0x9a: {  	s5 =	simm.s32 $_size__tile_overlayer_lowered;
	s6 =	simm.s32 $_tile_overlayer_lowered  }
0x9b: {  	s22 =	simm.s32 $0x1BFF;
	s21 =	sshll.u32 s6, $0x1;
	s3 =	sadd.s32 s4, s19  }
0x9c: {  	s7 =	simm.s32 $0x0;
	s20 =	sshll.u32 s5, $0x1;
	s5 =	sadd.s32 s21, s3  }
0x9d: {  	[timem:s7], [sflag:s22] =	dma.local [hbm:s5], s20  }
0x9e: {  	_ =	swait.ge [sflag:s22], s20  }
0x9f: {  	s4 =	ssub.s32 $0x0, s20;
	[sflag:s22] =	ssyncset.done $0x0  }
0xa0: {  	[sflag:s22] =	ssyncadd.s32 s4;
	_ =	sdelay $0x1  }
0xa1: {  	s23 =	simm.s32 $0x1B8B  }
0xa2: {  	_ =	swait.ge [sflag:s23], $0x1  }
0xa3: {  	[sflag:s23] =	ssyncset.done $0x0  }
0xa4: {  	s25 =	simm.s32 $0x1B8E;
	s24 =	sld [smem:$0x3FFE];
	[sflag:s23] =	ssyncadd.s32 $0xFFFFFFFF  }
0xa5: {  	s26 =	simm.s32 $execute0_lowered;
	[smem:$0x3FD2] =	sst s25  }
0xa6: {  	s5 =	sshll.u32 s26, $0x1;
	_ =	strace $0x80000055;
	[dreg:$0x1] =	wrdreg $0xFFFFFFFF  }
0xa7: {  	s28 =	simm.s32 $_size_execute0_lowered;
	s3 =	sadd.s32 s3, s5;
	[dreg:$0x0] =	wrdreg $0x0  }
0xa8: {  	s5 =	sshll.u32 s28, $0x1;
	[dreg:$0x2] =	wrdreg s3  }
0xa9: {  	[dreg:$0x3] =	wrdreg s5  }
0xaa: {  	[dreg:$0x4] =	wrdreg $0xC0  }
0xab: {  	_ =	task [dreg:s7], $0x5FFFF  }
0xac: {  	[dreg:$0x1] =	wrdreg $0xFFFFFFFF  }
0xad: {  	[dreg:$0x0] =	wrdreg $0x60  }
0xae: {  	[dreg:$0x2] =	wrdreg s24  }
0xaf: {  	[dreg:$0x3] =	wrdreg s2  }
0xb0: {  	[dreg:$0x4] =	wrdreg $0xC0000  }
0xb1: {  	[dreg:$0x5] =	wrdreg $0x9  }
0xb2: {  	_ =	task.clear_ibuf [dreg:s7], $0x6FFFF;
	_ =	strace $0x90000055  }
0xb3: {  	s29 =	simm.s32 $0x9;
	_ =	strace $0x80000057  }
0xb4: {  	_ =	swait.ge [sflag:s29], $0x1  }
0xb5: {  	[sflag:s29] =	ssyncadd.s32 $0xFFFFFFFF  }
0xb6: {  	_ =	strace $0x90000057  }
0xb7: {  	_ =	sfence  }
0xb8: {  	s30 =	sld [smem:$0x0];
	_ =	sdelay $0x2  }
0xb9: {  	s31 =	sshll.u32 s1, $0xD;
	s1 =	sshrl.u32 s1, $0x2  }
0xba: {  	s3 =	sand.u32 $0x4000, s31;
	s1 =	sadd.s32 s1, s30  }
0xbb: {  	s0 =	sor.u32 s3, s0;
	s1 =	sshll.u32 s1, $0x11  }
0xbc: {  	s0 =	sor.u32 s1, s0  }
0xbd: {  	s0 =	sadd.s32 $0x8F2B, s0  }
0xbe: {  	[sflag:s0] =	ssyncadd.remote.s32 $0x1  }
0xbf: {  	_ =	sfence.sel $0xFFFF  }
0xc0: {  	[dreg:$0x0] =	wrdreg $0xFFFFFFFF;
	(pc) =	sbr.abs _section_cstart, $3  }
0xc1: {  	[dreg:$0x1] =	wrdreg $0xFFFFFFFF  }
0xc2: {  	_ =	task.clear_ibuf [dreg:s7], $0x2FFFF;
	_ =	strace $0x9FFFFFFF  }
0xc3: {  	(tm) =	ssettm $0x7FFFFFFF  }
tec
execute0_lowered:
.L_overlay_start_1:
0x0: {  	(tag) =	ssettag $0x1  }
0x1: {  	s5 =	rddreg [dreg:$0x0];
	s1 =	srdreg.scid  }
0x2: {  	s0 =	stileid.u32;
	s8 =	rddreg [dreg:$0x1]  }
0x3: {  	s2 =	rddreg [dreg:$0x2];
	s3 =	simm.s32 $0x0;
	s16 =	simm.s32 $0x2C00  }
0x4: {  	s17 =	simm.s32 $0x8000;
	s18 =	simm.s32 $0x1;
	s19 =	simm.s32 $0x2  }
0x5: {  	s20 =	simm.s32 $0x0;
	s6 =	sand.u32 $0x1, s1;
	s1 =	rddreg [dreg:$0x3]  }
0x6: {  	s28 =	sshll.u32 s0, $0x1;
	[smem:$0x7FF] =	sst s3;
	s7 =	smul.u32 $0x14000, s0  }
0x7: {  	s29 =	smul.u32 $0x50000, s0;
	s31 =	sshll.u32 s0, $0x6;
	s4 =	sor.u32 s6, s28  }
0x8: {  	_ =	strace $0x80000056;
	s10 =	smul.u32 $0x140000, s6;
	s6 =	ssub.s32 $0x2, s6  }
0x9: {  	s4 =	smul.u32 $0x2C00, s4;
	s12 =	sshrl.u32 s7, $0x3;
	s13 =	sshrl.u32 s6, $0x1  }
0xa: {  	s30 =	sshrl.u32 s29, $0x2;
	s7 =	sadd.s32 s7, s10;
	s12 =	sadd.s32 s12, s5  }
0xb: {  	s13 =	ssub.s32 s6, s13;
	s15 =	sadd.s32 s30, s2;
	s6 =	sor.u32 $0x1C03, s31  }
0xc: {  	s9 =	sshrl.u32 s4, $0x3;
	s4 =	sadd.s32 $0x30400, s5;
	s7 =	sshrl.u32 s7, $0x3  }
0xd: {  	s10 =	smax.u32 s13, $0x1;
	s13 =	simm.s32 $0x3;
	s11 =	sadd.s32 s9, s5  }
0xe: {  	s14 =	sadd.s32 s7, s5;
	s5 =	sadd.s32 $0x8400, s12;
	s8 =	sadd.s32 s8, s9  }
0xf: {  	s12 =	sshrl.u32 s15, $0x3;
	s15 =	simm.s32 $0x4000;
	s7 =	sadd.s32 $0x80400, s11  }
0x10: {  	s9 =	sadd.s32 $0x8B400, s14;
	s11 =	sadd.s32 $0x280, s8;
	s14 =	simm.s32 $0x80  }
.LBB2_1:
0x11: {  	[spmem:s12], [sflag:s6] =	dma.local [hbm:s5], $0x2800  }
0x12: {  	_ =	swait.ge [sflag:s13], $0x2800  }
0x13: {  	[sflag:s13] =	ssyncset.done $0x0  }
0x14: {  	[sflag:s13] =	ssyncadd.s32 $0xFFFFD800  }
0x15: {  	[tilespmem:s3], [sflag:$0x3] =	stream.linear.gather [hbm4b:s7+s3], $0x2900, $0x38;
	v63 =	vld [tilespmem:$0x0]  }
0x16: {  	_ =	swait.ge [sflag:s13], $0x2900  }
0x17: {  	[sflag:s13] =	ssyncset.done $0x0  }
0x18: {  	[sflag:s13] =	ssyncadd.s32 $0xFFFFD700  }
0x19: {  	[bflag:$0x0] =	sbarrier.arrive $0xFFFF  }
0x1a: {  	[tilespmem:s15], [sflag:$0x1] =	stream.indirect.gather [hbm4b:s4+s14], $0x80, s3, s14, $0xb8;
	v63 =	vld [tilespmem:$0x0]  }
0x1b: {  	_ = 	snop  }
0x1c: {  	[tilespmem:s16], [sflag:$0x3] =	stream.linear.gather [hbm4b:s8+s3], $0x1400, $0x38;
	v63 =	vld [tilespmem:$0x0]  }
0x1d: {  	_ =	swait.ge [sflag:s13], $0x1400  }
0x1e: {  	[sflag:s13] =	ssyncset.done $0x0  }
0x1f: {  	s21 =	simm.s32 $0x80;
	[sflag:s13] =	ssyncadd.s32 $0xFFFFEC00  }
0x20: {  	[tilespmem:s17], [sflag:$0x2] =	stream.indirect.gather [hbm4b:s4+s14], $0x80, s21, s14, $0xb8;
	v63 =	vld [tilespmem:$0x0]  }
0x21: {  	_ =	swait.ge [sflag:s18], $0x4000  }
0x22: {  	[sflag:s18] =	ssyncset.done $0x0  }
0x23: {  	s29 =	simm.s32 $0x2C00;
	[sflag:s18] =	ssyncadd.s32 $0xFFFFC000  }
0x24: {  	[spmem:s2] =	stream.indirect.scatter.add.f32 [tilespmem:s15], [sflag:$0x3], $0x80, s29, s14, $0xb8;
	v63 =	vld [tilespmem:$0x0]  }
0x25: {  	_ =	swait.ge [sflag:s13], $0x4000  }
0x26: {  	[sflag:s13] =	ssyncset.done $0x0  }
0x27: {  	s30 =	simm.s32 $0x100;
	[sflag:s13] =	ssyncadd.s32 $0xFFFFC000  }
0x28: {  	[tilespmem:s15], [sflag:$0x1] =	stream.indirect.gather [hbm4b:s4+s14], $0x80, s30, s14, $0xb8;
	v63 =	vld [tilespmem:$0x0]  }
0x29: {  	_ =	swait.ge [sflag:s19], $0x4000  }
0x2a: {  	[sflag:s19] =	ssyncset.done $0x0  }
0x2b: {  	s31 =	simm.s32 $0x2C80;
	[sflag:s19] =	ssyncadd.s32 $0xFFFFC000  }
0x2c: {  	[spmem:s2] =	stream.indirect.scatter.add.f32 [tilespmem:s17], [sflag:$0x3], $0x80, s31, s14, $0xb8;
	v63 =	vld [tilespmem:$0x0]  }
0x2d: {  	_ =	swait.ge [sflag:s13], $0x4000  }
0x2e: {  	s22 =	simm.s32 $0x800;
	s21 =	simm.s32 $0x100;
	[sflag:s13] =	ssyncset.done $0x0  }
.LBB2_2:
0x2f: {  	s23 =	sadd.s32 $0x80, s21  }
0x30: {  	[sflag:s13] =	ssyncadd.s32 $0xFFFFC000;
	s24 =	smov.u32 s22;
	s25 =	sadd.s32 $0x400, s22  }
0x31: {  	[tilespmem:s17], [sflag:$0x2] =	stream.indirect.gather [hbm4b:s4+s14], $0x80, s23, s14, $0xb8;
	v63 =	vld [tilespmem:$0x0]  }
0x32: {  	p0 =	sne.s32 s22, $0x4C00;
	_ =	swait.ge [sflag:s18], $0x4000  }
0x33: {  	[sflag:s18] =	ssyncset.done $0x0  }
0x34: {  	s22 =	sadd.s32 $0x2C00, s21;
	[sflag:s18] =	ssyncadd.s32 $0xFFFFC000  }
0x35: {  	[spmem:s2] =	stream.indirect.scatter.add.f32 [tilespmem:s15], [sflag:$0x3], $0x80, s22, s14, $0xb8;
	v63 =	vld [tilespmem:$0x0]  }
0x36: {  	_ =	swait.ge [sflag:s13], $0x4000  }
0x37: {  	[sflag:s13] =	ssyncset.done $0x0  }
0x38: {  	s22 =	sadd.s32 $0x100, s21;
	[sflag:s13] =	ssyncadd.s32 $0xFFFFC000  }
0x39: {  	[tilespmem:s15], [sflag:$0x1] =	stream.indirect.gather [hbm4b:s4+s14], $0x80, s22, s14, $0xb8;
	v63 =	vld [tilespmem:$0x0]  }
0x3a: {  	_ =	swait.ge [sflag:s19], $0x4000  }
.Ltmp0:
0x3b: {  	[sflag:s19] =	ssyncset.done $0x0;
	(pc) =	sbr.rel @p0 .LBB2_2-.Ltmp0, $4  }
0x3c: {  	s21 =	sadd.s32 $0x2C80, s21;
	[sflag:s19] =	ssyncadd.s32 $0xFFFFC000  }
0x3d: {  	[spmem:s2] =	stream.indirect.scatter.add.f32 [tilespmem:s17], [sflag:$0x3], $0x80, s21, s14, $0xb8;
	v63 =	vld [tilespmem:$0x0]  }
0x3e: {  	_ =	swait.ge [sflag:s13], $0x4000  }
0x3f: {  	s22 =	smov.u32 s25;
	s21 =	sshra.s32 s24, $0x2;
	[sflag:s13] =	ssyncset.done $0x0  }
0x40: {  	s22 =	sadd.s32 $0x80, s21;
	[sflag:s13] =	ssyncadd.s32 $0xFFFFC000  }
0x41: {  	[tilespmem:s17], [sflag:$0x2] =	stream.indirect.gather [hbm4b:s4+s14], $0x80, s22, s14, $0xb8;
	v63 =	vld [tilespmem:$0x0]  }
0x42: {  	_ =	swait.ge [sflag:s18], $0x4000  }
0x43: {  	[sflag:s18] =	ssyncset.done $0x0  }
0x44: {  	s23 =	sadd.s32 $0x2C00, s21;
	[sflag:s18] =	ssyncadd.s32 $0xFFFFC000  }
0x45: {  	[spmem:s2] =	stream.indirect.scatter.add.f32 [tilespmem:s15], [sflag:$0x3], $0x80, s23, s14, $0xb8;
	v63 =	vld [tilespmem:$0x0]  }
0x46: {  	_ =	swait.ge [sflag:s13], $0x4000  }
0x47: {  	[sflag:s13] =	ssyncset.done $0x0  }
0x48: {  	s24 =	sadd.s32 $0x100, s21;
	[sflag:s13] =	ssyncadd.s32 $0xFFFFC000  }
0x49: {  	[tilespmem:s15], [sflag:$0x1] =	stream.indirect.gather [hbm4b:s4+s14], $0x80, s24, s14, $0xb8;
	v63 =	vld [tilespmem:$0x0]  }
0x4a: {  	_ =	swait.ge [sflag:s19], $0x4000  }
0x4b: {  	[sflag:s19] =	ssyncset.done $0x0  }
0x4c: {  	s25 =	sadd.s32 $0x2C80, s21;
	[sflag:s19] =	ssyncadd.s32 $0xFFFFC000  }
0x4d: {  	[spmem:s2] =	stream.indirect.scatter.add.f32 [tilespmem:s17], [sflag:$0x3], $0x80, s25, s14, $0xb8;
	v63 =	vld [tilespmem:$0x0]  }
0x4e: {  	_ =	swait.ge [sflag:s13], $0x4000  }
0x4f: {  	[sflag:s13] =	ssyncset.done $0x0  }
0x50: {  	s26 =	simm.s32 $0x0;
	[sflag:s13] =	ssyncadd.s32 $0xFFFFC000  }
0x51: {  	[tilespmem:s16], [sflag:$0x3] =	stream.linear.gather [hbm4b:s11+s26], $0x1400, $0x38;
	v63 =	vld [tilespmem:$0x0]  }
0x52: {  	_ =	swait.ge [sflag:s13], $0x1400  }
0x53: {  	[sflag:s13] =	ssyncset.done $0x0  }
0x54: {  	s28 =	simm.s32 $0x1480;
	[sflag:s13] =	ssyncadd.s32 $0xFFFFEC00  }
0x55: {  	[tilespmem:s17], [sflag:$0x2] =	stream.indirect.gather [hbm4b:s4+s14], $0x80, s28, s14, $0xb8;
	v63 =	vld [tilespmem:$0x0]  }
0x56: {  	_ =	swait.ge [sflag:s18], $0x4000  }
0x57: {  	[sflag:s18] =	ssyncset.done $0x0  }
0x58: {  	s29 =	simm.s32 $0x2C00;
	[sflag:s18] =	ssyncadd.s32 $0xFFFFC000  }
0x59: {  	[spmem:s2] =	stream.indirect.scatter.add.f32 [tilespmem:s15], [sflag:$0x3], $0x80, s29, s14, $0xb8;
	v63 =	vld [tilespmem:$0x0]  }
0x5a: {  	_ =	swait.ge [sflag:s13], $0x4000  }
0x5b: {  	[sflag:s13] =	ssyncset.done $0x0  }
0x5c: {  	s30 =	simm.s32 $0x1500;
	[sflag:s13] =	ssyncadd.s32 $0xFFFFC000  }
0x5d: {  	[tilespmem:s15], [sflag:$0x1] =	stream.indirect.gather [hbm4b:s4+s14], $0x80, s30, s14, $0xb8;
	v63 =	vld [tilespmem:$0x0]  }
0x5e: {  	_ =	swait.ge [sflag:s19], $0x4000  }
0x5f: {  	[sflag:s19] =	ssyncset.done $0x0  }
0x60: {  	s31 =	simm.s32 $0x2C80;
	[sflag:s19] =	ssyncadd.s32 $0xFFFFC000  }
0x61: {  	[spmem:s2] =	stream.indirect.scatter.add.f32 [tilespmem:s17], [sflag:$0x3], $0x80, s31, s14, $0xb8;
	v63 =	vld [tilespmem:$0x0]  }
0x62: {  	_ =	swait.ge [sflag:s13], $0x4000  }
0x63: {  	s21 =	simm.s32 $0x100;
	s22 =	simm.s32 $0x800;
	[sflag:s13] =	ssyncset.done $0x0  }
.LBB2_4:
0x64: {  	s23 =	sadd.s32 $0x1480, s21  }
0x65: {  	[sflag:s13] =	ssyncadd.s32 $0xFFFFC000;
	s24 =	smov.u32 s22;
	s25 =	sadd.s32 $0x400, s22  }
0x66: {  	[tilespmem:s17], [sflag:$0x2] =	stream.indirect.gather [hbm4b:s4+s14], $0x80, s23, s14, $0xb8;
	v63 =	vld [tilespmem:$0x0]  }
0x67: {  	p0 =	sne.s32 s22, $0x4C00;
	_ =	swait.ge [sflag:s18], $0x4000  }
0x68: {  	[sflag:s18] =	ssyncset.done $0x0  }
0x69: {  	s22 =	sadd.s32 $0x2C00, s21;
	[sflag:s18] =	ssyncadd.s32 $0xFFFFC000  }
0x6a: {  	[spmem:s2] =	stream.indirect.scatter.add.f32 [tilespmem:s15], [sflag:$0x3], $0x80, s22, s14, $0xb8;
	v63 =	vld [tilespmem:$0x0]  }
0x6b: {  	_ =	swait.ge [sflag:s13], $0x4000  }
0x6c: {  	[sflag:s13] =	ssyncset.done $0x0  }
0x6d: {  	s22 =	sadd.s32 $0x1500, s21;
	[sflag:s13] =	ssyncadd.s32 $0xFFFFC000  }
0x6e: {  	[tilespmem:s15], [sflag:$0x1] =	stream.indirect.gather [hbm4b:s4+s14], $0x80, s22, s14, $0xb8;
	v63 =	vld [tilespmem:$0x0]  }
0x6f: {  	_ =	swait.ge [sflag:s19], $0x4000  }
.Ltmp1:
0x70: {  	[sflag:s19] =	ssyncset.done $0x0;
	(pc) =	sbr.rel @p0 .LBB2_4-.Ltmp1, $4  }
0x71: {  	s21 =	sadd.s32 $0x2C80, s21;
	[sflag:s19] =	ssyncadd.s32 $0xFFFFC000  }
0x72: {  	[spmem:s2] =	stream.indirect.scatter.add.f32 [tilespmem:s17], [sflag:$0x3], $0x80, s21, s14, $0xb8;
	v63 =	vld [tilespmem:$0x0]  }
0x73: {  	_ =	swait.ge [sflag:s13], $0x4000  }
0x74: {  	s22 =	smov.u32 s25;
	s21 =	sshra.s32 s24, $0x2;
	[sflag:s13] =	ssyncset.done $0x0  }
0x75: {  	s22 =	sadd.s32 $0x1480, s21;
	[sflag:s13] =	ssyncadd.s32 $0xFFFFC000  }
0x76: {  	[tilespmem:s17], [sflag:$0x2] =	stream.indirect.gather [hbm4b:s4+s14], $0x80, s22, s14, $0xb8;
	v63 =	vld [tilespmem:$0x0]  }
0x77: {  	_ =	swait.ge [sflag:s18], $0x4000  }
0x78: {  	[sflag:s18] =	ssyncset.done $0x0  }
0x79: {  	s29 =	sadd.s32 $0x2C00, s21;
	[sflag:s18] =	ssyncadd.s32 $0xFFFFC000  }
0x7a: {  	[spmem:s2] =	stream.indirect.scatter.add.f32 [tilespmem:s15], [sflag:$0x3], $0x80, s29, s14, $0xb8;
	v63 =	vld [tilespmem:$0x0]  }
0x7b: {  	_ =	swait.ge [sflag:s13], $0x4000  }
0x7c: {  	[sflag:s13] =	ssyncset.done $0x0  }
0x7d: {  	s30 =	sadd.s32 $0x1500, s21;
	[sflag:s13] =	ssyncadd.s32 $0xFFFFC000  }
0x7e: {  	[tilespmem:s15], [sflag:$0x1] =	stream.indirect.gather [hbm4b:s4+s14], $0x80, s30, s14, $0xb8;
	v63 =	vld [tilespmem:$0x0]  }
0x7f: {  	_ =	swait.ge [sflag:s19], $0x4000  }
0x80: {  	[sflag:s19] =	ssyncset.done $0x0  }
0x81: {  	s31 =	sadd.s32 $0x2C80, s21;
	[sflag:s19] =	ssyncadd.s32 $0xFFFFC000  }
0x82: {  	[spmem:s2] =	stream.indirect.scatter.add.f32 [tilespmem:s17], [sflag:$0x3], $0x80, s31, s14, $0xb8;
	v63 =	vld [tilespmem:$0x0]  }
0x83: {  	_ =	swait.ge [sflag:s13], $0x4000  }
0x84: {  	[sflag:s13] =	ssyncset.done $0x0  }
0x85: {  	[sflag:s13] =	ssyncadd.s32 $0xFFFFC000  }
0x86: {  	_ =	swait.ge [sflag:s18], $0x4000  }
0x87: {  	s20 =	sadd.s32 $0x1, s20;
	[sflag:s18] =	ssyncset.done $0x0  }
0x88: {  	p0 =	sne.s32 s20, s10;
	[sflag:s18] =	ssyncadd.s32 $0xFFFFC000  }
.Ltmp2:
0x89: {  	[bflag:$0x0] =	sbarrier.arrive $0xFFFF;
	(pc) =	sbr.rel @p0 .LBB2_1-.Ltmp2, $4  }
0x8a: {  	[hbm:s9], [sflag:s6] =	dma.local [spmem:s12], $0x2800  }
0x8b: {  	_ =	swait.ge [sflag:s13], $0x2800  }
0x8c: {  	[sflag:s13] =	ssyncset.done $0x0  }
0x8d: {  	[sflag:s13] =	ssyncadd.s32 $0xFFFFD800  }
0x8e: {  	_ =	sfence.sel $0x180000  }
0x8f: {  	[bflag:$0x0] =	sbarrier.arrive $0xFFFF  }
0x90: {  	p0 =	sne.s32 s0, $0x0;
	_ =	strace $0x90000056  }
0x91: {  	s0 =	sadd.s32 @!p0 $0x100000, s1;
	[bflag:$0x2] =	sbarrier.arrive $0xFFFF  }
0x92: {  	[sflag:s0] =	ssyncadd.tile.s32 @!p0 $0x1;
	_ =	shalt  }
.Lfunc_end2:
_tile_overlayer_lowered:
.L_overlay_start_2:
0x93: {  	(tag) =	ssettag $0x2  }
0x94: {  	s0 =	rddreg [dreg:$0x0];
	s2 =	stileid.u32  }
0x95: {  	s1 =	rddreg [dreg:$0x1];
	p0 =	sne.s32 s2, $0x0  }
0x96: {  	s3 =	rddreg [dreg:$0x2];
	[bflag:$0x3] =	sbarrier.arrive $0xFFFF;
	s2 =	simm.s32 @!p0 $0x1C03  }
0x97: {  	[timem:s3], [sflag:s2] =	dma.local @!p0 [hbm:s0], s1  }
0x98: {  	s0 =	simm.s32 @!p0 $0x3  }
0x99: {  	_ =	swait.ge @!p0 [sflag:s0], s1  }
0x9a: {  	s1 =	ssub.s32 @!p0 $0x0, s1;
	[sflag:s0] =	ssyncset.done @!p0 $0x0  }
0x9b: {  	[sflag:s0] =	ssyncadd.s32 @!p0 s1  }
0x9c: {  	[bflag:$0x3] =	sbarrier.arrive $0xFFFF  }
0x9d: {  	_ =	shalt  }

// kernel: kernel.34.cloned.1.call-start
scs
__scs_entry_jumppad:
0x0: {  	(pc) =	sbr.rel $0x88, $3  }
0x1: {  	(tag) =	ssettag $0x0;
	lr =	simm.s32 $0x1  }
0x2: {  	[smem:$0x3F93] =	sst lr;
	_ =	strace $0xD0000000  }
0x3: {  	_ = 	snop  }
0x4: {  	_ = 	snop  }
0x5: {  	_ = 	snop  }
0x6: {  	_ = 	snop  }
0x7: {  	_ = 	snop  }
__scs_overlays_trampoline_lowered:
0x8: {  	[smem:$0x3FA2] =	sst s0  }
0x9: {  	[smem:$0x3FA3] =	sst s1  }
0xa: {  	[smem:$0x3FA4] =	sst s2  }
0xb: {  	[smem:$0x3FA5] =	sst s3  }
0xc: {  	[smem:$0x3FA6] =	sst s4  }
0xd: {  	[smem:$0x3FA7] =	sst s5  }
0xe: {  	[smem:$0x3FA8] =	sst s6  }
0xf: {  	[smem:$0x3FA9] =	sst s7  }
0x10: {  	[smem:$0x3FAA] =	sst s8  }
0x11: {  	[smem:$0x3FAB] =	sst s9;
	s0 =	simm.s32 @!p0 $0x0  }
0x12: {  	s1 =	sld [smem:$0x3F91];
	s0 =	simm.s32 @p0 $0x1  }
0x13: {  	[smem:$0x3FAC] =	sst s0;
	s0 =	simm.s32 @!p1 $0x0  }
0x14: {  	s2 =	sld [smem:$0x3F90];
	s0 =	simm.s32 @p1 $0x1  }
0x15: {  	[smem:$0x3FAD] =	sst s0;
	s0 =	simm.s32 @!p2 $0x0  }
0x16: {  	s3 =	sld [smem:$0x3FDB];
	s0 =	simm.s32 @p2 $0x1  }
0x17: {  	s4 =	simm.s32 $0x1BF5;
	[smem:$0x3FAF] =	sst s0  }
0x18: {  	s0 =	sld [smem:$0x3F92];
	_ =	swait.ge [sflag:s4], $0x0  }
0x19: {  	s7 =	sld [smem:$0x3F93]  }
0x1a: {  	s8 =	sadd.s32 $0xFFFFE003, lr  }
0x1b: {  	s9 =	sadd.s32 $0xFFFFFEF7, lr;
	s5 =	simm.s32 $0xFFFFFFFF;
	p2 =	slt.u32 s8, $0xFFFFF086  }
0x1c: {  	p1 =	slt.u32 s9, $0xF7A;
	s5 =	simm.s32 @!p2 $0x0  }
0x1d: {  	s5 =	simm.s32 @p1 $0x1;
	p0 =	seq.s32 s7, s2  }
0x1e: {  	s7 =	smul.u32 @!p0 $0xF7A, s2;
	p2 =	seq.s32 @!p0 s5, $0x0  }
0x1f: {  	s9 =	smul.u32 $0xF7A, s1;
	s8 =	simm.s32 @!p0 $0x1BF5;
	p2 =	por !p2, p0  }
0x20: {  	[sflag:s8] =	ssyncset.s32 @!p0 $0xFFFFF086;
	s6 =	sadd.s32 @!p0 s3, s7;
	s7 =	simm.s32 @!p0 $0x108  }
0x21: {  	s3 =	sadd.s32 s3, s9;
	s6 =	sadd.s32 @!p0 $0x88, s6;
	s7 =	simm.s32 @p2 $0x1082  }
0x22: {  	[simem:s7], [sflag:s8] =	dma.local @!p0 [hbm:s6], $0xF7A  }
0x23: {  	s9 =	sor.u32 $0xD0000000, s2;
	s6 =	simm.s32 $0x108;
	_ =	swait.ge @!p0 [sflag:s8], $0x0  }
0x24: {  	s3 =	sadd.s32 $0x88, s3;
	s6 =	simm.s32 @!p1 $0x1082;
	[sflag:s4] =	ssyncset.s32 $0xFFFFF086  }
0x25: {  	[simem:s6], [sflag:s4] =	dma.local [hbm:s3], $0xF7A  }
0x26: {  	[smem:$0x3F93] =	sst s1;
	(tag) =	ssettag s2;
	_ =	strace s9  }
0x27: {  	s1 =	sld [smem:$0x3FA3]  }
0x28: {  	s2 =	sld [smem:$0x3FA4]  }
0x29: {  	s4 =	sld [smem:$0x3FA6]  }
0x2a: {  	p0 =	seq.s32 s5, $0x0;
	s5 =	sld [smem:$0x3FA7]  }
0x2b: {  	s6 =	sld [smem:$0x3FA8]  }
0x2c: {  	s7 =	sld [smem:$0x3FA9]  }
0x2d: {  	s3 =	simm.s32 $0x108;
	s8 =	sld [smem:$0x3FAA]  }
0x2e: {  	s3 =	simm.s32 @!p0 $0x1082;
	s9 =	sld [smem:$0x3FAB]  }
0x2f: {  	lr =	sadd.s32 s0, s3;
	s0 =	sld [smem:$0x3FA2]  }
0x30: {  	s3 =	sld [smem:$0x3FA5]  }
0x31: {  	[smem:$0x3FAE] =	sst s10  }
0x32: {  	s10 =	sld [smem:$0x3FAC];
	_ =	sdelay $0x3  }
0x33: {  	p0 =	seq.s32 s10, $0x1;
	s10 =	sld [smem:$0x3FAE];
	_ =	sdelay $0x3  }
0x34: {  	[smem:$0x3FAE] =	sst s10  }
0x35: {  	s10 =	sld [smem:$0x3FAD];
	_ =	sdelay $0x3  }
0x36: {  	p1 =	seq.s32 s10, $0x1;
	s10 =	sld [smem:$0x3FAE];
	_ =	sdelay $0x3  }
0x37: {  	[smem:$0x3FAE] =	sst s10  }
0x38: {  	s10 =	sld [smem:$0x3FAF]  }
0x39: {  	_ = 	snop;
	(pc) =	sbr.ind lr, $3  }
0x3a: {  	_ = 	snop  }
0x3b: {  	_ = 	snop  }
0x3c: {  	p2 =	seq.s32 s10, $0x1;
	s10 =	sld [smem:$0x3FAE]  }
0x3d: {  	_ =	shalt  }
0x3e: {  	_ =	shalt  }
0x3f: {  	_ =	shalt  }
0x40: {  	_ =	shalt  }
0x41: {  	_ =	shalt  }
0x42: {  	_ =	shalt  }
0x43: {  	_ =	shalt  }
0x44: {  	_ =	shalt  }
0x45: {  	_ =	shalt  }
0x46: {  	_ =	shalt  }
0x47: {  	_ =	shalt  }
0x48: {  	_ =	shalt  }
0x49: {  	_ =	shalt  }
0x4a: {  	_ =	shalt  }
0x4b: {  	_ =	shalt  }
0x4c: {  	_ =	shalt  }
0x4d: {  	_ =	shalt  }
0x4e: {  	_ =	shalt  }
0x4f: {  	_ =	shalt  }
0x50: {  	_ =	shalt  }
0x51: {  	_ =	shalt  }
0x52: {  	_ =	shalt  }
0x53: {  	_ =	shalt  }
0x54: {  	_ =	shalt  }
0x55: {  	_ =	shalt  }
0x56: {  	_ =	shalt  }
0x57: {  	_ =	shalt  }
0x58: {  	_ =	shalt  }
0x59: {  	_ =	shalt  }
0x5a: {  	_ =	shalt  }
0x5b: {  	_ =	shalt  }
0x5c: {  	_ =	shalt  }
0x5d: {  	_ =	shalt  }
0x5e: {  	_ =	shalt  }
0x5f: {  	_ =	shalt  }
0x60: {  	_ =	shalt  }
0x61: {  	_ =	shalt  }
0x62: {  	_ =	shalt  }
0x63: {  	_ =	shalt  }
0x64: {  	_ =	shalt  }
0x65: {  	_ =	shalt  }
0x66: {  	_ =	shalt  }
0x67: {  	_ =	shalt  }
0x68: {  	_ =	shalt  }
0x69: {  	_ =	shalt  }
0x6a: {  	_ =	shalt  }
0x6b: {  	_ =	shalt  }
0x6c: {  	_ =	shalt  }
0x6d: {  	_ =	shalt  }
0x6e: {  	_ =	shalt  }
0x6f: {  	_ =	shalt  }
0x70: {  	_ =	shalt  }
0x71: {  	_ =	shalt  }
0x72: {  	_ =	shalt  }
0x73: {  	_ =	shalt  }
0x74: {  	_ =	shalt  }
0x75: {  	_ =	shalt  }
0x76: {  	_ =	shalt  }
0x77: {  	_ =	shalt  }
0x78: {  	_ =	shalt  }
0x79: {  	_ =	shalt  }
0x7a: {  	_ =	shalt  }
0x7b: {  	_ =	shalt  }
0x7c: {  	_ =	shalt  }
0x7d: {  	_ =	shalt  }
0x7e: {  	_ =	shalt  }
0x7f: {  	_ =	shalt  }
0x80: {  	_ =	shalt  }
0x81: {  	_ =	shalt  }
0x82: {  	_ =	shalt  }
0x83: {  	_ =	shalt  }
0x84: {  	_ =	shalt  }
0x85: {  	_ =	shalt  }
0x86: {  	_ =	shalt  }
0x87: {  	_ =	shalt  }
.Lfunc_end0:
.L_simem_size_0:
called_computation.6_lowered:
.L_overlay_start_0:
0x88: {  	s2 =	sld [smem:$0x3FD9]  }
0x89: {  	s3 =	sld [smem:$0x3FFE];
	_ =	sdelay $0x1  }
0x8a: {  	s1 =	srdreg.scid  }
0x8b: {  	s0 =	sand.u32 $0x1, s1  }
0x8c: {  	s17 =	sshll.u32 s0, $0xA;
	s2 =	sadd.s32 s3, s2  }
0x8d: {  	s2 =	sadd.s32 s2, s17  }
0x8e: {  	[smem:$0x3FBA] =	sst s2  }
0x8f: {  	_ = 	snop  }
0x90: {  	s2 =	sld [smem:$0x3FD0];
	(tm) =	ssettm $0x1  }
0x91: {  	s18 =	sld [smem:$0x3FFB];
	_ =	sdelay $0x3  }
0x92: {  	_ =	strace s18  }
0x93: {  	s3 =	sld [smem:$0x3FFC];
	_ =	sdelay $0x3  }
0x94: {  	_ =	strace s3  }
0x95: {  	s3 =	sld [smem:$0x3FFD];
	_ =	sdelay $0x3  }
0x96: {  	_ =	strace s3  }
0x97: {  	_ =	strace $0x8FFFFFFF  }
0x98: {  	s19 =	sld [smem:$0x3FDB];
	_ =	sdelay $0x1  }
0x99: {  	s4 =	simm.s32 $_scs_section_size  }
0x9a: {  	s5 =	simm.s32 $_size__tile_overlayer_lowered;
	s6 =	simm.s32 $_tile_overlayer_lowered  }
0x9b: {  	s22 =	simm.s32 $0x1BFF;
	s21 =	sshll.u32 s6, $0x1;
	s3 =	sadd.s32 s4, s19  }
0x9c: {  	s7 =	simm.s32 $0x0;
	s20 =	sshll.u32 s5, $0x1;
	s5 =	sadd.s32 s21, s3  }
0x9d: {  	[timem:s7], [sflag:s22] =	dma.local [hbm:s5], s20  }
0x9e: {  	_ =	swait.ge [sflag:s22], s20  }
0x9f: {  	s4 =	ssub.s32 $0x0, s20;
	[sflag:s22] =	ssyncset.done $0x0  }
0xa0: {  	[sflag:s22] =	ssyncadd.s32 s4;
	_ =	sdelay $0x1  }
0xa1: {  	s23 =	simm.s32 $0x1B8B  }
0xa2: {  	_ =	swait.ge [sflag:s23], $0x1  }
0xa3: {  	[sflag:s23] =	ssyncset.done $0x0  }
0xa4: {  	s25 =	simm.s32 $0x1B8E;
	s24 =	sld [smem:$0x3FFE];
	[sflag:s23] =	ssyncadd.s32 $0xFFFFFFFF  }
0xa5: {  	s26 =	simm.s32 $execute0_lowered;
	[smem:$0x3FD2] =	sst s25  }
0xa6: {  	s5 =	sshll.u32 s26, $0x1;
	_ =	strace $0x80000058;
	[dreg:$0x1] =	wrdreg $0xFFFFFFFF  }
0xa7: {  	s28 =	simm.s32 $_size_execute0_lowered;
	s3 =	sadd.s32 s3, s5;
	[dreg:$0x0] =	wrdreg $0x0  }
0xa8: {  	s5 =	sshll.u32 s28, $0x1;
	[dreg:$0x2] =	wrdreg s3  }
0xa9: {  	[dreg:$0x3] =	wrdreg s5  }
0xaa: {  	[dreg:$0x4] =	wrdreg $0xC0  }
0xab: {  	_ =	task [dreg:s7], $0x5FFFF  }
0xac: {  	[dreg:$0x1] =	wrdreg $0xFFFFFFFF  }
0xad: {  	[dreg:$0x0] =	wrdreg $0x60  }
0xae: {  	[dreg:$0x2] =	wrdreg s24  }
0xaf: {  	[dreg:$0x3] =	wrdreg s2  }
0xb0: {  	[dreg:$0x4] =	wrdreg $0xC0000  }
0xb1: {  	[dreg:$0x5] =	wrdreg $0x9  }
0xb2: {  	_ =	task.clear_ibuf [dreg:s7], $0x6FFFF;
	_ =	strace $0x90000058  }
0xb3: {  	s29 =	simm.s32 $0x9;
	_ =	strace $0x8000005A  }
0xb4: {  	_ =	swait.ge [sflag:s29], $0x1  }
0xb5: {  	[sflag:s29] =	ssyncadd.s32 $0xFFFFFFFF  }
0xb6: {  	_ =	strace $0x9000005A  }
0xb7: {  	_ =	sfence  }
0xb8: {  	s30 =	sld [smem:$0x0];
	_ =	sdelay $0x2  }
0xb9: {  	s31 =	sshll.u32 s1, $0xD;
	s1 =	sshrl.u32 s1, $0x2  }
0xba: {  	s3 =	sand.u32 $0x4000, s31;
	s1 =	sadd.s32 s1, s30  }
0xbb: {  	s0 =	sor.u32 s3, s0;
	s1 =	sshll.u32 s1, $0x11  }
0xbc: {  	s0 =	sor.u32 s1, s0  }
0xbd: {  	s0 =	sadd.s32 $0x8F2B, s0  }
0xbe: {  	[sflag:s0] =	ssyncadd.remote.s32 $0x1  }
0xbf: {  	_ =	sfence.sel $0xFFFF  }
0xc0: {  	[dreg:$0x0] =	wrdreg $0xFFFFFFFF;
	(pc) =	sbr.abs _section_cstart, $3  }
0xc1: {  	[dreg:$0x1] =	wrdreg $0xFFFFFFFF  }
0xc2: {  	_ =	task.clear_ibuf [dreg:s7], $0x2FFFF;
	_ =	strace $0x9FFFFFFF  }
0xc3: {  	(tm) =	ssettm $0x7FFFFFFF  }
tec
execute0_lowered:
.L_overlay_start_1:
0x0: {  	(tag) =	ssettag $0x1  }
0x1: {  	s5 =	rddreg [dreg:$0x0];
	s1 =	srdreg.scid  }
0x2: {  	s0 =	stileid.u32;
	s8 =	rddreg [dreg:$0x1]  }
0x3: {  	s2 =	rddreg [dreg:$0x2];
	s3 =	simm.s32 $0x0;
	s16 =	simm.s32 $0x2C00  }
0x4: {  	s17 =	simm.s32 $0x8000;
	s18 =	simm.s32 $0x1;
	s19 =	simm.s32 $0x2  }
0x5: {  	s20 =	simm.s32 $0x0;
	s6 =	sand.u32 $0x1, s1;
	s1 =	rddreg [dreg:$0x3]  }
0x6: {  	s28 =	sshll.u32 s0, $0x1;
	[smem:$0x7FF] =	sst s3;
	s7 =	smul.u32 $0x14000, s0  }
0x7: {  	s29 =	smul.u32 $0x50000, s0;
	s31 =	sshll.u32 s0, $0x6;
	s4 =	sor.u32 s6, s28  }
0x8: {  	_ =	strace $0x80000059;
	s10 =	smul.u32 $0x140000, s6;
	s6 =	ssub.s32 $0x2, s6  }
0x9: {  	s4 =	smul.u32 $0x2C00, s4;
	s12 =	sshrl.u32 s7, $0x3;
	s13 =	sshrl.u32 s6, $0x1  }
0xa: {  	s30 =	sshrl.u32 s29, $0x2;
	s7 =	sadd.s32 s7, s10;
	s12 =	sadd.s32 s12, s5  }
0xb: {  	s13 =	ssub.s32 s6, s13;
	s15 =	sadd.s32 s30, s2;
	s6 =	sor.u32 $0x1C03, s31  }
0xc: {  	s9 =	sshrl.u32 s4, $0x3;
	s4 =	sadd.s32 $0x30400, s5;
	s7 =	sshrl.u32 s7, $0x3  }
0xd: {  	s10 =	smax.u32 s13, $0x1;
	s13 =	simm.s32 $0x3;
	s11 =	sadd.s32 s9, s5  }
0xe: {  	s14 =	sadd.s32 s7, s5;
	s5 =	sadd.s32 $0x8400, s12;
	s8 =	sadd.s32 s8, s9  }
0xf: {  	s12 =	sshrl.u32 s15, $0x3;
	s15 =	simm.s32 $0x4000;
	s7 =	sadd.s32 $0x80400, s11  }
0x10: {  	s9 =	sadd.s32 $0x8B400, s14;
	s11 =	sadd.s32 $0x280, s8;
	s14 =	simm.s32 $0x80  }
.LBB2_1:
0x11: {  	[spmem:s12], [sflag:s6] =	dma.local [hbm:s5], $0x2800  }
0x12: {  	_ =	swait.ge [sflag:s13], $0x2800  }
0x13: {  	[sflag:s13] =	ssyncset.done $0x0  }
0x14: {  	[sflag:s13] =	ssyncadd.s32 $0xFFFFD800  }
0x15: {  	[tilespmem:s3], [sflag:$0x3] =	stream.linear.gather [hbm4b:s7+s3], $0x2900, $0x38;
	v63 =	vld [tilespmem:$0x0]  }
0x16: {  	_ =	swait.ge [sflag:s13], $0x2900  }
0x17: {  	[sflag:s13] =	ssyncset.done $0x0  }
0x18: {  	[sflag:s13] =	ssyncadd.s32 $0xFFFFD700  }
0x19: {  	[bflag:$0x0] =	sbarrier.arrive $0xFFFF  }
0x1a: {  	[tilespmem:s15], [sflag:$0x1] =	stream.indirect.gather [hbm4b:s4+s14], $0x80, s3, s14, $0xb8;
	v63 =	vld [tilespmem:$0x0]  }
0x1b: {  	_ = 	snop  }
0x1c: {  	[tilespmem:s16], [sflag:$0x3] =	stream.linear.gather [hbm4b:s8+s3], $0x1400, $0x38;
	v63 =	vld [tilespmem:$0x0]  }
0x1d: {  	_ =	swait.ge [sflag:s13], $0x1400  }
0x1e: {  	[sflag:s13] =	ssyncset.done $0x0  }
0x1f: {  	s21 =	simm.s32 $0x80;
	[sflag:s13] =	ssyncadd.s32 $0xFFFFEC00  }
0x20: {  	[tilespmem:s17], [sflag:$0x2] =	stream.indirect.gather [hbm4b:s4+s14], $0x80, s21, s14, $0xb8;
	v63 =	vld [tilespmem:$0x0]  }
0x21: {  	_ =	swait.ge [sflag:s18], $0x4000  }
0x22: {  	[sflag:s18] =	ssyncset.done $0x0  }
0x23: {  	s29 =	simm.s32 $0x2C00;
	[sflag:s18] =	ssyncadd.s32 $0xFFFFC000  }
0x24: {  	[spmem:s2] =	stream.indirect.scatter.add.f32 [tilespmem:s15], [sflag:$0x3], $0x80, s29, s14, $0xb8;
	v63 =	vld [tilespmem:$0x0]  }
0x25: {  	_ =	swait.ge [sflag:s13], $0x4000  }
0x26: {  	[sflag:s13] =	ssyncset.done $0x0  }
0x27: {  	s30 =	simm.s32 $0x100;
	[sflag:s13] =	ssyncadd.s32 $0xFFFFC000  }
0x28: {  	[tilespmem:s15], [sflag:$0x1] =	stream.indirect.gather [hbm4b:s4+s14], $0x80, s30, s14, $0xb8;
	v63 =	vld [tilespmem:$0x0]  }
0x29: {  	_ =	swait.ge [sflag:s19], $0x4000  }
0x2a: {  	[sflag:s19] =	ssyncset.done $0x0  }
0x2b: {  	s31 =	simm.s32 $0x2C80;
	[sflag:s19] =	ssyncadd.s32 $0xFFFFC000  }
0x2c: {  	[spmem:s2] =	stream.indirect.scatter.add.f32 [tilespmem:s17], [sflag:$0x3], $0x80, s31, s14, $0xb8;
	v63 =	vld [tilespmem:$0x0]  }
0x2d: {  	_ =	swait.ge [sflag:s13], $0x4000  }
0x2e: {  	s22 =	simm.s32 $0x800;
	s21 =	simm.s32 $0x100;
	[sflag:s13] =	ssyncset.done $0x0  }
.LBB2_2:
0x2f: {  	s23 =	sadd.s32 $0x80, s21  }
0x30: {  	[sflag:s13] =	ssyncadd.s32 $0xFFFFC000;
	s24 =	smov.u32 s22;
	s25 =	sadd.s32 $0x400, s22  }
0x31: {  	[tilespmem:s17], [sflag:$0x2] =	stream.indirect.gather [hbm4b:s4+s14], $0x80, s23, s14, $0xb8;
	v63 =	vld [tilespmem:$0x0]  }
0x32: {  	p0 =	sne.s32 s22, $0x4C00;
	_ =	swait.ge [sflag:s18], $0x4000  }
0x33: {  	[sflag:s18] =	ssyncset.done $0x0  }
0x34: {  	s22 =	sadd.s32 $0x2C00, s21;
	[sflag:s18] =	ssyncadd.s32 $0xFFFFC000  }
0x35: {  	[spmem:s2] =	stream.indirect.scatter.add.f32 [tilespmem:s15], [sflag:$0x3], $0x80, s22, s14, $0xb8;
	v63 =	vld [tilespmem:$0x0]  }
0x36: {  	_ =	swait.ge [sflag:s13], $0x4000  }
0x37: {  	[sflag:s13] =	ssyncset.done $0x0  }
0x38: {  	s22 =	sadd.s32 $0x100, s21;
	[sflag:s13] =	ssyncadd.s32 $0xFFFFC000  }
0x39: {  	[tilespmem:s15], [sflag:$0x1] =	stream.indirect.gather [hbm4b:s4+s14], $0x80, s22, s14, $0xb8;
	v63 =	vld [tilespmem:$0x0]  }
0x3a: {  	_ =	swait.ge [sflag:s19], $0x4000  }
.Ltmp0:
0x3b: {  	[sflag:s19] =	ssyncset.done $0x0;
	(pc) =	sbr.rel @p0 .LBB2_2-.Ltmp0, $4  }
0x3c: {  	s21 =	sadd.s32 $0x2C80, s21;
	[sflag:s19] =	ssyncadd.s32 $0xFFFFC000  }
0x3d: {  	[spmem:s2] =	stream.indirect.scatter.add.f32 [tilespmem:s17], [sflag:$0x3], $0x80, s21, s14, $0xb8;
	v63 =	vld [tilespmem:$0x0]  }
0x3e: {  	_ =	swait.ge [sflag:s13], $0x4000  }
0x3f: {  	s22 =	smov.u32 s25;
	s21 =	sshra.s32 s24, $0x2;
	[sflag:s13] =	ssyncset.done $0x0  }
0x40: {  	s22 =	sadd.s32 $0x80, s21;
	[sflag:s13] =	ssyncadd.s32 $0xFFFFC000  }
0x41: {  	[tilespmem:s17], [sflag:$0x2] =	stream.indirect.gather [hbm4b:s4+s14], $0x80, s22, s14, $0xb8;
	v63 =	vld [tilespmem:$0x0]  }
0x42: {  	_ =	swait.ge [sflag:s18], $0x4000  }
0x43: {  	[sflag:s18] =	ssyncset.done $0x0  }
0x44: {  	s23 =	sadd.s32 $0x2C00, s21;
	[sflag:s18] =	ssyncadd.s32 $0xFFFFC000  }
0x45: {  	[spmem:s2] =	stream.indirect.scatter.add.f32 [tilespmem:s15], [sflag:$0x3], $0x80, s23, s14, $0xb8;
	v63 =	vld [tilespmem:$0x0]  }
0x46: {  	_ =	swait.ge [sflag:s13], $0x4000  }
0x47: {  	[sflag:s13] =	ssyncset.done $0x0  }
0x48: {  	s24 =	sadd.s32 $0x100, s21;
	[sflag:s13] =	ssyncadd.s32 $0xFFFFC000  }
0x49: {  	[tilespmem:s15], [sflag:$0x1] =	stream.indirect.gather [hbm4b:s4+s14], $0x80, s24, s14, $0xb8;
	v63 =	vld [tilespmem:$0x0]  }
0x4a: {  	_ =	swait.ge [sflag:s19], $0x4000  }
0x4b: {  	[sflag:s19] =	ssyncset.done $0x0  }
0x4c: {  	s25 =	sadd.s32 $0x2C80, s21;
	[sflag:s19] =	ssyncadd.s32 $0xFFFFC000  }
0x4d: {  	[spmem:s2] =	stream.indirect.scatter.add.f32 [tilespmem:s17], [sflag:$0x3], $0x80, s25, s14, $0xb8;
	v63 =	vld [tilespmem:$0x0]  }
0x4e: {  	_ =	swait.ge [sflag:s13], $0x4000  }
0x4f: {  	[sflag:s13] =	ssyncset.done $0x0  }
0x50: {  	s26 =	simm.s32 $0x0;
	[sflag:s13] =	ssyncadd.s32 $0xFFFFC000  }
0x51: {  	[tilespmem:s16], [sflag:$0x3] =	stream.linear.gather [hbm4b:s11+s26], $0x1400, $0x38;
	v63 =	vld [tilespmem:$0x0]  }
0x52: {  	_ =	swait.ge [sflag:s13], $0x1400  }
0x53: {  	[sflag:s13] =	ssyncset.done $0x0  }
0x54: {  	s28 =	simm.s32 $0x1480;
	[sflag:s13] =	ssyncadd.s32 $0xFFFFEC00  }
0x55: {  	[tilespmem:s17], [sflag:$0x2] =	stream.indirect.gather [hbm4b:s4+s14], $0x80, s28, s14, $0xb8;
	v63 =	vld [tilespmem:$0x0]  }
0x56: {  	_ =	swait.ge [sflag:s18], $0x4000  }
0x57: {  	[sflag:s18] =	ssyncset.done $0x0  }
0x58: {  	s29 =	simm.s32 $0x2C00;
	[sflag:s18] =	ssyncadd.s32 $0xFFFFC000  }
0x59: {  	[spmem:s2] =	stream.indirect.scatter.add.f32 [tilespmem:s15], [sflag:$0x3], $0x80, s29, s14, $0xb8;
	v63 =	vld [tilespmem:$0x0]  }
0x5a: {  	_ =	swait.ge [sflag:s13], $0x4000  }
0x5b: {  	[sflag:s13] =	ssyncset.done $0x0  }
0x5c: {  	s30 =	simm.s32 $0x1500;
	[sflag:s13] =	ssyncadd.s32 $0xFFFFC000  }
0x5d: {  	[tilespmem:s15], [sflag:$0x1] =	stream.indirect.gather [hbm4b:s4+s14], $0x80, s30, s14, $0xb8;
	v63 =	vld [tilespmem:$0x0]  }
0x5e: {  	_ =	swait.ge [sflag:s19], $0x4000  }
0x5f: {  	[sflag:s19] =	ssyncset.done $0x0  }
0x60: {  	s31 =	simm.s32 $0x2C80;
	[sflag:s19] =	ssyncadd.s32 $0xFFFFC000  }
0x61: {  	[spmem:s2] =	stream.indirect.scatter.add.f32 [tilespmem:s17], [sflag:$0x3], $0x80, s31, s14, $0xb8;
	v63 =	vld [tilespmem:$0x0]  }
0x62: {  	_ =	swait.ge [sflag:s13], $0x4000  }
0x63: {  	s21 =	simm.s32 $0x100;
	s22 =	simm.s32 $0x800;
	[sflag:s13] =	ssyncset.done $0x0  }
.LBB2_4:
0x64: {  	s23 =	sadd.s32 $0x1480, s21  }
0x65: {  	[sflag:s13] =	ssyncadd.s32 $0xFFFFC000;
	s24 =	smov.u32 s22;
	s25 =	sadd.s32 $0x400, s22  }
0x66: {  	[tilespmem:s17], [sflag:$0x2] =	stream.indirect.gather [hbm4b:s4+s14], $0x80, s23, s14, $0xb8;
	v63 =	vld [tilespmem:$0x0]  }
0x67: {  	p0 =	sne.s32 s22, $0x4C00;
	_ =	swait.ge [sflag:s18], $0x4000  }
0x68: {  	[sflag:s18] =	ssyncset.done $0x0  }
0x69: {  	s22 =	sadd.s32 $0x2C00, s21;
	[sflag:s18] =	ssyncadd.s32 $0xFFFFC000  }
0x6a: {  	[spmem:s2] =	stream.indirect.scatter.add.f32 [tilespmem:s15], [sflag:$0x3], $0x80, s22, s14, $0xb8;
	v63 =	vld [tilespmem:$0x0]  }
0x6b: {  	_ =	swait.ge [sflag:s13], $0x4000  }
0x6c: {  	[sflag:s13] =	ssyncset.done $0x0  }
0x6d: {  	s22 =	sadd.s32 $0x1500, s21;
	[sflag:s13] =	ssyncadd.s32 $0xFFFFC000  }
0x6e: {  	[tilespmem:s15], [sflag:$0x1] =	stream.indirect.gather [hbm4b:s4+s14], $0x80, s22, s14, $0xb8;
	v63 =	vld [tilespmem:$0x0]  }
0x6f: {  	_ =	swait.ge [sflag:s19], $0x4000  }
.Ltmp1:
0x70: {  	[sflag:s19] =	ssyncset.done $0x0;
	(pc) =	sbr.rel @p0 .LBB2_4-.Ltmp1, $4  }
0x71: {  	s21 =	sadd.s32 $0x2C80, s21;
	[sflag:s19] =	ssyncadd.s32 $0xFFFFC000  }
0x72: {  	[spmem:s2] =	stream.indirect.scatter.add.f32 [tilespmem:s17], [sflag:$0x3], $0x80, s21, s14, $0xb8;
	v63 =	vld [tilespmem:$0x0]  }
0x73: {  	_ =	swait.ge [sflag:s13], $0x4000  }
0x74: {  	s22 =	smov.u32 s25;
	s21 =	sshra.s32 s24, $0x2;
	[sflag:s13] =	ssyncset.done $0x0  }
0x75: {  	s22 =	sadd.s32 $0x1480, s21;
	[sflag:s13] =	ssyncadd.s32 $0xFFFFC000  }
0x76: {  	[tilespmem:s17], [sflag:$0x2] =	stream.indirect.gather [hbm4b:s4+s14], $0x80, s22, s14, $0xb8;
	v63 =	vld [tilespmem:$0x0]  }
0x77: {  	_ =	swait.ge [sflag:s18], $0x4000  }
0x78: {  	[sflag:s18] =	ssyncset.done $0x0  }
0x79: {  	s29 =	sadd.s32 $0x2C00, s21;
	[sflag:s18] =	ssyncadd.s32 $0xFFFFC000  }
0x7a: {  	[spmem:s2] =	stream.indirect.scatter.add.f32 [tilespmem:s15], [sflag:$0x3], $0x80, s29, s14, $0xb8;
	v63 =	vld [tilespmem:$0x0]  }
0x7b: {  	_ =	swait.ge [sflag:s13], $0x4000  }
0x7c: {  	[sflag:s13] =	ssyncset.done $0x0  }
0x7d: {  	s30 =	sadd.s32 $0x1500, s21;
	[sflag:s13] =	ssyncadd.s32 $0xFFFFC000  }
0x7e: {  	[tilespmem:s15], [sflag:$0x1] =	stream.indirect.gather [hbm4b:s4+s14], $0x80, s30, s14, $0xb8;
	v63 =	vld [tilespmem:$0x0]  }
0x7f: {  	_ =	swait.ge [sflag:s19], $0x4000  }
0x80: {  	[sflag:s19] =	ssyncset.done $0x0  }
0x81: {  	s31 =	sadd.s32 $0x2C80, s21;
	[sflag:s19] =	ssyncadd.s32 $0xFFFFC000  }
0x82: {  	[spmem:s2] =	stream.indirect.scatter.add.f32 [tilespmem:s17], [sflag:$0x3], $0x80, s31, s14, $0xb8;
	v63 =	vld [tilespmem:$0x0]  }
0x83: {  	_ =	swait.ge [sflag:s13], $0x4000  }
0x84: {  	[sflag:s13] =	ssyncset.done $0x0  }
0x85: {  	[sflag:s13] =	ssyncadd.s32 $0xFFFFC000  }
0x86: {  	_ =	swait.ge [sflag:s18], $0x4000  }
0x87: {  	s20 =	sadd.s32 $0x1, s20;
	[sflag:s18] =	ssyncset.done $0x0  }
0x88: {  	p0 =	sne.s32 s20, s10;
	[sflag:s18] =	ssyncadd.s32 $0xFFFFC000  }
.Ltmp2:
0x89: {  	[bflag:$0x0] =	sbarrier.arrive $0xFFFF;
	(pc) =	sbr.rel @p0 .LBB2_1-.Ltmp2, $4  }
0x8a: {  	[hbm:s9], [sflag:s6] =	dma.local [spmem:s12], $0x2800  }
0x8b: {  	_ =	swait.ge [sflag:s13], $0x2800  }
0x8c: {  	[sflag:s13] =	ssyncset.done $0x0  }
0x8d: {  	[sflag:s13] =	ssyncadd.s32 $0xFFFFD800  }
0x8e: {  	_ =	sfence.sel $0x180000  }
0x8f: {  	[bflag:$0x0] =	sbarrier.arrive $0xFFFF  }
0x90: {  	p0 =	sne.s32 s0, $0x0;
	_ =	strace $0x90000059  }
0x91: {  	s0 =	sadd.s32 @!p0 $0x100000, s1;
	[bflag:$0x2] =	sbarrier.arrive $0xFFFF  }
0x92: {  	[sflag:s0] =	ssyncadd.tile.s32 @!p0 $0x1;
	_ =	shalt  }
.Lfunc_end2:
_tile_overlayer_lowered:
.L_overlay_start_2:
0x93: {  	(tag) =	ssettag $0x2  }
0x94: {  	s0 =	rddreg [dreg:$0x0];
	s2 =	stileid.u32  }
0x95: {  	s1 =	rddreg [dreg:$0x1];
	p0 =	sne.s32 s2, $0x0  }
0x96: {  	s3 =	rddreg [dreg:$0x2];
	[bflag:$0x3] =	sbarrier.arrive $0xFFFF;
	s2 =	simm.s32 @!p0 $0x1C03  }
0x97: {  	[timem:s3], [sflag:s2] =	dma.local @!p0 [hbm:s0], s1  }
0x98: {  	s0 =	simm.s32 @!p0 $0x3  }
0x99: {  	_ =	swait.ge @!p0 [sflag:s0], s1  }
0x9a: {  	s1 =	ssub.s32 @!p0 $0x0, s1;
	[sflag:s0] =	ssyncset.done @!p0 $0x0  }
0x9b: {  	[sflag:s0] =	ssyncadd.s32 @!p0 s1  }
0x9c: {  	[bflag:$0x3] =	sbarrier.arrive $0xFFFF  }
0x9d: {  	_ =	shalt  }

</sc_bundles>
